<compile_context>
chip_gen: v7x
topology: tpu7x:2x2x1
jax: 0.10.2.dev20260603
libtpu: 0.0.44.dev20260713+nightly
codegen_flags: <defaults>
</compile_context>

<pallas_src>
import jax
import jax.numpy as jnp
from jax.experimental import pallas as pl
from jax.experimental.pallas import tpu as pltpu
from functools import partial

_N = 50000
_DYN = 128
_STATIC = 128
_HID = 256
_NLAYERS = 3
_NGRAPHS = 256
_R = 1000
_B = 256
_C = 256
_NT = (_N + _B - 1) // _B
_KMAX = 200000 // _C + _NT


def _mlp_body(with_agg, h_ref, st_ref, aggh_ref, aggs_ref, mask_ref, eps_ref,
              w1a_ref, w1b_ref, w2_ref, w3_ref, b1_ref, b2_ref, b3_ref, out_ref):
    h = h_ref[...]
    st = st_ref[...]
    if with_agg:
        e = eps_ref[0, 0]
        za = e * h + aggh_ref[...]
        zb = e * st + aggs_ref[...]
    else:
        za = h
        zb = st
    f32 = jnp.float32
    h1 = jnp.maximum(
        jax.lax.dot(za, w1a_ref[...], preferred_element_type=f32)
        + jax.lax.dot(zb, w1b_ref[...], preferred_element_type=f32)
        + b1_ref[0:1, :], 0.0)
    h2 = jnp.maximum(jax.lax.dot(h1, w2_ref[...], preferred_element_type=f32)
                     + b2_ref[0:1, :], 0.0)
    h3 = jnp.maximum(jax.lax.dot(h2, w3_ref[...], preferred_element_type=f32)
                     + b3_ref[0:1, :], 0.0)
    m = mask_ref[...]
    out_ref[...] = m * h3 + (1.0 - m) * h


def _run_mlp(h, st, aggh, aggs, mask, eps1, p, with_agg):
    grid = _N // _R
    row_spec = lambda w: pl.BlockSpec((_R, w), lambda i: (i, 0))
    full_spec = lambda a, b: pl.BlockSpec((a, b), lambda i: (0, 0))
    w1 = p['W1']
    in_specs = [
        row_spec(_DYN), row_spec(_STATIC), row_spec(_DYN),
        row_spec(_STATIC), row_spec(_DYN), full_spec(8, 128),
        full_spec(_DYN, _HID), full_spec(_STATIC, _HID),
        full_spec(_HID, _HID), full_spec(_HID, _DYN),
        full_spec(8, _HID), full_spec(8, _HID), full_spec(8, _DYN),
    ]
    eps_arr = jnp.broadcast_to(eps1.reshape(1, 1), (8, 128)).astype(jnp.float32)
    b1 = jnp.broadcast_to(p['b1'][None, :], (8, _HID))
    b2 = jnp.broadcast_to(p['b2'][None, :], (8, _HID))
    b3 = jnp.broadcast_to(p['b3'][None, :], (8, _DYN))
    return pl.pallas_call(
        partial(_mlp_body, with_agg),
        grid=(grid,),
        in_specs=in_specs,
        out_specs=pl.BlockSpec((_R, _DYN), lambda i: (i, 0)),
        out_shape=jax.ShapeDtypeStruct((_N, _DYN), jnp.float32),
    )(h, st, aggh, aggs, mask, eps_arr,
      w1[:_DYN], w1[_DYN:], p['W2'], p['W3'], b1, b2, b3)


def _mlp_body_noagg(h_ref, st_ref, mask_ref,
                    w1a_ref, w1b_ref, w2_ref, w3_ref, b1_ref, b2_ref, b3_ref,
                    out_ref):
    h = h_ref[...]
    st = st_ref[...]
    f32 = jnp.float32
    h1 = jnp.maximum(
        jax.lax.dot(h, w1a_ref[...], preferred_element_type=f32)
        + jax.lax.dot(st, w1b_ref[...], preferred_element_type=f32)
        + b1_ref[0:1, :], 0.0)
    h2 = jnp.maximum(jax.lax.dot(h1, w2_ref[...], preferred_element_type=f32)
                     + b2_ref[0:1, :], 0.0)
    h3 = jnp.maximum(jax.lax.dot(h2, w3_ref[...], preferred_element_type=f32)
                     + b3_ref[0:1, :], 0.0)
    m = mask_ref[...]
    out_ref[...] = m * h3 + (1.0 - m) * h


def _run_mlp_noagg(h, st, mask, p):
    grid = _N // _R
    row_spec = lambda w: pl.BlockSpec((_R, w), lambda i: (i, 0))
    full_spec = lambda a, b: pl.BlockSpec((a, b), lambda i: (0, 0))
    w1 = p['W1']
    in_specs = [
        row_spec(_DYN), row_spec(_STATIC), row_spec(_DYN),
        full_spec(_DYN, _HID), full_spec(_STATIC, _HID),
        full_spec(_HID, _HID), full_spec(_HID, _DYN),
        full_spec(8, _HID), full_spec(8, _HID), full_spec(8, _DYN),
    ]
    b1 = jnp.broadcast_to(p['b1'][None, :], (8, _HID))
    b2 = jnp.broadcast_to(p['b2'][None, :], (8, _HID))
    b3 = jnp.broadcast_to(p['b3'][None, :], (8, _DYN))
    return pl.pallas_call(
        _mlp_body_noagg,
        grid=(grid,),
        in_specs=in_specs,
        out_specs=pl.BlockSpec((_R, _DYN), lambda i: (i, 0)),
        out_shape=jax.ShapeDtypeStruct((_N, _DYN), jnp.float32),
    )(h, st, mask, w1[:_DYN], w1[_DYN:], p['W2'], p['W3'], b1, b2, b3)


def _scatter_body(ct_ref, mh_ref, ms_ref, dr_ref, aggh_ref, aggs_ref):
    k = pl.program_id(0)
    t = ct_ref[k]
    tp = ct_ref[jnp.maximum(k - 1, 0)]
    first = jnp.logical_or(k == 0, t != tp)

    @pl.when(first)
    def _():
        aggh_ref[...] = jnp.zeros_like(aggh_ref)
        aggs_ref[...] = jnp.zeros_like(aggs_ref)

    d = dr_ref[0]
    iota = jax.lax.broadcasted_iota(jnp.int32, (_B, _C), 0)
    oh = (iota == d).astype(jnp.float32)
    hp = jax.lax.Precision.HIGHEST
    aggh_ref[...] += jax.lax.dot(oh, mh_ref[...], precision=hp,
                                 preferred_element_type=jnp.float32)
    aggs_ref[...] += jax.lax.dot(oh, ms_ref[...], precision=hp,
                                 preferred_element_type=jnp.float32)


def _edge_plan(dst_sorted):
    e = dst_sorted.shape[0]
    starts = jnp.searchsorted(dst_sorted, jnp.arange(_NT + 1, dtype=jnp.int32) * _B)
    starts = starts.astype(jnp.int32)
    counts = starts[1:] - starts[:-1]
    nchunks = jnp.maximum((counts + _C - 1) // _C, 1)
    csum = jnp.cumsum(nchunks)
    offsets = csum - nchunks
    ks = jnp.arange(_KMAX, dtype=jnp.int32)
    chunk_tile = jnp.minimum(
        jnp.searchsorted(csum, ks, side='right').astype(jnp.int32), _NT - 1)
    local = ks - offsets[chunk_tile]
    estart = starts[chunk_tile] + local * _C
    eidx = estart[:, None] + jnp.arange(_C, dtype=jnp.int32)[None, :]
    valid = (eidx < starts[chunk_tile + 1][:, None]) & (eidx >= starts[chunk_tile][:, None])
    eidx_c = jnp.clip(eidx, 0, e - 1)
    dst_rel = jnp.where(valid, dst_sorted[eidx_c] - chunk_tile[:, None] * _B,
                        jnp.int32(-1))
    return chunk_tile, eidx_c.reshape(-1), valid.reshape(-1), dst_rel.reshape(_KMAX, 1, _C)


def _run_scatter(h, st, src_sel, em_flat, chunk_tile, dst_rel):
    mh = jnp.take(h, src_sel, axis=0) * em_flat[:, None]
    ms = jnp.take(st, src_sel, axis=0) * em_flat[:, None]
    grid_spec = pltpu.PrefetchScalarGridSpec(
        num_scalar_prefetch=1,
        grid=(_KMAX,),
        in_specs=[
            pl.BlockSpec((_C, _DYN), lambda k, ct: (k, 0)),
            pl.BlockSpec((_C, _STATIC), lambda k, ct: (k, 0)),
            pl.BlockSpec((1, 1, _C), lambda k, ct: (k, 0, 0)),
        ],
        out_specs=[
            pl.BlockSpec((_B, _DYN), lambda k, ct: (ct[k], 0)),
            pl.BlockSpec((_B, _STATIC), lambda k, ct: (ct[k], 0)),
        ],
    )
    aggh, aggs = pl.pallas_call(
        _scatter_body,
        grid_spec=grid_spec,
        out_shape=[jax.ShapeDtypeStruct((_NT * _B, _DYN), jnp.float32),
                   jax.ShapeDtypeStruct((_NT * _B, _STATIC), jnp.float32)],
    )(chunk_tile, mh, ms, dst_rel)
    return aggh[:_N], aggs[:_N]


def _pool_body(h_ref, bid_ref, wl_ref, bl_ref, out_ref, acc_ref):
    j = pl.program_id(0)
    bid = bid_ref[:, 0:1]
    iota = jax.lax.broadcasted_iota(jnp.int32, (_R, _NGRAPHS), 1)
    oh = (iota == bid).astype(jnp.float32)
    part = jax.lax.dot_general(oh, h_ref[...], (((0,), (0,)), ((), ())),
                               preferred_element_type=jnp.float32)

    @pl.when(j == 0)
    def _():
        acc_ref[...] = jnp.zeros_like(acc_ref)

    acc_ref[...] += part

    @pl.when(j == pl.num_programs(0) - 1)
    def _():
        out_ref[...] = jnp.maximum(
            jax.lax.dot(acc_ref[...], wl_ref[...],
                        preferred_element_type=jnp.float32) + bl_ref[0:1, :], 0.0)


def _run_pool(h, batch_ids, wlin, blin):
    bid2d = jnp.broadcast_to(batch_ids[:, None], (_N, 128))
    wl = jnp.zeros((_DYN, 128), jnp.float32).at[:, 0].set(wlin[:, 0])
    bl = jnp.zeros((8, 128), jnp.float32).at[:, 0].set(blin[0])
    out = pl.pallas_call(
        _pool_body,
        grid=(_N // _R,),
        in_specs=[
            pl.BlockSpec((_R, _DYN), lambda i: (i, 0)),
            pl.BlockSpec((_R, 128), lambda i: (i, 0)),
            pl.BlockSpec((_DYN, 128), lambda i: (0, 0)),
            pl.BlockSpec((8, 128), lambda i: (0, 0)),
        ],
        out_specs=pl.BlockSpec((_NGRAPHS, 128), lambda i: (0, 0)),
        out_shape=jax.ShapeDtypeStruct((_NGRAPHS, 128), jnp.float32),
        scratch_shapes=[pltpu.VMEM((_NGRAPHS, 128), jnp.float32)],
    )(h, bid2d, wl, bl)
    return out[:, :1]


def kernel(x, feature_mtx_static, edges_inner, edges_forward, edges_backward,
           layers, batch_ids, params):
    n = x.shape[0]
    st = feature_mtx_static
    h = jnp.concatenate([x, jnp.zeros((n, _DYN - 1), x.dtype)], axis=1)

    lmask = [jnp.broadcast_to((layers == l)[:, None], (n, _DYN)).astype(jnp.float32)
             for l in range(_NLAYERS)]
    e_in = params['eps_in'] + 1.0
    e_fw = params['eps_fw'] + 1.0
    e_bw = params['eps_bw'] + 1.0

    def prep(edges):
        src, dst = edges[0], edges[1]
        order = jnp.argsort(dst)
        src_s, dst_s = src[order], dst[order]
        chunk_tile, eidx, valid, dst_rel = _edge_plan(dst_s)
        src_sel = src_s[eidx]
        lsrc_sel = layers[src_sel]
        ldst_sel = layers[dst_s[eidx]]
        return src_sel, lsrc_sel, ldst_sel, valid, chunk_tile, dst_rel

    plan_i = prep(edges_inner)
    plan_f = prep(edges_forward)
    plan_b = prep(edges_backward)

    def gin(h, plan, la, lb, eps1, p, mask):
        src_sel, lsrc, ldst, valid, chunk_tile, dst_rel = plan
        em = ((lsrc == la) & (ldst == lb) & valid).astype(jnp.float32)
        aggh, aggs = _run_scatter(h, st, src_sel, em, chunk_tile, dst_rel)
        return _run_mlp(h, st, aggh, aggs, mask, eps1, p, True)

    def node(h, mask):
        return _run_mlp_noagg(h, st, mask, params['node'])

    for il in range(_NLAYERS):
        h = gin(h, plan_i, il, il, e_in, params['inlayer'], lmask[il])
        if il == _NLAYERS - 1:
            continue
        h = gin(h, plan_f, il, il + 1, e_fw, params['fwd'], lmask[il + 1])
        h = node(h, lmask[il + 1])
    for il in range(_NLAYERS - 1, 0, -1):
        h = gin(h, plan_b, il, il - 1, e_bw, params['bwd'], lmask[il - 1])
        h = gin(h, plan_i, il - 1, il - 1, e_in, params['inlayer'], lmask[il - 1])
        h = node(h, lmask[il - 1])
    return _run_pool(h, batch_ids, params['Wlin'], params['blin'])

# --- scband reference (transcript-rebuilt; emitter-appended) ---
"""Pipeline reference for scband-model-class-61967788147287 (READ-ONLY COPY).

The authoritative reference and input builder live on the scoring server;
editing this copy changes nothing except your own understanding.
"""

import jax, jax.numpy as jnp
import numpy as np

N = 50000
E_IN = 200000
E_FW = 200000
E_BW = 200000
DYN = 128
STATIC = 128
HID = 256
NLAYERS = 3
NPROP = 1
NGRAPHS = 256


def _mlp(p, h):
    h = jax.nn.relu(jnp.dot(h, p['W1']) + p['b1'])
    h = jax.nn.relu(jnp.dot(h, p['W2']) + p['b2'])
    h = jax.nn.relu(jnp.dot(h, p['W3']) + p['b3'])
    return h


def _gin(x_aug, src, dst, emask, eps, p, n):
    # GINConv: nn((1+eps)*x + sum_{j in N(i)} x_j), edges restricted via emask
    msgs = jnp.take(x_aug, src, axis=0) * emask[:, None]
    agg = jax.ops.segment_sum(msgs, dst, num_segments=n)
    return _mlp(p, (1.0 + eps) * x_aug + agg)


def _forward(x, static, params, edges_inner, edges_forward, edges_backward, layers, batch_ids):
    n = x.shape[0]
    h = jnp.concatenate([x, jnp.zeros((n, DYN - 1), x.dtype)], axis=1)
    src_i, dst_i = edges_inner[0], edges_inner[1]
    src_f, dst_f = edges_forward[0], edges_forward[1]
    src_b, dst_b = edges_backward[0], edges_backward[1]
    for _ in range(NPROP):
        for il in range(NLAYERS):
            xs = jnp.concatenate([h, static], axis=1)
            em = ((layers[src_i] == il) & (layers[dst_i] == il)).astype(xs.dtype)
            out = _gin(xs, src_i, dst_i, em, params['eps_in'], params['inlayer'], n)
            h = jnp.where((layers == il)[:, None], out, h)
            if il == NLAYERS - 1:
                continue
            xs = jnp.concatenate([h, static], axis=1)
            em = ((layers[src_f] == il) & (layers[dst_f] == il + 1)).astype(xs.dtype)
            out = _gin(xs, src_f, dst_f, em, params['eps_fw'], params['fwd'], n)
            tmask = (layers == il + 1)[:, None]
            h = jnp.where(tmask, out, h)
            xs = jnp.concatenate([h, static], axis=1)
            h = jnp.where(tmask, _mlp(params['node'], xs), h)
        for il in range(NLAYERS - 1, 0, -1):
            xs = jnp.concatenate([h, static], axis=1)
            em = ((layers[src_b] == il) & (layers[dst_b] == il - 1)).astype(xs.dtype)
            out = _gin(xs, src_b, dst_b, em, params['eps_bw'], params['bwd'], n)
            tmask = (layers == il - 1)[:, None]
            h = jnp.where(tmask, out, h)
            xs = jnp.concatenate([h, static], axis=1)
            em = ((layers[src_i] == il - 1) & (layers[dst_i] == il - 1)).astype(xs.dtype)
            out = _gin(xs, src_i, dst_i, em, params['eps_in'], params['inlayer'], n)
            h = jnp.where(tmask, out, h)
            xs = jnp.concatenate([h, static], axis=1)
            h = jnp.where(tmask, _mlp(params['node'], xs), h)
    pooled = jax.ops.segment_sum(h, batch_ids, num_segments=NGRAPHS)
    return jax.nn.relu(jnp.dot(pooled, params['Wlin']) + params['blin'])


def setup_inputs(seed: int = 0):
    key = jax.random.key(seed)
    ks = jax.random.split(key, 24)

    def dnn_params(i):
        return {
            'W1': jax.random.normal(ks[i], (DYN + STATIC, HID), dtype=jnp.float32) * 0.05,
            'b1': jnp.zeros((HID,), jnp.float32),
            'W2': jax.random.normal(ks[i + 1], (HID, HID), dtype=jnp.float32) * 0.05,
            'b2': jnp.zeros((HID,), jnp.float32),
            'W3': jax.random.normal(ks[i + 2], (HID, DYN), dtype=jnp.float32) * 0.05,
            'b3': jnp.zeros((DYN,), jnp.float32),
        }

    params = {
        'inlayer': dnn_params(0),
        'fwd': dnn_params(3),
        'bwd': dnn_params(6),
        'node': dnn_params(9),
        'eps_in': jnp.zeros((), jnp.float32),
        'eps_fw': jnp.zeros((), jnp.float32),
        'eps_bw': jnp.zeros((), jnp.float32),
        'Wlin': jax.random.normal(ks[12], (DYN, 1), dtype=jnp.float32) * 0.05,
        'blin': jnp.zeros((1,), jnp.float32),
    }
    x = jax.random.normal(ks[13], (N, 1), dtype=jnp.float32)
    static = jax.random.normal(ks[14], (N, STATIC), dtype=jnp.float32)
    edges_inner = jax.random.randint(ks[15], (2, E_IN), 0, N, dtype=jnp.int32)
    edges_forward = jax.random.randint(ks[16], (2, E_FW), 0, N, dtype=jnp.int32)
    edges_backward = jax.random.randint(ks[17], (2, E_BW), 0, N, dtype=jnp.int32)
    layers = jnp.sort(jax.random.randint(ks[18], (N,), 0, NLAYERS, dtype=jnp.int32))
    batch_ids = jnp.sort(jax.random.randint(ks[19], (N,), 0, NGRAPHS, dtype=jnp.int32))
    return {
        'x': x,
        'feature_mtx_static': static,
        'edges_inner': edges_inner,
        'edges_forward': edges_forward,
        'edges_backward': edges_backward,
        'layers': layers,
        'batch_ids': batch_ids,
        'params': params,
    }


def reference(x, feature_mtx_static, edges_inner, edges_forward, edges_backward, layers, batch_ids, params):
    return _forward(x, feature_mtx_static, params, edges_inner, edges_forward, edges_backward, layers, batch_ids)

if __name__ == "__main__":
    import jax
    _d = setup_inputs()
    print(jax.jit(kernel)(*tuple(_d.values())))

</pallas_src>

<mosaic_0001>
module attributes {stable_mosaic.version = 14 : i64} {
  func.func @_scatter_body(%arg0: i32, %arg1: memref<977xi32, #tpu.memory_space<smem>>, %arg2: memref<256x128xf32, #tpu.memory_space<vmem>>, %arg3: memref<256x128xf32, #tpu.memory_space<vmem>>, %arg4: memref<1x1x256xi32, #tpu.memory_space<vmem>>, %arg5: memref<256x128xf32, #tpu.memory_space<vmem>>, %arg6: memref<256x128xf32, #tpu.memory_space<vmem>>) attributes {dimension_semantics = [#tpu.dimension_semantics<arbitrary>], iteration_bounds = array<i64: 977>, scalar_prefetch = 1 : i64, scratch_operands = 0 : i64, tpu.core_type = #tpu.core_type<tc>, window_params = [{transform_indices = @transform_0, window_bounds = array<i64: 256, 128>}, {transform_indices = @transform_1, window_bounds = array<i64: 256, 128>}, {transform_indices = @transform_2, window_bounds = array<i64: 1, 1, 256>}, {transform_indices = @transform_3, window_bounds = array<i64: 256, 128>}, {transform_indices = @transform_4, window_bounds = array<i64: 256, 128>}]} {
    %get3A = arith.index_cast %arg0 : i32 to index
    %get3A_0 = memref.load %arg1[%get3A] : memref<977xi32, #tpu.memory_space<smem>>
    %sub3A = arith.constant 1 : i32
    %sub3A_1 = arith.subi %arg0, %sub3A : i32
    %max3A = arith.constant 0 : i32
    %max3A_2 = arith.maxsi %sub3A_1, %max3A : i32
    %get3A_3 = arith.index_cast %max3A_2 : i32 to index
    %get3A_4 = memref.load %arg1[%get3A_3] : memref<977xi32, #tpu.memory_space<smem>>
    %eq3A = arith.constant 0 : i32
    %eq3A_5 = arith.cmpi eq, %arg0, %eq3A : i32
    %ne3A = arith.cmpi ne, %get3A_0, %get3A_4 : i32
    %or3A = arith.ori %eq3A_5, %ne3A : i1
    %convert_element_type3A = arith.extui %or3A : i1 to i32
    %cond3A = arith.constant 0 : i32
    %cond3A_6 = arith.cmpi ne, %convert_element_type3A, %cond3A : i32
    scf.if %cond3A_6 {
      %broadcast_in_dim3A = arith.constant 0.000000e+00 : f32
      %broadcast_in_dim3A_37 = vector.broadcast %broadcast_in_dim3A : f32 to vector<256x128xf32>
      %swap3A_38 = arith.constant 0 : index
      %swap3A_39 = arith.constant 0 : index
      %swap3A_40 = vector.load %arg5[%swap3A_38, %swap3A_39] : memref<256x128xf32, #tpu.memory_space<vmem>>, vector<256x128xf32>
      tpu.vector_store %arg5[%swap3A_38, %swap3A_39], %broadcast_in_dim3A_37 {strides = array<i32>} : memref<256x128xf32, #tpu.memory_space<vmem>>, vector<256x128xf32>,
      %broadcast_in_dim3A_41 = arith.constant 0.000000e+00 : f32
      %broadcast_in_dim3A_42 = vector.broadcast %broadcast_in_dim3A_41 : f32 to vector<256x128xf32>
      %swap3A_43 = arith.constant 0 : index
      %swap3A_44 = arith.constant 0 : index
      %swap3A_45 = vector.load %arg6[%swap3A_43, %swap3A_44] : memref<256x128xf32, #tpu.memory_space<vmem>>, vector<256x128xf32>
      tpu.vector_store %arg6[%swap3A_43, %swap3A_44], %broadcast_in_dim3A_42 {strides = array<i32>} : memref<256x128xf32, #tpu.memory_space<vmem>>, vector<256x128xf32>,
    } else {
    }
    %get3A_7 = arith.constant 0 : index
    %get3A_8 = arith.constant 0 : index
    %get3A_9 = arith.constant 0 : index
    %get3A_10 = vector.load %arg4[%get3A_7, %get3A_8, %get3A_9] : memref<1x1x256xi32, #tpu.memory_space<vmem>>, vector<1x1x256xi32>
    %get3A_11 = vector.shape_cast %get3A_10 : vector<1x1x256xi32> to vector<1x256xi32>
    %iota3A = tpu.iota {dimensions = array<i32: 0>} : vector<256x256xi32>
    %eq3A_12 = vector.broadcast %get3A_11 : vector<1x256xi32> to vector<256x256xi32>
    %eq3A_13 = arith.cmpi eq, %iota3A, %eq3A_12 : vector<256x256xi32>
    %convert_element_type3A_14 = arith.extui %eq3A_13 : vector<256x256xi1> to vector<256x256xi32>
    %convert_element_type3A_15 = arith.sitofp %convert_element_type3A_14 : vector<256x256xi32> to vector<256x256xf32>
    %get3A_16 = arith.constant 0 : index
    %get3A_17 = arith.constant 0 : index
    %get3A_18 = vector.load %arg5[%get3A_16, %get3A_17] : memref<256x128xf32, #tpu.memory_space<vmem>>, vector<256x128xf32>
    %get3A_19 = arith.constant 0 : index
    %get3A_20 = arith.constant 0 : index
    %get3A_21 = vector.load %arg2[%get3A_19, %get3A_20] : memref<256x128xf32, #tpu.memory_space<vmem>>, vector<256x128xf32>
    %dot_general3A = arith.constant dense<0.000000e+00> : vector<256x128xf32>
    %dot_general3A_22 = tpu.matmul %convert_element_type3A_15, %get3A_21, %dot_general3A {dimension_numbers = #tpu.dot_dimension_numbers<[1], [0], [0], [1], [0, 0, 1, 1], [], []>, precision = #tpu.contract_precision<fp32>, transpose_lhs_hint = false} : vector<256x256xf32>, vector<256x128xf32>, vector<256x128xf32> -> vector<256x128xf32>
    %add3A = arith.addf %get3A_18, %dot_general3A_22 : vector<256x128xf32>
    %swap3A = arith.constant 0 : index
    %swap3A_23 = arith.constant 0 : index
    %swap3A_24 = vector.load %arg5[%swap3A, %swap3A_23] : memref<256x128xf32, #tpu.memory_space<vmem>>, vector<256x128xf32>
    tpu.vector_store %arg5[%swap3A, %swap3A_23], %add3A {strides = array<i32>} : memref<256x128xf32, #tpu.memory_space<vmem>>, vector<256x128xf32>,
    %get3A_25 = arith.constant 0 : index
    %get3A_26 = arith.constant 0 : index
    %get3A_27 = vector.load %arg6[%get3A_25, %get3A_26] : memref<256x128xf32, #tpu.memory_space<vmem>>, vector<256x128xf32>
    %get3A_28 = arith.constant 0 : index
    %get3A_29 = arith.constant 0 : index
    %get3A_30 = vector.load %arg3[%get3A_28, %get3A_29] : memref<256x128xf32, #tpu.memory_space<vmem>>, vector<256x128xf32>
    %dot_general3A_31 = arith.constant dense<0.000000e+00> : vector<256x128xf32>
    %dot_general3A_32 = tpu.matmul %convert_element_type3A_15, %get3A_30, %dot_general3A_31 {dimension_numbers = #tpu.dot_dimension_numbers<[1], [0], [0], [1], [0, 0, 1, 1], [], []>, precision = #tpu.contract_precision<fp32>, transpose_lhs_hint = false} : vector<256x256xf32>, vector<256x128xf32>, vector<256x128xf32> -> vector<256x128xf32>
    %add3A_33 = arith.addf %get3A_27, %dot_general3A_32 : vector<256x128xf32>
    %swap3A_34 = arith.constant 0 : index
    %swap3A_35 = arith.constant 0 : index
    %swap3A_36 = vector.load %arg6[%swap3A_34, %swap3A_35] : memref<256x128xf32, #tpu.memory_space<vmem>>, vector<256x128xf32>
    tpu.vector_store %arg6[%swap3A_34, %swap3A_35], %add3A_33 {strides = array<i32>} : memref<256x128xf32, #tpu.memory_space<vmem>>, vector<256x128xf32>,
    return
  }
  func.func @transform_0(%arg0: i32, %arg1: memref<977xi32, #tpu.memory_space<smem>>) -> (i32, i32) {
    %c0_i32 = arith.constant 0 : i32
    %c0_i32_0 = arith.constant 0 : i32
    return %arg0, %c0_i32 : i32, i32
  }
  func.func @transform_1(%arg0: i32, %arg1: memref<977xi32, #tpu.memory_space<smem>>) -> (i32, i32) {
    %c0_i32 = arith.constant 0 : i32
    %c0_i32_0 = arith.constant 0 : i32
    return %arg0, %c0_i32 : i32, i32
  }
  func.func @transform_2(%arg0: i32, %arg1: memref<977xi32, #tpu.memory_space<smem>>) -> (i32, i32, i32) {
    %c0_i32 = arith.constant 0 : i32
    %c0_i32_0 = arith.constant 0 : i32
    %c0_i32_1 = arith.constant 0 : i32
    return %arg0, %c0_i32, %c0_i32_0 : i32, i32, i32
  }
  func.func @transform_3(%arg0: i32, %arg1: memref<977xi32, #tpu.memory_space<smem>>) -> (i32, i32) {
    %get3A = arith.index_cast %arg0 : i32 to index
    %get3A_0 = memref.load %arg1[%get3A] : memref<977xi32, #tpu.memory_space<smem>>
    %c0_i32 = arith.constant 0 : i32
    %c0_i32_1 = arith.constant 0 : i32
    return %get3A_0, %c0_i32 : i32, i32
  }
  func.func @transform_4(%arg0: i32, %arg1: memref<977xi32, #tpu.memory_space<smem>>) -> (i32, i32) {
    %get3A = arith.index_cast %arg0 : i32 to index
    %get3A_0 = memref.load %arg1[%get3A] : memref<977xi32, #tpu.memory_space<smem>>
    %c0_i32 = arith.constant 0 : i32
    %c0_i32_1 = arith.constant 0 : i32
    return %get3A_0, %c0_i32 : i32, i32
  }
}

module attributes {stable_mosaic.version = 14 : i64} {
  func.func @_mlp_body(%arg0: i32, %arg1: memref<1000x128xf32, #tpu.memory_space<vmem>>, %arg2: memref<1000x128xf32, #tpu.memory_space<vmem>>, %arg3: memref<1000x128xf32, #tpu.memory_space<vmem>>, %arg4: memref<1000x128xf32, #tpu.memory_space<vmem>>, %arg5: memref<1000x128xf32, #tpu.memory_space<vmem>>, %arg6: memref<8x128xf32, #tpu.memory_space<vmem>>, %arg7: memref<128x256xf32, #tpu.memory_space<vmem>>, %arg8: memref<128x256xf32, #tpu.memory_space<vmem>>, %arg9: memref<256x256xf32, #tpu.memory_space<vmem>>, %arg10: memref<256x128xf32, #tpu.memory_space<vmem>>, %arg11: memref<8x256xf32, #tpu.memory_space<vmem>>, %arg12: memref<8x256xf32, #tpu.memory_space<vmem>>, %arg13: memref<8x128xf32, #tpu.memory_space<vmem>>, %arg14: memref<1000x128xf32, #tpu.memory_space<vmem>>) attributes {dimension_semantics = [#tpu.dimension_semantics<arbitrary>], iteration_bounds = array<i64: 50>, scalar_prefetch = 0 : i64, scratch_operands = 0 : i64, tpu.core_type = #tpu.core_type<tc>, window_params = [{transform_indices = @transform_0, window_bounds = array<i64: 1000, 128>}, {transform_indices = @transform_1, window_bounds = array<i64: 1000, 128>}, {transform_indices = @transform_2, window_bounds = array<i64: 1000, 128>}, {transform_indices = @transform_3, window_bounds = array<i64: 1000, 128>}, {transform_indices = @transform_4, window_bounds = array<i64: 1000, 128>}, {pipeline_mode = #tpu.pipeline_mode<synchronous>, transform_indices = @transform_5, window_bounds = array<i64: 8, 128>}, {pipeline_mode = #tpu.pipeline_mode<synchronous>, transform_indices = @transform_6, window_bounds = array<i64: 128, 256>}, {pipeline_mode = #tpu.pipeline_mode<synchronous>, transform_indices = @transform_7, window_bounds = array<i64: 128, 256>}, {pipeline_mode = #tpu.pipeline_mode<synchronous>, transform_indices = @transform_8, window_bounds = array<i64: 256, 256>}, {pipeline_mode = #tpu.pipeline_mode<synchronous>, transform_indices = @transform_9, window_bounds = array<i64: 256, 128>}, {pipeline_mode = #tpu.pipeline_mode<synchronous>, transform_indices = @transform_10, window_bounds = array<i64: 8, 256>}, {pipeline_mode = #tpu.pipeline_mode<synchronous>, transform_indices = @transform_11, window_bounds = array<i64: 8, 256>}, {pipeline_mode = #tpu.pipeline_mode<synchronous>, transform_indices = @transform_12, window_bounds = array<i64: 8, 128>}, {transform_indices = @transform_13, window_bounds = array<i64: 1000, 128>}]} {
    %get3A = arith.constant 0 : index
    %get3A_0 = arith.constant 0 : index
    %get3A_1 = vector.load %arg1[%get3A, %get3A_0] : memref<1000x128xf32, #tpu.memory_space<vmem>>, vector<1000x128xf32>
    %get3A_2 = arith.constant 0 : index
    %get3A_3 = arith.constant 0 : index
    %get3A_4 = vector.load %arg2[%get3A_2, %get3A_3] : memref<1000x128xf32, #tpu.memory_space<vmem>>, vector<1000x128xf32>
    %get3A_5 = arith.constant 0 : index
    %get3A_6 = arith.constant 0 : index
    %get3A_7 = vector.load %arg6[%get3A_5, %get3A_6] : memref<8x128xf32, #tpu.memory_space<vmem>>, vector<1x1xf32>
    %get3A_8 = vector.extract %get3A_7[0, 0] : f32 from vector<1x1xf32>
    %mul3A = vector.broadcast %get3A_8 : f32 to vector<1000x128xf32>
    %mul3A_9 = arith.mulf %mul3A, %get3A_1 : vector<1000x128xf32>
    %get3A_10 = arith.constant 0 : index
    %get3A_11 = arith.constant 0 : index
    %get3A_12 = vector.load %arg3[%get3A_10, %get3A_11] : memref<1000x128xf32, #tpu.memory_space<vmem>>, vector<1000x128xf32>
    %add3A = arith.addf %mul3A_9, %get3A_12 : vector<1000x128xf32>
    %mul3A_13 = vector.broadcast %get3A_8 : f32 to vector<1000x128xf32>
    %mul3A_14 = arith.mulf %mul3A_13, %get3A_4 : vector<1000x128xf32>
    %get3A_15 = arith.constant 0 : index
    %get3A_16 = arith.constant 0 : index
    %get3A_17 = vector.load %arg4[%get3A_15, %get3A_16] : memref<1000x128xf32, #tpu.memory_space<vmem>>, vector<1000x128xf32>
    %add3A_18 = arith.addf %mul3A_14, %get3A_17 : vector<1000x128xf32>
    %get3A_19 = arith.constant 0 : index
    %get3A_20 = arith.constant 0 : index
    %get3A_21 = vector.load %arg7[%get3A_19, %get3A_20] : memref<128x256xf32, #tpu.memory_space<vmem>>, vector<128x256xf32>
    %dot_general3A = arith.constant dense<0.000000e+00> : vector<1000x256xf32>
    %dot_general3A_22 = tpu.matmul %add3A, %get3A_21, %dot_general3A {dimension_numbers = #tpu.dot_dimension_numbers<[1], [0], [0], [1], [0, 0, 1, 1], [], []>, transpose_lhs_hint = false} : vector<1000x128xf32>, vector<128x256xf32>, vector<1000x256xf32> -> vector<1000x256xf32>
    %get3A_23 = arith.constant 0 : index
    %get3A_24 = arith.constant 0 : index
    %get3A_25 = vector.load %arg8[%get3A_23, %get3A_24] : memref<128x256xf32, #tpu.memory_space<vmem>>, vector<128x256xf32>
    %dot_general3A_26 = arith.constant dense<0.000000e+00> : vector<1000x256xf32>
    %dot_general3A_27 = tpu.matmul %add3A_18, %get3A_25, %dot_general3A_26 {dimension_numbers = #tpu.dot_dimension_numbers<[1], [0], [0], [1], [0, 0, 1, 1], [], []>, transpose_lhs_hint = false} : vector<1000x128xf32>, vector<128x256xf32>, vector<1000x256xf32> -> vector<1000x256xf32>
    %add3A_28 = arith.addf %dot_general3A_22, %dot_general3A_27 : vector<1000x256xf32>
    %get3A_29 = arith.constant 0 : index
    %get3A_30 = arith.constant 0 : index
    %get3A_31 = vector.load %arg11[%get3A_29, %get3A_30] : memref<8x256xf32, #tpu.memory_space<vmem>>, vector<1x256xf32>
    %add3A_32 = vector.broadcast %get3A_31 : vector<1x256xf32> to vector<1000x256xf32>
    %add3A_33 = arith.addf %add3A_28, %add3A_32 : vector<1000x256xf32>
    %max3A = arith.constant 0.000000e+00 : f32
    %max3A_34 = vector.broadcast %max3A : f32 to vector<1000x256xf32>
    %max3A_35 = arith.maximumf %add3A_33, %max3A_34 : vector<1000x256xf32>
    %get3A_36 = arith.constant 0 : index
    %get3A_37 = arith.constant 0 : index
    %get3A_38 = vector.load %arg9[%get3A_36, %get3A_37] : memref<256x256xf32, #tpu.memory_space<vmem>>, vector<256x256xf32>
    %dot_general3A_39 = arith.constant dense<0.000000e+00> : vector<1000x256xf32>
    %dot_general3A_40 = tpu.matmul %max3A_35, %get3A_38, %dot_general3A_39 {dimension_numbers = #tpu.dot_dimension_numbers<[1], [0], [0], [1], [0, 0, 1, 1], [], []>, transpose_lhs_hint = false} : vector<1000x256xf32>, vector<256x256xf32>, vector<1000x256xf32> -> vector<1000x256xf32>
    %get3A_41 = arith.constant 0 : index
    %get3A_42 = arith.constant 0 : index
    %get3A_43 = vector.load %arg12[%get3A_41, %get3A_42] : memref<8x256xf32, #tpu.memory_space<vmem>>, vector<1x256xf32>
    %add3A_44 = vector.broadcast %get3A_43 : vector<1x256xf32> to vector<1000x256xf32>
    %add3A_45 = arith.addf %dot_general3A_40, %add3A_44 : vector<1000x256xf32>
    %max3A_46 = arith.constant 0.000000e+00 : f32
    %max3A_47 = vector.broadcast %max3A_46 : f32 to vector<1000x256xf32>
    %max3A_48 = arith.maximumf %add3A_45, %max3A_47 : vector<1000x256xf32>
    %get3A_49 = arith.constant 0 : index
    %get3A_50 = arith.constant 0 : index
    %get3A_51 = vector.load %arg10[%get3A_49, %get3A_50] : memref<256x128xf32, #tpu.memory_space<vmem>>, vector<256x128xf32>
    %dot_general3A_52 = arith.constant dense<0.000000e+00> : vector<1000x128xf32>
    %dot_general3A_53 = tpu.matmul %max3A_48, %get3A_51, %dot_general3A_52 {dimension_numbers = #tpu.dot_dimension_numbers<[1], [0], [0], [1], [0, 0, 1, 1], [], []>, transpose_lhs_hint = false} : vector<1000x256xf32>, vector<256x128xf32>, vector<1000x128xf32> -> vector<1000x128xf32>
    %get3A_54 = arith.constant 0 : index
    %get3A_55 = arith.constant 0 : index
    %get3A_56 = vector.load %arg13[%get3A_54, %get3A_55] : memref<8x128xf32, #tpu.memory_space<vmem>>, vector<1x128xf32>
    %add3A_57 = vector.broadcast %get3A_56 : vector<1x128xf32> to vector<1000x128xf32>
    %add3A_58 = arith.addf %dot_general3A_53, %add3A_57 : vector<1000x128xf32>
    %max3A_59 = arith.constant 0.000000e+00 : f32
    %max3A_60 = vector.broadcast %max3A_59 : f32 to vector<1000x128xf32>
    %max3A_61 = arith.maximumf %add3A_58, %max3A_60 : vector<1000x128xf32>
    %get3A_62 = arith.constant 0 : index
    %get3A_63 = arith.constant 0 : index
    %get3A_64 = vector.load %arg5[%get3A_62, %get3A_63] : memref<1000x128xf32, #tpu.memory_space<vmem>>, vector<1000x128xf32>
    %mul3A_65 = arith.mulf %get3A_64, %max3A_61 : vector<1000x128xf32>
    %sub3A = arith.constant 1.000000e+00 : f32
    %sub3A_66 = vector.broadcast %sub3A : f32 to vector<1000x128xf32>
    %sub3A_67 = arith.subf %sub3A_66, %get3A_64 : vector<1000x128xf32>
    %mul3A_68 = arith.mulf %sub3A_67, %get3A_1 : vector<1000x128xf32>
    %add3A_69 = arith.addf %mul3A_65, %mul3A_68 : vector<1000x128xf32>
    %swap3A = arith.constant 0 : index
    %swap3A_70 = arith.constant 0 : index
    %swap3A_71 = vector.load %arg14[%swap3A, %swap3A_70] : memref<1000x128xf32, #tpu.memory_space<vmem>>, vector<1000x128xf32>
    tpu.vector_store %arg14[%swap3A, %swap3A_70], %add3A_69 {strides = array<i32>} : memref<1000x128xf32, #tpu.memory_space<vmem>>, vector<1000x128xf32>,
    return
  }
  func.func @transform_0(%arg0: i32) -> (i32, i32) {
    %c0_i32 = arith.constant 0 : i32
    %c0_i32_0 = arith.constant 0 : i32
    return %arg0, %c0_i32 : i32, i32
  }
  func.func @transform_1(%arg0: i32) -> (i32, i32) {
    %c0_i32 = arith.constant 0 : i32
    %c0_i32_0 = arith.constant 0 : i32
    return %arg0, %c0_i32 : i32, i32
  }
  func.func @transform_2(%arg0: i32) -> (i32, i32) {
    %c0_i32 = arith.constant 0 : i32
    %c0_i32_0 = arith.constant 0 : i32
    return %arg0, %c0_i32 : i32, i32
  }
  func.func @transform_3(%arg0: i32) -> (i32, i32) {
    %c0_i32 = arith.constant 0 : i32
    %c0_i32_0 = arith.constant 0 : i32
    return %arg0, %c0_i32 : i32, i32
  }
  func.func @transform_4(%arg0: i32) -> (i32, i32) {
    %c0_i32 = arith.constant 0 : i32
    %c0_i32_0 = arith.constant 0 : i32
    return %arg0, %c0_i32 : i32, i32
  }
  func.func @transform_5(%arg0: i32) -> (i32, i32) {
    %c0_i32 = arith.constant 0 : i32
    %c0_i32_0 = arith.constant 0 : i32
    %c0_i32_1 = arith.constant 0 : i32
    return %c0_i32, %c0_i32_0 : i32, i32
  }
  func.func @transform_6(%arg0: i32) -> (i32, i32) {
    %c0_i32 = arith.constant 0 : i32
    %c0_i32_0 = arith.constant 0 : i32
    %c0_i32_1 = arith.constant 0 : i32
    return %c0_i32, %c0_i32_0 : i32, i32
  }
  func.func @transform_7(%arg0: i32) -> (i32, i32) {
    %c0_i32 = arith.constant 0 : i32
    %c0_i32_0 = arith.constant 0 : i32
    %c0_i32_1 = arith.constant 0 : i32
    return %c0_i32, %c0_i32_0 : i32, i32
  }
  func.func @transform_8(%arg0: i32) -> (i32, i32) {
    %c0_i32 = arith.constant 0 : i32
    %c0_i32_0 = arith.constant 0 : i32
    %c0_i32_1 = arith.constant 0 : i32
    return %c0_i32, %c0_i32_0 : i32, i32
  }
  func.func @transform_9(%arg0: i32) -> (i32, i32) {
    %c0_i32 = arith.constant 0 : i32
    %c0_i32_0 = arith.constant 0 : i32
    %c0_i32_1 = arith.constant 0 : i32
    return %c0_i32, %c0_i32_0 : i32, i32
  }
  func.func @transform_10(%arg0: i32) -> (i32, i32) {
    %c0_i32 = arith.constant 0 : i32
    %c0_i32_0 = arith.constant 0 : i32
    %c0_i32_1 = arith.constant 0 : i32
    return %c0_i32, %c0_i32_0 : i32, i32
  }
  func.func @transform_11(%arg0: i32) -> (i32, i32) {
    %c0_i32 = arith.constant 0 : i32
    %c0_i32_0 = arith.constant 0 : i32
    %c0_i32_1 = arith.constant 0 : i32
    return %c0_i32, %c0_i32_0 : i32, i32
  }
  func.func @transform_12(%arg0: i32) -> (i32, i32) {
    %c0_i32 = arith.constant 0 : i32
    %c0_i32_0 = arith.constant 0 : i32
    %c0_i32_1 = arith.constant 0 : i32
    return %c0_i32, %c0_i32_0 : i32, i32
  }
  func.func @transform_13(%arg0: i32) -> (i32, i32) {
    %c0_i32 = arith.constant 0 : i32
    %c0_i32_0 = arith.constant 0 : i32
    return %arg0, %c0_i32 : i32, i32
  }
}

module attributes {stable_mosaic.version = 14 : i64} {
  func.func @_mlp_body_noagg(%arg0: i32, %arg1: memref<1000x128xf32, #tpu.memory_space<vmem>>, %arg2: memref<1000x128xf32, #tpu.memory_space<vmem>>, %arg3: memref<1000x128xf32, #tpu.memory_space<vmem>>, %arg4: memref<128x256xf32, #tpu.memory_space<vmem>>, %arg5: memref<128x256xf32, #tpu.memory_space<vmem>>, %arg6: memref<256x256xf32, #tpu.memory_space<vmem>>, %arg7: memref<256x128xf32, #tpu.memory_space<vmem>>, %arg8: memref<8x256xf32, #tpu.memory_space<vmem>>, %arg9: memref<8x256xf32, #tpu.memory_space<vmem>>, %arg10: memref<8x128xf32, #tpu.memory_space<vmem>>, %arg11: memref<1000x128xf32, #tpu.memory_space<vmem>>) attributes {dimension_semantics = [#tpu.dimension_semantics<arbitrary>], iteration_bounds = array<i64: 50>, scalar_prefetch = 0 : i64, scratch_operands = 0 : i64, tpu.core_type = #tpu.core_type<tc>, window_params = [{transform_indices = @transform_0, window_bounds = array<i64: 1000, 128>}, {transform_indices = @transform_1, window_bounds = array<i64: 1000, 128>}, {transform_indices = @transform_2, window_bounds = array<i64: 1000, 128>}, {pipeline_mode = #tpu.pipeline_mode<synchronous>, transform_indices = @transform_3, window_bounds = array<i64: 128, 256>}, {pipeline_mode = #tpu.pipeline_mode<synchronous>, transform_indices = @transform_4, window_bounds = array<i64: 128, 256>}, {pipeline_mode = #tpu.pipeline_mode<synchronous>, transform_indices = @transform_5, window_bounds = array<i64: 256, 256>}, {pipeline_mode = #tpu.pipeline_mode<synchronous>, transform_indices = @transform_6, window_bounds = array<i64: 256, 128>}, {pipeline_mode = #tpu.pipeline_mode<synchronous>, transform_indices = @transform_7, window_bounds = array<i64: 8, 256>}, {pipeline_mode = #tpu.pipeline_mode<synchronous>, transform_indices = @transform_8, window_bounds = array<i64: 8, 256>}, {pipeline_mode = #tpu.pipeline_mode<synchronous>, transform_indices = @transform_9, window_bounds = array<i64: 8, 128>}, {transform_indices = @transform_10, window_bounds = array<i64: 1000, 128>}]} {
    %get3A = arith.constant 0 : index
    %get3A_0 = arith.constant 0 : index
    %get3A_1 = vector.load %arg1[%get3A, %get3A_0] : memref<1000x128xf32, #tpu.memory_space<vmem>>, vector<1000x128xf32>
    %get3A_2 = arith.constant 0 : index
    %get3A_3 = arith.constant 0 : index
    %get3A_4 = vector.load %arg2[%get3A_2, %get3A_3] : memref<1000x128xf32, #tpu.memory_space<vmem>>, vector<1000x128xf32>
    %get3A_5 = arith.constant 0 : index
    %get3A_6 = arith.constant 0 : index
    %get3A_7 = vector.load %arg4[%get3A_5, %get3A_6] : memref<128x256xf32, #tpu.memory_space<vmem>>, vector<128x256xf32>
    %dot_general3A = arith.constant dense<0.000000e+00> : vector<1000x256xf32>
    %dot_general3A_8 = tpu.matmul %get3A_1, %get3A_7, %dot_general3A {dimension_numbers = #tpu.dot_dimension_numbers<[1], [0], [0], [1], [0, 0, 1, 1], [], []>, transpose_lhs_hint = false} : vector<1000x128xf32>, vector<128x256xf32>, vector<1000x256xf32> -> vector<1000x256xf32>
    %get3A_9 = arith.constant 0 : index
    %get3A_10 = arith.constant 0 : index
    %get3A_11 = vector.load %arg5[%get3A_9, %get3A_10] : memref<128x256xf32, #tpu.memory_space<vmem>>, vector<128x256xf32>
    %dot_general3A_12 = arith.constant dense<0.000000e+00> : vector<1000x256xf32>
    %dot_general3A_13 = tpu.matmul %get3A_4, %get3A_11, %dot_general3A_12 {dimension_numbers = #tpu.dot_dimension_numbers<[1], [0], [0], [1], [0, 0, 1, 1], [], []>, transpose_lhs_hint = false} : vector<1000x128xf32>, vector<128x256xf32>, vector<1000x256xf32> -> vector<1000x256xf32>
    %add3A = arith.addf %dot_general3A_8, %dot_general3A_13 : vector<1000x256xf32>
    %get3A_14 = arith.constant 0 : index
    %get3A_15 = arith.constant 0 : index
    %get3A_16 = vector.load %arg8[%get3A_14, %get3A_15] : memref<8x256xf32, #tpu.memory_space<vmem>>, vector<1x256xf32>
    %add3A_17 = vector.broadcast %get3A_16 : vector<1x256xf32> to vector<1000x256xf32>
    %add3A_18 = arith.addf %add3A, %add3A_17 : vector<1000x256xf32>
    %max3A = arith.constant 0.000000e+00 : f32
    %max3A_19 = vector.broadcast %max3A : f32 to vector<1000x256xf32>
    %max3A_20 = arith.maximumf %add3A_18, %max3A_19 : vector<1000x256xf32>
    %get3A_21 = arith.constant 0 : index
    %get3A_22 = arith.constant 0 : index
    %get3A_23 = vector.load %arg6[%get3A_21, %get3A_22] : memref<256x256xf32, #tpu.memory_space<vmem>>, vector<256x256xf32>
    %dot_general3A_24 = arith.constant dense<0.000000e+00> : vector<1000x256xf32>
    %dot_general3A_25 = tpu.matmul %max3A_20, %get3A_23, %dot_general3A_24 {dimension_numbers = #tpu.dot_dimension_numbers<[1], [0], [0], [1], [0, 0, 1, 1], [], []>, transpose_lhs_hint = false} : vector<1000x256xf32>, vector<256x256xf32>, vector<1000x256xf32> -> vector<1000x256xf32>
    %get3A_26 = arith.constant 0 : index
    %get3A_27 = arith.constant 0 : index
    %get3A_28 = vector.load %arg9[%get3A_26, %get3A_27] : memref<8x256xf32, #tpu.memory_space<vmem>>, vector<1x256xf32>
    %add3A_29 = vector.broadcast %get3A_28 : vector<1x256xf32> to vector<1000x256xf32>
    %add3A_30 = arith.addf %dot_general3A_25, %add3A_29 : vector<1000x256xf32>
    %max3A_31 = arith.constant 0.000000e+00 : f32
    %max3A_32 = vector.broadcast %max3A_31 : f32 to vector<1000x256xf32>
    %max3A_33 = arith.maximumf %add3A_30, %max3A_32 : vector<1000x256xf32>
    %get3A_34 = arith.constant 0 : index
    %get3A_35 = arith.constant 0 : index
    %get3A_36 = vector.load %arg7[%get3A_34, %get3A_35] : memref<256x128xf32, #tpu.memory_space<vmem>>, vector<256x128xf32>
    %dot_general3A_37 = arith.constant dense<0.000000e+00> : vector<1000x128xf32>
    %dot_general3A_38 = tpu.matmul %max3A_33, %get3A_36, %dot_general3A_37 {dimension_numbers = #tpu.dot_dimension_numbers<[1], [0], [0], [1], [0, 0, 1, 1], [], []>, transpose_lhs_hint = false} : vector<1000x256xf32>, vector<256x128xf32>, vector<1000x128xf32> -> vector<1000x128xf32>
    %get3A_39 = arith.constant 0 : index
    %get3A_40 = arith.constant 0 : index
    %get3A_41 = vector.load %arg10[%get3A_39, %get3A_40] : memref<8x128xf32, #tpu.memory_space<vmem>>, vector<1x128xf32>
    %add3A_42 = vector.broadcast %get3A_41 : vector<1x128xf32> to vector<1000x128xf32>
    %add3A_43 = arith.addf %dot_general3A_38, %add3A_42 : vector<1000x128xf32>
    %max3A_44 = arith.constant 0.000000e+00 : f32
    %max3A_45 = vector.broadcast %max3A_44 : f32 to vector<1000x128xf32>
    %max3A_46 = arith.maximumf %add3A_43, %max3A_45 : vector<1000x128xf32>
    %get3A_47 = arith.constant 0 : index
    %get3A_48 = arith.constant 0 : index
    %get3A_49 = vector.load %arg3[%get3A_47, %get3A_48] : memref<1000x128xf32, #tpu.memory_space<vmem>>, vector<1000x128xf32>
    %mul3A = arith.mulf %get3A_49, %max3A_46 : vector<1000x128xf32>
    %sub3A = arith.constant 1.000000e+00 : f32
    %sub3A_50 = vector.broadcast %sub3A : f32 to vector<1000x128xf32>
    %sub3A_51 = arith.subf %sub3A_50, %get3A_49 : vector<1000x128xf32>
    %mul3A_52 = arith.mulf %sub3A_51, %get3A_1 : vector<1000x128xf32>
    %add3A_53 = arith.addf %mul3A, %mul3A_52 : vector<1000x128xf32>
    %swap3A = arith.constant 0 : index
    %swap3A_54 = arith.constant 0 : index
    %swap3A_55 = vector.load %arg11[%swap3A, %swap3A_54] : memref<1000x128xf32, #tpu.memory_space<vmem>>, vector<1000x128xf32>
    tpu.vector_store %arg11[%swap3A, %swap3A_54], %add3A_53 {strides = array<i32>} : memref<1000x128xf32, #tpu.memory_space<vmem>>, vector<1000x128xf32>,
    return
  }
  func.func @transform_0(%arg0: i32) -> (i32, i32) {
    %c0_i32 = arith.constant 0 : i32
    %c0_i32_0 = arith.constant 0 : i32
    return %arg0, %c0_i32 : i32, i32
  }
  func.func @transform_1(%arg0: i32) -> (i32, i32) {
    %c0_i32 = arith.constant 0 : i32
    %c0_i32_0 = arith.constant 0 : i32
    return %arg0, %c0_i32 : i32, i32
  }
  func.func @transform_2(%arg0: i32) -> (i32, i32) {
    %c0_i32 = arith.constant 0 : i32
    %c0_i32_0 = arith.constant 0 : i32
    return %arg0, %c0_i32 : i32, i32
  }
  func.func @transform_3(%arg0: i32) -> (i32, i32) {
    %c0_i32 = arith.constant 0 : i32
    %c0_i32_0 = arith.constant 0 : i32
    %c0_i32_1 = arith.constant 0 : i32
    return %c0_i32, %c0_i32_0 : i32, i32
  }
  func.func @transform_4(%arg0: i32) -> (i32, i32) {
    %c0_i32 = arith.constant 0 : i32
    %c0_i32_0 = arith.constant 0 : i32
    %c0_i32_1 = arith.constant 0 : i32
    return %c0_i32, %c0_i32_0 : i32, i32
  }
  func.func @transform_5(%arg0: i32) -> (i32, i32) {
    %c0_i32 = arith.constant 0 : i32
    %c0_i32_0 = arith.constant 0 : i32
    %c0_i32_1 = arith.constant 0 : i32
    return %c0_i32, %c0_i32_0 : i32, i32
  }
  func.func @transform_6(%arg0: i32) -> (i32, i32) {
    %c0_i32 = arith.constant 0 : i32
    %c0_i32_0 = arith.constant 0 : i32
    %c0_i32_1 = arith.constant 0 : i32
    return %c0_i32, %c0_i32_0 : i32, i32
  }
  func.func @transform_7(%arg0: i32) -> (i32, i32) {
    %c0_i32 = arith.constant 0 : i32
    %c0_i32_0 = arith.constant 0 : i32
    %c0_i32_1 = arith.constant 0 : i32
    return %c0_i32, %c0_i32_0 : i32, i32
  }
  func.func @transform_8(%arg0: i32) -> (i32, i32) {
    %c0_i32 = arith.constant 0 : i32
    %c0_i32_0 = arith.constant 0 : i32
    %c0_i32_1 = arith.constant 0 : i32
    return %c0_i32, %c0_i32_0 : i32, i32
  }
  func.func @transform_9(%arg0: i32) -> (i32, i32) {
    %c0_i32 = arith.constant 0 : i32
    %c0_i32_0 = arith.constant 0 : i32
    %c0_i32_1 = arith.constant 0 : i32
    return %c0_i32, %c0_i32_0 : i32, i32
  }
  func.func @transform_10(%arg0: i32) -> (i32, i32) {
    %c0_i32 = arith.constant 0 : i32
    %c0_i32_0 = arith.constant 0 : i32
    return %arg0, %c0_i32 : i32, i32
  }
}

module attributes {stable_mosaic.version = 14 : i64} {
  func.func @_pool_body(%arg0: i32, %arg1: memref<1000x128xf32, #tpu.memory_space<vmem>>, %arg2: memref<1000x128xi32, #tpu.memory_space<vmem>>, %arg3: memref<128x128xf32, #tpu.memory_space<vmem>>, %arg4: memref<8x128xf32, #tpu.memory_space<vmem>>, %arg5: memref<256x128xf32, #tpu.memory_space<vmem>>, %arg6: memref<256x128xf32, #tpu.memory_space<vmem>>) attributes {dimension_semantics = [#tpu.dimension_semantics<arbitrary>], iteration_bounds = array<i64: 50>, scalar_prefetch = 0 : i64, scratch_operands = 1 : i64, tpu.core_type = #tpu.core_type<tc>, window_params = [{transform_indices = @transform_0, window_bounds = array<i64: 1000, 128>}, {transform_indices = @transform_1, window_bounds = array<i64: 1000, 128>}, {pipeline_mode = #tpu.pipeline_mode<synchronous>, transform_indices = @transform_2, window_bounds = array<i64: 128, 128>}, {pipeline_mode = #tpu.pipeline_mode<synchronous>, transform_indices = @transform_3, window_bounds = array<i64: 8, 128>}, {pipeline_mode = #tpu.pipeline_mode<synchronous>, transform_indices = @transform_4, window_bounds = array<i64: 256, 128>}]} {
    %get3A = arith.constant 0 : index
    %get3A_0 = arith.constant 0 : index
    %get3A_1 = vector.load %arg2[%get3A, %get3A_0] : memref<1000x128xi32, #tpu.memory_space<vmem>>, vector<1000x1xi32>
    %iota3A = tpu.iota {dimensions = array<i32: 1>} : vector<1000x256xi32>
    %eq3A = vector.broadcast %get3A_1 : vector<1000x1xi32> to vector<1000x256xi32>
    %eq3A_2 = arith.cmpi eq, %iota3A, %eq3A : vector<1000x256xi32>
    %convert_element_type3A = arith.extui %eq3A_2 : vector<1000x256xi1> to vector<1000x256xi32>
    %convert_element_type3A_3 = arith.sitofp %convert_element_type3A : vector<1000x256xi32> to vector<1000x256xf32>
    %get3A_4 = arith.constant 0 : index
    %get3A_5 = arith.constant 0 : index
    %get3A_6 = vector.load %arg1[%get3A_4, %get3A_5] : memref<1000x128xf32, #tpu.memory_space<vmem>>, vector<1000x128xf32>
    %dot_general3A = arith.constant dense<0.000000e+00> : vector<256x128xf32>
    %dot_general3A_7 = tpu.matmul %convert_element_type3A_3, %get3A_6, %dot_general3A {dimension_numbers = #tpu.dot_dimension_numbers<[0], [0], [1], [1], [0, 1, 1, 1], [], []>, transpose_lhs_hint = false} : vector<1000x256xf32>, vector<1000x128xf32>, vector<256x128xf32> -> vector<256x128xf32>
    %eq3A_8 = arith.constant 0 : i32
    %eq3A_9 = arith.cmpi eq, %arg0, %eq3A_8 : i32
    %convert_element_type3A_10 = arith.extui %eq3A_9 : i1 to i32
    %cond3A = arith.constant 0 : i32
    %cond3A_11 = arith.cmpi ne, %convert_element_type3A_10, %cond3A : i32
    scf.if %cond3A_11 {
      %broadcast_in_dim3A = arith.constant 0.000000e+00 : f32
      %broadcast_in_dim3A_22 = vector.broadcast %broadcast_in_dim3A : f32 to vector<256x128xf32>
      %swap3A_23 = arith.constant 0 : index
      %swap3A_24 = arith.constant 0 : index
      %swap3A_25 = vector.load %arg6[%swap3A_23, %swap3A_24] : memref<256x128xf32, #tpu.memory_space<vmem>>, vector<256x128xf32>
      tpu.vector_store %arg6[%swap3A_23, %swap3A_24], %broadcast_in_dim3A_22 {strides = array<i32>} : memref<256x128xf32, #tpu.memory_space<vmem>>, vector<256x128xf32>,
    } else {
    }
    %get3A_12 = arith.constant 0 : index
    %get3A_13 = arith.constant 0 : index
    %get3A_14 = vector.load %arg6[%get3A_12, %get3A_13] : memref<256x128xf32, #tpu.memory_space<vmem>>, vector<256x128xf32>
    %add3A = arith.addf %get3A_14, %dot_general3A_7 : vector<256x128xf32>
    %swap3A = arith.constant 0 : index
    %swap3A_15 = arith.constant 0 : index
    %swap3A_16 = vector.load %arg6[%swap3A, %swap3A_15] : memref<256x128xf32, #tpu.memory_space<vmem>>, vector<256x128xf32>
    tpu.vector_store %arg6[%swap3A, %swap3A_15], %add3A {strides = array<i32>} : memref<256x128xf32, #tpu.memory_space<vmem>>, vector<256x128xf32>,
    %eq3A_17 = arith.constant 49 : i32
    %eq3A_18 = arith.cmpi eq, %arg0, %eq3A_17 : i32
    %convert_element_type3A_19 = arith.extui %eq3A_18 : i1 to i32
    %cond3A_20 = arith.constant 0 : i32
    %cond3A_21 = arith.cmpi ne, %convert_element_type3A_19, %cond3A_20 : i32
    scf.if %cond3A_21 {
      %get3A_22 = arith.constant 0 : index
      %get3A_23 = arith.constant 0 : index
      %get3A_24 = vector.load %arg6[%get3A_22, %get3A_23] : memref<256x128xf32, #tpu.memory_space<vmem>>, vector<256x128xf32>
      %get3A_25 = arith.constant 0 : index
      %get3A_26 = arith.constant 0 : index
      %get3A_27 = vector.load %arg3[%get3A_25, %get3A_26] : memref<128x128xf32, #tpu.memory_space<vmem>>, vector<128x128xf32>
      %dot_general3A_28 = arith.constant dense<0.000000e+00> : vector<256x128xf32>
      %dot_general3A_29 = tpu.matmul %get3A_24, %get3A_27, %dot_general3A_28 {dimension_numbers = #tpu.dot_dimension_numbers<[1], [0], [0], [1], [0, 0, 1, 1], [], []>, transpose_lhs_hint = false} : vector<256x128xf32>, vector<128x128xf32>, vector<256x128xf32> -> vector<256x128xf32>
      %get3A_30 = arith.constant 0 : index
      %get3A_31 = arith.constant 0 : index
      %get3A_32 = vector.load %arg4[%get3A_30, %get3A_31] : memref<8x128xf32, #tpu.memory_space<vmem>>, vector<1x128xf32>
      %add3A_33 = vector.broadcast %get3A_32 : vector<1x128xf32> to vector<256x128xf32>
      %add3A_34 = arith.addf %dot_general3A_29, %add3A_33 : vector<256x128xf32>
      %max3A = arith.constant 0.000000e+00 : f32
      %max3A_35 = vector.broadcast %max3A : f32 to vector<256x128xf32>
      %max3A_36 = arith.maximumf %add3A_34, %max3A_35 : vector<256x128xf32>
      %swap3A_37 = arith.constant 0 : index
      %swap3A_38 = arith.constant 0 : index
      %swap3A_39 = vector.load %arg5[%swap3A_37, %swap3A_38] : memref<256x128xf32, #tpu.memory_space<vmem>>, vector<256x128xf32>
      tpu.vector_store %arg5[%swap3A_37, %swap3A_38], %max3A_36 {strides = array<i32>} : memref<256x128xf32, #tpu.memory_space<vmem>>, vector<256x128xf32>,
    } else {
    }
    return
  }
  func.func @transform_0(%arg0: i32) -> (i32, i32) {
    %c0_i32 = arith.constant 0 : i32
    %c0_i32_0 = arith.constant 0 : i32
    return %arg0, %c0_i32 : i32, i32
  }
  func.func @transform_1(%arg0: i32) -> (i32, i32) {
    %c0_i32 = arith.constant 0 : i32
    %c0_i32_0 = arith.constant 0 : i32
    return %arg0, %c0_i32 : i32, i32
  }
  func.func @transform_2(%arg0: i32) -> (i32, i32) {
    %c0_i32 = arith.constant 0 : i32
    %c0_i32_0 = arith.constant 0 : i32
    %c0_i32_1 = arith.constant 0 : i32
    return %c0_i32, %c0_i32_0 : i32, i32
  }
  func.func @transform_3(%arg0: i32) -> (i32, i32) {
    %c0_i32 = arith.constant 0 : i32
    %c0_i32_0 = arith.constant 0 : i32
    %c0_i32_1 = arith.constant 0 : i32
    return %c0_i32, %c0_i32_0 : i32, i32
  }
  func.func @transform_4(%arg0: i32) -> (i32, i32) {
    %c0_i32 = arith.constant 0 : i32
    %c0_i32_0 = arith.constant 0 : i32
    %c0_i32_1 = arith.constant 0 : i32
    return %c0_i32, %c0_i32_0 : i32, i32
  }
}

</mosaic_0001>

<sc_bundles>
// kernel: gather_offload_async_start.10
scs
__scs_entry_jumppad:
0x0: {  	(pc) =	sbr.rel $0x88, $3  }
0x1: {  	(tag) =	ssettag $0x0;
	lr =	simm.s32 $0x1  }
0x2: {  	[smem:$0x3F7D] =	sst lr;
	_ =	strace $0xD0000000  }
0x3: {  	_ = 	snop  }
0x4: {  	_ = 	snop  }
0x5: {  	_ = 	snop  }
0x6: {  	_ = 	snop  }
0x7: {  	_ = 	snop  }
__scs_overlays_trampoline_lowered:
0x8: {  	[smem:$0x3F8C] =	sst s0  }
0x9: {  	[smem:$0x3F8D] =	sst s1  }
0xa: {  	[smem:$0x3F8E] =	sst s2  }
0xb: {  	[smem:$0x3F8F] =	sst s3  }
0xc: {  	[smem:$0x3F90] =	sst s4  }
0xd: {  	[smem:$0x3F91] =	sst s5  }
0xe: {  	[smem:$0x3F92] =	sst s6  }
0xf: {  	[smem:$0x3F93] =	sst s7  }
0x10: {  	[smem:$0x3F94] =	sst s8  }
0x11: {  	[smem:$0x3F95] =	sst s9;
	s0 =	simm.s32 @!p0 $0x0  }
0x12: {  	s1 =	sld [smem:$0x3F7B];
	s0 =	simm.s32 @p0 $0x1  }
0x13: {  	[smem:$0x3F96] =	sst s0;
	s0 =	simm.s32 @!p1 $0x0  }
0x14: {  	s2 =	sld [smem:$0x3F7A];
	s0 =	simm.s32 @p1 $0x1  }
0x15: {  	[smem:$0x3F97] =	sst s0;
	s0 =	simm.s32 @!p2 $0x0  }
0x16: {  	s3 =	sld [smem:$0x3FDB];
	s0 =	simm.s32 @p2 $0x1  }
0x17: {  	s4 =	simm.s32 $0x1BF5;
	[smem:$0x3F99] =	sst s0  }
0x18: {  	s0 =	sld [smem:$0x3F7C];
	_ =	swait.ge [sflag:s4], $0x0  }
0x19: {  	s7 =	sld [smem:$0x3F7D]  }
0x1a: {  	s8 =	sadd.s32 $0xFFFFE003, lr  }
0x1b: {  	s9 =	sadd.s32 $0xFFFFFEF7, lr;
	s5 =	simm.s32 $0xFFFFFFFF;
	p2 =	slt.u32 s8, $0xFFFFF086  }
0x1c: {  	p1 =	slt.u32 s9, $0xF7A;
	s5 =	simm.s32 @!p2 $0x0  }
0x1d: {  	s5 =	simm.s32 @p1 $0x1;
	p0 =	seq.s32 s7, s2  }
0x1e: {  	s7 =	smul.u32 @!p0 $0xF7A, s2;
	p2 =	seq.s32 @!p0 s5, $0x0  }
0x1f: {  	s9 =	smul.u32 $0xF7A, s1;
	s8 =	simm.s32 @!p0 $0x1BF5;
	p2 =	por !p2, p0  }
0x20: {  	[sflag:s8] =	ssyncset.s32 @!p0 $0xFFFFF086;
	s6 =	sadd.s32 @!p0 s3, s7;
	s7 =	simm.s32 @!p0 $0x108  }
0x21: {  	s3 =	sadd.s32 s3, s9;
	s6 =	sadd.s32 @!p0 $0x88, s6;
	s7 =	simm.s32 @p2 $0x1082  }
0x22: {  	[simem:s7], [sflag:s8] =	dma.local @!p0 [hbm:s6], $0xF7A  }
0x23: {  	s9 =	sor.u32 $0xD0000000, s2;
	s6 =	simm.s32 $0x108;
	_ =	swait.ge @!p0 [sflag:s8], $0x0  }
0x24: {  	s3 =	sadd.s32 $0x88, s3;
	s6 =	simm.s32 @!p1 $0x1082;
	[sflag:s4] =	ssyncset.s32 $0xFFFFF086  }
0x25: {  	[simem:s6], [sflag:s4] =	dma.local [hbm:s3], $0xF7A  }
0x26: {  	[smem:$0x3F7D] =	sst s1;
	(tag) =	ssettag s2;
	_ =	strace s9  }
0x27: {  	s1 =	sld [smem:$0x3F8D]  }
0x28: {  	s2 =	sld [smem:$0x3F8E]  }
0x29: {  	s4 =	sld [smem:$0x3F90]  }
0x2a: {  	p0 =	seq.s32 s5, $0x0;
	s5 =	sld [smem:$0x3F91]  }
0x2b: {  	s6 =	sld [smem:$0x3F92]  }
0x2c: {  	s7 =	sld [smem:$0x3F93]  }
0x2d: {  	s3 =	simm.s32 $0x108;
	s8 =	sld [smem:$0x3F94]  }
0x2e: {  	s3 =	simm.s32 @!p0 $0x1082;
	s9 =	sld [smem:$0x3F95]  }
0x2f: {  	lr =	sadd.s32 s0, s3;
	s0 =	sld [smem:$0x3F8C]  }
0x30: {  	s3 =	sld [smem:$0x3F8F]  }
0x31: {  	[smem:$0x3F98] =	sst s10  }
0x32: {  	s10 =	sld [smem:$0x3F96];
	_ =	sdelay $0x3  }
0x33: {  	p0 =	seq.s32 s10, $0x1;
	s10 =	sld [smem:$0x3F98];
	_ =	sdelay $0x3  }
0x34: {  	[smem:$0x3F98] =	sst s10  }
0x35: {  	s10 =	sld [smem:$0x3F97];
	_ =	sdelay $0x3  }
0x36: {  	p1 =	seq.s32 s10, $0x1;
	s10 =	sld [smem:$0x3F98];
	_ =	sdelay $0x3  }
0x37: {  	[smem:$0x3F98] =	sst s10  }
0x38: {  	s10 =	sld [smem:$0x3F99]  }
0x39: {  	_ = 	snop;
	(pc) =	sbr.ind lr, $3  }
0x3a: {  	_ = 	snop  }
0x3b: {  	_ = 	snop  }
0x3c: {  	p2 =	seq.s32 s10, $0x1;
	s10 =	sld [smem:$0x3F98]  }
0x3d: {  	_ =	shalt  }
0x3e: {  	_ =	shalt  }
0x3f: {  	_ =	shalt  }
0x40: {  	_ =	shalt  }
0x41: {  	_ =	shalt  }
0x42: {  	_ =	shalt  }
0x43: {  	_ =	shalt  }
0x44: {  	_ =	shalt  }
0x45: {  	_ =	shalt  }
0x46: {  	_ =	shalt  }
0x47: {  	_ =	shalt  }
0x48: {  	_ =	shalt  }
0x49: {  	_ =	shalt  }
0x4a: {  	_ =	shalt  }
0x4b: {  	_ =	shalt  }
0x4c: {  	_ =	shalt  }
0x4d: {  	_ =	shalt  }
0x4e: {  	_ =	shalt  }
0x4f: {  	_ =	shalt  }
0x50: {  	_ =	shalt  }
0x51: {  	_ =	shalt  }
0x52: {  	_ =	shalt  }
0x53: {  	_ =	shalt  }
0x54: {  	_ =	shalt  }
0x55: {  	_ =	shalt  }
0x56: {  	_ =	shalt  }
0x57: {  	_ =	shalt  }
0x58: {  	_ =	shalt  }
0x59: {  	_ =	shalt  }
0x5a: {  	_ =	shalt  }
0x5b: {  	_ =	shalt  }
0x5c: {  	_ =	shalt  }
0x5d: {  	_ =	shalt  }
0x5e: {  	_ =	shalt  }
0x5f: {  	_ =	shalt  }
0x60: {  	_ =	shalt  }
0x61: {  	_ =	shalt  }
0x62: {  	_ =	shalt  }
0x63: {  	_ =	shalt  }
0x64: {  	_ =	shalt  }
0x65: {  	_ =	shalt  }
0x66: {  	_ =	shalt  }
0x67: {  	_ =	shalt  }
0x68: {  	_ =	shalt  }
0x69: {  	_ =	shalt  }
0x6a: {  	_ =	shalt  }
0x6b: {  	_ =	shalt  }
0x6c: {  	_ =	shalt  }
0x6d: {  	_ =	shalt  }
0x6e: {  	_ =	shalt  }
0x6f: {  	_ =	shalt  }
0x70: {  	_ =	shalt  }
0x71: {  	_ =	shalt  }
0x72: {  	_ =	shalt  }
0x73: {  	_ =	shalt  }
0x74: {  	_ =	shalt  }
0x75: {  	_ =	shalt  }
0x76: {  	_ =	shalt  }
0x77: {  	_ =	shalt  }
0x78: {  	_ =	shalt  }
0x79: {  	_ =	shalt  }
0x7a: {  	_ =	shalt  }
0x7b: {  	_ =	shalt  }
0x7c: {  	_ =	shalt  }
0x7d: {  	_ =	shalt  }
0x7e: {  	_ =	shalt  }
0x7f: {  	_ =	shalt  }
0x80: {  	_ =	shalt  }
0x81: {  	_ =	shalt  }
0x82: {  	_ =	shalt  }
0x83: {  	_ =	shalt  }
0x84: {  	_ =	shalt  }
0x85: {  	_ =	shalt  }
0x86: {  	_ =	shalt  }
0x87: {  	_ =	shalt  }
.Lfunc_end0:
.L_simem_size_0:
called_computation.10_lowered:
.L_overlay_start_0:
0x88: {  	s2 =	sld [smem:$0x3FD9]  }
0x89: {  	s3 =	sld [smem:$0x3FFE];
	_ =	sdelay $0x1  }
0x8a: {  	s1 =	srdreg.scid  }
0x8b: {  	s0 =	sand.u32 $0x1, s1  }
0x8c: {  	s16 =	sshll.u32 s0, $0xA;
	s2 =	sadd.s32 s3, s2  }
0x8d: {  	s2 =	sadd.s32 s2, s16  }
0x8e: {  	[smem:$0x3FA4] =	sst s2  }
0x8f: {  	_ = 	snop  }
0x90: {  	(tm) =	ssettm $0x1  }
0x91: {  	s17 =	sld [smem:$0x3FFB];
	_ =	sdelay $0x3  }
0x92: {  	_ =	strace s17  }
0x93: {  	s2 =	sld [smem:$0x3FFC];
	_ =	sdelay $0x3  }
0x94: {  	_ =	strace s2  }
0x95: {  	s2 =	sld [smem:$0x3FFD];
	_ =	sdelay $0x3  }
0x96: {  	_ =	strace s2  }
0x97: {  	_ =	strace $0x8FFFFFFF  }
0x98: {  	s18 =	sld [smem:$0x3FDB];
	_ =	sdelay $0x1  }
0x99: {  	s19 =	simm.s32 $_scs_section_size  }
0x9a: {  	s4 =	simm.s32 $_size__tile_overlayer_lowered;
	s5 =	simm.s32 $_tile_overlayer_lowered  }
0x9b: {  	s22 =	simm.s32 $0x1BFF;
	s21 =	sshll.u32 s5, $0x1;
	s2 =	sadd.s32 s19, s18  }
0x9c: {  	s6 =	simm.s32 $0x0;
	s20 =	sshll.u32 s4, $0x1;
	s4 =	sadd.s32 s21, s2  }
0x9d: {  	[timem:s6], [sflag:s22] =	dma.local [hbm:s4], s20  }
0x9e: {  	_ =	swait.ge [sflag:s22], s20  }
0x9f: {  	s3 =	ssub.s32 $0x0, s20;
	[sflag:s22] =	ssyncset.done $0x0  }
0xa0: {  	[sflag:s22] =	ssyncadd.s32 s3;
	_ =	sdelay $0x1  }
0xa1: {  	s23 =	simm.s32 $0x1B8B  }
0xa2: {  	_ =	swait.ge [sflag:s23], $0x1  }
0xa3: {  	[sflag:s23] =	ssyncset.done $0x0  }
0xa4: {  	s25 =	simm.s32 $0x1B8E;
	s24 =	sld [smem:$0x3FFE];
	[sflag:s23] =	ssyncadd.s32 $0xFFFFFFFF  }
0xa5: {  	s26 =	simm.s32 $execute0_lowered;
	[smem:$0x3FD2] =	sst s25  }
0xa6: {  	s4 =	sshll.u32 s26, $0x1;
	_ =	strace $0x80000067;
	[dreg:$0x1] =	wrdreg $0xFFFFFFFF  }
0xa7: {  	s28 =	simm.s32 $_size_execute0_lowered;
	s2 =	sadd.s32 s2, s4;
	[dreg:$0x0] =	wrdreg $0x0  }
0xa8: {  	s4 =	sshll.u32 s28, $0x1;
	[dreg:$0x2] =	wrdreg s2  }
0xa9: {  	[dreg:$0x3] =	wrdreg s4  }
0xaa: {  	[dreg:$0x4] =	wrdreg $0xC0  }
0xab: {  	_ =	task [dreg:s6], $0x5FFFF  }
0xac: {  	[dreg:$0x1] =	wrdreg $0xFFFFFFFF  }
0xad: {  	[dreg:$0x0] =	wrdreg $0x60  }
0xae: {  	[dreg:$0x2] =	wrdreg s24  }
0xaf: {  	[dreg:$0x3] =	wrdreg $0x9  }
0xb0: {  	_ =	task.clear_ibuf [dreg:s6], $0x4FFFF;
	_ =	strace $0x90000067  }
0xb1: {  	s29 =	simm.s32 $0x9;
	_ =	strace $0x80000069  }
0xb2: {  	_ =	swait.ge [sflag:s29], $0x1  }
0xb3: {  	[sflag:s29] =	ssyncadd.s32 $0xFFFFFFFF  }
0xb4: {  	_ =	strace $0x90000069  }
0xb5: {  	_ =	sfence  }
0xb6: {  	s30 =	sld [smem:$0x0];
	_ =	sdelay $0x2  }
0xb7: {  	s31 =	sshll.u32 s1, $0xD;
	s1 =	sshrl.u32 s1, $0x2  }
0xb8: {  	s3 =	sand.u32 $0x4000, s31;
	s1 =	sadd.s32 s1, s30  }
0xb9: {  	s0 =	sor.u32 s3, s0;
	s1 =	sshll.u32 s1, $0x11  }
0xba: {  	s0 =	sor.u32 s1, s0  }
0xbb: {  	s0 =	sadd.s32 $0x8F2B, s0  }
0xbc: {  	[sflag:s0] =	ssyncadd.remote.s32 $0x1  }
0xbd: {  	_ =	sfence.sel $0xFFFF  }
0xbe: {  	[dreg:$0x0] =	wrdreg $0xFFFFFFFF;
	(pc) =	sbr.abs _section_cstart, $3  }
0xbf: {  	[dreg:$0x1] =	wrdreg $0xFFFFFFFF  }
0xc0: {  	_ =	task.clear_ibuf [dreg:s6], $0x2FFFF;
	_ =	strace $0x9FFFFFFF  }
0xc1: {  	(tm) =	ssettm $0x7FFFFFFF  }
tec
execute0_lowered:
.L_overlay_start_1:
0x0: {  	(tag) =	ssettag $0x1  }
0x1: {  	s8 =	rddreg [dreg:$0x0]  }
0x2: {  	s0 =	rddreg [dreg:$0x1];
	_ =	strace $0x80000068;
	s1 =	stileid.u32  }
0x3: {  	s3 =	srdreg.scid;
	s4 =	simm.s32 $0x1;
	s7 =	simm.s32 $0x1  }
0x4: {  	s9 =	simm.s32 $0x1;
	s10 =	simm.s32 $0x3;
	s13 =	simm.s32 $0x0  }
0x5: {  	s12 =	simm.s32 $0x0;
	s5 =	sand.u32 $0x1, s3;
	s6 =	sshll.u32 s1, $0x1  }
0x6: {  	s2 =	sadd.s32 $0x4D200, s8;
	s3 =	sadd.s32 $0x59600, s8;
	s5 =	sor.u32 s6, s5  }
.Ltmp0:
0x7: {  	[sflag:s4] =	ssyncpa.u1 $0x0;
	p0 =	slt.u32 s5, $0x13;
	(pc) =	sbr.rel .LBB2_1-.Ltmp0, $4  }
0x8: {  	s6 =	simm.s32 $0x2;
	s7 =	simm.s32 @!p0 $0x0;
	p0 =	sne.s32 s5, $0x12  }
0x9: {  	[sflag:s6] =	ssyncpa.u1 $0x0;
	s5 =	smul.u32 $0xFA0, s5;
	s9 =	simm.s32 @!p0 $0x0  }
0xa: {  	s8 =	sadd.s32 $0x36C00, s8;
	[sflag:s10] =	ssyncpa.u1 $0x0;
	s7 =	sadd.s32 s9, s7  }
0xb: {  	vm0 =	vmmov $0xffff;
	s10 =	simm.s32 $0x0;
	s11 =	smov.u32 s5;
	s9 =	sadd.s32 $0x1, s7  }
.LBB2_4:
0xc: {  	v2 =	vnsel vm1, $0x0, v2  }
0xd: {  	vm1 =	vgt.s32 v0, $0x0;
	v2 =	vmin.u32 v2, $0x30D3F  }
0xe: {  	v0 =	vnsel vm1, $0x0, v0  }
0xf: {  	v0 =	vmin.u32 v0, $0x30D3F  }
0x10: {  	[tilespmem:s18], [sflag:$0x1] =	stream.indirect_vreg.gather [hbm4b:s2+s10], $0x1, v1, vm0, $0x4038;
	[tilespmem:$0x3E80] =	vst v63  }
0x11: {  	(ifvalue) =	ssetifvalue $0x7FFFFFFF  }
0x12: {  	[tilespmem:s15], [sflag:$0x1] =	stream.indirect_vreg.gather [hbm4b:s2+s10], $0x1, v2, vm0, $0x4038;
	[tilespmem:$0x3E80] =	vst v63  }
0x13: {  	s29 =	sadd.s32 $0x10, s15;
	(ifvalue) =	ssetifvalue $0x7FFFFFFF  }
0x14: {  	[tilespmem:s29], [sflag:$0x1] =	stream.indirect_vreg.gather [hbm4b:s2+s10], $0x1, v0, vm0, $0x4038;
	[tilespmem:$0x3E80] =	vst v63  }
0x15: {  	_ =	swait.ge [sflag:s4], $0xFA0  }
0x16: {  	s30 =	sshrl.u32 s13, $0x3;
	[sflag:s4] =	ssyncset.done $0x0  }
0x17: {  	s31 =	sand.u32 $0x7, s13;
	s15 =	sadd.s32 s8, s30;
	[sflag:s4] =	ssyncadd.s32 $0xFFFFF060  }
0x18: {  	[hbm4b:s15+s31] =	stream.linear.scatter [tilespmem:s14], [sflag:$0x3], $0xFA0, $0x38;
	[tilespmem:$0x3E80] =	vst v63  }
.LBB2_5:
0x19: {  	s15 =	sadd.s32 $0x1F400, s11  }
0x1a: {  	p1 =	sgt.s32 s15, $0x30D3F  }
0x1b: {  	s15 =	smov.u32 @p1 s5;
	p1 =	sne.s32 s12, s9  }
.Ltmp1:
0x1c: {  	p0 =	slt.u32 s12, $0x2;
	(pc) =	sbr.rel @!p1 .LBB2_6-.Ltmp1, $4  }
0x1d: {  	s14 =	simm.s32 @!p0 $0x3  }
0x1e: {  	_ =	swait.ge @!p0 [sflag:s14], $0xFA0  }
0x1f: {  	s16 =	sadd.s32 $0x1, s12;
	s13 =	smov.u32 s11;
	[sflag:s14] =	ssyncset.done @!p0 $0x0  }
0x20: {  	s12 =	smov.u32 s16;
	s11 =	smov.u32 s15;
	[sflag:s14] =	ssyncadd.s32 @!p0 $0xFFFFF060  }
.LBB2_1:
0x21: {  	p0 =	sge.u32 s12, s7  }
0x22: {  	s14 =	sxor.u32 @!p0 $0x1, s12  }
0x23: {  	s14 =	smul.u32 @!p0 $0x3E80, s14  }
0x24: {  	s31 =	sadd.s32 $0xFFFFFFFF, s12;
	s15 =	sshrl.u32 @!p0 s11, $0x3  }
0x25: {  	s16 =	sand.u32 @!p0 $0x7, s11;
	s15 =	sadd.s32 @!p0 s3, s15;
	s14 =	sshra.s32 @!p0 s14, $0x2  }
0x26: {  	[tilespmem:s14], [sflag:$0x2] =	stream.linear.gather @!p0 [hbm4b:s15+s16], $0xFA0, $0x38;
	[tilespmem:$0x3E80] =	vst v63  }
0x27: {  	p0 =	sge.u32 s31, s7  }
.Ltmp2:
0x28: {  	_ = 	snop;
	(pc) =	sbr.rel @p0 .LBB2_5-.Ltmp2, $1  }
0x29: {  	_ =	sdelay $0x3  }
0x2a: {  	s14 =	sand.u32 $0x1, s12  }
0x2b: {  	_ =	swait.ge [sflag:s6], $0xFA0;
	p0 =	seq.s32 s14, $0x1;
	s14 =	simm.s32 $0xFA0  }
0x2c: {  	[sflag:s6] =	ssyncset.done $0x0;
	s14 =	simm.s32 @!p0 $0x0  }
0x2d: {  	[sflag:s6] =	ssyncadd.s32 $0xFFFFF060;
	(ifvalue) =	ssetifvalue $0x7FFFFFFF;
	v0 =	vld.msk [tilespmem:s14+$0x0 ss:$0x1], $0xffff;
	_ =	sdelay $0x4  }
0x2e: {  	s15 =	sadd.s32 $0x10, s14;
	vm1 =	vgt.s32 v0, $0x0  }
0x2f: {  	v2 =	vld.msk [tilespmem:s15+$0x0 ss:$0x1], $0xffff;
	v1 =	vnsel vm1, $0x0, v0  }
0x30: {  	v1 =	vmin.u32 v1, $0x30D3F;
	_ =	sdelay $0x2  }
0x31: {  	s17 =	simm.s32 $0x20;
	s14 =	sadd.s32 $0x1F40, s14;
	s16 =	sadd.s32 $0x10, s15  }
0x32: {  	s15 =	sadd.s32 $0x10, s14;
	s18 =	smov.u32 s14;
	v0 =	vld.msk [tilespmem:s16+$0x0 ss:$0x1], $0xffff;
	vm1 =	vgt.s32 v2, $0x0;
	(ifvalue) =	ssetifvalue $0x7FFFFFFF  }
.LBB2_3:
0x33: {  	[tilespmem:s18], [sflag:$0x1] =	stream.indirect_vreg.gather [hbm4b:s2+s10], $0x1, v1, vm0, $0x4038;
	[tilespmem:$0x3E80] =	vst v63  }
0x34: {  	s17 =	sadd.s32 $0x10, s17  }
0x35: {  	v2 =	vnsel vm1, $0x0, v2;
	p0 =	slt.u32 s17, $0xF90  }
.Ltmp3:
0x36: {  	s18 =	smov.u32 s15;
	v1 =	vmin.u32 v2, $0x30D3F;
	(pc) =	sbr.rel @p0 .LBB2_3-.Ltmp3, $3  }
0x37: {  	_ =	sdelay $0x1  }
0x38: {  	s16 =	sadd.s32 $0x10, s16  }
0x39: {  	vm1 =	vgt.s32 v0, $0x0;
	s15 =	sadd.s32 $0x10, s15;
	v2 =	vmov v0;
	(ifvalue) =	ssetifvalue $0x7FFFFFFF;
	v0 =	vld.msk [tilespmem:s16+$0x0 ss:$0x1], $0xffff  }
.Ltmp4:
0x3a: {  	_ = 	snop;
	(pc) =	sbr.rel .LBB2_4-.Ltmp4, $1  }
0x3b: {  	_ =	sdelay $0x3  }
.LBB2_6:
0x3c: {  	_ =	sfence.sel $0x180000  }
0x3d: {  	s2 =	simm.s32 $0x2;
	[bflag:$0x0] =	sbarrier.arrive $0xFFFF  }
0x3e: {  	s30 =	simm.s32 $0x3;
	[sflag:s2] =	ssyncpa.u1 $0x1  }
0x3f: {  	s31 =	simm.s32 $0x1;
	[sflag:s30] =	ssyncpa.u1 $0x1  }
0x40: {  	[sflag:s31] =	ssyncpa.u1 $0x1  }
0x41: {  	p0 =	sne.s32 s1, $0x0;
	_ =	strace $0x90000068  }
0x42: {  	s0 =	sadd.s32 @!p0 $0x100000, s0;
	[bflag:$0x2] =	sbarrier.arrive $0xFFFF  }
0x43: {  	[sflag:s0] =	ssyncadd.tile.s32 @!p0 $0x1;
	_ =	shalt  }
.Lfunc_end2:
_tile_overlayer_lowered:
.L_overlay_start_2:
0x44: {  	(tag) =	ssettag $0x2  }
0x45: {  	s0 =	rddreg [dreg:$0x0];
	s2 =	stileid.u32  }
0x46: {  	s1 =	rddreg [dreg:$0x1];
	p0 =	sne.s32 s2, $0x0  }
0x47: {  	s3 =	rddreg [dreg:$0x2];
	[bflag:$0x3] =	sbarrier.arrive $0xFFFF;
	s2 =	simm.s32 @!p0 $0x1C01  }
0x48: {  	[timem:s3], [sflag:s2] =	dma.local @!p0 [hbm:s0], s1  }
0x49: {  	s0 =	simm.s32 @!p0 $0x1  }
0x4a: {  	_ =	swait.ge @!p0 [sflag:s0], s1  }
0x4b: {  	s1 =	ssub.s32 @!p0 $0x0, s1;
	[sflag:s0] =	ssyncset.done @!p0 $0x0  }
0x4c: {  	[sflag:s0] =	ssyncadd.s32 @!p0 s1  }
0x4d: {  	[bflag:$0x3] =	sbarrier.arrive $0xFFFF  }
0x4e: {  	_ =	shalt  }

// kernel: gather_offload_async_start.11
scs
__scs_entry_jumppad:
0x0: {  	(pc) =	sbr.rel $0x88, $3  }
0x1: {  	(tag) =	ssettag $0x0;
	lr =	simm.s32 $0x1  }
0x2: {  	[smem:$0x3F7D] =	sst lr;
	_ =	strace $0xD0000000  }
0x3: {  	_ = 	snop  }
0x4: {  	_ = 	snop  }
0x5: {  	_ = 	snop  }
0x6: {  	_ = 	snop  }
0x7: {  	_ = 	snop  }
__scs_overlays_trampoline_lowered:
0x8: {  	[smem:$0x3F8C] =	sst s0  }
0x9: {  	[smem:$0x3F8D] =	sst s1  }
0xa: {  	[smem:$0x3F8E] =	sst s2  }
0xb: {  	[smem:$0x3F8F] =	sst s3  }
0xc: {  	[smem:$0x3F90] =	sst s4  }
0xd: {  	[smem:$0x3F91] =	sst s5  }
0xe: {  	[smem:$0x3F92] =	sst s6  }
0xf: {  	[smem:$0x3F93] =	sst s7  }
0x10: {  	[smem:$0x3F94] =	sst s8  }
0x11: {  	[smem:$0x3F95] =	sst s9;
	s0 =	simm.s32 @!p0 $0x0  }
0x12: {  	s1 =	sld [smem:$0x3F7B];
	s0 =	simm.s32 @p0 $0x1  }
0x13: {  	[smem:$0x3F96] =	sst s0;
	s0 =	simm.s32 @!p1 $0x0  }
0x14: {  	s2 =	sld [smem:$0x3F7A];
	s0 =	simm.s32 @p1 $0x1  }
0x15: {  	[smem:$0x3F97] =	sst s0;
	s0 =	simm.s32 @!p2 $0x0  }
0x16: {  	s3 =	sld [smem:$0x3FDB];
	s0 =	simm.s32 @p2 $0x1  }
0x17: {  	s4 =	simm.s32 $0x1BF5;
	[smem:$0x3F99] =	sst s0  }
0x18: {  	s0 =	sld [smem:$0x3F7C];
	_ =	swait.ge [sflag:s4], $0x0  }
0x19: {  	s7 =	sld [smem:$0x3F7D]  }
0x1a: {  	s8 =	sadd.s32 $0xFFFFE003, lr  }
0x1b: {  	s9 =	sadd.s32 $0xFFFFFEF7, lr;
	s5 =	simm.s32 $0xFFFFFFFF;
	p2 =	slt.u32 s8, $0xFFFFF086  }
0x1c: {  	p1 =	slt.u32 s9, $0xF7A;
	s5 =	simm.s32 @!p2 $0x0  }
0x1d: {  	s5 =	simm.s32 @p1 $0x1;
	p0 =	seq.s32 s7, s2  }
0x1e: {  	s7 =	smul.u32 @!p0 $0xF7A, s2;
	p2 =	seq.s32 @!p0 s5, $0x0  }
0x1f: {  	s9 =	smul.u32 $0xF7A, s1;
	s8 =	simm.s32 @!p0 $0x1BF5;
	p2 =	por !p2, p0  }
0x20: {  	[sflag:s8] =	ssyncset.s32 @!p0 $0xFFFFF086;
	s6 =	sadd.s32 @!p0 s3, s7;
	s7 =	simm.s32 @!p0 $0x108  }
0x21: {  	s3 =	sadd.s32 s3, s9;
	s6 =	sadd.s32 @!p0 $0x88, s6;
	s7 =	simm.s32 @p2 $0x1082  }
0x22: {  	[simem:s7], [sflag:s8] =	dma.local @!p0 [hbm:s6], $0xF7A  }
0x23: {  	s9 =	sor.u32 $0xD0000000, s2;
	s6 =	simm.s32 $0x108;
	_ =	swait.ge @!p0 [sflag:s8], $0x0  }
0x24: {  	s3 =	sadd.s32 $0x88, s3;
	s6 =	simm.s32 @!p1 $0x1082;
	[sflag:s4] =	ssyncset.s32 $0xFFFFF086  }
0x25: {  	[simem:s6], [sflag:s4] =	dma.local [hbm:s3], $0xF7A  }
0x26: {  	[smem:$0x3F7D] =	sst s1;
	(tag) =	ssettag s2;
	_ =	strace s9  }
0x27: {  	s1 =	sld [smem:$0x3F8D]  }
0x28: {  	s2 =	sld [smem:$0x3F8E]  }
0x29: {  	s4 =	sld [smem:$0x3F90]  }
0x2a: {  	p0 =	seq.s32 s5, $0x0;
	s5 =	sld [smem:$0x3F91]  }
0x2b: {  	s6 =	sld [smem:$0x3F92]  }
0x2c: {  	s7 =	sld [smem:$0x3F93]  }
0x2d: {  	s3 =	simm.s32 $0x108;
	s8 =	sld [smem:$0x3F94]  }
0x2e: {  	s3 =	simm.s32 @!p0 $0x1082;
	s9 =	sld [smem:$0x3F95]  }
0x2f: {  	lr =	sadd.s32 s0, s3;
	s0 =	sld [smem:$0x3F8C]  }
0x30: {  	s3 =	sld [smem:$0x3F8F]  }
0x31: {  	[smem:$0x3F98] =	sst s10  }
0x32: {  	s10 =	sld [smem:$0x3F96];
	_ =	sdelay $0x3  }
0x33: {  	p0 =	seq.s32 s10, $0x1;
	s10 =	sld [smem:$0x3F98];
	_ =	sdelay $0x3  }
0x34: {  	[smem:$0x3F98] =	sst s10  }
0x35: {  	s10 =	sld [smem:$0x3F97];
	_ =	sdelay $0x3  }
0x36: {  	p1 =	seq.s32 s10, $0x1;
	s10 =	sld [smem:$0x3F98];
	_ =	sdelay $0x3  }
0x37: {  	[smem:$0x3F98] =	sst s10  }
0x38: {  	s10 =	sld [smem:$0x3F99]  }
0x39: {  	_ = 	snop;
	(pc) =	sbr.ind lr, $3  }
0x3a: {  	_ = 	snop  }
0x3b: {  	_ = 	snop  }
0x3c: {  	p2 =	seq.s32 s10, $0x1;
	s10 =	sld [smem:$0x3F98]  }
0x3d: {  	_ =	shalt  }
0x3e: {  	_ =	shalt  }
0x3f: {  	_ =	shalt  }
0x40: {  	_ =	shalt  }
0x41: {  	_ =	shalt  }
0x42: {  	_ =	shalt  }
0x43: {  	_ =	shalt  }
0x44: {  	_ =	shalt  }
0x45: {  	_ =	shalt  }
0x46: {  	_ =	shalt  }
0x47: {  	_ =	shalt  }
0x48: {  	_ =	shalt  }
0x49: {  	_ =	shalt  }
0x4a: {  	_ =	shalt  }
0x4b: {  	_ =	shalt  }
0x4c: {  	_ =	shalt  }
0x4d: {  	_ =	shalt  }
0x4e: {  	_ =	shalt  }
0x4f: {  	_ =	shalt  }
0x50: {  	_ =	shalt  }
0x51: {  	_ =	shalt  }
0x52: {  	_ =	shalt  }
0x53: {  	_ =	shalt  }
0x54: {  	_ =	shalt  }
0x55: {  	_ =	shalt  }
0x56: {  	_ =	shalt  }
0x57: {  	_ =	shalt  }
0x58: {  	_ =	shalt  }
0x59: {  	_ =	shalt  }
0x5a: {  	_ =	shalt  }
0x5b: {  	_ =	shalt  }
0x5c: {  	_ =	shalt  }
0x5d: {  	_ =	shalt  }
0x5e: {  	_ =	shalt  }
0x5f: {  	_ =	shalt  }
0x60: {  	_ =	shalt  }
0x61: {  	_ =	shalt  }
0x62: {  	_ =	shalt  }
0x63: {  	_ =	shalt  }
0x64: {  	_ =	shalt  }
0x65: {  	_ =	shalt  }
0x66: {  	_ =	shalt  }
0x67: {  	_ =	shalt  }
0x68: {  	_ =	shalt  }
0x69: {  	_ =	shalt  }
0x6a: {  	_ =	shalt  }
0x6b: {  	_ =	shalt  }
0x6c: {  	_ =	shalt  }
0x6d: {  	_ =	shalt  }
0x6e: {  	_ =	shalt  }
0x6f: {  	_ =	shalt  }
0x70: {  	_ =	shalt  }
0x71: {  	_ =	shalt  }
0x72: {  	_ =	shalt  }
0x73: {  	_ =	shalt  }
0x74: {  	_ =	shalt  }
0x75: {  	_ =	shalt  }
0x76: {  	_ =	shalt  }
0x77: {  	_ =	shalt  }
0x78: {  	_ =	shalt  }
0x79: {  	_ =	shalt  }
0x7a: {  	_ =	shalt  }
0x7b: {  	_ =	shalt  }
0x7c: {  	_ =	shalt  }
0x7d: {  	_ =	shalt  }
0x7e: {  	_ =	shalt  }
0x7f: {  	_ =	shalt  }
0x80: {  	_ =	shalt  }
0x81: {  	_ =	shalt  }
0x82: {  	_ =	shalt  }
0x83: {  	_ =	shalt  }
0x84: {  	_ =	shalt  }
0x85: {  	_ =	shalt  }
0x86: {  	_ =	shalt  }
0x87: {  	_ =	shalt  }
.Lfunc_end0:
.L_simem_size_0:
called_computation.11_lowered:
.L_overlay_start_0:
0x88: {  	s2 =	sld [smem:$0x3FD9]  }
0x89: {  	s3 =	sld [smem:$0x3FFE];
	_ =	sdelay $0x1  }
0x8a: {  	s1 =	srdreg.scid  }
0x8b: {  	s0 =	sand.u32 $0x1, s1  }
0x8c: {  	s16 =	sshll.u32 s0, $0xA;
	s2 =	sadd.s32 s3, s2  }
0x8d: {  	s2 =	sadd.s32 s2, s16  }
0x8e: {  	[smem:$0x3FA4] =	sst s2  }
0x8f: {  	_ = 	snop  }
0x90: {  	(tm) =	ssettm $0x1  }
0x91: {  	s17 =	sld [smem:$0x3FFB];
	_ =	sdelay $0x3  }
0x92: {  	_ =	strace s17  }
0x93: {  	s2 =	sld [smem:$0x3FFC];
	_ =	sdelay $0x3  }
0x94: {  	_ =	strace s2  }
0x95: {  	s2 =	sld [smem:$0x3FFD];
	_ =	sdelay $0x3  }
0x96: {  	_ =	strace s2  }
0x97: {  	_ =	strace $0x8FFFFFFF  }
0x98: {  	s18 =	sld [smem:$0x3FDB];
	_ =	sdelay $0x1  }
0x99: {  	s19 =	simm.s32 $_scs_section_size  }
0x9a: {  	s4 =	simm.s32 $_size__tile_overlayer_lowered;
	s5 =	simm.s32 $_tile_overlayer_lowered  }
0x9b: {  	s22 =	simm.s32 $0x1BFF;
	s21 =	sshll.u32 s5, $0x1;
	s2 =	sadd.s32 s19, s18  }
0x9c: {  	s6 =	simm.s32 $0x0;
	s20 =	sshll.u32 s4, $0x1;
	s4 =	sadd.s32 s21, s2  }
0x9d: {  	[timem:s6], [sflag:s22] =	dma.local [hbm:s4], s20  }
0x9e: {  	_ =	swait.ge [sflag:s22], s20  }
0x9f: {  	s3 =	ssub.s32 $0x0, s20;
	[sflag:s22] =	ssyncset.done $0x0  }
0xa0: {  	[sflag:s22] =	ssyncadd.s32 s3;
	_ =	sdelay $0x1  }
0xa1: {  	s23 =	simm.s32 $0x1B8B  }
0xa2: {  	_ =	swait.ge [sflag:s23], $0x1  }
0xa3: {  	[sflag:s23] =	ssyncset.done $0x0  }
0xa4: {  	s25 =	simm.s32 $0x1B8E;
	s24 =	sld [smem:$0x3FFE];
	[sflag:s23] =	ssyncadd.s32 $0xFFFFFFFF  }
0xa5: {  	s26 =	simm.s32 $execute0_lowered;
	[smem:$0x3FD2] =	sst s25  }
0xa6: {  	s4 =	sshll.u32 s26, $0x1;
	_ =	strace $0x8000004C;
	[dreg:$0x1] =	wrdreg $0xFFFFFFFF  }
0xa7: {  	s28 =	simm.s32 $_size_execute0_lowered;
	s2 =	sadd.s32 s2, s4;
	[dreg:$0x0] =	wrdreg $0x0  }
0xa8: {  	s4 =	sshll.u32 s28, $0x1;
	[dreg:$0x2] =	wrdreg s2  }
0xa9: {  	[dreg:$0x3] =	wrdreg s4  }
0xaa: {  	[dreg:$0x4] =	wrdreg $0xC0  }
0xab: {  	_ =	task [dreg:s6], $0x5FFFF  }
0xac: {  	[dreg:$0x1] =	wrdreg $0xFFFFFFFF  }
0xad: {  	[dreg:$0x0] =	wrdreg $0x60  }
0xae: {  	[dreg:$0x2] =	wrdreg s24  }
0xaf: {  	[dreg:$0x3] =	wrdreg $0x9  }
0xb0: {  	_ =	task.clear_ibuf [dreg:s6], $0x4FFFF;
	_ =	strace $0x9000004C  }
0xb1: {  	s29 =	simm.s32 $0x9;
	_ =	strace $0x8000004E  }
0xb2: {  	_ =	swait.ge [sflag:s29], $0x1  }
0xb3: {  	[sflag:s29] =	ssyncadd.s32 $0xFFFFFFFF  }
0xb4: {  	_ =	strace $0x9000004E  }
0xb5: {  	_ =	sfence  }
0xb6: {  	s30 =	sld [smem:$0x0];
	_ =	sdelay $0x2  }
0xb7: {  	s31 =	sshll.u32 s1, $0xD;
	s1 =	sshrl.u32 s1, $0x2  }
0xb8: {  	s3 =	sand.u32 $0x4000, s31;
	s1 =	sadd.s32 s1, s30  }
0xb9: {  	s0 =	sor.u32 s3, s0;
	s1 =	sshll.u32 s1, $0x11  }
0xba: {  	s0 =	sor.u32 s1, s0  }
0xbb: {  	s0 =	sadd.s32 $0x8F2B, s0  }
0xbc: {  	[sflag:s0] =	ssyncadd.remote.s32 $0x1  }
0xbd: {  	_ =	sfence.sel $0xFFFF  }
0xbe: {  	[dreg:$0x0] =	wrdreg $0xFFFFFFFF;
	(pc) =	sbr.abs _section_cstart, $3  }
0xbf: {  	[dreg:$0x1] =	wrdreg $0xFFFFFFFF  }
0xc0: {  	_ =	task.clear_ibuf [dreg:s6], $0x2FFFF;
	_ =	strace $0x9FFFFFFF  }
0xc1: {  	(tm) =	ssettm $0x7FFFFFFF  }
tec
execute0_lowered:
.L_overlay_start_1:
0x0: {  	(tag) =	ssettag $0x1  }
0x1: {  	s8 =	rddreg [dreg:$0x0]  }
0x2: {  	s0 =	rddreg [dreg:$0x1];
	_ =	strace $0x8000004D;
	s1 =	stileid.u32  }
0x3: {  	s3 =	srdreg.scid;
	s4 =	simm.s32 $0x1;
	s7 =	simm.s32 $0x1  }
0x4: {  	s9 =	simm.s32 $0x1;
	s10 =	simm.s32 $0x3;
	s13 =	simm.s32 $0x0  }
0x5: {  	s12 =	simm.s32 $0x0;
	s5 =	sand.u32 $0x1, s3;
	s6 =	sshll.u32 s1, $0x1  }
0x6: {  	s2 =	sadd.s32 $0x53400, s8;
	s3 =	sadd.s32 $0x59600, s8;
	s5 =	sor.u32 s6, s5  }
.Ltmp0:
0x7: {  	[sflag:s4] =	ssyncpa.u1 $0x0;
	p0 =	slt.u32 s5, $0x13;
	(pc) =	sbr.rel .LBB2_1-.Ltmp0, $4  }
0x8: {  	s6 =	simm.s32 $0x2;
	s7 =	simm.s32 @!p0 $0x0;
	p0 =	sne.s32 s5, $0x12  }
0x9: {  	[sflag:s6] =	ssyncpa.u1 $0x0;
	s5 =	smul.u32 $0xFA0, s5;
	s9 =	simm.s32 @!p0 $0x0  }
0xa: {  	s8 =	sadd.s32 $0x3CE00, s8;
	[sflag:s10] =	ssyncpa.u1 $0x0;
	s7 =	sadd.s32 s9, s7  }
0xb: {  	vm0 =	vmmov $0xffff;
	s10 =	simm.s32 $0x0;
	s11 =	smov.u32 s5;
	s9 =	sadd.s32 $0x1, s7  }
.LBB2_4:
0xc: {  	v2 =	vnsel vm1, $0x0, v2  }
0xd: {  	vm1 =	vgt.s32 v0, $0x0;
	v2 =	vmin.u32 v2, $0x30D3F  }
0xe: {  	v0 =	vnsel vm1, $0x0, v0  }
0xf: {  	v0 =	vmin.u32 v0, $0x30D3F  }
0x10: {  	[tilespmem:s18], [sflag:$0x1] =	stream.indirect_vreg.gather [hbm4b:s2+s10], $0x1, v1, vm0, $0x4038;
	[tilespmem:$0x3E80] =	vst v63  }
0x11: {  	(ifvalue) =	ssetifvalue $0x7FFFFFFF  }
0x12: {  	[tilespmem:s15], [sflag:$0x1] =	stream.indirect_vreg.gather [hbm4b:s2+s10], $0x1, v2, vm0, $0x4038;
	[tilespmem:$0x3E80] =	vst v63  }
0x13: {  	s29 =	sadd.s32 $0x10, s15;
	(ifvalue) =	ssetifvalue $0x7FFFFFFF  }
0x14: {  	[tilespmem:s29], [sflag:$0x1] =	stream.indirect_vreg.gather [hbm4b:s2+s10], $0x1, v0, vm0, $0x4038;
	[tilespmem:$0x3E80] =	vst v63  }
0x15: {  	_ =	swait.ge [sflag:s4], $0xFA0  }
0x16: {  	s30 =	sshrl.u32 s13, $0x3;
	[sflag:s4] =	ssyncset.done $0x0  }
0x17: {  	s31 =	sand.u32 $0x7, s13;
	s15 =	sadd.s32 s8, s30;
	[sflag:s4] =	ssyncadd.s32 $0xFFFFF060  }
0x18: {  	[hbm4b:s15+s31] =	stream.linear.scatter [tilespmem:s14], [sflag:$0x3], $0xFA0, $0x38;
	[tilespmem:$0x3E80] =	vst v63  }
.LBB2_5:
0x19: {  	s15 =	sadd.s32 $0x1F400, s11  }
0x1a: {  	p1 =	sgt.s32 s15, $0x30D3F  }
0x1b: {  	s15 =	smov.u32 @p1 s5;
	p1 =	sne.s32 s12, s9  }
.Ltmp1:
0x1c: {  	p0 =	slt.u32 s12, $0x2;
	(pc) =	sbr.rel @!p1 .LBB2_6-.Ltmp1, $4  }
0x1d: {  	s14 =	simm.s32 @!p0 $0x3  }
0x1e: {  	_ =	swait.ge @!p0 [sflag:s14], $0xFA0  }
0x1f: {  	s16 =	sadd.s32 $0x1, s12;
	s13 =	smov.u32 s11;
	[sflag:s14] =	ssyncset.done @!p0 $0x0  }
0x20: {  	s12 =	smov.u32 s16;
	s11 =	smov.u32 s15;
	[sflag:s14] =	ssyncadd.s32 @!p0 $0xFFFFF060  }
.LBB2_1:
0x21: {  	p0 =	sge.u32 s12, s7  }
0x22: {  	s14 =	sxor.u32 @!p0 $0x1, s12  }
0x23: {  	s14 =	smul.u32 @!p0 $0x3E80, s14  }
0x24: {  	s31 =	sadd.s32 $0xFFFFFFFF, s12;
	s15 =	sshrl.u32 @!p0 s11, $0x3  }
0x25: {  	s16 =	sand.u32 @!p0 $0x7, s11;
	s15 =	sadd.s32 @!p0 s3, s15;
	s14 =	sshra.s32 @!p0 s14, $0x2  }
0x26: {  	[tilespmem:s14], [sflag:$0x2] =	stream.linear.gather @!p0 [hbm4b:s15+s16], $0xFA0, $0x38;
	[tilespmem:$0x3E80] =	vst v63  }
0x27: {  	p0 =	sge.u32 s31, s7  }
.Ltmp2:
0x28: {  	_ = 	snop;
	(pc) =	sbr.rel @p0 .LBB2_5-.Ltmp2, $1  }
0x29: {  	_ =	sdelay $0x3  }
0x2a: {  	s14 =	sand.u32 $0x1, s12  }
0x2b: {  	_ =	swait.ge [sflag:s6], $0xFA0;
	p0 =	seq.s32 s14, $0x1;
	s14 =	simm.s32 $0xFA0  }
0x2c: {  	[sflag:s6] =	ssyncset.done $0x0;
	s14 =	simm.s32 @!p0 $0x0  }
0x2d: {  	[sflag:s6] =	ssyncadd.s32 $0xFFFFF060;
	(ifvalue) =	ssetifvalue $0x7FFFFFFF;
	v0 =	vld.msk [tilespmem:s14+$0x0 ss:$0x1], $0xffff;
	_ =	sdelay $0x4  }
0x2e: {  	s15 =	sadd.s32 $0x10, s14;
	vm1 =	vgt.s32 v0, $0x0  }
0x2f: {  	v2 =	vld.msk [tilespmem:s15+$0x0 ss:$0x1], $0xffff;
	v1 =	vnsel vm1, $0x0, v0  }
0x30: {  	v1 =	vmin.u32 v1, $0x30D3F;
	_ =	sdelay $0x2  }
0x31: {  	s17 =	simm.s32 $0x20;
	s14 =	sadd.s32 $0x1F40, s14;
	s16 =	sadd.s32 $0x10, s15  }
0x32: {  	s15 =	sadd.s32 $0x10, s14;
	s18 =	smov.u32 s14;
	v0 =	vld.msk [tilespmem:s16+$0x0 ss:$0x1], $0xffff;
	vm1 =	vgt.s32 v2, $0x0;
	(ifvalue) =	ssetifvalue $0x7FFFFFFF  }
.LBB2_3:
0x33: {  	[tilespmem:s18], [sflag:$0x1] =	stream.indirect_vreg.gather [hbm4b:s2+s10], $0x1, v1, vm0, $0x4038;
	[tilespmem:$0x3E80] =	vst v63  }
0x34: {  	s17 =	sadd.s32 $0x10, s17  }
0x35: {  	v2 =	vnsel vm1, $0x0, v2;
	p0 =	slt.u32 s17, $0xF90  }
.Ltmp3:
0x36: {  	s18 =	smov.u32 s15;
	v1 =	vmin.u32 v2, $0x30D3F;
	(pc) =	sbr.rel @p0 .LBB2_3-.Ltmp3, $3  }
0x37: {  	_ =	sdelay $0x1  }
0x38: {  	s16 =	sadd.s32 $0x10, s16  }
0x39: {  	vm1 =	vgt.s32 v0, $0x0;
	s15 =	sadd.s32 $0x10, s15;
	v2 =	vmov v0;
	(ifvalue) =	ssetifvalue $0x7FFFFFFF;
	v0 =	vld.msk [tilespmem:s16+$0x0 ss:$0x1], $0xffff  }
.Ltmp4:
0x3a: {  	_ = 	snop;
	(pc) =	sbr.rel .LBB2_4-.Ltmp4, $1  }
0x3b: {  	_ =	sdelay $0x3  }
.LBB2_6:
0x3c: {  	_ =	sfence.sel $0x180000  }
0x3d: {  	s2 =	simm.s32 $0x2;
	[bflag:$0x0] =	sbarrier.arrive $0xFFFF  }
0x3e: {  	s30 =	simm.s32 $0x3;
	[sflag:s2] =	ssyncpa.u1 $0x1  }
0x3f: {  	s31 =	simm.s32 $0x1;
	[sflag:s30] =	ssyncpa.u1 $0x1  }
0x40: {  	[sflag:s31] =	ssyncpa.u1 $0x1  }
0x41: {  	p0 =	sne.s32 s1, $0x0;
	_ =	strace $0x9000004D  }
0x42: {  	s0 =	sadd.s32 @!p0 $0x100000, s0;
	[bflag:$0x2] =	sbarrier.arrive $0xFFFF  }
0x43: {  	[sflag:s0] =	ssyncadd.tile.s32 @!p0 $0x1;
	_ =	shalt  }
.Lfunc_end2:
_tile_overlayer_lowered:
.L_overlay_start_2:
0x44: {  	(tag) =	ssettag $0x2  }
0x45: {  	s0 =	rddreg [dreg:$0x0];
	s2 =	stileid.u32  }
0x46: {  	s1 =	rddreg [dreg:$0x1];
	p0 =	sne.s32 s2, $0x0  }
0x47: {  	s3 =	rddreg [dreg:$0x2];
	[bflag:$0x3] =	sbarrier.arrive $0xFFFF;
	s2 =	simm.s32 @!p0 $0x1C01  }
0x48: {  	[timem:s3], [sflag:s2] =	dma.local @!p0 [hbm:s0], s1  }
0x49: {  	s0 =	simm.s32 @!p0 $0x1  }
0x4a: {  	_ =	swait.ge @!p0 [sflag:s0], s1  }
0x4b: {  	s1 =	ssub.s32 @!p0 $0x0, s1;
	[sflag:s0] =	ssyncset.done @!p0 $0x0  }
0x4c: {  	[sflag:s0] =	ssyncadd.s32 @!p0 s1  }
0x4d: {  	[bflag:$0x3] =	sbarrier.arrive $0xFFFF  }
0x4e: {  	_ =	shalt  }

// kernel: gather_offload_async_start.12
scs
__scs_entry_jumppad:
0x0: {  	(pc) =	sbr.rel $0x88, $3  }
0x1: {  	(tag) =	ssettag $0x0;
	lr =	simm.s32 $0x1  }
0x2: {  	[smem:$0x3F7D] =	sst lr;
	_ =	strace $0xD0000000  }
0x3: {  	_ = 	snop  }
0x4: {  	_ = 	snop  }
0x5: {  	_ = 	snop  }
0x6: {  	_ = 	snop  }
0x7: {  	_ = 	snop  }
__scs_overlays_trampoline_lowered:
0x8: {  	[smem:$0x3F8C] =	sst s0  }
0x9: {  	[smem:$0x3F8D] =	sst s1  }
0xa: {  	[smem:$0x3F8E] =	sst s2  }
0xb: {  	[smem:$0x3F8F] =	sst s3  }
0xc: {  	[smem:$0x3F90] =	sst s4  }
0xd: {  	[smem:$0x3F91] =	sst s5  }
0xe: {  	[smem:$0x3F92] =	sst s6  }
0xf: {  	[smem:$0x3F93] =	sst s7  }
0x10: {  	[smem:$0x3F94] =	sst s8  }
0x11: {  	[smem:$0x3F95] =	sst s9;
	s0 =	simm.s32 @!p0 $0x0  }
0x12: {  	s1 =	sld [smem:$0x3F7B];
	s0 =	simm.s32 @p0 $0x1  }
0x13: {  	[smem:$0x3F96] =	sst s0;
	s0 =	simm.s32 @!p1 $0x0  }
0x14: {  	s2 =	sld [smem:$0x3F7A];
	s0 =	simm.s32 @p1 $0x1  }
0x15: {  	[smem:$0x3F97] =	sst s0;
	s0 =	simm.s32 @!p2 $0x0  }
0x16: {  	s3 =	sld [smem:$0x3FDB];
	s0 =	simm.s32 @p2 $0x1  }
0x17: {  	s4 =	simm.s32 $0x1BF5;
	[smem:$0x3F99] =	sst s0  }
0x18: {  	s0 =	sld [smem:$0x3F7C];
	_ =	swait.ge [sflag:s4], $0x0  }
0x19: {  	s7 =	sld [smem:$0x3F7D]  }
0x1a: {  	s8 =	sadd.s32 $0xFFFFE003, lr  }
0x1b: {  	s9 =	sadd.s32 $0xFFFFFEF7, lr;
	s5 =	simm.s32 $0xFFFFFFFF;
	p2 =	slt.u32 s8, $0xFFFFF086  }
0x1c: {  	p1 =	slt.u32 s9, $0xF7A;
	s5 =	simm.s32 @!p2 $0x0  }
0x1d: {  	s5 =	simm.s32 @p1 $0x1;
	p0 =	seq.s32 s7, s2  }
0x1e: {  	s7 =	smul.u32 @!p0 $0xF7A, s2;
	p2 =	seq.s32 @!p0 s5, $0x0  }
0x1f: {  	s9 =	smul.u32 $0xF7A, s1;
	s8 =	simm.s32 @!p0 $0x1BF5;
	p2 =	por !p2, p0  }
0x20: {  	[sflag:s8] =	ssyncset.s32 @!p0 $0xFFFFF086;
	s6 =	sadd.s32 @!p0 s3, s7;
	s7 =	simm.s32 @!p0 $0x108  }
0x21: {  	s3 =	sadd.s32 s3, s9;
	s6 =	sadd.s32 @!p0 $0x88, s6;
	s7 =	simm.s32 @p2 $0x1082  }
0x22: {  	[simem:s7], [sflag:s8] =	dma.local @!p0 [hbm:s6], $0xF7A  }
0x23: {  	s9 =	sor.u32 $0xD0000000, s2;
	s6 =	simm.s32 $0x108;
	_ =	swait.ge @!p0 [sflag:s8], $0x0  }
0x24: {  	s3 =	sadd.s32 $0x88, s3;
	s6 =	simm.s32 @!p1 $0x1082;
	[sflag:s4] =	ssyncset.s32 $0xFFFFF086  }
0x25: {  	[simem:s6], [sflag:s4] =	dma.local [hbm:s3], $0xF7A  }
0x26: {  	[smem:$0x3F7D] =	sst s1;
	(tag) =	ssettag s2;
	_ =	strace s9  }
0x27: {  	s1 =	sld [smem:$0x3F8D]  }
0x28: {  	s2 =	sld [smem:$0x3F8E]  }
0x29: {  	s4 =	sld [smem:$0x3F90]  }
0x2a: {  	p0 =	seq.s32 s5, $0x0;
	s5 =	sld [smem:$0x3F91]  }
0x2b: {  	s6 =	sld [smem:$0x3F92]  }
0x2c: {  	s7 =	sld [smem:$0x3F93]  }
0x2d: {  	s3 =	simm.s32 $0x108;
	s8 =	sld [smem:$0x3F94]  }
0x2e: {  	s3 =	simm.s32 @!p0 $0x1082;
	s9 =	sld [smem:$0x3F95]  }
0x2f: {  	lr =	sadd.s32 s0, s3;
	s0 =	sld [smem:$0x3F8C]  }
0x30: {  	s3 =	sld [smem:$0x3F8F]  }
0x31: {  	[smem:$0x3F98] =	sst s10  }
0x32: {  	s10 =	sld [smem:$0x3F96];
	_ =	sdelay $0x3  }
0x33: {  	p0 =	seq.s32 s10, $0x1;
	s10 =	sld [smem:$0x3F98];
	_ =	sdelay $0x3  }
0x34: {  	[smem:$0x3F98] =	sst s10  }
0x35: {  	s10 =	sld [smem:$0x3F97];
	_ =	sdelay $0x3  }
0x36: {  	p1 =	seq.s32 s10, $0x1;
	s10 =	sld [smem:$0x3F98];
	_ =	sdelay $0x3  }
0x37: {  	[smem:$0x3F98] =	sst s10  }
0x38: {  	s10 =	sld [smem:$0x3F99]  }
0x39: {  	_ = 	snop;
	(pc) =	sbr.ind lr, $3  }
0x3a: {  	_ = 	snop  }
0x3b: {  	_ = 	snop  }
0x3c: {  	p2 =	seq.s32 s10, $0x1;
	s10 =	sld [smem:$0x3F98]  }
0x3d: {  	_ =	shalt  }
0x3e: {  	_ =	shalt  }
0x3f: {  	_ =	shalt  }
0x40: {  	_ =	shalt  }
0x41: {  	_ =	shalt  }
0x42: {  	_ =	shalt  }
0x43: {  	_ =	shalt  }
0x44: {  	_ =	shalt  }
0x45: {  	_ =	shalt  }
0x46: {  	_ =	shalt  }
0x47: {  	_ =	shalt  }
0x48: {  	_ =	shalt  }
0x49: {  	_ =	shalt  }
0x4a: {  	_ =	shalt  }
0x4b: {  	_ =	shalt  }
0x4c: {  	_ =	shalt  }
0x4d: {  	_ =	shalt  }
0x4e: {  	_ =	shalt  }
0x4f: {  	_ =	shalt  }
0x50: {  	_ =	shalt  }
0x51: {  	_ =	shalt  }
0x52: {  	_ =	shalt  }
0x53: {  	_ =	shalt  }
0x54: {  	_ =	shalt  }
0x55: {  	_ =	shalt  }
0x56: {  	_ =	shalt  }
0x57: {  	_ =	shalt  }
0x58: {  	_ =	shalt  }
0x59: {  	_ =	shalt  }
0x5a: {  	_ =	shalt  }
0x5b: {  	_ =	shalt  }
0x5c: {  	_ =	shalt  }
0x5d: {  	_ =	shalt  }
0x5e: {  	_ =	shalt  }
0x5f: {  	_ =	shalt  }
0x60: {  	_ =	shalt  }
0x61: {  	_ =	shalt  }
0x62: {  	_ =	shalt  }
0x63: {  	_ =	shalt  }
0x64: {  	_ =	shalt  }
0x65: {  	_ =	shalt  }
0x66: {  	_ =	shalt  }
0x67: {  	_ =	shalt  }
0x68: {  	_ =	shalt  }
0x69: {  	_ =	shalt  }
0x6a: {  	_ =	shalt  }
0x6b: {  	_ =	shalt  }
0x6c: {  	_ =	shalt  }
0x6d: {  	_ =	shalt  }
0x6e: {  	_ =	shalt  }
0x6f: {  	_ =	shalt  }
0x70: {  	_ =	shalt  }
0x71: {  	_ =	shalt  }
0x72: {  	_ =	shalt  }
0x73: {  	_ =	shalt  }
0x74: {  	_ =	shalt  }
0x75: {  	_ =	shalt  }
0x76: {  	_ =	shalt  }
0x77: {  	_ =	shalt  }
0x78: {  	_ =	shalt  }
0x79: {  	_ =	shalt  }
0x7a: {  	_ =	shalt  }
0x7b: {  	_ =	shalt  }
0x7c: {  	_ =	shalt  }
0x7d: {  	_ =	shalt  }
0x7e: {  	_ =	shalt  }
0x7f: {  	_ =	shalt  }
0x80: {  	_ =	shalt  }
0x81: {  	_ =	shalt  }
0x82: {  	_ =	shalt  }
0x83: {  	_ =	shalt  }
0x84: {  	_ =	shalt  }
0x85: {  	_ =	shalt  }
0x86: {  	_ =	shalt  }
0x87: {  	_ =	shalt  }
.Lfunc_end0:
.L_simem_size_0:
called_computation.12_lowered:
.L_overlay_start_0:
0x88: {  	s2 =	sld [smem:$0x3FD9]  }
0x89: {  	s3 =	sld [smem:$0x3FFE];
	_ =	sdelay $0x1  }
0x8a: {  	s1 =	srdreg.scid  }
0x8b: {  	s0 =	sand.u32 $0x1, s1  }
0x8c: {  	s16 =	sshll.u32 s0, $0xA;
	s2 =	sadd.s32 s3, s2  }
0x8d: {  	s2 =	sadd.s32 s2, s16  }
0x8e: {  	[smem:$0x3FA4] =	sst s2  }
0x8f: {  	_ = 	snop  }
0x90: {  	(tm) =	ssettm $0x1  }
0x91: {  	s17 =	sld [smem:$0x3FFB];
	_ =	sdelay $0x3  }
0x92: {  	_ =	strace s17  }
0x93: {  	s2 =	sld [smem:$0x3FFC];
	_ =	sdelay $0x3  }
0x94: {  	_ =	strace s2  }
0x95: {  	s2 =	sld [smem:$0x3FFD];
	_ =	sdelay $0x3  }
0x96: {  	_ =	strace s2  }
0x97: {  	_ =	strace $0x8FFFFFFF  }
0x98: {  	s18 =	sld [smem:$0x3FDB];
	_ =	sdelay $0x1  }
0x99: {  	s19 =	simm.s32 $_scs_section_size  }
0x9a: {  	s4 =	simm.s32 $_size__tile_overlayer_lowered;
	s5 =	simm.s32 $_tile_overlayer_lowered  }
0x9b: {  	s22 =	simm.s32 $0x1BFF;
	s21 =	sshll.u32 s5, $0x1;
	s2 =	sadd.s32 s19, s18  }
0x9c: {  	s6 =	simm.s32 $0x0;
	s20 =	sshll.u32 s4, $0x1;
	s4 =	sadd.s32 s21, s2  }
0x9d: {  	[timem:s6], [sflag:s22] =	dma.local [hbm:s4], s20  }
0x9e: {  	_ =	swait.ge [sflag:s22], s20  }
0x9f: {  	s3 =	ssub.s32 $0x0, s20;
	[sflag:s22] =	ssyncset.done $0x0  }
0xa0: {  	[sflag:s22] =	ssyncadd.s32 s3;
	_ =	sdelay $0x1  }
0xa1: {  	s23 =	simm.s32 $0x1B8B  }
0xa2: {  	_ =	swait.ge [sflag:s23], $0x1  }
0xa3: {  	[sflag:s23] =	ssyncset.done $0x0  }
0xa4: {  	s25 =	simm.s32 $0x1B8E;
	s24 =	sld [smem:$0x3FFE];
	[sflag:s23] =	ssyncadd.s32 $0xFFFFFFFF  }
0xa5: {  	s26 =	simm.s32 $execute0_lowered;
	[smem:$0x3FD2] =	sst s25  }
0xa6: {  	s4 =	sshll.u32 s26, $0x1;
	_ =	strace $0x80000070;
	[dreg:$0x1] =	wrdreg $0xFFFFFFFF  }
0xa7: {  	s28 =	simm.s32 $_size_execute0_lowered;
	s2 =	sadd.s32 s2, s4;
	[dreg:$0x0] =	wrdreg $0x0  }
0xa8: {  	s4 =	sshll.u32 s28, $0x1;
	[dreg:$0x2] =	wrdreg s2  }
0xa9: {  	[dreg:$0x3] =	wrdreg s4  }
0xaa: {  	[dreg:$0x4] =	wrdreg $0xC0  }
0xab: {  	_ =	task [dreg:s6], $0x5FFFF  }
0xac: {  	[dreg:$0x1] =	wrdreg $0xFFFFFFFF  }
0xad: {  	[dreg:$0x0] =	wrdreg $0x60  }
0xae: {  	[dreg:$0x2] =	wrdreg s24  }
0xaf: {  	[dreg:$0x3] =	wrdreg $0x9  }
0xb0: {  	_ =	task.clear_ibuf [dreg:s6], $0x4FFFF;
	_ =	strace $0x90000070  }
0xb1: {  	s29 =	simm.s32 $0x9;
	_ =	strace $0x80000072  }
0xb2: {  	_ =	swait.ge [sflag:s29], $0x1  }
0xb3: {  	[sflag:s29] =	ssyncadd.s32 $0xFFFFFFFF  }
0xb4: {  	_ =	strace $0x90000072  }
0xb5: {  	_ =	sfence  }
0xb6: {  	s30 =	sld [smem:$0x0];
	_ =	sdelay $0x2  }
0xb7: {  	s31 =	sshll.u32 s1, $0xD;
	s1 =	sshrl.u32 s1, $0x2  }
0xb8: {  	s3 =	sand.u32 $0x4000, s31;
	s1 =	sadd.s32 s1, s30  }
0xb9: {  	s0 =	sor.u32 s3, s0;
	s1 =	sshll.u32 s1, $0x11  }
0xba: {  	s0 =	sor.u32 s1, s0  }
0xbb: {  	s0 =	sadd.s32 $0x8F2B, s0  }
0xbc: {  	[sflag:s0] =	ssyncadd.remote.s32 $0x1  }
0xbd: {  	_ =	sfence.sel $0xFFFF  }
0xbe: {  	[dreg:$0x0] =	wrdreg $0xFFFFFFFF;
	(pc) =	sbr.abs _section_cstart, $3  }
0xbf: {  	[dreg:$0x1] =	wrdreg $0xFFFFFFFF  }
0xc0: {  	_ =	task.clear_ibuf [dreg:s6], $0x2FFFF;
	_ =	strace $0x9FFFFFFF  }
0xc1: {  	(tm) =	ssettm $0x7FFFFFFF  }
tec
execute0_lowered:
.L_overlay_start_1:
0x0: {  	(tag) =	ssettag $0x1  }
0x1: {  	s0 =	srdreg.scid;
	s5 =	rddreg [dreg:$0x0]  }
0x2: {  	s1 =	stileid.u32;
	s6 =	simm.s32 $0x1;
	s9 =	simm.s32 $0x1  }
0x3: {  	s10 =	simm.s32 $0x3;
	s13 =	simm.s32 $0x0;
	s2 =	sshll.u32 s0, $0x7  }
0x4: {  	s12 =	simm.s32 $0x0;
	s3 =	sshll.u32 s1, $0x8;
	s2 =	sand.u32 $0x80, s2  }
0x5: {  	s0 =	rddreg [dreg:$0x1];
	_ =	strace $0x80000071;
	s2 =	sor.u32 s3, s2  }
0x6: {  	s4 =	sadd.s32 $0x152800, s5;
	[sflag:s6] =	ssyncpa.u1 $0x0;
	s8 =	ssub.s32 $0x3D100, s2  }
.Ltmp0:
0x7: {  	s3 =	sadd.s32 $0x3CE00, s5;
	s7 =	sand.u32 $0xF80, s8;
	(pc) =	sbr.rel .LBB2_1-.Ltmp0, $4  }
0x8: {  	s5 =	sadd.s32 $0x15A400, s5;
	s11 =	smov.u32 s2;
	p0 =	sne.s32 s7, $0x0  }
0x9: {  	s8 =	sshrl.u32 s8, $0xC;
	s7 =	simm.s32 $0x2;
	s9 =	simm.s32 @!p0 $0x0  }
0xa: {  	[sflag:s7] =	ssyncpa.u1 $0x0;
	p0 =	por $0x0, $0x0;
	s8 =	sadd.s32 s9, s8  }
0xb: {  	vm0 =	vmmov $0xffff;
	[sflag:s10] =	ssyncpa.u1 $0x0;
	s10 =	simm.s32 $0x0;
	s9 =	sadd.s32 $0x1, s8  }
.LBB2_4:
0xc: {  	v2 =	vnsel vm1, $0x0, v2  }
0xd: {  	vm1 =	vgt.s32 v0, $0x0;
	v2 =	vmin.u32 v2, $0x30D3F  }
0xe: {  	v0 =	vnsel vm1, $0x0, v0  }
0xf: {  	v0 =	vmin.u32 v0, $0x30D3F  }
0x10: {  	[tilespmem:s15], [sflag:$0x1] =	stream.indirect_vreg.gather [hbm4b:s3+s10], $0x1, v1, vm0, $0x4038;
	[tilespmem:$0x200] =	vst v63  }
0x11: {  	(ifvalue) =	ssetifvalue $0x7FFFFFFF  }
0x12: {  	[tilespmem:s16], [sflag:$0x1] =	stream.indirect_vreg.gather [hbm4b:s3+s10], $0x1, v2, vm0, $0x4038;
	[tilespmem:$0x200] =	vst v63  }
0x13: {  	s29 =	sadd.s32 $0x10, s16;
	(ifvalue) =	ssetifvalue $0x7FFFFFFF  }
0x14: {  	[tilespmem:s29], [sflag:$0x1] =	stream.indirect_vreg.gather [hbm4b:s3+s10], $0x1, v0, vm0, $0x4038;
	[tilespmem:$0x200] =	vst v63  }
0x15: {  	_ =	swait.ge [sflag:s6], $0x80  }
0x16: {  	s30 =	sshrl.u32 s13, $0x3;
	[sflag:s6] =	ssyncset.done $0x0  }
0x17: {  	s31 =	sand.u32 $0x7, s13;
	s15 =	sadd.s32 s5, s30;
	[sflag:s6] =	ssyncadd.s32 $0xFFFFFF80  }
0x18: {  	[hbm4b:s15+s31] =	stream.linear.scatter [tilespmem:s14], [sflag:$0x3], $0x80, $0x38;
	[tilespmem:$0x200] =	vst v63  }
.LBB2_5:
0x19: {  	s15 =	sadd.s32 $0x1000, s11  }
0x1a: {  	p2 =	sgt.s32 s15, $0x3D0FF  }
0x1b: {  	s15 =	smov.u32 @p2 s2;
	p2 =	sne.s32 s12, s9  }
.Ltmp1:
0x1c: {  	p1 =	slt.u32 s12, $0x2;
	(pc) =	sbr.rel @!p2 .LBB2_6-.Ltmp1, $4  }
0x1d: {  	s14 =	simm.s32 @!p1 $0x3  }
0x1e: {  	s16 =	sadd.s32 $0x1, s12;
	_ =	swait.ge @!p1 [sflag:s14], $0x80  }
0x1f: {  	s13 =	smov.u32 s11;
	p0 =	por !p0, !p0;
	[sflag:s14] =	ssyncset.done @!p1 $0x0  }
0x20: {  	s12 =	smov.u32 s16;
	s11 =	smov.u32 s15;
	[sflag:s14] =	ssyncadd.s32 @!p1 $0xFFFFFF80  }
.LBB2_1:
0x21: {  	p1 =	sge.u32 s12, s8  }
0x22: {  	s14 =	sxor.u32 @!p1 $0xFFFFFFFF, s12  }
0x23: {  	s31 =	sadd.s32 $0xFFFFFFFF, s12;
	s15 =	sshrl.u32 @!p1 s11, $0x3;
	s14 =	sshll.u32 @!p1 s14, $0x7  }
0x24: {  	s16 =	sand.u32 @!p1 $0x7, s11;
	s15 =	sadd.s32 @!p1 s4, s15;
	s14 =	sand.u32 @!p1 $0x80, s14  }
0x25: {  	[tilespmem:s14], [sflag:$0x2] =	stream.linear.gather @!p1 [hbm4b:s15+s16], $0x80, $0x38;
	[tilespmem:$0x200] =	vst v63  }
0x26: {  	p1 =	sge.u32 s31, s8  }
.Ltmp2:
0x27: {  	_ = 	snop;
	(pc) =	sbr.rel @p1 .LBB2_5-.Ltmp2, $1  }
0x28: {  	_ =	sdelay $0x3  }
0x29: {  	s14 =	simm.s32 $0x1  }
0x2a: {  	_ =	swait.ge [sflag:s7], $0x80;
	s14 =	simm.s32 @!p0 $0x0  }
0x2b: {  	[sflag:s7] =	ssyncset.done $0x0;
	s14 =	sshll.u32 s14, $0x7  }
0x2c: {  	[sflag:s7] =	ssyncadd.s32 $0xFFFFFF80;
	(ifvalue) =	ssetifvalue $0x7FFFFFFF;
	v0 =	vld.msk [tilespmem:s14+$0x0 ss:$0x1], $0xffff;
	_ =	sdelay $0x4  }
0x2d: {  	s15 =	sadd.s32 $0x10, s14;
	vm1 =	vgt.s32 v0, $0x0  }
0x2e: {  	v2 =	vld.msk [tilespmem:s15+$0x0 ss:$0x1], $0xffff;
	v1 =	vnsel vm1, $0x0, v0  }
0x2f: {  	v1 =	vmin.u32 v1, $0x30D3F;
	_ =	sdelay $0x1  }
0x30: {  	s16 =	sshll.u32 s12, $0x7;
	s18 =	simm.s32 $0x20  }
0x31: {  	s16 =	sand.u32 $0x80, s16;
	s17 =	sadd.s32 $0x10, s15;
	s15 =	sor.u32 $0x100, s14  }
0x32: {  	s14 =	sor.u32 $0x100, s16;
	s16 =	sadd.s32 $0x10, s15;
	v0 =	vld.msk [tilespmem:s17+$0x0 ss:$0x1], $0xffff;
	vm1 =	vgt.s32 v2, $0x0;
	(ifvalue) =	ssetifvalue $0x7FFFFFFF  }
.LBB2_3:
0x33: {  	[tilespmem:s15], [sflag:$0x1] =	stream.indirect_vreg.gather [hbm4b:s3+s10], $0x1, v1, vm0, $0x4038;
	[tilespmem:$0x200] =	vst v63  }
0x34: {  	s18 =	sadd.s32 $0x10, s18  }
0x35: {  	v2 =	vnsel vm1, $0x0, v2;
	p1 =	slt.u32 s18, $0x70  }
.Ltmp3:
0x36: {  	s15 =	smov.u32 s16;
	v1 =	vmin.u32 v2, $0x30D3F;
	(pc) =	sbr.rel @p1 .LBB2_3-.Ltmp3, $3  }
0x37: {  	_ =	sdelay $0x1  }
0x38: {  	s17 =	sadd.s32 $0x10, s17  }
0x39: {  	vm1 =	vgt.s32 v0, $0x0;
	s16 =	sadd.s32 $0x10, s16;
	v2 =	vmov v0;
	(ifvalue) =	ssetifvalue $0x7FFFFFFF;
	v0 =	vld.msk [tilespmem:s17+$0x0 ss:$0x1], $0xffff  }
.Ltmp4:
0x3a: {  	_ = 	snop;
	(pc) =	sbr.rel .LBB2_4-.Ltmp4, $1  }
0x3b: {  	_ =	sdelay $0x3  }
.LBB2_6:
0x3c: {  	_ =	sfence.sel $0x180000  }
0x3d: {  	s2 =	simm.s32 $0x2;
	[bflag:$0x0] =	sbarrier.arrive $0xFFFF  }
0x3e: {  	s30 =	simm.s32 $0x3;
	[sflag:s2] =	ssyncpa.u1 $0x1  }
0x3f: {  	s31 =	simm.s32 $0x1;
	[sflag:s30] =	ssyncpa.u1 $0x1  }
0x40: {  	[sflag:s31] =	ssyncpa.u1 $0x1  }
0x41: {  	p0 =	sne.s32 s1, $0x0;
	_ =	strace $0x90000071  }
0x42: {  	s0 =	sadd.s32 @!p0 $0x100000, s0;
	[bflag:$0x2] =	sbarrier.arrive $0xFFFF  }
0x43: {  	[sflag:s0] =	ssyncadd.tile.s32 @!p0 $0x1;
	_ =	shalt  }
.Lfunc_end2:
_tile_overlayer_lowered:
.L_overlay_start_2:
0x44: {  	(tag) =	ssettag $0x2  }
0x45: {  	s0 =	rddreg [dreg:$0x0];
	s2 =	stileid.u32  }
0x46: {  	s1 =	rddreg [dreg:$0x1];
	p0 =	sne.s32 s2, $0x0  }
0x47: {  	s3 =	rddreg [dreg:$0x2];
	[bflag:$0x3] =	sbarrier.arrive $0xFFFF;
	s2 =	simm.s32 @!p0 $0x1C01  }
0x48: {  	[timem:s3], [sflag:s2] =	dma.local @!p0 [hbm:s0], s1  }
0x49: {  	s0 =	simm.s32 @!p0 $0x1  }
0x4a: {  	_ =	swait.ge @!p0 [sflag:s0], s1  }
0x4b: {  	s1 =	ssub.s32 @!p0 $0x0, s1;
	[sflag:s0] =	ssyncset.done @!p0 $0x0  }
0x4c: {  	[sflag:s0] =	ssyncadd.s32 @!p0 s1  }
0x4d: {  	[bflag:$0x3] =	sbarrier.arrive $0xFFFF  }
0x4e: {  	_ =	shalt  }

// kernel: gather_offload_async_start.13
scs
__scs_entry_jumppad:
0x0: {  	(pc) =	sbr.rel $0x88, $3  }
0x1: {  	(tag) =	ssettag $0x0;
	lr =	simm.s32 $0x1  }
0x2: {  	[smem:$0x3F7D] =	sst lr;
	_ =	strace $0xD0000000  }
0x3: {  	_ = 	snop  }
0x4: {  	_ = 	snop  }
0x5: {  	_ = 	snop  }
0x6: {  	_ = 	snop  }
0x7: {  	_ = 	snop  }
__scs_overlays_trampoline_lowered:
0x8: {  	[smem:$0x3F8C] =	sst s0  }
0x9: {  	[smem:$0x3F8D] =	sst s1  }
0xa: {  	[smem:$0x3F8E] =	sst s2  }
0xb: {  	[smem:$0x3F8F] =	sst s3  }
0xc: {  	[smem:$0x3F90] =	sst s4  }
0xd: {  	[smem:$0x3F91] =	sst s5  }
0xe: {  	[smem:$0x3F92] =	sst s6  }
0xf: {  	[smem:$0x3F93] =	sst s7  }
0x10: {  	[smem:$0x3F94] =	sst s8  }
0x11: {  	[smem:$0x3F95] =	sst s9;
	s0 =	simm.s32 @!p0 $0x0  }
0x12: {  	s1 =	sld [smem:$0x3F7B];
	s0 =	simm.s32 @p0 $0x1  }
0x13: {  	[smem:$0x3F96] =	sst s0;
	s0 =	simm.s32 @!p1 $0x0  }
0x14: {  	s2 =	sld [smem:$0x3F7A];
	s0 =	simm.s32 @p1 $0x1  }
0x15: {  	[smem:$0x3F97] =	sst s0;
	s0 =	simm.s32 @!p2 $0x0  }
0x16: {  	s3 =	sld [smem:$0x3FDB];
	s0 =	simm.s32 @p2 $0x1  }
0x17: {  	s4 =	simm.s32 $0x1BF5;
	[smem:$0x3F99] =	sst s0  }
0x18: {  	s0 =	sld [smem:$0x3F7C];
	_ =	swait.ge [sflag:s4], $0x0  }
0x19: {  	s7 =	sld [smem:$0x3F7D]  }
0x1a: {  	s8 =	sadd.s32 $0xFFFFE003, lr  }
0x1b: {  	s9 =	sadd.s32 $0xFFFFFEF7, lr;
	s5 =	simm.s32 $0xFFFFFFFF;
	p2 =	slt.u32 s8, $0xFFFFF086  }
0x1c: {  	p1 =	slt.u32 s9, $0xF7A;
	s5 =	simm.s32 @!p2 $0x0  }
0x1d: {  	s5 =	simm.s32 @p1 $0x1;
	p0 =	seq.s32 s7, s2  }
0x1e: {  	s7 =	smul.u32 @!p0 $0xF7A, s2;
	p2 =	seq.s32 @!p0 s5, $0x0  }
0x1f: {  	s9 =	smul.u32 $0xF7A, s1;
	s8 =	simm.s32 @!p0 $0x1BF5;
	p2 =	por !p2, p0  }
0x20: {  	[sflag:s8] =	ssyncset.s32 @!p0 $0xFFFFF086;
	s6 =	sadd.s32 @!p0 s3, s7;
	s7 =	simm.s32 @!p0 $0x108  }
0x21: {  	s3 =	sadd.s32 s3, s9;
	s6 =	sadd.s32 @!p0 $0x88, s6;
	s7 =	simm.s32 @p2 $0x1082  }
0x22: {  	[simem:s7], [sflag:s8] =	dma.local @!p0 [hbm:s6], $0xF7A  }
0x23: {  	s9 =	sor.u32 $0xD0000000, s2;
	s6 =	simm.s32 $0x108;
	_ =	swait.ge @!p0 [sflag:s8], $0x0  }
0x24: {  	s3 =	sadd.s32 $0x88, s3;
	s6 =	simm.s32 @!p1 $0x1082;
	[sflag:s4] =	ssyncset.s32 $0xFFFFF086  }
0x25: {  	[simem:s6], [sflag:s4] =	dma.local [hbm:s3], $0xF7A  }
0x26: {  	[smem:$0x3F7D] =	sst s1;
	(tag) =	ssettag s2;
	_ =	strace s9  }
0x27: {  	s1 =	sld [smem:$0x3F8D]  }
0x28: {  	s2 =	sld [smem:$0x3F8E]  }
0x29: {  	s4 =	sld [smem:$0x3F90]  }
0x2a: {  	p0 =	seq.s32 s5, $0x0;
	s5 =	sld [smem:$0x3F91]  }
0x2b: {  	s6 =	sld [smem:$0x3F92]  }
0x2c: {  	s7 =	sld [smem:$0x3F93]  }
0x2d: {  	s3 =	simm.s32 $0x108;
	s8 =	sld [smem:$0x3F94]  }
0x2e: {  	s3 =	simm.s32 @!p0 $0x1082;
	s9 =	sld [smem:$0x3F95]  }
0x2f: {  	lr =	sadd.s32 s0, s3;
	s0 =	sld [smem:$0x3F8C]  }
0x30: {  	s3 =	sld [smem:$0x3F8F]  }
0x31: {  	[smem:$0x3F98] =	sst s10  }
0x32: {  	s10 =	sld [smem:$0x3F96];
	_ =	sdelay $0x3  }
0x33: {  	p0 =	seq.s32 s10, $0x1;
	s10 =	sld [smem:$0x3F98];
	_ =	sdelay $0x3  }
0x34: {  	[smem:$0x3F98] =	sst s10  }
0x35: {  	s10 =	sld [smem:$0x3F97];
	_ =	sdelay $0x3  }
0x36: {  	p1 =	seq.s32 s10, $0x1;
	s10 =	sld [smem:$0x3F98];
	_ =	sdelay $0x3  }
0x37: {  	[smem:$0x3F98] =	sst s10  }
0x38: {  	s10 =	sld [smem:$0x3F99]  }
0x39: {  	_ = 	snop;
	(pc) =	sbr.ind lr, $3  }
0x3a: {  	_ = 	snop  }
0x3b: {  	_ = 	snop  }
0x3c: {  	p2 =	seq.s32 s10, $0x1;
	s10 =	sld [smem:$0x3F98]  }
0x3d: {  	_ =	shalt  }
0x3e: {  	_ =	shalt  }
0x3f: {  	_ =	shalt  }
0x40: {  	_ =	shalt  }
0x41: {  	_ =	shalt  }
0x42: {  	_ =	shalt  }
0x43: {  	_ =	shalt  }
0x44: {  	_ =	shalt  }
0x45: {  	_ =	shalt  }
0x46: {  	_ =	shalt  }
0x47: {  	_ =	shalt  }
0x48: {  	_ =	shalt  }
0x49: {  	_ =	shalt  }
0x4a: {  	_ =	shalt  }
0x4b: {  	_ =	shalt  }
0x4c: {  	_ =	shalt  }
0x4d: {  	_ =	shalt  }
0x4e: {  	_ =	shalt  }
0x4f: {  	_ =	shalt  }
0x50: {  	_ =	shalt  }
0x51: {  	_ =	shalt  }
0x52: {  	_ =	shalt  }
0x53: {  	_ =	shalt  }
0x54: {  	_ =	shalt  }
0x55: {  	_ =	shalt  }
0x56: {  	_ =	shalt  }
0x57: {  	_ =	shalt  }
0x58: {  	_ =	shalt  }
0x59: {  	_ =	shalt  }
0x5a: {  	_ =	shalt  }
0x5b: {  	_ =	shalt  }
0x5c: {  	_ =	shalt  }
0x5d: {  	_ =	shalt  }
0x5e: {  	_ =	shalt  }
0x5f: {  	_ =	shalt  }
0x60: {  	_ =	shalt  }
0x61: {  	_ =	shalt  }
0x62: {  	_ =	shalt  }
0x63: {  	_ =	shalt  }
0x64: {  	_ =	shalt  }
0x65: {  	_ =	shalt  }
0x66: {  	_ =	shalt  }
0x67: {  	_ =	shalt  }
0x68: {  	_ =	shalt  }
0x69: {  	_ =	shalt  }
0x6a: {  	_ =	shalt  }
0x6b: {  	_ =	shalt  }
0x6c: {  	_ =	shalt  }
0x6d: {  	_ =	shalt  }
0x6e: {  	_ =	shalt  }
0x6f: {  	_ =	shalt  }
0x70: {  	_ =	shalt  }
0x71: {  	_ =	shalt  }
0x72: {  	_ =	shalt  }
0x73: {  	_ =	shalt  }
0x74: {  	_ =	shalt  }
0x75: {  	_ =	shalt  }
0x76: {  	_ =	shalt  }
0x77: {  	_ =	shalt  }
0x78: {  	_ =	shalt  }
0x79: {  	_ =	shalt  }
0x7a: {  	_ =	shalt  }
0x7b: {  	_ =	shalt  }
0x7c: {  	_ =	shalt  }
0x7d: {  	_ =	shalt  }
0x7e: {  	_ =	shalt  }
0x7f: {  	_ =	shalt  }
0x80: {  	_ =	shalt  }
0x81: {  	_ =	shalt  }
0x82: {  	_ =	shalt  }
0x83: {  	_ =	shalt  }
0x84: {  	_ =	shalt  }
0x85: {  	_ =	shalt  }
0x86: {  	_ =	shalt  }
0x87: {  	_ =	shalt  }
.Lfunc_end0:
.L_simem_size_0:
called_computation.13_lowered:
.L_overlay_start_0:
0x88: {  	s2 =	sld [smem:$0x3FD9]  }
0x89: {  	s3 =	sld [smem:$0x3FFE];
	_ =	sdelay $0x1  }
0x8a: {  	s1 =	srdreg.scid  }
0x8b: {  	s0 =	sand.u32 $0x1, s1  }
0x8c: {  	s16 =	sshll.u32 s0, $0xA;
	s2 =	sadd.s32 s3, s2  }
0x8d: {  	s2 =	sadd.s32 s2, s16  }
0x8e: {  	[smem:$0x3FA4] =	sst s2  }
0x8f: {  	_ = 	snop  }
0x90: {  	(tm) =	ssettm $0x1  }
0x91: {  	s17 =	sld [smem:$0x3FFB];
	_ =	sdelay $0x3  }
0x92: {  	_ =	strace s17  }
0x93: {  	s2 =	sld [smem:$0x3FFC];
	_ =	sdelay $0x3  }
0x94: {  	_ =	strace s2  }
0x95: {  	s2 =	sld [smem:$0x3FFD];
	_ =	sdelay $0x3  }
0x96: {  	_ =	strace s2  }
0x97: {  	_ =	strace $0x8FFFFFFF  }
0x98: {  	s18 =	sld [smem:$0x3FDB];
	_ =	sdelay $0x1  }
0x99: {  	s19 =	simm.s32 $_scs_section_size  }
0x9a: {  	s4 =	simm.s32 $_size__tile_overlayer_lowered;
	s5 =	simm.s32 $_tile_overlayer_lowered  }
0x9b: {  	s22 =	simm.s32 $0x1BFF;
	s21 =	sshll.u32 s5, $0x1;
	s2 =	sadd.s32 s19, s18  }
0x9c: {  	s6 =	simm.s32 $0x0;
	s20 =	sshll.u32 s4, $0x1;
	s4 =	sadd.s32 s21, s2  }
0x9d: {  	[timem:s6], [sflag:s22] =	dma.local [hbm:s4], s20  }
0x9e: {  	_ =	swait.ge [sflag:s22], s20  }
0x9f: {  	s3 =	ssub.s32 $0x0, s20;
	[sflag:s22] =	ssyncset.done $0x0  }
0xa0: {  	[sflag:s22] =	ssyncadd.s32 s3;
	_ =	sdelay $0x1  }
0xa1: {  	s23 =	simm.s32 $0x1B8B  }
0xa2: {  	_ =	swait.ge [sflag:s23], $0x1  }
0xa3: {  	[sflag:s23] =	ssyncset.done $0x0  }
0xa4: {  	s25 =	simm.s32 $0x1B8E;
	s24 =	sld [smem:$0x3FFE];
	[sflag:s23] =	ssyncadd.s32 $0xFFFFFFFF  }
0xa5: {  	s26 =	simm.s32 $execute0_lowered;
	[smem:$0x3FD2] =	sst s25  }
0xa6: {  	s4 =	sshll.u32 s26, $0x1;
	_ =	strace $0x8000006A;
	[dreg:$0x1] =	wrdreg $0xFFFFFFFF  }
0xa7: {  	s28 =	simm.s32 $_size_execute0_lowered;
	s2 =	sadd.s32 s2, s4;
	[dreg:$0x0] =	wrdreg $0x0  }
0xa8: {  	s4 =	sshll.u32 s28, $0x1;
	[dreg:$0x2] =	wrdreg s2  }
0xa9: {  	[dreg:$0x3] =	wrdreg s4  }
0xaa: {  	[dreg:$0x4] =	wrdreg $0xC0  }
0xab: {  	_ =	task [dreg:s6], $0x5FFFF  }
0xac: {  	[dreg:$0x1] =	wrdreg $0xFFFFFFFF  }
0xad: {  	[dreg:$0x0] =	wrdreg $0x60  }
0xae: {  	[dreg:$0x2] =	wrdreg s24  }
0xaf: {  	[dreg:$0x3] =	wrdreg $0x9  }
0xb0: {  	_ =	task.clear_ibuf [dreg:s6], $0x4FFFF;
	_ =	strace $0x9000006A  }
0xb1: {  	s29 =	simm.s32 $0x9;
	_ =	strace $0x8000006C  }
0xb2: {  	_ =	swait.ge [sflag:s29], $0x1  }
0xb3: {  	[sflag:s29] =	ssyncadd.s32 $0xFFFFFFFF  }
0xb4: {  	_ =	strace $0x9000006C  }
0xb5: {  	_ =	sfence  }
0xb6: {  	s30 =	sld [smem:$0x0];
	_ =	sdelay $0x2  }
0xb7: {  	s31 =	sshll.u32 s1, $0xD;
	s1 =	sshrl.u32 s1, $0x2  }
0xb8: {  	s3 =	sand.u32 $0x4000, s31;
	s1 =	sadd.s32 s1, s30  }
0xb9: {  	s0 =	sor.u32 s3, s0;
	s1 =	sshll.u32 s1, $0x11  }
0xba: {  	s0 =	sor.u32 s1, s0  }
0xbb: {  	s0 =	sadd.s32 $0x8F2B, s0  }
0xbc: {  	[sflag:s0] =	ssyncadd.remote.s32 $0x1  }
0xbd: {  	_ =	sfence.sel $0xFFFF  }
0xbe: {  	[dreg:$0x0] =	wrdreg $0xFFFFFFFF;
	(pc) =	sbr.abs _section_cstart, $3  }
0xbf: {  	[dreg:$0x1] =	wrdreg $0xFFFFFFFF  }
0xc0: {  	_ =	task.clear_ibuf [dreg:s6], $0x2FFFF;
	_ =	strace $0x9FFFFFFF  }
0xc1: {  	(tm) =	ssettm $0x7FFFFFFF  }
tec
execute0_lowered:
.L_overlay_start_1:
0x0: {  	(tag) =	ssettag $0x1  }
0x1: {  	s0 =	srdreg.scid;
	s5 =	rddreg [dreg:$0x0]  }
0x2: {  	s1 =	stileid.u32;
	s6 =	simm.s32 $0x1;
	s9 =	simm.s32 $0x1  }
0x3: {  	s10 =	simm.s32 $0x3;
	s13 =	simm.s32 $0x0;
	s2 =	sshll.u32 s0, $0x7  }
0x4: {  	s12 =	simm.s32 $0x0;
	s3 =	sshll.u32 s1, $0x8;
	s2 =	sand.u32 $0x80, s2  }
0x5: {  	s0 =	rddreg [dreg:$0x1];
	_ =	strace $0x8000006B;
	s2 =	sor.u32 s3, s2  }
0x6: {  	s4 =	sadd.s32 $0x14AC00, s5;
	[sflag:s6] =	ssyncpa.u1 $0x0;
	s8 =	ssub.s32 $0x3D100, s2  }
.Ltmp0:
0x7: {  	s3 =	sadd.s32 $0x36C00, s5;
	s7 =	sand.u32 $0xF80, s8;
	(pc) =	sbr.rel .LBB2_1-.Ltmp0, $4  }
0x8: {  	s5 =	sadd.s32 $0x613C00, s5;
	s11 =	smov.u32 s2;
	p0 =	sne.s32 s7, $0x0  }
0x9: {  	s8 =	sshrl.u32 s8, $0xC;
	s7 =	simm.s32 $0x2;
	s9 =	simm.s32 @!p0 $0x0  }
0xa: {  	[sflag:s7] =	ssyncpa.u1 $0x0;
	p0 =	por $0x0, $0x0;
	s8 =	sadd.s32 s9, s8  }
0xb: {  	vm0 =	vmmov $0xffff;
	[sflag:s10] =	ssyncpa.u1 $0x0;
	s10 =	simm.s32 $0x0;
	s9 =	sadd.s32 $0x1, s8  }
.LBB2_4:
0xc: {  	v2 =	vnsel vm1, $0x0, v2  }
0xd: {  	vm1 =	vgt.s32 v0, $0x0;
	v2 =	vmin.u32 v2, $0x30D3F  }
0xe: {  	v0 =	vnsel vm1, $0x0, v0  }
0xf: {  	v0 =	vmin.u32 v0, $0x30D3F  }
0x10: {  	[tilespmem:s15], [sflag:$0x1] =	stream.indirect_vreg.gather [hbm4b:s3+s10], $0x1, v1, vm0, $0x4038;
	[tilespmem:$0x200] =	vst v63  }
0x11: {  	(ifvalue) =	ssetifvalue $0x7FFFFFFF  }
0x12: {  	[tilespmem:s16], [sflag:$0x1] =	stream.indirect_vreg.gather [hbm4b:s3+s10], $0x1, v2, vm0, $0x4038;
	[tilespmem:$0x200] =	vst v63  }
0x13: {  	s29 =	sadd.s32 $0x10, s16;
	(ifvalue) =	ssetifvalue $0x7FFFFFFF  }
0x14: {  	[tilespmem:s29], [sflag:$0x1] =	stream.indirect_vreg.gather [hbm4b:s3+s10], $0x1, v0, vm0, $0x4038;
	[tilespmem:$0x200] =	vst v63  }
0x15: {  	_ =	swait.ge [sflag:s6], $0x80  }
0x16: {  	s30 =	sshrl.u32 s13, $0x3;
	[sflag:s6] =	ssyncset.done $0x0  }
0x17: {  	s31 =	sand.u32 $0x7, s13;
	s15 =	sadd.s32 s5, s30;
	[sflag:s6] =	ssyncadd.s32 $0xFFFFFF80  }
0x18: {  	[hbm4b:s15+s31] =	stream.linear.scatter [tilespmem:s14], [sflag:$0x3], $0x80, $0x38;
	[tilespmem:$0x200] =	vst v63  }
.LBB2_5:
0x19: {  	s15 =	sadd.s32 $0x1000, s11  }
0x1a: {  	p2 =	sgt.s32 s15, $0x3D0FF  }
0x1b: {  	s15 =	smov.u32 @p2 s2;
	p2 =	sne.s32 s12, s9  }
.Ltmp1:
0x1c: {  	p1 =	slt.u32 s12, $0x2;
	(pc) =	sbr.rel @!p2 .LBB2_6-.Ltmp1, $4  }
0x1d: {  	s14 =	simm.s32 @!p1 $0x3  }
0x1e: {  	s16 =	sadd.s32 $0x1, s12;
	_ =	swait.ge @!p1 [sflag:s14], $0x80  }
0x1f: {  	s13 =	smov.u32 s11;
	p0 =	por !p0, !p0;
	[sflag:s14] =	ssyncset.done @!p1 $0x0  }
0x20: {  	s12 =	smov.u32 s16;
	s11 =	smov.u32 s15;
	[sflag:s14] =	ssyncadd.s32 @!p1 $0xFFFFFF80  }
.LBB2_1:
0x21: {  	p1 =	sge.u32 s12, s8  }
0x22: {  	s14 =	sxor.u32 @!p1 $0xFFFFFFFF, s12  }
0x23: {  	s31 =	sadd.s32 $0xFFFFFFFF, s12;
	s15 =	sshrl.u32 @!p1 s11, $0x3;
	s14 =	sshll.u32 @!p1 s14, $0x7  }
0x24: {  	s16 =	sand.u32 @!p1 $0x7, s11;
	s15 =	sadd.s32 @!p1 s4, s15;
	s14 =	sand.u32 @!p1 $0x80, s14  }
0x25: {  	[tilespmem:s14], [sflag:$0x2] =	stream.linear.gather @!p1 [hbm4b:s15+s16], $0x80, $0x38;
	[tilespmem:$0x200] =	vst v63  }
0x26: {  	p1 =	sge.u32 s31, s8  }
.Ltmp2:
0x27: {  	_ = 	snop;
	(pc) =	sbr.rel @p1 .LBB2_5-.Ltmp2, $1  }
0x28: {  	_ =	sdelay $0x3  }
0x29: {  	s14 =	simm.s32 $0x1  }
0x2a: {  	_ =	swait.ge [sflag:s7], $0x80;
	s14 =	simm.s32 @!p0 $0x0  }
0x2b: {  	[sflag:s7] =	ssyncset.done $0x0;
	s14 =	sshll.u32 s14, $0x7  }
0x2c: {  	[sflag:s7] =	ssyncadd.s32 $0xFFFFFF80;
	(ifvalue) =	ssetifvalue $0x7FFFFFFF;
	v0 =	vld.msk [tilespmem:s14+$0x0 ss:$0x1], $0xffff;
	_ =	sdelay $0x4  }
0x2d: {  	s15 =	sadd.s32 $0x10, s14;
	vm1 =	vgt.s32 v0, $0x0  }
0x2e: {  	v2 =	vld.msk [tilespmem:s15+$0x0 ss:$0x1], $0xffff;
	v1 =	vnsel vm1, $0x0, v0  }
0x2f: {  	v1 =	vmin.u32 v1, $0x30D3F;
	_ =	sdelay $0x1  }
0x30: {  	s16 =	sshll.u32 s12, $0x7;
	s18 =	simm.s32 $0x20  }
0x31: {  	s16 =	sand.u32 $0x80, s16;
	s17 =	sadd.s32 $0x10, s15;
	s15 =	sor.u32 $0x100, s14  }
0x32: {  	s14 =	sor.u32 $0x100, s16;
	s16 =	sadd.s32 $0x10, s15;
	v0 =	vld.msk [tilespmem:s17+$0x0 ss:$0x1], $0xffff;
	vm1 =	vgt.s32 v2, $0x0;
	(ifvalue) =	ssetifvalue $0x7FFFFFFF  }
.LBB2_3:
0x33: {  	[tilespmem:s15], [sflag:$0x1] =	stream.indirect_vreg.gather [hbm4b:s3+s10], $0x1, v1, vm0, $0x4038;
	[tilespmem:$0x200] =	vst v63  }
0x34: {  	s18 =	sadd.s32 $0x10, s18  }
0x35: {  	v2 =	vnsel vm1, $0x0, v2;
	p1 =	slt.u32 s18, $0x70  }
.Ltmp3:
0x36: {  	s15 =	smov.u32 s16;
	v1 =	vmin.u32 v2, $0x30D3F;
	(pc) =	sbr.rel @p1 .LBB2_3-.Ltmp3, $3  }
0x37: {  	_ =	sdelay $0x1  }
0x38: {  	s17 =	sadd.s32 $0x10, s17  }
0x39: {  	vm1 =	vgt.s32 v0, $0x0;
	s16 =	sadd.s32 $0x10, s16;
	v2 =	vmov v0;
	(ifvalue) =	ssetifvalue $0x7FFFFFFF;
	v0 =	vld.msk [tilespmem:s17+$0x0 ss:$0x1], $0xffff  }
.Ltmp4:
0x3a: {  	_ = 	snop;
	(pc) =	sbr.rel .LBB2_4-.Ltmp4, $1  }
0x3b: {  	_ =	sdelay $0x3  }
.LBB2_6:
0x3c: {  	_ =	sfence.sel $0x180000  }
0x3d: {  	s2 =	simm.s32 $0x2;
	[bflag:$0x0] =	sbarrier.arrive $0xFFFF  }
0x3e: {  	s30 =	simm.s32 $0x3;
	[sflag:s2] =	ssyncpa.u1 $0x1  }
0x3f: {  	s31 =	simm.s32 $0x1;
	[sflag:s30] =	ssyncpa.u1 $0x1  }
0x40: {  	[sflag:s31] =	ssyncpa.u1 $0x1  }
0x41: {  	p0 =	sne.s32 s1, $0x0;
	_ =	strace $0x9000006B  }
0x42: {  	s0 =	sadd.s32 @!p0 $0x100000, s0;
	[bflag:$0x2] =	sbarrier.arrive $0xFFFF  }
0x43: {  	[sflag:s0] =	ssyncadd.tile.s32 @!p0 $0x1;
	_ =	shalt  }
.Lfunc_end2:
_tile_overlayer_lowered:
.L_overlay_start_2:
0x44: {  	(tag) =	ssettag $0x2  }
0x45: {  	s0 =	rddreg [dreg:$0x0];
	s2 =	stileid.u32  }
0x46: {  	s1 =	rddreg [dreg:$0x1];
	p0 =	sne.s32 s2, $0x0  }
0x47: {  	s3 =	rddreg [dreg:$0x2];
	[bflag:$0x3] =	sbarrier.arrive $0xFFFF;
	s2 =	simm.s32 @!p0 $0x1C01  }
0x48: {  	[timem:s3], [sflag:s2] =	dma.local @!p0 [hbm:s0], s1  }
0x49: {  	s0 =	simm.s32 @!p0 $0x1  }
0x4a: {  	_ =	swait.ge @!p0 [sflag:s0], s1  }
0x4b: {  	s1 =	ssub.s32 @!p0 $0x0, s1;
	[sflag:s0] =	ssyncset.done @!p0 $0x0  }
0x4c: {  	[sflag:s0] =	ssyncadd.s32 @!p0 s1  }
0x4d: {  	[bflag:$0x3] =	sbarrier.arrive $0xFFFF  }
0x4e: {  	_ =	shalt  }

// kernel: gather_offload_async_start.14
scs
__scs_entry_jumppad:
0x0: {  	(pc) =	sbr.rel $0x88, $3  }
0x1: {  	(tag) =	ssettag $0x0;
	lr =	simm.s32 $0x1  }
0x2: {  	[smem:$0x3F7D] =	sst lr;
	_ =	strace $0xD0000000  }
0x3: {  	_ = 	snop  }
0x4: {  	_ = 	snop  }
0x5: {  	_ = 	snop  }
0x6: {  	_ = 	snop  }
0x7: {  	_ = 	snop  }
__scs_overlays_trampoline_lowered:
0x8: {  	[smem:$0x3F8C] =	sst s0  }
0x9: {  	[smem:$0x3F8D] =	sst s1  }
0xa: {  	[smem:$0x3F8E] =	sst s2  }
0xb: {  	[smem:$0x3F8F] =	sst s3  }
0xc: {  	[smem:$0x3F90] =	sst s4  }
0xd: {  	[smem:$0x3F91] =	sst s5  }
0xe: {  	[smem:$0x3F92] =	sst s6  }
0xf: {  	[smem:$0x3F93] =	sst s7  }
0x10: {  	[smem:$0x3F94] =	sst s8  }
0x11: {  	[smem:$0x3F95] =	sst s9;
	s0 =	simm.s32 @!p0 $0x0  }
0x12: {  	s1 =	sld [smem:$0x3F7B];
	s0 =	simm.s32 @p0 $0x1  }
0x13: {  	[smem:$0x3F96] =	sst s0;
	s0 =	simm.s32 @!p1 $0x0  }
0x14: {  	s2 =	sld [smem:$0x3F7A];
	s0 =	simm.s32 @p1 $0x1  }
0x15: {  	[smem:$0x3F97] =	sst s0;
	s0 =	simm.s32 @!p2 $0x0  }
0x16: {  	s3 =	sld [smem:$0x3FDB];
	s0 =	simm.s32 @p2 $0x1  }
0x17: {  	s4 =	simm.s32 $0x1BF5;
	[smem:$0x3F99] =	sst s0  }
0x18: {  	s0 =	sld [smem:$0x3F7C];
	_ =	swait.ge [sflag:s4], $0x0  }
0x19: {  	s7 =	sld [smem:$0x3F7D]  }
0x1a: {  	s8 =	sadd.s32 $0xFFFFE003, lr  }
0x1b: {  	s9 =	sadd.s32 $0xFFFFFEF7, lr;
	s5 =	simm.s32 $0xFFFFFFFF;
	p2 =	slt.u32 s8, $0xFFFFF086  }
0x1c: {  	p1 =	slt.u32 s9, $0xF7A;
	s5 =	simm.s32 @!p2 $0x0  }
0x1d: {  	s5 =	simm.s32 @p1 $0x1;
	p0 =	seq.s32 s7, s2  }
0x1e: {  	s7 =	smul.u32 @!p0 $0xF7A, s2;
	p2 =	seq.s32 @!p0 s5, $0x0  }
0x1f: {  	s9 =	smul.u32 $0xF7A, s1;
	s8 =	simm.s32 @!p0 $0x1BF5;
	p2 =	por !p2, p0  }
0x20: {  	[sflag:s8] =	ssyncset.s32 @!p0 $0xFFFFF086;
	s6 =	sadd.s32 @!p0 s3, s7;
	s7 =	simm.s32 @!p0 $0x108  }
0x21: {  	s3 =	sadd.s32 s3, s9;
	s6 =	sadd.s32 @!p0 $0x88, s6;
	s7 =	simm.s32 @p2 $0x1082  }
0x22: {  	[simem:s7], [sflag:s8] =	dma.local @!p0 [hbm:s6], $0xF7A  }
0x23: {  	s9 =	sor.u32 $0xD0000000, s2;
	s6 =	simm.s32 $0x108;
	_ =	swait.ge @!p0 [sflag:s8], $0x0  }
0x24: {  	s3 =	sadd.s32 $0x88, s3;
	s6 =	simm.s32 @!p1 $0x1082;
	[sflag:s4] =	ssyncset.s32 $0xFFFFF086  }
0x25: {  	[simem:s6], [sflag:s4] =	dma.local [hbm:s3], $0xF7A  }
0x26: {  	[smem:$0x3F7D] =	sst s1;
	(tag) =	ssettag s2;
	_ =	strace s9  }
0x27: {  	s1 =	sld [smem:$0x3F8D]  }
0x28: {  	s2 =	sld [smem:$0x3F8E]  }
0x29: {  	s4 =	sld [smem:$0x3F90]  }
0x2a: {  	p0 =	seq.s32 s5, $0x0;
	s5 =	sld [smem:$0x3F91]  }
0x2b: {  	s6 =	sld [smem:$0x3F92]  }
0x2c: {  	s7 =	sld [smem:$0x3F93]  }
0x2d: {  	s3 =	simm.s32 $0x108;
	s8 =	sld [smem:$0x3F94]  }
0x2e: {  	s3 =	simm.s32 @!p0 $0x1082;
	s9 =	sld [smem:$0x3F95]  }
0x2f: {  	lr =	sadd.s32 s0, s3;
	s0 =	sld [smem:$0x3F8C]  }
0x30: {  	s3 =	sld [smem:$0x3F8F]  }
0x31: {  	[smem:$0x3F98] =	sst s10  }
0x32: {  	s10 =	sld [smem:$0x3F96];
	_ =	sdelay $0x3  }
0x33: {  	p0 =	seq.s32 s10, $0x1;
	s10 =	sld [smem:$0x3F98];
	_ =	sdelay $0x3  }
0x34: {  	[smem:$0x3F98] =	sst s10  }
0x35: {  	s10 =	sld [smem:$0x3F97];
	_ =	sdelay $0x3  }
0x36: {  	p1 =	seq.s32 s10, $0x1;
	s10 =	sld [smem:$0x3F98];
	_ =	sdelay $0x3  }
0x37: {  	[smem:$0x3F98] =	sst s10  }
0x38: {  	s10 =	sld [smem:$0x3F99]  }
0x39: {  	_ = 	snop;
	(pc) =	sbr.ind lr, $3  }
0x3a: {  	_ = 	snop  }
0x3b: {  	_ = 	snop  }
0x3c: {  	p2 =	seq.s32 s10, $0x1;
	s10 =	sld [smem:$0x3F98]  }
0x3d: {  	_ =	shalt  }
0x3e: {  	_ =	shalt  }
0x3f: {  	_ =	shalt  }
0x40: {  	_ =	shalt  }
0x41: {  	_ =	shalt  }
0x42: {  	_ =	shalt  }
0x43: {  	_ =	shalt  }
0x44: {  	_ =	shalt  }
0x45: {  	_ =	shalt  }
0x46: {  	_ =	shalt  }
0x47: {  	_ =	shalt  }
0x48: {  	_ =	shalt  }
0x49: {  	_ =	shalt  }
0x4a: {  	_ =	shalt  }
0x4b: {  	_ =	shalt  }
0x4c: {  	_ =	shalt  }
0x4d: {  	_ =	shalt  }
0x4e: {  	_ =	shalt  }
0x4f: {  	_ =	shalt  }
0x50: {  	_ =	shalt  }
0x51: {  	_ =	shalt  }
0x52: {  	_ =	shalt  }
0x53: {  	_ =	shalt  }
0x54: {  	_ =	shalt  }
0x55: {  	_ =	shalt  }
0x56: {  	_ =	shalt  }
0x57: {  	_ =	shalt  }
0x58: {  	_ =	shalt  }
0x59: {  	_ =	shalt  }
0x5a: {  	_ =	shalt  }
0x5b: {  	_ =	shalt  }
0x5c: {  	_ =	shalt  }
0x5d: {  	_ =	shalt  }
0x5e: {  	_ =	shalt  }
0x5f: {  	_ =	shalt  }
0x60: {  	_ =	shalt  }
0x61: {  	_ =	shalt  }
0x62: {  	_ =	shalt  }
0x63: {  	_ =	shalt  }
0x64: {  	_ =	shalt  }
0x65: {  	_ =	shalt  }
0x66: {  	_ =	shalt  }
0x67: {  	_ =	shalt  }
0x68: {  	_ =	shalt  }
0x69: {  	_ =	shalt  }
0x6a: {  	_ =	shalt  }
0x6b: {  	_ =	shalt  }
0x6c: {  	_ =	shalt  }
0x6d: {  	_ =	shalt  }
0x6e: {  	_ =	shalt  }
0x6f: {  	_ =	shalt  }
0x70: {  	_ =	shalt  }
0x71: {  	_ =	shalt  }
0x72: {  	_ =	shalt  }
0x73: {  	_ =	shalt  }
0x74: {  	_ =	shalt  }
0x75: {  	_ =	shalt  }
0x76: {  	_ =	shalt  }
0x77: {  	_ =	shalt  }
0x78: {  	_ =	shalt  }
0x79: {  	_ =	shalt  }
0x7a: {  	_ =	shalt  }
0x7b: {  	_ =	shalt  }
0x7c: {  	_ =	shalt  }
0x7d: {  	_ =	shalt  }
0x7e: {  	_ =	shalt  }
0x7f: {  	_ =	shalt  }
0x80: {  	_ =	shalt  }
0x81: {  	_ =	shalt  }
0x82: {  	_ =	shalt  }
0x83: {  	_ =	shalt  }
0x84: {  	_ =	shalt  }
0x85: {  	_ =	shalt  }
0x86: {  	_ =	shalt  }
0x87: {  	_ =	shalt  }
.Lfunc_end0:
.L_simem_size_0:
called_computation.14_lowered:
.L_overlay_start_0:
0x88: {  	s2 =	sld [smem:$0x3FD9]  }
0x89: {  	s3 =	sld [smem:$0x3FFE];
	_ =	sdelay $0x1  }
0x8a: {  	s1 =	srdreg.scid  }
0x8b: {  	s0 =	sand.u32 $0x1, s1  }
0x8c: {  	s16 =	sshll.u32 s0, $0xA;
	s2 =	sadd.s32 s3, s2  }
0x8d: {  	s2 =	sadd.s32 s2, s16  }
0x8e: {  	[smem:$0x3FA4] =	sst s2  }
0x8f: {  	_ = 	snop  }
0x90: {  	(tm) =	ssettm $0x1  }
0x91: {  	s17 =	sld [smem:$0x3FFB];
	_ =	sdelay $0x3  }
0x92: {  	_ =	strace s17  }
0x93: {  	s2 =	sld [smem:$0x3FFC];
	_ =	sdelay $0x3  }
0x94: {  	_ =	strace s2  }
0x95: {  	s2 =	sld [smem:$0x3FFD];
	_ =	sdelay $0x3  }
0x96: {  	_ =	strace s2  }
0x97: {  	_ =	strace $0x8FFFFFFF  }
0x98: {  	s18 =	sld [smem:$0x3FDB];
	_ =	sdelay $0x1  }
0x99: {  	s19 =	simm.s32 $_scs_section_size  }
0x9a: {  	s4 =	simm.s32 $_size__tile_overlayer_lowered;
	s5 =	simm.s32 $_tile_overlayer_lowered  }
0x9b: {  	s22 =	simm.s32 $0x1BFF;
	s21 =	sshll.u32 s5, $0x1;
	s2 =	sadd.s32 s19, s18  }
0x9c: {  	s6 =	simm.s32 $0x0;
	s20 =	sshll.u32 s4, $0x1;
	s4 =	sadd.s32 s21, s2  }
0x9d: {  	[timem:s6], [sflag:s22] =	dma.local [hbm:s4], s20  }
0x9e: {  	_ =	swait.ge [sflag:s22], s20  }
0x9f: {  	s3 =	ssub.s32 $0x0, s20;
	[sflag:s22] =	ssyncset.done $0x0  }
0xa0: {  	[sflag:s22] =	ssyncadd.s32 s3;
	_ =	sdelay $0x1  }
0xa1: {  	s23 =	simm.s32 $0x1B8B  }
0xa2: {  	_ =	swait.ge [sflag:s23], $0x1  }
0xa3: {  	[sflag:s23] =	ssyncset.done $0x0  }
0xa4: {  	s25 =	simm.s32 $0x1B8E;
	s24 =	sld [smem:$0x3FFE];
	[sflag:s23] =	ssyncadd.s32 $0xFFFFFFFF  }
0xa5: {  	s26 =	simm.s32 $execute0_lowered;
	[smem:$0x3FD2] =	sst s25  }
0xa6: {  	s4 =	sshll.u32 s26, $0x1;
	_ =	strace $0x8000006D;
	[dreg:$0x1] =	wrdreg $0xFFFFFFFF  }
0xa7: {  	s28 =	simm.s32 $_size_execute0_lowered;
	s2 =	sadd.s32 s2, s4;
	[dreg:$0x0] =	wrdreg $0x0  }
0xa8: {  	s4 =	sshll.u32 s28, $0x1;
	[dreg:$0x2] =	wrdreg s2  }
0xa9: {  	[dreg:$0x3] =	wrdreg s4  }
0xaa: {  	[dreg:$0x4] =	wrdreg $0xC0  }
0xab: {  	_ =	task [dreg:s6], $0x5FFFF  }
0xac: {  	[dreg:$0x1] =	wrdreg $0xFFFFFFFF  }
0xad: {  	[dreg:$0x0] =	wrdreg $0x60  }
0xae: {  	[dreg:$0x2] =	wrdreg s24  }
0xaf: {  	[dreg:$0x3] =	wrdreg $0x9  }
0xb0: {  	_ =	task.clear_ibuf [dreg:s6], $0x4FFFF;
	_ =	strace $0x9000006D  }
0xb1: {  	s29 =	simm.s32 $0x9;
	_ =	strace $0x8000006F  }
0xb2: {  	_ =	swait.ge [sflag:s29], $0x1  }
0xb3: {  	[sflag:s29] =	ssyncadd.s32 $0xFFFFFFFF  }
0xb4: {  	_ =	strace $0x9000006F  }
0xb5: {  	_ =	sfence  }
0xb6: {  	s30 =	sld [smem:$0x0];
	_ =	sdelay $0x2  }
0xb7: {  	s31 =	sshll.u32 s1, $0xD;
	s1 =	sshrl.u32 s1, $0x2  }
0xb8: {  	s3 =	sand.u32 $0x4000, s31;
	s1 =	sadd.s32 s1, s30  }
0xb9: {  	s0 =	sor.u32 s3, s0;
	s1 =	sshll.u32 s1, $0x11  }
0xba: {  	s0 =	sor.u32 s1, s0  }
0xbb: {  	s0 =	sadd.s32 $0x8F2B, s0  }
0xbc: {  	[sflag:s0] =	ssyncadd.remote.s32 $0x1  }
0xbd: {  	_ =	sfence.sel $0xFFFF  }
0xbe: {  	[dreg:$0x0] =	wrdreg $0xFFFFFFFF;
	(pc) =	sbr.abs _section_cstart, $3  }
0xbf: {  	[dreg:$0x1] =	wrdreg $0xFFFFFFFF  }
0xc0: {  	_ =	task.clear_ibuf [dreg:s6], $0x2FFFF;
	_ =	strace $0x9FFFFFFF  }
0xc1: {  	(tm) =	ssettm $0x7FFFFFFF  }
tec
execute0_lowered:
.L_overlay_start_1:
0x0: {  	(tag) =	ssettag $0x1  }
0x1: {  	s0 =	srdreg.scid;
	s5 =	rddreg [dreg:$0x0]  }
0x2: {  	s1 =	stileid.u32;
	s6 =	simm.s32 $0x1;
	s9 =	simm.s32 $0x1  }
0x3: {  	s10 =	simm.s32 $0x3;
	s13 =	simm.s32 $0x0;
	s2 =	sshll.u32 s0, $0x7  }
0x4: {  	s12 =	simm.s32 $0x0;
	s3 =	sshll.u32 s1, $0x8;
	s2 =	sand.u32 $0x80, s2  }
0x5: {  	s0 =	rddreg [dreg:$0x1];
	_ =	strace $0x8000006E;
	s2 =	sor.u32 s3, s2  }
0x6: {  	s4 =	sadd.s32 $0x14AC00, s5;
	[sflag:s6] =	ssyncpa.u1 $0x0;
	s8 =	ssub.s32 $0x3D100, s2  }
.Ltmp0:
0x7: {  	s3 =	sadd.s32 $0x3CE00, s5;
	s7 =	sand.u32 $0xF80, s8;
	(pc) =	sbr.rel .LBB2_1-.Ltmp0, $4  }
0x8: {  	s5 =	sadd.s32 $0x1D800, s5;
	s11 =	smov.u32 s2;
	p0 =	sne.s32 s7, $0x0  }
0x9: {  	s8 =	sshrl.u32 s8, $0xC;
	s7 =	simm.s32 $0x2;
	s9 =	simm.s32 @!p0 $0x0  }
0xa: {  	[sflag:s7] =	ssyncpa.u1 $0x0;
	p0 =	por $0x0, $0x0;
	s8 =	sadd.s32 s9, s8  }
0xb: {  	vm0 =	vmmov $0xffff;
	[sflag:s10] =	ssyncpa.u1 $0x0;
	s10 =	simm.s32 $0x0;
	s9 =	sadd.s32 $0x1, s8  }
.LBB2_4:
0xc: {  	v2 =	vnsel vm1, $0x0, v2  }
0xd: {  	vm1 =	vgt.s32 v0, $0x0;
	v2 =	vmin.u32 v2, $0x30D3F  }
0xe: {  	v0 =	vnsel vm1, $0x0, v0  }
0xf: {  	v0 =	vmin.u32 v0, $0x30D3F  }
0x10: {  	[tilespmem:s15], [sflag:$0x1] =	stream.indirect_vreg.gather [hbm4b:s3+s10], $0x1, v1, vm0, $0x4038;
	[tilespmem:$0x200] =	vst v63  }
0x11: {  	(ifvalue) =	ssetifvalue $0x7FFFFFFF  }
0x12: {  	[tilespmem:s16], [sflag:$0x1] =	stream.indirect_vreg.gather [hbm4b:s3+s10], $0x1, v2, vm0, $0x4038;
	[tilespmem:$0x200] =	vst v63  }
0x13: {  	s29 =	sadd.s32 $0x10, s16;
	(ifvalue) =	ssetifvalue $0x7FFFFFFF  }
0x14: {  	[tilespmem:s29], [sflag:$0x1] =	stream.indirect_vreg.gather [hbm4b:s3+s10], $0x1, v0, vm0, $0x4038;
	[tilespmem:$0x200] =	vst v63  }
0x15: {  	_ =	swait.ge [sflag:s6], $0x80  }
0x16: {  	s30 =	sshrl.u32 s13, $0x3;
	[sflag:s6] =	ssyncset.done $0x0  }
0x17: {  	s31 =	sand.u32 $0x7, s13;
	s15 =	sadd.s32 s5, s30;
	[sflag:s6] =	ssyncadd.s32 $0xFFFFFF80  }
0x18: {  	[hbm4b:s15+s31] =	stream.linear.scatter [tilespmem:s14], [sflag:$0x3], $0x80, $0x38;
	[tilespmem:$0x200] =	vst v63  }
.LBB2_5:
0x19: {  	s15 =	sadd.s32 $0x1000, s11  }
0x1a: {  	p2 =	sgt.s32 s15, $0x3D0FF  }
0x1b: {  	s15 =	smov.u32 @p2 s2;
	p2 =	sne.s32 s12, s9  }
.Ltmp1:
0x1c: {  	p1 =	slt.u32 s12, $0x2;
	(pc) =	sbr.rel @!p2 .LBB2_6-.Ltmp1, $4  }
0x1d: {  	s14 =	simm.s32 @!p1 $0x3  }
0x1e: {  	s16 =	sadd.s32 $0x1, s12;
	_ =	swait.ge @!p1 [sflag:s14], $0x80  }
0x1f: {  	s13 =	smov.u32 s11;
	p0 =	por !p0, !p0;
	[sflag:s14] =	ssyncset.done @!p1 $0x0  }
0x20: {  	s12 =	smov.u32 s16;
	s11 =	smov.u32 s15;
	[sflag:s14] =	ssyncadd.s32 @!p1 $0xFFFFFF80  }
.LBB2_1:
0x21: {  	p1 =	sge.u32 s12, s8  }
0x22: {  	s14 =	sxor.u32 @!p1 $0xFFFFFFFF, s12  }
0x23: {  	s31 =	sadd.s32 $0xFFFFFFFF, s12;
	s15 =	sshrl.u32 @!p1 s11, $0x3;
	s14 =	sshll.u32 @!p1 s14, $0x7  }
0x24: {  	s16 =	sand.u32 @!p1 $0x7, s11;
	s15 =	sadd.s32 @!p1 s4, s15;
	s14 =	sand.u32 @!p1 $0x80, s14  }
0x25: {  	[tilespmem:s14], [sflag:$0x2] =	stream.linear.gather @!p1 [hbm4b:s15+s16], $0x80, $0x38;
	[tilespmem:$0x200] =	vst v63  }
0x26: {  	p1 =	sge.u32 s31, s8  }
.Ltmp2:
0x27: {  	_ = 	snop;
	(pc) =	sbr.rel @p1 .LBB2_5-.Ltmp2, $1  }
0x28: {  	_ =	sdelay $0x3  }
0x29: {  	s14 =	simm.s32 $0x1  }
0x2a: {  	_ =	swait.ge [sflag:s7], $0x80;
	s14 =	simm.s32 @!p0 $0x0  }
0x2b: {  	[sflag:s7] =	ssyncset.done $0x0;
	s14 =	sshll.u32 s14, $0x7  }
0x2c: {  	[sflag:s7] =	ssyncadd.s32 $0xFFFFFF80;
	(ifvalue) =	ssetifvalue $0x7FFFFFFF;
	v0 =	vld.msk [tilespmem:s14+$0x0 ss:$0x1], $0xffff;
	_ =	sdelay $0x4  }
0x2d: {  	s15 =	sadd.s32 $0x10, s14;
	vm1 =	vgt.s32 v0, $0x0  }
0x2e: {  	v2 =	vld.msk [tilespmem:s15+$0x0 ss:$0x1], $0xffff;
	v1 =	vnsel vm1, $0x0, v0  }
0x2f: {  	v1 =	vmin.u32 v1, $0x30D3F;
	_ =	sdelay $0x1  }
0x30: {  	s16 =	sshll.u32 s12, $0x7;
	s18 =	simm.s32 $0x20  }
0x31: {  	s16 =	sand.u32 $0x80, s16;
	s17 =	sadd.s32 $0x10, s15;
	s15 =	sor.u32 $0x100, s14  }
0x32: {  	s14 =	sor.u32 $0x100, s16;
	s16 =	sadd.s32 $0x10, s15;
	v0 =	vld.msk [tilespmem:s17+$0x0 ss:$0x1], $0xffff;
	vm1 =	vgt.s32 v2, $0x0;
	(ifvalue) =	ssetifvalue $0x7FFFFFFF  }
.LBB2_3:
0x33: {  	[tilespmem:s15], [sflag:$0x1] =	stream.indirect_vreg.gather [hbm4b:s3+s10], $0x1, v1, vm0, $0x4038;
	[tilespmem:$0x200] =	vst v63  }
0x34: {  	s18 =	sadd.s32 $0x10, s18  }
0x35: {  	v2 =	vnsel vm1, $0x0, v2;
	p1 =	slt.u32 s18, $0x70  }
.Ltmp3:
0x36: {  	s15 =	smov.u32 s16;
	v1 =	vmin.u32 v2, $0x30D3F;
	(pc) =	sbr.rel @p1 .LBB2_3-.Ltmp3, $3  }
0x37: {  	_ =	sdelay $0x1  }
0x38: {  	s17 =	sadd.s32 $0x10, s17  }
0x39: {  	vm1 =	vgt.s32 v0, $0x0;
	s16 =	sadd.s32 $0x10, s16;
	v2 =	vmov v0;
	(ifvalue) =	ssetifvalue $0x7FFFFFFF;
	v0 =	vld.msk [tilespmem:s17+$0x0 ss:$0x1], $0xffff  }
.Ltmp4:
0x3a: {  	_ = 	snop;
	(pc) =	sbr.rel .LBB2_4-.Ltmp4, $1  }
0x3b: {  	_ =	sdelay $0x3  }
.LBB2_6:
0x3c: {  	_ =	sfence.sel $0x180000  }
0x3d: {  	s2 =	simm.s32 $0x2;
	[bflag:$0x0] =	sbarrier.arrive $0xFFFF  }
0x3e: {  	s30 =	simm.s32 $0x3;
	[sflag:s2] =	ssyncpa.u1 $0x1  }
0x3f: {  	s31 =	simm.s32 $0x1;
	[sflag:s30] =	ssyncpa.u1 $0x1  }
0x40: {  	[sflag:s31] =	ssyncpa.u1 $0x1  }
0x41: {  	p0 =	sne.s32 s1, $0x0;
	_ =	strace $0x9000006E  }
0x42: {  	s0 =	sadd.s32 @!p0 $0x100000, s0;
	[bflag:$0x2] =	sbarrier.arrive $0xFFFF  }
0x43: {  	[sflag:s0] =	ssyncadd.tile.s32 @!p0 $0x1;
	_ =	shalt  }
.Lfunc_end2:
_tile_overlayer_lowered:
.L_overlay_start_2:
0x44: {  	(tag) =	ssettag $0x2  }
0x45: {  	s0 =	rddreg [dreg:$0x0];
	s2 =	stileid.u32  }
0x46: {  	s1 =	rddreg [dreg:$0x1];
	p0 =	sne.s32 s2, $0x0  }
0x47: {  	s3 =	rddreg [dreg:$0x2];
	[bflag:$0x3] =	sbarrier.arrive $0xFFFF;
	s2 =	simm.s32 @!p0 $0x1C01  }
0x48: {  	[timem:s3], [sflag:s2] =	dma.local @!p0 [hbm:s0], s1  }
0x49: {  	s0 =	simm.s32 @!p0 $0x1  }
0x4a: {  	_ =	swait.ge @!p0 [sflag:s0], s1  }
0x4b: {  	s1 =	ssub.s32 @!p0 $0x0, s1;
	[sflag:s0] =	ssyncset.done @!p0 $0x0  }
0x4c: {  	[sflag:s0] =	ssyncadd.s32 @!p0 s1  }
0x4d: {  	[bflag:$0x3] =	sbarrier.arrive $0xFFFF  }
0x4e: {  	_ =	shalt  }

// kernel: gather_offload_async_start.1
scs
__scs_entry_jumppad:
0x0: {  	(pc) =	sbr.rel $0x88, $3  }
0x1: {  	(tag) =	ssettag $0x0;
	lr =	simm.s32 $0x1  }
0x2: {  	[smem:$0x3F7D] =	sst lr;
	_ =	strace $0xD0000000  }
0x3: {  	_ = 	snop  }
0x4: {  	_ = 	snop  }
0x5: {  	_ = 	snop  }
0x6: {  	_ = 	snop  }
0x7: {  	_ = 	snop  }
__scs_overlays_trampoline_lowered:
0x8: {  	[smem:$0x3F8C] =	sst s0  }
0x9: {  	[smem:$0x3F8D] =	sst s1  }
0xa: {  	[smem:$0x3F8E] =	sst s2  }
0xb: {  	[smem:$0x3F8F] =	sst s3  }
0xc: {  	[smem:$0x3F90] =	sst s4  }
0xd: {  	[smem:$0x3F91] =	sst s5  }
0xe: {  	[smem:$0x3F92] =	sst s6  }
0xf: {  	[smem:$0x3F93] =	sst s7  }
0x10: {  	[smem:$0x3F94] =	sst s8  }
0x11: {  	[smem:$0x3F95] =	sst s9;
	s0 =	simm.s32 @!p0 $0x0  }
0x12: {  	s1 =	sld [smem:$0x3F7B];
	s0 =	simm.s32 @p0 $0x1  }
0x13: {  	[smem:$0x3F96] =	sst s0;
	s0 =	simm.s32 @!p1 $0x0  }
0x14: {  	s2 =	sld [smem:$0x3F7A];
	s0 =	simm.s32 @p1 $0x1  }
0x15: {  	[smem:$0x3F97] =	sst s0;
	s0 =	simm.s32 @!p2 $0x0  }
0x16: {  	s3 =	sld [smem:$0x3FDB];
	s0 =	simm.s32 @p2 $0x1  }
0x17: {  	s4 =	simm.s32 $0x1BF5;
	[smem:$0x3F99] =	sst s0  }
0x18: {  	s0 =	sld [smem:$0x3F7C];
	_ =	swait.ge [sflag:s4], $0x0  }
0x19: {  	s7 =	sld [smem:$0x3F7D]  }
0x1a: {  	s8 =	sadd.s32 $0xFFFFE003, lr  }
0x1b: {  	s9 =	sadd.s32 $0xFFFFFEF7, lr;
	s5 =	simm.s32 $0xFFFFFFFF;
	p2 =	slt.u32 s8, $0xFFFFF086  }
0x1c: {  	p1 =	slt.u32 s9, $0xF7A;
	s5 =	simm.s32 @!p2 $0x0  }
0x1d: {  	s5 =	simm.s32 @p1 $0x1;
	p0 =	seq.s32 s7, s2  }
0x1e: {  	s7 =	smul.u32 @!p0 $0xF7A, s2;
	p2 =	seq.s32 @!p0 s5, $0x0  }
0x1f: {  	s9 =	smul.u32 $0xF7A, s1;
	s8 =	simm.s32 @!p0 $0x1BF5;
	p2 =	por !p2, p0  }
0x20: {  	[sflag:s8] =	ssyncset.s32 @!p0 $0xFFFFF086;
	s6 =	sadd.s32 @!p0 s3, s7;
	s7 =	simm.s32 @!p0 $0x108  }
0x21: {  	s3 =	sadd.s32 s3, s9;
	s6 =	sadd.s32 @!p0 $0x88, s6;
	s7 =	simm.s32 @p2 $0x1082  }
0x22: {  	[simem:s7], [sflag:s8] =	dma.local @!p0 [hbm:s6], $0xF7A  }
0x23: {  	s9 =	sor.u32 $0xD0000000, s2;
	s6 =	simm.s32 $0x108;
	_ =	swait.ge @!p0 [sflag:s8], $0x0  }
0x24: {  	s3 =	sadd.s32 $0x88, s3;
	s6 =	simm.s32 @!p1 $0x1082;
	[sflag:s4] =	ssyncset.s32 $0xFFFFF086  }
0x25: {  	[simem:s6], [sflag:s4] =	dma.local [hbm:s3], $0xF7A  }
0x26: {  	[smem:$0x3F7D] =	sst s1;
	(tag) =	ssettag s2;
	_ =	strace s9  }
0x27: {  	s1 =	sld [smem:$0x3F8D]  }
0x28: {  	s2 =	sld [smem:$0x3F8E]  }
0x29: {  	s4 =	sld [smem:$0x3F90]  }
0x2a: {  	p0 =	seq.s32 s5, $0x0;
	s5 =	sld [smem:$0x3F91]  }
0x2b: {  	s6 =	sld [smem:$0x3F92]  }
0x2c: {  	s7 =	sld [smem:$0x3F93]  }
0x2d: {  	s3 =	simm.s32 $0x108;
	s8 =	sld [smem:$0x3F94]  }
0x2e: {  	s3 =	simm.s32 @!p0 $0x1082;
	s9 =	sld [smem:$0x3F95]  }
0x2f: {  	lr =	sadd.s32 s0, s3;
	s0 =	sld [smem:$0x3F8C]  }
0x30: {  	s3 =	sld [smem:$0x3F8F]  }
0x31: {  	[smem:$0x3F98] =	sst s10  }
0x32: {  	s10 =	sld [smem:$0x3F96];
	_ =	sdelay $0x3  }
0x33: {  	p0 =	seq.s32 s10, $0x1;
	s10 =	sld [smem:$0x3F98];
	_ =	sdelay $0x3  }
0x34: {  	[smem:$0x3F98] =	sst s10  }
0x35: {  	s10 =	sld [smem:$0x3F97];
	_ =	sdelay $0x3  }
0x36: {  	p1 =	seq.s32 s10, $0x1;
	s10 =	sld [smem:$0x3F98];
	_ =	sdelay $0x3  }
0x37: {  	[smem:$0x3F98] =	sst s10  }
0x38: {  	s10 =	sld [smem:$0x3F99]  }
0x39: {  	_ = 	snop;
	(pc) =	sbr.ind lr, $3  }
0x3a: {  	_ = 	snop  }
0x3b: {  	_ = 	snop  }
0x3c: {  	p2 =	seq.s32 s10, $0x1;
	s10 =	sld [smem:$0x3F98]  }
0x3d: {  	_ =	shalt  }
0x3e: {  	_ =	shalt  }
0x3f: {  	_ =	shalt  }
0x40: {  	_ =	shalt  }
0x41: {  	_ =	shalt  }
0x42: {  	_ =	shalt  }
0x43: {  	_ =	shalt  }
0x44: {  	_ =	shalt  }
0x45: {  	_ =	shalt  }
0x46: {  	_ =	shalt  }
0x47: {  	_ =	shalt  }
0x48: {  	_ =	shalt  }
0x49: {  	_ =	shalt  }
0x4a: {  	_ =	shalt  }
0x4b: {  	_ =	shalt  }
0x4c: {  	_ =	shalt  }
0x4d: {  	_ =	shalt  }
0x4e: {  	_ =	shalt  }
0x4f: {  	_ =	shalt  }
0x50: {  	_ =	shalt  }
0x51: {  	_ =	shalt  }
0x52: {  	_ =	shalt  }
0x53: {  	_ =	shalt  }
0x54: {  	_ =	shalt  }
0x55: {  	_ =	shalt  }
0x56: {  	_ =	shalt  }
0x57: {  	_ =	shalt  }
0x58: {  	_ =	shalt  }
0x59: {  	_ =	shalt  }
0x5a: {  	_ =	shalt  }
0x5b: {  	_ =	shalt  }
0x5c: {  	_ =	shalt  }
0x5d: {  	_ =	shalt  }
0x5e: {  	_ =	shalt  }
0x5f: {  	_ =	shalt  }
0x60: {  	_ =	shalt  }
0x61: {  	_ =	shalt  }
0x62: {  	_ =	shalt  }
0x63: {  	_ =	shalt  }
0x64: {  	_ =	shalt  }
0x65: {  	_ =	shalt  }
0x66: {  	_ =	shalt  }
0x67: {  	_ =	shalt  }
0x68: {  	_ =	shalt  }
0x69: {  	_ =	shalt  }
0x6a: {  	_ =	shalt  }
0x6b: {  	_ =	shalt  }
0x6c: {  	_ =	shalt  }
0x6d: {  	_ =	shalt  }
0x6e: {  	_ =	shalt  }
0x6f: {  	_ =	shalt  }
0x70: {  	_ =	shalt  }
0x71: {  	_ =	shalt  }
0x72: {  	_ =	shalt  }
0x73: {  	_ =	shalt  }
0x74: {  	_ =	shalt  }
0x75: {  	_ =	shalt  }
0x76: {  	_ =	shalt  }
0x77: {  	_ =	shalt  }
0x78: {  	_ =	shalt  }
0x79: {  	_ =	shalt  }
0x7a: {  	_ =	shalt  }
0x7b: {  	_ =	shalt  }
0x7c: {  	_ =	shalt  }
0x7d: {  	_ =	shalt  }
0x7e: {  	_ =	shalt  }
0x7f: {  	_ =	shalt  }
0x80: {  	_ =	shalt  }
0x81: {  	_ =	shalt  }
0x82: {  	_ =	shalt  }
0x83: {  	_ =	shalt  }
0x84: {  	_ =	shalt  }
0x85: {  	_ =	shalt  }
0x86: {  	_ =	shalt  }
0x87: {  	_ =	shalt  }
.Lfunc_end0:
.L_simem_size_0:
called_computation.1_lowered:
.L_overlay_start_0:
0x88: {  	s2 =	sld [smem:$0x3FD9]  }
0x89: {  	s3 =	sld [smem:$0x3FFE];
	_ =	sdelay $0x1  }
0x8a: {  	s1 =	srdreg.scid  }
0x8b: {  	s0 =	sand.u32 $0x1, s1  }
0x8c: {  	s16 =	sshll.u32 s0, $0xA;
	s2 =	sadd.s32 s3, s2  }
0x8d: {  	s2 =	sadd.s32 s2, s16  }
0x8e: {  	[smem:$0x3FA4] =	sst s2  }
0x8f: {  	_ = 	snop  }
0x90: {  	(tm) =	ssettm $0x1  }
0x91: {  	s17 =	sld [smem:$0x3FFB];
	_ =	sdelay $0x3  }
0x92: {  	_ =	strace s17  }
0x93: {  	s2 =	sld [smem:$0x3FFC];
	_ =	sdelay $0x3  }
0x94: {  	_ =	strace s2  }
0x95: {  	s2 =	sld [smem:$0x3FFD];
	_ =	sdelay $0x3  }
0x96: {  	_ =	strace s2  }
0x97: {  	_ =	strace $0x8FFFFFFF  }
0x98: {  	s18 =	sld [smem:$0x3FDB];
	_ =	sdelay $0x1  }
0x99: {  	s19 =	simm.s32 $_scs_section_size  }
0x9a: {  	s4 =	simm.s32 $_size__tile_overlayer_lowered;
	s5 =	simm.s32 $_tile_overlayer_lowered  }
0x9b: {  	s22 =	simm.s32 $0x1BFF;
	s21 =	sshll.u32 s5, $0x1;
	s2 =	sadd.s32 s19, s18  }
0x9c: {  	s6 =	simm.s32 $0x0;
	s20 =	sshll.u32 s4, $0x1;
	s4 =	sadd.s32 s21, s2  }
0x9d: {  	[timem:s6], [sflag:s22] =	dma.local [hbm:s4], s20  }
0x9e: {  	_ =	swait.ge [sflag:s22], s20  }
0x9f: {  	s3 =	ssub.s32 $0x0, s20;
	[sflag:s22] =	ssyncset.done $0x0  }
0xa0: {  	[sflag:s22] =	ssyncadd.s32 s3;
	_ =	sdelay $0x1  }
0xa1: {  	s23 =	simm.s32 $0x1B8B  }
0xa2: {  	_ =	swait.ge [sflag:s23], $0x1  }
0xa3: {  	[sflag:s23] =	ssyncset.done $0x0  }
0xa4: {  	s25 =	simm.s32 $0x1B8E;
	s24 =	sld [smem:$0x3FFE];
	[sflag:s23] =	ssyncadd.s32 $0xFFFFFFFF  }
0xa5: {  	s26 =	simm.s32 $execute0_lowered;
	[smem:$0x3FD2] =	sst s25  }
0xa6: {  	s4 =	sshll.u32 s26, $0x1;
	_ =	strace $0x80000046;
	[dreg:$0x1] =	wrdreg $0xFFFFFFFF  }
0xa7: {  	s28 =	simm.s32 $_size_execute0_lowered;
	s2 =	sadd.s32 s2, s4;
	[dreg:$0x0] =	wrdreg $0x0  }
0xa8: {  	s4 =	sshll.u32 s28, $0x1;
	[dreg:$0x2] =	wrdreg s2  }
0xa9: {  	[dreg:$0x3] =	wrdreg s4  }
0xaa: {  	[dreg:$0x4] =	wrdreg $0xC0  }
0xab: {  	_ =	task [dreg:s6], $0x5FFFF  }
0xac: {  	[dreg:$0x1] =	wrdreg $0xFFFFFFFF  }
0xad: {  	[dreg:$0x0] =	wrdreg $0x60  }
0xae: {  	[dreg:$0x2] =	wrdreg s24  }
0xaf: {  	[dreg:$0x3] =	wrdreg $0x9  }
0xb0: {  	_ =	task.clear_ibuf [dreg:s6], $0x4FFFF;
	_ =	strace $0x90000046  }
0xb1: {  	s29 =	simm.s32 $0x9;
	_ =	strace $0x80000048  }
0xb2: {  	_ =	swait.ge [sflag:s29], $0x1  }
0xb3: {  	[sflag:s29] =	ssyncadd.s32 $0xFFFFFFFF  }
0xb4: {  	_ =	strace $0x90000048  }
0xb5: {  	_ =	sfence  }
0xb6: {  	s30 =	sld [smem:$0x0];
	_ =	sdelay $0x2  }
0xb7: {  	s31 =	sshll.u32 s1, $0xD;
	s1 =	sshrl.u32 s1, $0x2  }
0xb8: {  	s3 =	sand.u32 $0x4000, s31;
	s1 =	sadd.s32 s1, s30  }
0xb9: {  	s0 =	sor.u32 s3, s0;
	s1 =	sshll.u32 s1, $0x11  }
0xba: {  	s0 =	sor.u32 s1, s0  }
0xbb: {  	s0 =	sadd.s32 $0x8F2B, s0  }
0xbc: {  	[sflag:s0] =	ssyncadd.remote.s32 $0x1  }
0xbd: {  	_ =	sfence.sel $0xFFFF  }
0xbe: {  	[dreg:$0x0] =	wrdreg $0xFFFFFFFF;
	(pc) =	sbr.abs _section_cstart, $3  }
0xbf: {  	[dreg:$0x1] =	wrdreg $0xFFFFFFFF  }
0xc0: {  	_ =	task.clear_ibuf [dreg:s6], $0x2FFFF;
	_ =	strace $0x9FFFFFFF  }
0xc1: {  	(tm) =	ssettm $0x7FFFFFFF  }
tec
execute0_lowered:
.L_overlay_start_1:
0x0: {  	(tag) =	ssettag $0x1  }
0x1: {  	s8 =	rddreg [dreg:$0x0]  }
0x2: {  	s0 =	rddreg [dreg:$0x1];
	_ =	strace $0x80000047;
	s1 =	stileid.u32  }
0x3: {  	s3 =	srdreg.scid;
	s4 =	simm.s32 $0x1;
	s7 =	simm.s32 $0x1  }
0x4: {  	s9 =	simm.s32 $0x1;
	s10 =	simm.s32 $0x3;
	s13 =	simm.s32 $0x0  }
0x5: {  	s12 =	simm.s32 $0x0;
	s5 =	sand.u32 $0x1, s3;
	s6 =	sshll.u32 s1, $0x1  }
0x6: {  	s2 =	sadd.s32 $0x23A00, s8;
	s3 =	sadd.s32 $0x29C00, s8;
	s5 =	sor.u32 s6, s5  }
.Ltmp0:
0x7: {  	[sflag:s4] =	ssyncpa.u1 $0x0;
	p0 =	slt.u32 s5, $0x13;
	(pc) =	sbr.rel .LBB2_1-.Ltmp0, $4  }
0x8: {  	s6 =	simm.s32 $0x2;
	s7 =	simm.s32 @!p0 $0x0;
	p0 =	sne.s32 s5, $0x12  }
0x9: {  	[sflag:s6] =	ssyncpa.u1 $0x0;
	s5 =	smul.u32 $0xFA0, s5;
	s9 =	simm.s32 @!p0 $0x0  }
0xa: {  	s8 =	sadd.s32 $0x125A00, s8;
	[sflag:s10] =	ssyncpa.u1 $0x0;
	s7 =	sadd.s32 s9, s7  }
0xb: {  	vm0 =	vmmov $0xffff;
	s10 =	simm.s32 $0x0;
	s11 =	smov.u32 s5;
	s9 =	sadd.s32 $0x1, s7  }
.LBB2_4:
0xc: {  	v2 =	vnsel vm1, $0x0, v2  }
0xd: {  	vm1 =	vgt.s32 v0, $0x0;
	v2 =	vmin.u32 v2, $0x30D3F  }
0xe: {  	v0 =	vnsel vm1, $0x0, v0  }
0xf: {  	v0 =	vmin.u32 v0, $0x30D3F  }
0x10: {  	[tilespmem:s18], [sflag:$0x1] =	stream.indirect_vreg.gather [hbm4b:s2+s10], $0x1, v1, vm0, $0x4038;
	[tilespmem:$0x3E80] =	vst v63  }
0x11: {  	(ifvalue) =	ssetifvalue $0x7FFFFFFF  }
0x12: {  	[tilespmem:s15], [sflag:$0x1] =	stream.indirect_vreg.gather [hbm4b:s2+s10], $0x1, v2, vm0, $0x4038;
	[tilespmem:$0x3E80] =	vst v63  }
0x13: {  	s29 =	sadd.s32 $0x10, s15;
	(ifvalue) =	ssetifvalue $0x7FFFFFFF  }
0x14: {  	[tilespmem:s29], [sflag:$0x1] =	stream.indirect_vreg.gather [hbm4b:s2+s10], $0x1, v0, vm0, $0x4038;
	[tilespmem:$0x3E80] =	vst v63  }
0x15: {  	_ =	swait.ge [sflag:s4], $0xFA0  }
0x16: {  	s30 =	sshrl.u32 s13, $0x3;
	[sflag:s4] =	ssyncset.done $0x0  }
0x17: {  	s31 =	sand.u32 $0x7, s13;
	s15 =	sadd.s32 s8, s30;
	[sflag:s4] =	ssyncadd.s32 $0xFFFFF060  }
0x18: {  	[hbm4b:s15+s31] =	stream.linear.scatter [tilespmem:s14], [sflag:$0x3], $0xFA0, $0x38;
	[tilespmem:$0x3E80] =	vst v63  }
.LBB2_5:
0x19: {  	s15 =	sadd.s32 $0x1F400, s11  }
0x1a: {  	p1 =	sgt.s32 s15, $0x30D3F  }
0x1b: {  	s15 =	smov.u32 @p1 s5;
	p1 =	sne.s32 s12, s9  }
.Ltmp1:
0x1c: {  	p0 =	slt.u32 s12, $0x2;
	(pc) =	sbr.rel @!p1 .LBB2_6-.Ltmp1, $4  }
0x1d: {  	s14 =	simm.s32 @!p0 $0x3  }
0x1e: {  	_ =	swait.ge @!p0 [sflag:s14], $0xFA0  }
0x1f: {  	s16 =	sadd.s32 $0x1, s12;
	s13 =	smov.u32 s11;
	[sflag:s14] =	ssyncset.done @!p0 $0x0  }
0x20: {  	s12 =	smov.u32 s16;
	s11 =	smov.u32 s15;
	[sflag:s14] =	ssyncadd.s32 @!p0 $0xFFFFF060  }
.LBB2_1:
0x21: {  	p0 =	sge.u32 s12, s7  }
0x22: {  	s14 =	sxor.u32 @!p0 $0x1, s12  }
0x23: {  	s14 =	smul.u32 @!p0 $0x3E80, s14  }
0x24: {  	s31 =	sadd.s32 $0xFFFFFFFF, s12;
	s15 =	sshrl.u32 @!p0 s11, $0x3  }
0x25: {  	s16 =	sand.u32 @!p0 $0x7, s11;
	s15 =	sadd.s32 @!p0 s3, s15;
	s14 =	sshra.s32 @!p0 s14, $0x2  }
0x26: {  	[tilespmem:s14], [sflag:$0x2] =	stream.linear.gather @!p0 [hbm4b:s15+s16], $0xFA0, $0x38;
	[tilespmem:$0x3E80] =	vst v63  }
0x27: {  	p0 =	sge.u32 s31, s7  }
.Ltmp2:
0x28: {  	_ = 	snop;
	(pc) =	sbr.rel @p0 .LBB2_5-.Ltmp2, $1  }
0x29: {  	_ =	sdelay $0x3  }
0x2a: {  	s14 =	sand.u32 $0x1, s12  }
0x2b: {  	_ =	swait.ge [sflag:s6], $0xFA0;
	p0 =	seq.s32 s14, $0x1;
	s14 =	simm.s32 $0xFA0  }
0x2c: {  	[sflag:s6] =	ssyncset.done $0x0;
	s14 =	simm.s32 @!p0 $0x0  }
0x2d: {  	[sflag:s6] =	ssyncadd.s32 $0xFFFFF060;
	(ifvalue) =	ssetifvalue $0x7FFFFFFF;
	v0 =	vld.msk [tilespmem:s14+$0x0 ss:$0x1], $0xffff;
	_ =	sdelay $0x4  }
0x2e: {  	s15 =	sadd.s32 $0x10, s14;
	vm1 =	vgt.s32 v0, $0x0  }
0x2f: {  	v2 =	vld.msk [tilespmem:s15+$0x0 ss:$0x1], $0xffff;
	v1 =	vnsel vm1, $0x0, v0  }
0x30: {  	v1 =	vmin.u32 v1, $0x30D3F;
	_ =	sdelay $0x2  }
0x31: {  	s17 =	simm.s32 $0x20;
	s14 =	sadd.s32 $0x1F40, s14;
	s16 =	sadd.s32 $0x10, s15  }
0x32: {  	s15 =	sadd.s32 $0x10, s14;
	s18 =	smov.u32 s14;
	v0 =	vld.msk [tilespmem:s16+$0x0 ss:$0x1], $0xffff;
	vm1 =	vgt.s32 v2, $0x0;
	(ifvalue) =	ssetifvalue $0x7FFFFFFF  }
.LBB2_3:
0x33: {  	[tilespmem:s18], [sflag:$0x1] =	stream.indirect_vreg.gather [hbm4b:s2+s10], $0x1, v1, vm0, $0x4038;
	[tilespmem:$0x3E80] =	vst v63  }
0x34: {  	s17 =	sadd.s32 $0x10, s17  }
0x35: {  	v2 =	vnsel vm1, $0x0, v2;
	p0 =	slt.u32 s17, $0xF90  }
.Ltmp3:
0x36: {  	s18 =	smov.u32 s15;
	v1 =	vmin.u32 v2, $0x30D3F;
	(pc) =	sbr.rel @p0 .LBB2_3-.Ltmp3, $3  }
0x37: {  	_ =	sdelay $0x1  }
0x38: {  	s16 =	sadd.s32 $0x10, s16  }
0x39: {  	vm1 =	vgt.s32 v0, $0x0;
	s15 =	sadd.s32 $0x10, s15;
	v2 =	vmov v0;
	(ifvalue) =	ssetifvalue $0x7FFFFFFF;
	v0 =	vld.msk [tilespmem:s16+$0x0 ss:$0x1], $0xffff  }
.Ltmp4:
0x3a: {  	_ = 	snop;
	(pc) =	sbr.rel .LBB2_4-.Ltmp4, $1  }
0x3b: {  	_ =	sdelay $0x3  }
.LBB2_6:
0x3c: {  	_ =	sfence.sel $0x180000  }
0x3d: {  	s2 =	simm.s32 $0x2;
	[bflag:$0x0] =	sbarrier.arrive $0xFFFF  }
0x3e: {  	s30 =	simm.s32 $0x3;
	[sflag:s2] =	ssyncpa.u1 $0x1  }
0x3f: {  	s31 =	simm.s32 $0x1;
	[sflag:s30] =	ssyncpa.u1 $0x1  }
0x40: {  	[sflag:s31] =	ssyncpa.u1 $0x1  }
0x41: {  	p0 =	sne.s32 s1, $0x0;
	_ =	strace $0x90000047  }
0x42: {  	s0 =	sadd.s32 @!p0 $0x100000, s0;
	[bflag:$0x2] =	sbarrier.arrive $0xFFFF  }
0x43: {  	[sflag:s0] =	ssyncadd.tile.s32 @!p0 $0x1;
	_ =	shalt  }
.Lfunc_end2:
_tile_overlayer_lowered:
.L_overlay_start_2:
0x44: {  	(tag) =	ssettag $0x2  }
0x45: {  	s0 =	rddreg [dreg:$0x0];
	s2 =	stileid.u32  }
0x46: {  	s1 =	rddreg [dreg:$0x1];
	p0 =	sne.s32 s2, $0x0  }
0x47: {  	s3 =	rddreg [dreg:$0x2];
	[bflag:$0x3] =	sbarrier.arrive $0xFFFF;
	s2 =	simm.s32 @!p0 $0x1C01  }
0x48: {  	[timem:s3], [sflag:s2] =	dma.local @!p0 [hbm:s0], s1  }
0x49: {  	s0 =	simm.s32 @!p0 $0x1  }
0x4a: {  	_ =	swait.ge @!p0 [sflag:s0], s1  }
0x4b: {  	s1 =	ssub.s32 @!p0 $0x0, s1;
	[sflag:s0] =	ssyncset.done @!p0 $0x0  }
0x4c: {  	[sflag:s0] =	ssyncadd.s32 @!p0 s1  }
0x4d: {  	[bflag:$0x3] =	sbarrier.arrive $0xFFFF  }
0x4e: {  	_ =	shalt  }

// kernel: gather_offload_async_start.2
scs
__scs_entry_jumppad:
0x0: {  	(pc) =	sbr.rel $0x88, $3  }
0x1: {  	(tag) =	ssettag $0x0;
	lr =	simm.s32 $0x1  }
0x2: {  	[smem:$0x3F7D] =	sst lr;
	_ =	strace $0xD0000000  }
0x3: {  	_ = 	snop  }
0x4: {  	_ = 	snop  }
0x5: {  	_ = 	snop  }
0x6: {  	_ = 	snop  }
0x7: {  	_ = 	snop  }
__scs_overlays_trampoline_lowered:
0x8: {  	[smem:$0x3F8C] =	sst s0  }
0x9: {  	[smem:$0x3F8D] =	sst s1  }
0xa: {  	[smem:$0x3F8E] =	sst s2  }
0xb: {  	[smem:$0x3F8F] =	sst s3  }
0xc: {  	[smem:$0x3F90] =	sst s4  }
0xd: {  	[smem:$0x3F91] =	sst s5  }
0xe: {  	[smem:$0x3F92] =	sst s6  }
0xf: {  	[smem:$0x3F93] =	sst s7  }
0x10: {  	[smem:$0x3F94] =	sst s8  }
0x11: {  	[smem:$0x3F95] =	sst s9;
	s0 =	simm.s32 @!p0 $0x0  }
0x12: {  	s1 =	sld [smem:$0x3F7B];
	s0 =	simm.s32 @p0 $0x1  }
0x13: {  	[smem:$0x3F96] =	sst s0;
	s0 =	simm.s32 @!p1 $0x0  }
0x14: {  	s2 =	sld [smem:$0x3F7A];
	s0 =	simm.s32 @p1 $0x1  }
0x15: {  	[smem:$0x3F97] =	sst s0;
	s0 =	simm.s32 @!p2 $0x0  }
0x16: {  	s3 =	sld [smem:$0x3FDB];
	s0 =	simm.s32 @p2 $0x1  }
0x17: {  	s4 =	simm.s32 $0x1BF5;
	[smem:$0x3F99] =	sst s0  }
0x18: {  	s0 =	sld [smem:$0x3F7C];
	_ =	swait.ge [sflag:s4], $0x0  }
0x19: {  	s7 =	sld [smem:$0x3F7D]  }
0x1a: {  	s8 =	sadd.s32 $0xFFFFE003, lr  }
0x1b: {  	s9 =	sadd.s32 $0xFFFFFEF7, lr;
	s5 =	simm.s32 $0xFFFFFFFF;
	p2 =	slt.u32 s8, $0xFFFFF086  }
0x1c: {  	p1 =	slt.u32 s9, $0xF7A;
	s5 =	simm.s32 @!p2 $0x0  }
0x1d: {  	s5 =	simm.s32 @p1 $0x1;
	p0 =	seq.s32 s7, s2  }
0x1e: {  	s7 =	smul.u32 @!p0 $0xF7A, s2;
	p2 =	seq.s32 @!p0 s5, $0x0  }
0x1f: {  	s9 =	smul.u32 $0xF7A, s1;
	s8 =	simm.s32 @!p0 $0x1BF5;
	p2 =	por !p2, p0  }
0x20: {  	[sflag:s8] =	ssyncset.s32 @!p0 $0xFFFFF086;
	s6 =	sadd.s32 @!p0 s3, s7;
	s7 =	simm.s32 @!p0 $0x108  }
0x21: {  	s3 =	sadd.s32 s3, s9;
	s6 =	sadd.s32 @!p0 $0x88, s6;
	s7 =	simm.s32 @p2 $0x1082  }
0x22: {  	[simem:s7], [sflag:s8] =	dma.local @!p0 [hbm:s6], $0xF7A  }
0x23: {  	s9 =	sor.u32 $0xD0000000, s2;
	s6 =	simm.s32 $0x108;
	_ =	swait.ge @!p0 [sflag:s8], $0x0  }
0x24: {  	s3 =	sadd.s32 $0x88, s3;
	s6 =	simm.s32 @!p1 $0x1082;
	[sflag:s4] =	ssyncset.s32 $0xFFFFF086  }
0x25: {  	[simem:s6], [sflag:s4] =	dma.local [hbm:s3], $0xF7A  }
0x26: {  	[smem:$0x3F7D] =	sst s1;
	(tag) =	ssettag s2;
	_ =	strace s9  }
0x27: {  	s1 =	sld [smem:$0x3F8D]  }
0x28: {  	s2 =	sld [smem:$0x3F8E]  }
0x29: {  	s4 =	sld [smem:$0x3F90]  }
0x2a: {  	p0 =	seq.s32 s5, $0x0;
	s5 =	sld [smem:$0x3F91]  }
0x2b: {  	s6 =	sld [smem:$0x3F92]  }
0x2c: {  	s7 =	sld [smem:$0x3F93]  }
0x2d: {  	s3 =	simm.s32 $0x108;
	s8 =	sld [smem:$0x3F94]  }
0x2e: {  	s3 =	simm.s32 @!p0 $0x1082;
	s9 =	sld [smem:$0x3F95]  }
0x2f: {  	lr =	sadd.s32 s0, s3;
	s0 =	sld [smem:$0x3F8C]  }
0x30: {  	s3 =	sld [smem:$0x3F8F]  }
0x31: {  	[smem:$0x3F98] =	sst s10  }
0x32: {  	s10 =	sld [smem:$0x3F96];
	_ =	sdelay $0x3  }
0x33: {  	p0 =	seq.s32 s10, $0x1;
	s10 =	sld [smem:$0x3F98];
	_ =	sdelay $0x3  }
0x34: {  	[smem:$0x3F98] =	sst s10  }
0x35: {  	s10 =	sld [smem:$0x3F97];
	_ =	sdelay $0x3  }
0x36: {  	p1 =	seq.s32 s10, $0x1;
	s10 =	sld [smem:$0x3F98];
	_ =	sdelay $0x3  }
0x37: {  	[smem:$0x3F98] =	sst s10  }
0x38: {  	s10 =	sld [smem:$0x3F99]  }
0x39: {  	_ = 	snop;
	(pc) =	sbr.ind lr, $3  }
0x3a: {  	_ = 	snop  }
0x3b: {  	_ = 	snop  }
0x3c: {  	p2 =	seq.s32 s10, $0x1;
	s10 =	sld [smem:$0x3F98]  }
0x3d: {  	_ =	shalt  }
0x3e: {  	_ =	shalt  }
0x3f: {  	_ =	shalt  }
0x40: {  	_ =	shalt  }
0x41: {  	_ =	shalt  }
0x42: {  	_ =	shalt  }
0x43: {  	_ =	shalt  }
0x44: {  	_ =	shalt  }
0x45: {  	_ =	shalt  }
0x46: {  	_ =	shalt  }
0x47: {  	_ =	shalt  }
0x48: {  	_ =	shalt  }
0x49: {  	_ =	shalt  }
0x4a: {  	_ =	shalt  }
0x4b: {  	_ =	shalt  }
0x4c: {  	_ =	shalt  }
0x4d: {  	_ =	shalt  }
0x4e: {  	_ =	shalt  }
0x4f: {  	_ =	shalt  }
0x50: {  	_ =	shalt  }
0x51: {  	_ =	shalt  }
0x52: {  	_ =	shalt  }
0x53: {  	_ =	shalt  }
0x54: {  	_ =	shalt  }
0x55: {  	_ =	shalt  }
0x56: {  	_ =	shalt  }
0x57: {  	_ =	shalt  }
0x58: {  	_ =	shalt  }
0x59: {  	_ =	shalt  }
0x5a: {  	_ =	shalt  }
0x5b: {  	_ =	shalt  }
0x5c: {  	_ =	shalt  }
0x5d: {  	_ =	shalt  }
0x5e: {  	_ =	shalt  }
0x5f: {  	_ =	shalt  }
0x60: {  	_ =	shalt  }
0x61: {  	_ =	shalt  }
0x62: {  	_ =	shalt  }
0x63: {  	_ =	shalt  }
0x64: {  	_ =	shalt  }
0x65: {  	_ =	shalt  }
0x66: {  	_ =	shalt  }
0x67: {  	_ =	shalt  }
0x68: {  	_ =	shalt  }
0x69: {  	_ =	shalt  }
0x6a: {  	_ =	shalt  }
0x6b: {  	_ =	shalt  }
0x6c: {  	_ =	shalt  }
0x6d: {  	_ =	shalt  }
0x6e: {  	_ =	shalt  }
0x6f: {  	_ =	shalt  }
0x70: {  	_ =	shalt  }
0x71: {  	_ =	shalt  }
0x72: {  	_ =	shalt  }
0x73: {  	_ =	shalt  }
0x74: {  	_ =	shalt  }
0x75: {  	_ =	shalt  }
0x76: {  	_ =	shalt  }
0x77: {  	_ =	shalt  }
0x78: {  	_ =	shalt  }
0x79: {  	_ =	shalt  }
0x7a: {  	_ =	shalt  }
0x7b: {  	_ =	shalt  }
0x7c: {  	_ =	shalt  }
0x7d: {  	_ =	shalt  }
0x7e: {  	_ =	shalt  }
0x7f: {  	_ =	shalt  }
0x80: {  	_ =	shalt  }
0x81: {  	_ =	shalt  }
0x82: {  	_ =	shalt  }
0x83: {  	_ =	shalt  }
0x84: {  	_ =	shalt  }
0x85: {  	_ =	shalt  }
0x86: {  	_ =	shalt  }
0x87: {  	_ =	shalt  }
.Lfunc_end0:
.L_simem_size_0:
called_computation.2_lowered:
.L_overlay_start_0:
0x88: {  	s2 =	sld [smem:$0x3FD9]  }
0x89: {  	s3 =	sld [smem:$0x3FFE];
	_ =	sdelay $0x1  }
0x8a: {  	s1 =	srdreg.scid  }
0x8b: {  	s0 =	sand.u32 $0x1, s1  }
0x8c: {  	s16 =	sshll.u32 s0, $0xA;
	s2 =	sadd.s32 s3, s2  }
0x8d: {  	s2 =	sadd.s32 s2, s16  }
0x8e: {  	[smem:$0x3FA4] =	sst s2  }
0x8f: {  	_ = 	snop  }
0x90: {  	(tm) =	ssettm $0x1  }
0x91: {  	s17 =	sld [smem:$0x3FFB];
	_ =	sdelay $0x3  }
0x92: {  	_ =	strace s17  }
0x93: {  	s2 =	sld [smem:$0x3FFC];
	_ =	sdelay $0x3  }
0x94: {  	_ =	strace s2  }
0x95: {  	s2 =	sld [smem:$0x3FFD];
	_ =	sdelay $0x3  }
0x96: {  	_ =	strace s2  }
0x97: {  	_ =	strace $0x8FFFFFFF  }
0x98: {  	s18 =	sld [smem:$0x3FDB];
	_ =	sdelay $0x1  }
0x99: {  	s19 =	simm.s32 $_scs_section_size  }
0x9a: {  	s4 =	simm.s32 $_size__tile_overlayer_lowered;
	s5 =	simm.s32 $_tile_overlayer_lowered  }
0x9b: {  	s22 =	simm.s32 $0x1BFF;
	s21 =	sshll.u32 s5, $0x1;
	s2 =	sadd.s32 s19, s18  }
0x9c: {  	s6 =	simm.s32 $0x0;
	s20 =	sshll.u32 s4, $0x1;
	s4 =	sadd.s32 s21, s2  }
0x9d: {  	[timem:s6], [sflag:s22] =	dma.local [hbm:s4], s20  }
0x9e: {  	_ =	swait.ge [sflag:s22], s20  }
0x9f: {  	s3 =	ssub.s32 $0x0, s20;
	[sflag:s22] =	ssyncset.done $0x0  }
0xa0: {  	[sflag:s22] =	ssyncadd.s32 s3;
	_ =	sdelay $0x1  }
0xa1: {  	s23 =	simm.s32 $0x1B8B  }
0xa2: {  	_ =	swait.ge [sflag:s23], $0x1  }
0xa3: {  	[sflag:s23] =	ssyncset.done $0x0  }
0xa4: {  	s25 =	simm.s32 $0x1B8E;
	s24 =	sld [smem:$0x3FFE];
	[sflag:s23] =	ssyncadd.s32 $0xFFFFFFFF  }
0xa5: {  	s26 =	simm.s32 $execute0_lowered;
	[smem:$0x3FD2] =	sst s25  }
0xa6: {  	s4 =	sshll.u32 s26, $0x1;
	_ =	strace $0x80000058;
	[dreg:$0x1] =	wrdreg $0xFFFFFFFF  }
0xa7: {  	s28 =	simm.s32 $_size_execute0_lowered;
	s2 =	sadd.s32 s2, s4;
	[dreg:$0x0] =	wrdreg $0x0  }
0xa8: {  	s4 =	sshll.u32 s28, $0x1;
	[dreg:$0x2] =	wrdreg s2  }
0xa9: {  	[dreg:$0x3] =	wrdreg s4  }
0xaa: {  	[dreg:$0x4] =	wrdreg $0xC0  }
0xab: {  	_ =	task [dreg:s6], $0x5FFFF  }
0xac: {  	[dreg:$0x1] =	wrdreg $0xFFFFFFFF  }
0xad: {  	[dreg:$0x0] =	wrdreg $0x60  }
0xae: {  	[dreg:$0x2] =	wrdreg s24  }
0xaf: {  	[dreg:$0x3] =	wrdreg $0x9  }
0xb0: {  	_ =	task.clear_ibuf [dreg:s6], $0x4FFFF;
	_ =	strace $0x90000058  }
0xb1: {  	s29 =	simm.s32 $0x9;
	_ =	strace $0x8000005A  }
0xb2: {  	_ =	swait.ge [sflag:s29], $0x1  }
0xb3: {  	[sflag:s29] =	ssyncadd.s32 $0xFFFFFFFF  }
0xb4: {  	_ =	strace $0x9000005A  }
0xb5: {  	_ =	sfence  }
0xb6: {  	s30 =	sld [smem:$0x0];
	_ =	sdelay $0x2  }
0xb7: {  	s31 =	sshll.u32 s1, $0xD;
	s1 =	sshrl.u32 s1, $0x2  }
0xb8: {  	s3 =	sand.u32 $0x4000, s31;
	s1 =	sadd.s32 s1, s30  }
0xb9: {  	s0 =	sor.u32 s3, s0;
	s1 =	sshll.u32 s1, $0x11  }
0xba: {  	s0 =	sor.u32 s1, s0  }
0xbb: {  	s0 =	sadd.s32 $0x8F2B, s0  }
0xbc: {  	[sflag:s0] =	ssyncadd.remote.s32 $0x1  }
0xbd: {  	_ =	sfence.sel $0xFFFF  }
0xbe: {  	[dreg:$0x0] =	wrdreg $0xFFFFFFFF;
	(pc) =	sbr.abs _section_cstart, $3  }
0xbf: {  	[dreg:$0x1] =	wrdreg $0xFFFFFFFF  }
0xc0: {  	_ =	task.clear_ibuf [dreg:s6], $0x2FFFF;
	_ =	strace $0x9FFFFFFF  }
0xc1: {  	(tm) =	ssettm $0x7FFFFFFF  }
tec
execute0_lowered:
.L_overlay_start_1:
0x0: {  	(tag) =	ssettag $0x1  }
0x1: {  	s0 =	srdreg.scid;
	s5 =	rddreg [dreg:$0x0]  }
0x2: {  	s1 =	stileid.u32;
	s6 =	simm.s32 $0x1;
	s9 =	simm.s32 $0x1  }
0x3: {  	s10 =	simm.s32 $0x3;
	s13 =	simm.s32 $0x0;
	s2 =	sshll.u32 s0, $0x7  }
0x4: {  	s12 =	simm.s32 $0x0;
	s3 =	sshll.u32 s1, $0x8;
	s4 =	sand.u32 $0x80, s2  }
0x5: {  	s0 =	rddreg [dreg:$0x1];
	_ =	strace $0x80000059;
	s3 =	sor.u32 s3, s4  }
0x6: {  	s2 =	sadd.s32 $0x125A00, s5;
	[sflag:s6] =	ssyncpa.u1 $0x0;
	s8 =	ssub.s32 $0x3D100, s3  }
.Ltmp0:
0x7: {  	s4 =	sadd.s32 $0x133800, s5;
	s7 =	sand.u32 $0xF80, s8;
	(pc) =	sbr.rel .LBB2_1-.Ltmp0, $4  }
0x8: {  	s5 =	sadd.s32 $0x548A00, s5;
	s11 =	smov.u32 s3;
	p0 =	sne.s32 s7, $0x0  }
0x9: {  	s8 =	sshrl.u32 s8, $0xC;
	s7 =	simm.s32 $0x2;
	s9 =	simm.s32 @!p0 $0x0  }
0xa: {  	[sflag:s7] =	ssyncpa.u1 $0x0;
	p0 =	por $0x0, $0x0;
	s8 =	sadd.s32 s9, s8  }
0xb: {  	vm0 =	vmmov $0xffff;
	[sflag:s10] =	ssyncpa.u1 $0x0;
	s10 =	simm.s32 $0x0;
	s9 =	sadd.s32 $0x1, s8  }
.LBB2_4:
0xc: {  	v2 =	vnsel vm1, $0x0, v2  }
0xd: {  	vm1 =	vgt.s32 v0, $0x0;
	v2 =	vmin.u32 v2, $0x30D3F  }
0xe: {  	v0 =	vnsel vm1, $0x0, v0  }
0xf: {  	v0 =	vmin.u32 v0, $0x30D3F  }
0x10: {  	[tilespmem:s15], [sflag:$0x1] =	stream.indirect_vreg.gather [hbm4b:s2+s10], $0x1, v1, vm0, $0x4038;
	[tilespmem:$0x200] =	vst v63  }
0x11: {  	(ifvalue) =	ssetifvalue $0x7FFFFFFF  }
0x12: {  	[tilespmem:s16], [sflag:$0x1] =	stream.indirect_vreg.gather [hbm4b:s2+s10], $0x1, v2, vm0, $0x4038;
	[tilespmem:$0x200] =	vst v63  }
0x13: {  	s29 =	sadd.s32 $0x10, s16;
	(ifvalue) =	ssetifvalue $0x7FFFFFFF  }
0x14: {  	[tilespmem:s29], [sflag:$0x1] =	stream.indirect_vreg.gather [hbm4b:s2+s10], $0x1, v0, vm0, $0x4038;
	[tilespmem:$0x200] =	vst v63  }
0x15: {  	_ =	swait.ge [sflag:s6], $0x80  }
0x16: {  	s30 =	sshrl.u32 s13, $0x3;
	[sflag:s6] =	ssyncset.done $0x0  }
0x17: {  	s31 =	sand.u32 $0x7, s13;
	s15 =	sadd.s32 s5, s30;
	[sflag:s6] =	ssyncadd.s32 $0xFFFFFF80  }
0x18: {  	[hbm4b:s15+s31] =	stream.linear.scatter [tilespmem:s14], [sflag:$0x3], $0x80, $0x38;
	[tilespmem:$0x200] =	vst v63  }
.LBB2_5:
0x19: {  	s15 =	sadd.s32 $0x1000, s11  }
0x1a: {  	p2 =	sgt.s32 s15, $0x3D0FF  }
0x1b: {  	s15 =	smov.u32 @p2 s3;
	p2 =	sne.s32 s12, s9  }
.Ltmp1:
0x1c: {  	p1 =	slt.u32 s12, $0x2;
	(pc) =	sbr.rel @!p2 .LBB2_6-.Ltmp1, $4  }
0x1d: {  	s14 =	simm.s32 @!p1 $0x3  }
0x1e: {  	s16 =	sadd.s32 $0x1, s12;
	_ =	swait.ge @!p1 [sflag:s14], $0x80  }
0x1f: {  	s13 =	smov.u32 s11;
	p0 =	por !p0, !p0;
	[sflag:s14] =	ssyncset.done @!p1 $0x0  }
0x20: {  	s12 =	smov.u32 s16;
	s11 =	smov.u32 s15;
	[sflag:s14] =	ssyncadd.s32 @!p1 $0xFFFFFF80  }
.LBB2_1:
0x21: {  	p1 =	sge.u32 s12, s8  }
0x22: {  	s14 =	sxor.u32 @!p1 $0xFFFFFFFF, s12  }
0x23: {  	s31 =	sadd.s32 $0xFFFFFFFF, s12;
	s15 =	sshrl.u32 @!p1 s11, $0x3;
	s14 =	sshll.u32 @!p1 s14, $0x7  }
0x24: {  	s16 =	sand.u32 @!p1 $0x7, s11;
	s15 =	sadd.s32 @!p1 s4, s15;
	s14 =	sand.u32 @!p1 $0x80, s14  }
0x25: {  	[tilespmem:s14], [sflag:$0x2] =	stream.linear.gather @!p1 [hbm4b:s15+s16], $0x80, $0x38;
	[tilespmem:$0x200] =	vst v63  }
0x26: {  	p1 =	sge.u32 s31, s8  }
.Ltmp2:
0x27: {  	_ = 	snop;
	(pc) =	sbr.rel @p1 .LBB2_5-.Ltmp2, $1  }
0x28: {  	_ =	sdelay $0x3  }
0x29: {  	s14 =	simm.s32 $0x1  }
0x2a: {  	_ =	swait.ge [sflag:s7], $0x80;
	s14 =	simm.s32 @!p0 $0x0  }
0x2b: {  	[sflag:s7] =	ssyncset.done $0x0;
	s14 =	sshll.u32 s14, $0x7  }
0x2c: {  	[sflag:s7] =	ssyncadd.s32 $0xFFFFFF80;
	(ifvalue) =	ssetifvalue $0x7FFFFFFF;
	v0 =	vld.msk [tilespmem:s14+$0x0 ss:$0x1], $0xffff;
	_ =	sdelay $0x4  }
0x2d: {  	s15 =	sadd.s32 $0x10, s14;
	vm1 =	vgt.s32 v0, $0x0  }
0x2e: {  	v2 =	vld.msk [tilespmem:s15+$0x0 ss:$0x1], $0xffff;
	v1 =	vnsel vm1, $0x0, v0  }
0x2f: {  	v1 =	vmin.u32 v1, $0x30D3F;
	_ =	sdelay $0x1  }
0x30: {  	s16 =	sshll.u32 s12, $0x7;
	s18 =	simm.s32 $0x20  }
0x31: {  	s16 =	sand.u32 $0x80, s16;
	s17 =	sadd.s32 $0x10, s15;
	s15 =	sor.u32 $0x100, s14  }
0x32: {  	s14 =	sor.u32 $0x100, s16;
	s16 =	sadd.s32 $0x10, s15;
	v0 =	vld.msk [tilespmem:s17+$0x0 ss:$0x1], $0xffff;
	vm1 =	vgt.s32 v2, $0x0;
	(ifvalue) =	ssetifvalue $0x7FFFFFFF  }
.LBB2_3:
0x33: {  	[tilespmem:s15], [sflag:$0x1] =	stream.indirect_vreg.gather [hbm4b:s2+s10], $0x1, v1, vm0, $0x4038;
	[tilespmem:$0x200] =	vst v63  }
0x34: {  	s18 =	sadd.s32 $0x10, s18  }
0x35: {  	v2 =	vnsel vm1, $0x0, v2;
	p1 =	slt.u32 s18, $0x70  }
.Ltmp3:
0x36: {  	s15 =	smov.u32 s16;
	v1 =	vmin.u32 v2, $0x30D3F;
	(pc) =	sbr.rel @p1 .LBB2_3-.Ltmp3, $3  }
0x37: {  	_ =	sdelay $0x1  }
0x38: {  	s17 =	sadd.s32 $0x10, s17  }
0x39: {  	vm1 =	vgt.s32 v0, $0x0;
	s16 =	sadd.s32 $0x10, s16;
	v2 =	vmov v0;
	(ifvalue) =	ssetifvalue $0x7FFFFFFF;
	v0 =	vld.msk [tilespmem:s17+$0x0 ss:$0x1], $0xffff  }
.Ltmp4:
0x3a: {  	_ = 	snop;
	(pc) =	sbr.rel .LBB2_4-.Ltmp4, $1  }
0x3b: {  	_ =	sdelay $0x3  }
.LBB2_6:
0x3c: {  	_ =	sfence.sel $0x180000  }
0x3d: {  	s2 =	simm.s32 $0x2;
	[bflag:$0x0] =	sbarrier.arrive $0xFFFF  }
0x3e: {  	s30 =	simm.s32 $0x3;
	[sflag:s2] =	ssyncpa.u1 $0x1  }
0x3f: {  	s31 =	simm.s32 $0x1;
	[sflag:s30] =	ssyncpa.u1 $0x1  }
0x40: {  	[sflag:s31] =	ssyncpa.u1 $0x1  }
0x41: {  	p0 =	sne.s32 s1, $0x0;
	_ =	strace $0x90000059  }
0x42: {  	s0 =	sadd.s32 @!p0 $0x100000, s0;
	[bflag:$0x2] =	sbarrier.arrive $0xFFFF  }
0x43: {  	[sflag:s0] =	ssyncadd.tile.s32 @!p0 $0x1;
	_ =	shalt  }
.Lfunc_end2:
_tile_overlayer_lowered:
.L_overlay_start_2:
0x44: {  	(tag) =	ssettag $0x2  }
0x45: {  	s0 =	rddreg [dreg:$0x0];
	s2 =	stileid.u32  }
0x46: {  	s1 =	rddreg [dreg:$0x1];
	p0 =	sne.s32 s2, $0x0  }
0x47: {  	s3 =	rddreg [dreg:$0x2];
	[bflag:$0x3] =	sbarrier.arrive $0xFFFF;
	s2 =	simm.s32 @!p0 $0x1C01  }
0x48: {  	[timem:s3], [sflag:s2] =	dma.local @!p0 [hbm:s0], s1  }
0x49: {  	s0 =	simm.s32 @!p0 $0x1  }
0x4a: {  	_ =	swait.ge @!p0 [sflag:s0], s1  }
0x4b: {  	s1 =	ssub.s32 @!p0 $0x0, s1;
	[sflag:s0] =	ssyncset.done @!p0 $0x0  }
0x4c: {  	[sflag:s0] =	ssyncadd.s32 @!p0 s1  }
0x4d: {  	[bflag:$0x3] =	sbarrier.arrive $0xFFFF  }
0x4e: {  	_ =	shalt  }

// kernel: gather_offload_async_start.3
scs
__scs_entry_jumppad:
0x0: {  	(pc) =	sbr.rel $0x88, $3  }
0x1: {  	(tag) =	ssettag $0x0;
	lr =	simm.s32 $0x1  }
0x2: {  	[smem:$0x3F7D] =	sst lr;
	_ =	strace $0xD0000000  }
0x3: {  	_ = 	snop  }
0x4: {  	_ = 	snop  }
0x5: {  	_ = 	snop  }
0x6: {  	_ = 	snop  }
0x7: {  	_ = 	snop  }
__scs_overlays_trampoline_lowered:
0x8: {  	[smem:$0x3F8C] =	sst s0  }
0x9: {  	[smem:$0x3F8D] =	sst s1  }
0xa: {  	[smem:$0x3F8E] =	sst s2  }
0xb: {  	[smem:$0x3F8F] =	sst s3  }
0xc: {  	[smem:$0x3F90] =	sst s4  }
0xd: {  	[smem:$0x3F91] =	sst s5  }
0xe: {  	[smem:$0x3F92] =	sst s6  }
0xf: {  	[smem:$0x3F93] =	sst s7  }
0x10: {  	[smem:$0x3F94] =	sst s8  }
0x11: {  	[smem:$0x3F95] =	sst s9;
	s0 =	simm.s32 @!p0 $0x0  }
0x12: {  	s1 =	sld [smem:$0x3F7B];
	s0 =	simm.s32 @p0 $0x1  }
0x13: {  	[smem:$0x3F96] =	sst s0;
	s0 =	simm.s32 @!p1 $0x0  }
0x14: {  	s2 =	sld [smem:$0x3F7A];
	s0 =	simm.s32 @p1 $0x1  }
0x15: {  	[smem:$0x3F97] =	sst s0;
	s0 =	simm.s32 @!p2 $0x0  }
0x16: {  	s3 =	sld [smem:$0x3FDB];
	s0 =	simm.s32 @p2 $0x1  }
0x17: {  	s4 =	simm.s32 $0x1BF5;
	[smem:$0x3F99] =	sst s0  }
0x18: {  	s0 =	sld [smem:$0x3F7C];
	_ =	swait.ge [sflag:s4], $0x0  }
0x19: {  	s7 =	sld [smem:$0x3F7D]  }
0x1a: {  	s8 =	sadd.s32 $0xFFFFE003, lr  }
0x1b: {  	s9 =	sadd.s32 $0xFFFFFEF7, lr;
	s5 =	simm.s32 $0xFFFFFFFF;
	p2 =	slt.u32 s8, $0xFFFFF086  }
0x1c: {  	p1 =	slt.u32 s9, $0xF7A;
	s5 =	simm.s32 @!p2 $0x0  }
0x1d: {  	s5 =	simm.s32 @p1 $0x1;
	p0 =	seq.s32 s7, s2  }
0x1e: {  	s7 =	smul.u32 @!p0 $0xF7A, s2;
	p2 =	seq.s32 @!p0 s5, $0x0  }
0x1f: {  	s9 =	smul.u32 $0xF7A, s1;
	s8 =	simm.s32 @!p0 $0x1BF5;
	p2 =	por !p2, p0  }
0x20: {  	[sflag:s8] =	ssyncset.s32 @!p0 $0xFFFFF086;
	s6 =	sadd.s32 @!p0 s3, s7;
	s7 =	simm.s32 @!p0 $0x108  }
0x21: {  	s3 =	sadd.s32 s3, s9;
	s6 =	sadd.s32 @!p0 $0x88, s6;
	s7 =	simm.s32 @p2 $0x1082  }
0x22: {  	[simem:s7], [sflag:s8] =	dma.local @!p0 [hbm:s6], $0xF7A  }
0x23: {  	s9 =	sor.u32 $0xD0000000, s2;
	s6 =	simm.s32 $0x108;
	_ =	swait.ge @!p0 [sflag:s8], $0x0  }
0x24: {  	s3 =	sadd.s32 $0x88, s3;
	s6 =	simm.s32 @!p1 $0x1082;
	[sflag:s4] =	ssyncset.s32 $0xFFFFF086  }
0x25: {  	[simem:s6], [sflag:s4] =	dma.local [hbm:s3], $0xF7A  }
0x26: {  	[smem:$0x3F7D] =	sst s1;
	(tag) =	ssettag s2;
	_ =	strace s9  }
0x27: {  	s1 =	sld [smem:$0x3F8D]  }
0x28: {  	s2 =	sld [smem:$0x3F8E]  }
0x29: {  	s4 =	sld [smem:$0x3F90]  }
0x2a: {  	p0 =	seq.s32 s5, $0x0;
	s5 =	sld [smem:$0x3F91]  }
0x2b: {  	s6 =	sld [smem:$0x3F92]  }
0x2c: {  	s7 =	sld [smem:$0x3F93]  }
0x2d: {  	s3 =	simm.s32 $0x108;
	s8 =	sld [smem:$0x3F94]  }
0x2e: {  	s3 =	simm.s32 @!p0 $0x1082;
	s9 =	sld [smem:$0x3F95]  }
0x2f: {  	lr =	sadd.s32 s0, s3;
	s0 =	sld [smem:$0x3F8C]  }
0x30: {  	s3 =	sld [smem:$0x3F8F]  }
0x31: {  	[smem:$0x3F98] =	sst s10  }
0x32: {  	s10 =	sld [smem:$0x3F96];
	_ =	sdelay $0x3  }
0x33: {  	p0 =	seq.s32 s10, $0x1;
	s10 =	sld [smem:$0x3F98];
	_ =	sdelay $0x3  }
0x34: {  	[smem:$0x3F98] =	sst s10  }
0x35: {  	s10 =	sld [smem:$0x3F97];
	_ =	sdelay $0x3  }
0x36: {  	p1 =	seq.s32 s10, $0x1;
	s10 =	sld [smem:$0x3F98];
	_ =	sdelay $0x3  }
0x37: {  	[smem:$0x3F98] =	sst s10  }
0x38: {  	s10 =	sld [smem:$0x3F99]  }
0x39: {  	_ = 	snop;
	(pc) =	sbr.ind lr, $3  }
0x3a: {  	_ = 	snop  }
0x3b: {  	_ = 	snop  }
0x3c: {  	p2 =	seq.s32 s10, $0x1;
	s10 =	sld [smem:$0x3F98]  }
0x3d: {  	_ =	shalt  }
0x3e: {  	_ =	shalt  }
0x3f: {  	_ =	shalt  }
0x40: {  	_ =	shalt  }
0x41: {  	_ =	shalt  }
0x42: {  	_ =	shalt  }
0x43: {  	_ =	shalt  }
0x44: {  	_ =	shalt  }
0x45: {  	_ =	shalt  }
0x46: {  	_ =	shalt  }
0x47: {  	_ =	shalt  }
0x48: {  	_ =	shalt  }
0x49: {  	_ =	shalt  }
0x4a: {  	_ =	shalt  }
0x4b: {  	_ =	shalt  }
0x4c: {  	_ =	shalt  }
0x4d: {  	_ =	shalt  }
0x4e: {  	_ =	shalt  }
0x4f: {  	_ =	shalt  }
0x50: {  	_ =	shalt  }
0x51: {  	_ =	shalt  }
0x52: {  	_ =	shalt  }
0x53: {  	_ =	shalt  }
0x54: {  	_ =	shalt  }
0x55: {  	_ =	shalt  }
0x56: {  	_ =	shalt  }
0x57: {  	_ =	shalt  }
0x58: {  	_ =	shalt  }
0x59: {  	_ =	shalt  }
0x5a: {  	_ =	shalt  }
0x5b: {  	_ =	shalt  }
0x5c: {  	_ =	shalt  }
0x5d: {  	_ =	shalt  }
0x5e: {  	_ =	shalt  }
0x5f: {  	_ =	shalt  }
0x60: {  	_ =	shalt  }
0x61: {  	_ =	shalt  }
0x62: {  	_ =	shalt  }
0x63: {  	_ =	shalt  }
0x64: {  	_ =	shalt  }
0x65: {  	_ =	shalt  }
0x66: {  	_ =	shalt  }
0x67: {  	_ =	shalt  }
0x68: {  	_ =	shalt  }
0x69: {  	_ =	shalt  }
0x6a: {  	_ =	shalt  }
0x6b: {  	_ =	shalt  }
0x6c: {  	_ =	shalt  }
0x6d: {  	_ =	shalt  }
0x6e: {  	_ =	shalt  }
0x6f: {  	_ =	shalt  }
0x70: {  	_ =	shalt  }
0x71: {  	_ =	shalt  }
0x72: {  	_ =	shalt  }
0x73: {  	_ =	shalt  }
0x74: {  	_ =	shalt  }
0x75: {  	_ =	shalt  }
0x76: {  	_ =	shalt  }
0x77: {  	_ =	shalt  }
0x78: {  	_ =	shalt  }
0x79: {  	_ =	shalt  }
0x7a: {  	_ =	shalt  }
0x7b: {  	_ =	shalt  }
0x7c: {  	_ =	shalt  }
0x7d: {  	_ =	shalt  }
0x7e: {  	_ =	shalt  }
0x7f: {  	_ =	shalt  }
0x80: {  	_ =	shalt  }
0x81: {  	_ =	shalt  }
0x82: {  	_ =	shalt  }
0x83: {  	_ =	shalt  }
0x84: {  	_ =	shalt  }
0x85: {  	_ =	shalt  }
0x86: {  	_ =	shalt  }
0x87: {  	_ =	shalt  }
.Lfunc_end0:
.L_simem_size_0:
called_computation.3_lowered:
.L_overlay_start_0:
0x88: {  	s2 =	sld [smem:$0x3FD9]  }
0x89: {  	s3 =	sld [smem:$0x3FFE];
	_ =	sdelay $0x1  }
0x8a: {  	s1 =	srdreg.scid  }
0x8b: {  	s0 =	sand.u32 $0x1, s1  }
0x8c: {  	s16 =	sshll.u32 s0, $0xA;
	s2 =	sadd.s32 s3, s2  }
0x8d: {  	s2 =	sadd.s32 s2, s16  }
0x8e: {  	[smem:$0x3FA4] =	sst s2  }
0x8f: {  	_ = 	snop  }
0x90: {  	(tm) =	ssettm $0x1  }
0x91: {  	s17 =	sld [smem:$0x3FFB];
	_ =	sdelay $0x3  }
0x92: {  	_ =	strace s17  }
0x93: {  	s2 =	sld [smem:$0x3FFC];
	_ =	sdelay $0x3  }
0x94: {  	_ =	strace s2  }
0x95: {  	s2 =	sld [smem:$0x3FFD];
	_ =	sdelay $0x3  }
0x96: {  	_ =	strace s2  }
0x97: {  	_ =	strace $0x8FFFFFFF  }
0x98: {  	s18 =	sld [smem:$0x3FDB];
	_ =	sdelay $0x1  }
0x99: {  	s19 =	simm.s32 $_scs_section_size  }
0x9a: {  	s4 =	simm.s32 $_size__tile_overlayer_lowered;
	s5 =	simm.s32 $_tile_overlayer_lowered  }
0x9b: {  	s22 =	simm.s32 $0x1BFF;
	s21 =	sshll.u32 s5, $0x1;
	s2 =	sadd.s32 s19, s18  }
0x9c: {  	s6 =	simm.s32 $0x0;
	s20 =	sshll.u32 s4, $0x1;
	s4 =	sadd.s32 s21, s2  }
0x9d: {  	[timem:s6], [sflag:s22] =	dma.local [hbm:s4], s20  }
0x9e: {  	_ =	swait.ge [sflag:s22], s20  }
0x9f: {  	s3 =	ssub.s32 $0x0, s20;
	[sflag:s22] =	ssyncset.done $0x0  }
0xa0: {  	[sflag:s22] =	ssyncadd.s32 s3;
	_ =	sdelay $0x1  }
0xa1: {  	s23 =	simm.s32 $0x1B8B  }
0xa2: {  	_ =	swait.ge [sflag:s23], $0x1  }
0xa3: {  	[sflag:s23] =	ssyncset.done $0x0  }
0xa4: {  	s25 =	simm.s32 $0x1B8E;
	s24 =	sld [smem:$0x3FFE];
	[sflag:s23] =	ssyncadd.s32 $0xFFFFFFFF  }
0xa5: {  	s26 =	simm.s32 $execute0_lowered;
	[smem:$0x3FD2] =	sst s25  }
0xa6: {  	s4 =	sshll.u32 s26, $0x1;
	_ =	strace $0x80000055;
	[dreg:$0x1] =	wrdreg $0xFFFFFFFF  }
0xa7: {  	s28 =	simm.s32 $_size_execute0_lowered;
	s2 =	sadd.s32 s2, s4;
	[dreg:$0x0] =	wrdreg $0x0  }
0xa8: {  	s4 =	sshll.u32 s28, $0x1;
	[dreg:$0x2] =	wrdreg s2  }
0xa9: {  	[dreg:$0x3] =	wrdreg s4  }
0xaa: {  	[dreg:$0x4] =	wrdreg $0xC0  }
0xab: {  	_ =	task [dreg:s6], $0x5FFFF  }
0xac: {  	[dreg:$0x1] =	wrdreg $0xFFFFFFFF  }
0xad: {  	[dreg:$0x0] =	wrdreg $0x60  }
0xae: {  	[dreg:$0x2] =	wrdreg s24  }
0xaf: {  	[dreg:$0x3] =	wrdreg $0x9  }
0xb0: {  	_ =	task.clear_ibuf [dreg:s6], $0x4FFFF;
	_ =	strace $0x90000055  }
0xb1: {  	s29 =	simm.s32 $0x9;
	_ =	strace $0x80000057  }
0xb2: {  	_ =	swait.ge [sflag:s29], $0x1  }
0xb3: {  	[sflag:s29] =	ssyncadd.s32 $0xFFFFFFFF  }
0xb4: {  	_ =	strace $0x90000057  }
0xb5: {  	_ =	sfence  }
0xb6: {  	s30 =	sld [smem:$0x0];
	_ =	sdelay $0x2  }
0xb7: {  	s31 =	sshll.u32 s1, $0xD;
	s1 =	sshrl.u32 s1, $0x2  }
0xb8: {  	s3 =	sand.u32 $0x4000, s31;
	s1 =	sadd.s32 s1, s30  }
0xb9: {  	s0 =	sor.u32 s3, s0;
	s1 =	sshll.u32 s1, $0x11  }
0xba: {  	s0 =	sor.u32 s1, s0  }
0xbb: {  	s0 =	sadd.s32 $0x8F2B, s0  }
0xbc: {  	[sflag:s0] =	ssyncadd.remote.s32 $0x1  }
0xbd: {  	_ =	sfence.sel $0xFFFF  }
0xbe: {  	[dreg:$0x0] =	wrdreg $0xFFFFFFFF;
	(pc) =	sbr.abs _section_cstart, $3  }
0xbf: {  	[dreg:$0x1] =	wrdreg $0xFFFFFFFF  }
0xc0: {  	_ =	task.clear_ibuf [dreg:s6], $0x2FFFF;
	_ =	strace $0x9FFFFFFF  }
0xc1: {  	(tm) =	ssettm $0x7FFFFFFF  }
tec
execute0_lowered:
.L_overlay_start_1:
0x0: {  	(tag) =	ssettag $0x1  }
0x1: {  	s0 =	srdreg.scid;
	s5 =	rddreg [dreg:$0x0]  }
0x2: {  	s1 =	stileid.u32;
	s6 =	simm.s32 $0x1;
	s9 =	simm.s32 $0x1  }
0x3: {  	s10 =	simm.s32 $0x3;
	s13 =	simm.s32 $0x0;
	s2 =	sshll.u32 s0, $0x7  }
0x4: {  	s12 =	simm.s32 $0x0;
	s3 =	sshll.u32 s1, $0x8;
	s4 =	sand.u32 $0x80, s2  }
0x5: {  	s0 =	rddreg [dreg:$0x1];
	_ =	strace $0x80000056;
	s3 =	sor.u32 s3, s4  }
0x6: {  	s2 =	sadd.s32 $0x15A400, s5;
	[sflag:s6] =	ssyncpa.u1 $0x0;
	s8 =	ssub.s32 $0x3D100, s3  }
.Ltmp0:
0x7: {  	s4 =	sadd.s32 $0x12BC00, s5;
	s7 =	sand.u32 $0xF80, s8;
	(pc) =	sbr.rel .LBB2_1-.Ltmp0, $4  }
0x8: {  	s5 =	sadd.s32 $0x168200, s5;
	s11 =	smov.u32 s3;
	p0 =	sne.s32 s7, $0x0  }
0x9: {  	s8 =	sshrl.u32 s8, $0xC;
	s7 =	simm.s32 $0x2;
	s9 =	simm.s32 @!p0 $0x0  }
0xa: {  	[sflag:s7] =	ssyncpa.u1 $0x0;
	p0 =	por $0x0, $0x0;
	s8 =	sadd.s32 s9, s8  }
0xb: {  	vm0 =	vmmov $0xffff;
	[sflag:s10] =	ssyncpa.u1 $0x0;
	s10 =	simm.s32 $0x0;
	s9 =	sadd.s32 $0x1, s8  }
.LBB2_4:
0xc: {  	v2 =	vnsel vm1, $0x0, v2  }
0xd: {  	vm1 =	vgt.s32 v0, $0x0;
	v2 =	vmin.u32 v2, $0x30D3F  }
0xe: {  	v0 =	vnsel vm1, $0x0, v0  }
0xf: {  	v0 =	vmin.u32 v0, $0x30D3F  }
0x10: {  	[tilespmem:s15], [sflag:$0x1] =	stream.indirect_vreg.gather [hbm4b:s2+s10], $0x1, v1, vm0, $0x4038;
	[tilespmem:$0x200] =	vst v63  }
0x11: {  	(ifvalue) =	ssetifvalue $0x7FFFFFFF  }
0x12: {  	[tilespmem:s16], [sflag:$0x1] =	stream.indirect_vreg.gather [hbm4b:s2+s10], $0x1, v2, vm0, $0x4038;
	[tilespmem:$0x200] =	vst v63  }
0x13: {  	s29 =	sadd.s32 $0x10, s16;
	(ifvalue) =	ssetifvalue $0x7FFFFFFF  }
0x14: {  	[tilespmem:s29], [sflag:$0x1] =	stream.indirect_vreg.gather [hbm4b:s2+s10], $0x1, v0, vm0, $0x4038;
	[tilespmem:$0x200] =	vst v63  }
0x15: {  	_ =	swait.ge [sflag:s6], $0x80  }
0x16: {  	s30 =	sshrl.u32 s13, $0x3;
	[sflag:s6] =	ssyncset.done $0x0  }
0x17: {  	s31 =	sand.u32 $0x7, s13;
	s15 =	sadd.s32 s5, s30;
	[sflag:s6] =	ssyncadd.s32 $0xFFFFFF80  }
0x18: {  	[hbm4b:s15+s31] =	stream.linear.scatter [tilespmem:s14], [sflag:$0x3], $0x80, $0x38;
	[tilespmem:$0x200] =	vst v63  }
.LBB2_5:
0x19: {  	s15 =	sadd.s32 $0x1000, s11  }
0x1a: {  	p2 =	sgt.s32 s15, $0x3D0FF  }
0x1b: {  	s15 =	smov.u32 @p2 s3;
	p2 =	sne.s32 s12, s9  }
.Ltmp1:
0x1c: {  	p1 =	slt.u32 s12, $0x2;
	(pc) =	sbr.rel @!p2 .LBB2_6-.Ltmp1, $4  }
0x1d: {  	s14 =	simm.s32 @!p1 $0x3  }
0x1e: {  	s16 =	sadd.s32 $0x1, s12;
	_ =	swait.ge @!p1 [sflag:s14], $0x80  }
0x1f: {  	s13 =	smov.u32 s11;
	p0 =	por !p0, !p0;
	[sflag:s14] =	ssyncset.done @!p1 $0x0  }
0x20: {  	s12 =	smov.u32 s16;
	s11 =	smov.u32 s15;
	[sflag:s14] =	ssyncadd.s32 @!p1 $0xFFFFFF80  }
.LBB2_1:
0x21: {  	p1 =	sge.u32 s12, s8  }
0x22: {  	s14 =	sxor.u32 @!p1 $0xFFFFFFFF, s12  }
0x23: {  	s31 =	sadd.s32 $0xFFFFFFFF, s12;
	s15 =	sshrl.u32 @!p1 s11, $0x3;
	s14 =	sshll.u32 @!p1 s14, $0x7  }
0x24: {  	s16 =	sand.u32 @!p1 $0x7, s11;
	s15 =	sadd.s32 @!p1 s4, s15;
	s14 =	sand.u32 @!p1 $0x80, s14  }
0x25: {  	[tilespmem:s14], [sflag:$0x2] =	stream.linear.gather @!p1 [hbm4b:s15+s16], $0x80, $0x38;
	[tilespmem:$0x200] =	vst v63  }
0x26: {  	p1 =	sge.u32 s31, s8  }
.Ltmp2:
0x27: {  	_ = 	snop;
	(pc) =	sbr.rel @p1 .LBB2_5-.Ltmp2, $1  }
0x28: {  	_ =	sdelay $0x3  }
0x29: {  	s14 =	simm.s32 $0x1  }
0x2a: {  	_ =	swait.ge [sflag:s7], $0x80;
	s14 =	simm.s32 @!p0 $0x0  }
0x2b: {  	[sflag:s7] =	ssyncset.done $0x0;
	s14 =	sshll.u32 s14, $0x7  }
0x2c: {  	[sflag:s7] =	ssyncadd.s32 $0xFFFFFF80;
	(ifvalue) =	ssetifvalue $0x7FFFFFFF;
	v0 =	vld.msk [tilespmem:s14+$0x0 ss:$0x1], $0xffff;
	_ =	sdelay $0x4  }
0x2d: {  	s15 =	sadd.s32 $0x10, s14;
	vm1 =	vgt.s32 v0, $0x0  }
0x2e: {  	v2 =	vld.msk [tilespmem:s15+$0x0 ss:$0x1], $0xffff;
	v1 =	vnsel vm1, $0x0, v0  }
0x2f: {  	v1 =	vmin.u32 v1, $0x30D3F;
	_ =	sdelay $0x1  }
0x30: {  	s16 =	sshll.u32 s12, $0x7;
	s18 =	simm.s32 $0x20  }
0x31: {  	s16 =	sand.u32 $0x80, s16;
	s17 =	sadd.s32 $0x10, s15;
	s15 =	sor.u32 $0x100, s14  }
0x32: {  	s14 =	sor.u32 $0x100, s16;
	s16 =	sadd.s32 $0x10, s15;
	v0 =	vld.msk [tilespmem:s17+$0x0 ss:$0x1], $0xffff;
	vm1 =	vgt.s32 v2, $0x0;
	(ifvalue) =	ssetifvalue $0x7FFFFFFF  }
.LBB2_3:
0x33: {  	[tilespmem:s15], [sflag:$0x1] =	stream.indirect_vreg.gather [hbm4b:s2+s10], $0x1, v1, vm0, $0x4038;
	[tilespmem:$0x200] =	vst v63  }
0x34: {  	s18 =	sadd.s32 $0x10, s18  }
0x35: {  	v2 =	vnsel vm1, $0x0, v2;
	p1 =	slt.u32 s18, $0x70  }
.Ltmp3:
0x36: {  	s15 =	smov.u32 s16;
	v1 =	vmin.u32 v2, $0x30D3F;
	(pc) =	sbr.rel @p1 .LBB2_3-.Ltmp3, $3  }
0x37: {  	_ =	sdelay $0x1  }
0x38: {  	s17 =	sadd.s32 $0x10, s17  }
0x39: {  	vm1 =	vgt.s32 v0, $0x0;
	s16 =	sadd.s32 $0x10, s16;
	v2 =	vmov v0;
	(ifvalue) =	ssetifvalue $0x7FFFFFFF;
	v0 =	vld.msk [tilespmem:s17+$0x0 ss:$0x1], $0xffff  }
.Ltmp4:
0x3a: {  	_ = 	snop;
	(pc) =	sbr.rel .LBB2_4-.Ltmp4, $1  }
0x3b: {  	_ =	sdelay $0x3  }
.LBB2_6:
0x3c: {  	_ =	sfence.sel $0x180000  }
0x3d: {  	s2 =	simm.s32 $0x2;
	[bflag:$0x0] =	sbarrier.arrive $0xFFFF  }
0x3e: {  	s30 =	simm.s32 $0x3;
	[sflag:s2] =	ssyncpa.u1 $0x1  }
0x3f: {  	s31 =	simm.s32 $0x1;
	[sflag:s30] =	ssyncpa.u1 $0x1  }
0x40: {  	[sflag:s31] =	ssyncpa.u1 $0x1  }
0x41: {  	p0 =	sne.s32 s1, $0x0;
	_ =	strace $0x90000056  }
0x42: {  	s0 =	sadd.s32 @!p0 $0x100000, s0;
	[bflag:$0x2] =	sbarrier.arrive $0xFFFF  }
0x43: {  	[sflag:s0] =	ssyncadd.tile.s32 @!p0 $0x1;
	_ =	shalt  }
.Lfunc_end2:
_tile_overlayer_lowered:
.L_overlay_start_2:
0x44: {  	(tag) =	ssettag $0x2  }
0x45: {  	s0 =	rddreg [dreg:$0x0];
	s2 =	stileid.u32  }
0x46: {  	s1 =	rddreg [dreg:$0x1];
	p0 =	sne.s32 s2, $0x0  }
0x47: {  	s3 =	rddreg [dreg:$0x2];
	[bflag:$0x3] =	sbarrier.arrive $0xFFFF;
	s2 =	simm.s32 @!p0 $0x1C01  }
0x48: {  	[timem:s3], [sflag:s2] =	dma.local @!p0 [hbm:s0], s1  }
0x49: {  	s0 =	simm.s32 @!p0 $0x1  }
0x4a: {  	_ =	swait.ge @!p0 [sflag:s0], s1  }
0x4b: {  	s1 =	ssub.s32 @!p0 $0x0, s1;
	[sflag:s0] =	ssyncset.done @!p0 $0x0  }
0x4c: {  	[sflag:s0] =	ssyncadd.s32 @!p0 s1  }
0x4d: {  	[bflag:$0x3] =	sbarrier.arrive $0xFFFF  }
0x4e: {  	_ =	shalt  }

// kernel: gather_offload_async_start.4
scs
__scs_entry_jumppad:
0x0: {  	(pc) =	sbr.rel $0x88, $3  }
0x1: {  	(tag) =	ssettag $0x0;
	lr =	simm.s32 $0x1  }
0x2: {  	[smem:$0x3F7D] =	sst lr;
	_ =	strace $0xD0000000  }
0x3: {  	_ = 	snop  }
0x4: {  	_ = 	snop  }
0x5: {  	_ = 	snop  }
0x6: {  	_ = 	snop  }
0x7: {  	_ = 	snop  }
__scs_overlays_trampoline_lowered:
0x8: {  	[smem:$0x3F8C] =	sst s0  }
0x9: {  	[smem:$0x3F8D] =	sst s1  }
0xa: {  	[smem:$0x3F8E] =	sst s2  }
0xb: {  	[smem:$0x3F8F] =	sst s3  }
0xc: {  	[smem:$0x3F90] =	sst s4  }
0xd: {  	[smem:$0x3F91] =	sst s5  }
0xe: {  	[smem:$0x3F92] =	sst s6  }
0xf: {  	[smem:$0x3F93] =	sst s7  }
0x10: {  	[smem:$0x3F94] =	sst s8  }
0x11: {  	[smem:$0x3F95] =	sst s9;
	s0 =	simm.s32 @!p0 $0x0  }
0x12: {  	s1 =	sld [smem:$0x3F7B];
	s0 =	simm.s32 @p0 $0x1  }
0x13: {  	[smem:$0x3F96] =	sst s0;
	s0 =	simm.s32 @!p1 $0x0  }
0x14: {  	s2 =	sld [smem:$0x3F7A];
	s0 =	simm.s32 @p1 $0x1  }
0x15: {  	[smem:$0x3F97] =	sst s0;
	s0 =	simm.s32 @!p2 $0x0  }
0x16: {  	s3 =	sld [smem:$0x3FDB];
	s0 =	simm.s32 @p2 $0x1  }
0x17: {  	s4 =	simm.s32 $0x1BF5;
	[smem:$0x3F99] =	sst s0  }
0x18: {  	s0 =	sld [smem:$0x3F7C];
	_ =	swait.ge [sflag:s4], $0x0  }
0x19: {  	s7 =	sld [smem:$0x3F7D]  }
0x1a: {  	s8 =	sadd.s32 $0xFFFFE003, lr  }
0x1b: {  	s9 =	sadd.s32 $0xFFFFFEF7, lr;
	s5 =	simm.s32 $0xFFFFFFFF;
	p2 =	slt.u32 s8, $0xFFFFF086  }
0x1c: {  	p1 =	slt.u32 s9, $0xF7A;
	s5 =	simm.s32 @!p2 $0x0  }
0x1d: {  	s5 =	simm.s32 @p1 $0x1;
	p0 =	seq.s32 s7, s2  }
0x1e: {  	s7 =	smul.u32 @!p0 $0xF7A, s2;
	p2 =	seq.s32 @!p0 s5, $0x0  }
0x1f: {  	s9 =	smul.u32 $0xF7A, s1;
	s8 =	simm.s32 @!p0 $0x1BF5;
	p2 =	por !p2, p0  }
0x20: {  	[sflag:s8] =	ssyncset.s32 @!p0 $0xFFFFF086;
	s6 =	sadd.s32 @!p0 s3, s7;
	s7 =	simm.s32 @!p0 $0x108  }
0x21: {  	s3 =	sadd.s32 s3, s9;
	s6 =	sadd.s32 @!p0 $0x88, s6;
	s7 =	simm.s32 @p2 $0x1082  }
0x22: {  	[simem:s7], [sflag:s8] =	dma.local @!p0 [hbm:s6], $0xF7A  }
0x23: {  	s9 =	sor.u32 $0xD0000000, s2;
	s6 =	simm.s32 $0x108;
	_ =	swait.ge @!p0 [sflag:s8], $0x0  }
0x24: {  	s3 =	sadd.s32 $0x88, s3;
	s6 =	simm.s32 @!p1 $0x1082;
	[sflag:s4] =	ssyncset.s32 $0xFFFFF086  }
0x25: {  	[simem:s6], [sflag:s4] =	dma.local [hbm:s3], $0xF7A  }
0x26: {  	[smem:$0x3F7D] =	sst s1;
	(tag) =	ssettag s2;
	_ =	strace s9  }
0x27: {  	s1 =	sld [smem:$0x3F8D]  }
0x28: {  	s2 =	sld [smem:$0x3F8E]  }
0x29: {  	s4 =	sld [smem:$0x3F90]  }
0x2a: {  	p0 =	seq.s32 s5, $0x0;
	s5 =	sld [smem:$0x3F91]  }
0x2b: {  	s6 =	sld [smem:$0x3F92]  }
0x2c: {  	s7 =	sld [smem:$0x3F93]  }
0x2d: {  	s3 =	simm.s32 $0x108;
	s8 =	sld [smem:$0x3F94]  }
0x2e: {  	s3 =	simm.s32 @!p0 $0x1082;
	s9 =	sld [smem:$0x3F95]  }
0x2f: {  	lr =	sadd.s32 s0, s3;
	s0 =	sld [smem:$0x3F8C]  }
0x30: {  	s3 =	sld [smem:$0x3F8F]  }
0x31: {  	[smem:$0x3F98] =	sst s10  }
0x32: {  	s10 =	sld [smem:$0x3F96];
	_ =	sdelay $0x3  }
0x33: {  	p0 =	seq.s32 s10, $0x1;
	s10 =	sld [smem:$0x3F98];
	_ =	sdelay $0x3  }
0x34: {  	[smem:$0x3F98] =	sst s10  }
0x35: {  	s10 =	sld [smem:$0x3F97];
	_ =	sdelay $0x3  }
0x36: {  	p1 =	seq.s32 s10, $0x1;
	s10 =	sld [smem:$0x3F98];
	_ =	sdelay $0x3  }
0x37: {  	[smem:$0x3F98] =	sst s10  }
0x38: {  	s10 =	sld [smem:$0x3F99]  }
0x39: {  	_ = 	snop;
	(pc) =	sbr.ind lr, $3  }
0x3a: {  	_ = 	snop  }
0x3b: {  	_ = 	snop  }
0x3c: {  	p2 =	seq.s32 s10, $0x1;
	s10 =	sld [smem:$0x3F98]  }
0x3d: {  	_ =	shalt  }
0x3e: {  	_ =	shalt  }
0x3f: {  	_ =	shalt  }
0x40: {  	_ =	shalt  }
0x41: {  	_ =	shalt  }
0x42: {  	_ =	shalt  }
0x43: {  	_ =	shalt  }
0x44: {  	_ =	shalt  }
0x45: {  	_ =	shalt  }
0x46: {  	_ =	shalt  }
0x47: {  	_ =	shalt  }
0x48: {  	_ =	shalt  }
0x49: {  	_ =	shalt  }
0x4a: {  	_ =	shalt  }
0x4b: {  	_ =	shalt  }
0x4c: {  	_ =	shalt  }
0x4d: {  	_ =	shalt  }
0x4e: {  	_ =	shalt  }
0x4f: {  	_ =	shalt  }
0x50: {  	_ =	shalt  }
0x51: {  	_ =	shalt  }
0x52: {  	_ =	shalt  }
0x53: {  	_ =	shalt  }
0x54: {  	_ =	shalt  }
0x55: {  	_ =	shalt  }
0x56: {  	_ =	shalt  }
0x57: {  	_ =	shalt  }
0x58: {  	_ =	shalt  }
0x59: {  	_ =	shalt  }
0x5a: {  	_ =	shalt  }
0x5b: {  	_ =	shalt  }
0x5c: {  	_ =	shalt  }
0x5d: {  	_ =	shalt  }
0x5e: {  	_ =	shalt  }
0x5f: {  	_ =	shalt  }
0x60: {  	_ =	shalt  }
0x61: {  	_ =	shalt  }
0x62: {  	_ =	shalt  }
0x63: {  	_ =	shalt  }
0x64: {  	_ =	shalt  }
0x65: {  	_ =	shalt  }
0x66: {  	_ =	shalt  }
0x67: {  	_ =	shalt  }
0x68: {  	_ =	shalt  }
0x69: {  	_ =	shalt  }
0x6a: {  	_ =	shalt  }
0x6b: {  	_ =	shalt  }
0x6c: {  	_ =	shalt  }
0x6d: {  	_ =	shalt  }
0x6e: {  	_ =	shalt  }
0x6f: {  	_ =	shalt  }
0x70: {  	_ =	shalt  }
0x71: {  	_ =	shalt  }
0x72: {  	_ =	shalt  }
0x73: {  	_ =	shalt  }
0x74: {  	_ =	shalt  }
0x75: {  	_ =	shalt  }
0x76: {  	_ =	shalt  }
0x77: {  	_ =	shalt  }
0x78: {  	_ =	shalt  }
0x79: {  	_ =	shalt  }
0x7a: {  	_ =	shalt  }
0x7b: {  	_ =	shalt  }
0x7c: {  	_ =	shalt  }
0x7d: {  	_ =	shalt  }
0x7e: {  	_ =	shalt  }
0x7f: {  	_ =	shalt  }
0x80: {  	_ =	shalt  }
0x81: {  	_ =	shalt  }
0x82: {  	_ =	shalt  }
0x83: {  	_ =	shalt  }
0x84: {  	_ =	shalt  }
0x85: {  	_ =	shalt  }
0x86: {  	_ =	shalt  }
0x87: {  	_ =	shalt  }
.Lfunc_end0:
.L_simem_size_0:
called_computation.4_lowered:
.L_overlay_start_0:
0x88: {  	s2 =	sld [smem:$0x3FD9]  }
0x89: {  	s3 =	sld [smem:$0x3FFE];
	_ =	sdelay $0x1  }
0x8a: {  	s1 =	srdreg.scid  }
0x8b: {  	s0 =	sand.u32 $0x1, s1  }
0x8c: {  	s16 =	sshll.u32 s0, $0xA;
	s2 =	sadd.s32 s3, s2  }
0x8d: {  	s2 =	sadd.s32 s2, s16  }
0x8e: {  	[smem:$0x3FA4] =	sst s2  }
0x8f: {  	_ = 	snop  }
0x90: {  	(tm) =	ssettm $0x1  }
0x91: {  	s17 =	sld [smem:$0x3FFB];
	_ =	sdelay $0x3  }
0x92: {  	_ =	strace s17  }
0x93: {  	s2 =	sld [smem:$0x3FFC];
	_ =	sdelay $0x3  }
0x94: {  	_ =	strace s2  }
0x95: {  	s2 =	sld [smem:$0x3FFD];
	_ =	sdelay $0x3  }
0x96: {  	_ =	strace s2  }
0x97: {  	_ =	strace $0x8FFFFFFF  }
0x98: {  	s18 =	sld [smem:$0x3FDB];
	_ =	sdelay $0x1  }
0x99: {  	s19 =	simm.s32 $_scs_section_size  }
0x9a: {  	s4 =	simm.s32 $_size__tile_overlayer_lowered;
	s5 =	simm.s32 $_tile_overlayer_lowered  }
0x9b: {  	s22 =	simm.s32 $0x1BFF;
	s21 =	sshll.u32 s5, $0x1;
	s2 =	sadd.s32 s19, s18  }
0x9c: {  	s6 =	simm.s32 $0x0;
	s20 =	sshll.u32 s4, $0x1;
	s4 =	sadd.s32 s21, s2  }
0x9d: {  	[timem:s6], [sflag:s22] =	dma.local [hbm:s4], s20  }
0x9e: {  	_ =	swait.ge [sflag:s22], s20  }
0x9f: {  	s3 =	ssub.s32 $0x0, s20;
	[sflag:s22] =	ssyncset.done $0x0  }
0xa0: {  	[sflag:s22] =	ssyncadd.s32 s3;
	_ =	sdelay $0x1  }
0xa1: {  	s23 =	simm.s32 $0x1B8B  }
0xa2: {  	_ =	swait.ge [sflag:s23], $0x1  }
0xa3: {  	[sflag:s23] =	ssyncset.done $0x0  }
0xa4: {  	s25 =	simm.s32 $0x1B8E;
	s24 =	sld [smem:$0x3FFE];
	[sflag:s23] =	ssyncadd.s32 $0xFFFFFFFF  }
0xa5: {  	s26 =	simm.s32 $execute0_lowered;
	[smem:$0x3FD2] =	sst s25  }
0xa6: {  	s4 =	sshll.u32 s26, $0x1;
	_ =	strace $0x8000004F;
	[dreg:$0x1] =	wrdreg $0xFFFFFFFF  }
0xa7: {  	s28 =	simm.s32 $_size_execute0_lowered;
	s2 =	sadd.s32 s2, s4;
	[dreg:$0x0] =	wrdreg $0x0  }
0xa8: {  	s4 =	sshll.u32 s28, $0x1;
	[dreg:$0x2] =	wrdreg s2  }
0xa9: {  	[dreg:$0x3] =	wrdreg s4  }
0xaa: {  	[dreg:$0x4] =	wrdreg $0xC0  }
0xab: {  	_ =	task [dreg:s6], $0x5FFFF  }
0xac: {  	[dreg:$0x1] =	wrdreg $0xFFFFFFFF  }
0xad: {  	[dreg:$0x0] =	wrdreg $0x60  }
0xae: {  	[dreg:$0x2] =	wrdreg s24  }
0xaf: {  	[dreg:$0x3] =	wrdreg $0x9  }
0xb0: {  	_ =	task.clear_ibuf [dreg:s6], $0x4FFFF;
	_ =	strace $0x9000004F  }
0xb1: {  	s29 =	simm.s32 $0x9;
	_ =	strace $0x80000051  }
0xb2: {  	_ =	swait.ge [sflag:s29], $0x1  }
0xb3: {  	[sflag:s29] =	ssyncadd.s32 $0xFFFFFFFF  }
0xb4: {  	_ =	strace $0x90000051  }
0xb5: {  	_ =	sfence  }
0xb6: {  	s30 =	sld [smem:$0x0];
	_ =	sdelay $0x2  }
0xb7: {  	s31 =	sshll.u32 s1, $0xD;
	s1 =	sshrl.u32 s1, $0x2  }
0xb8: {  	s3 =	sand.u32 $0x4000, s31;
	s1 =	sadd.s32 s1, s30  }
0xb9: {  	s0 =	sor.u32 s3, s0;
	s1 =	sshll.u32 s1, $0x11  }
0xba: {  	s0 =	sor.u32 s1, s0  }
0xbb: {  	s0 =	sadd.s32 $0x8F2B, s0  }
0xbc: {  	[sflag:s0] =	ssyncadd.remote.s32 $0x1  }
0xbd: {  	_ =	sfence.sel $0xFFFF  }
0xbe: {  	[dreg:$0x0] =	wrdreg $0xFFFFFFFF;
	(pc) =	sbr.abs _section_cstart, $3  }
0xbf: {  	[dreg:$0x1] =	wrdreg $0xFFFFFFFF  }
0xc0: {  	_ =	task.clear_ibuf [dreg:s6], $0x2FFFF;
	_ =	strace $0x9FFFFFFF  }
0xc1: {  	(tm) =	ssettm $0x7FFFFFFF  }
tec
execute0_lowered:
.L_overlay_start_1:
0x0: {  	(tag) =	ssettag $0x1  }
0x1: {  	s0 =	srdreg.scid;
	s5 =	rddreg [dreg:$0x0]  }
0x2: {  	s1 =	stileid.u32;
	s6 =	simm.s32 $0x1;
	s9 =	simm.s32 $0x1  }
0x3: {  	s10 =	simm.s32 $0x3;
	s13 =	simm.s32 $0x0;
	s2 =	sshll.u32 s0, $0x7  }
0x4: {  	s12 =	simm.s32 $0x0;
	s3 =	sshll.u32 s1, $0x8;
	s4 =	sand.u32 $0x80, s2  }
0x5: {  	s0 =	rddreg [dreg:$0x1];
	_ =	strace $0x80000050;
	s3 =	sor.u32 s3, s4  }
0x6: {  	s2 =	sadd.s32 $0x125A00, s5;
	[sflag:s6] =	ssyncpa.u1 $0x0;
	s8 =	ssub.s32 $0x3D100, s3  }
.Ltmp0:
0x7: {  	s4 =	sadd.s32 $0x12BC00, s5;
	s7 =	sand.u32 $0xF80, s8;
	(pc) =	sbr.rel .LBB2_1-.Ltmp0, $4  }
0x8: {  	s5 =	sadd.s32 $0x15A400, s5;
	s11 =	smov.u32 s3;
	p0 =	sne.s32 s7, $0x0  }
0x9: {  	s8 =	sshrl.u32 s8, $0xC;
	s7 =	simm.s32 $0x2;
	s9 =	simm.s32 @!p0 $0x0  }
0xa: {  	[sflag:s7] =	ssyncpa.u1 $0x0;
	p0 =	por $0x0, $0x0;
	s8 =	sadd.s32 s9, s8  }
0xb: {  	vm0 =	vmmov $0xffff;
	[sflag:s10] =	ssyncpa.u1 $0x0;
	s10 =	simm.s32 $0x0;
	s9 =	sadd.s32 $0x1, s8  }
.LBB2_4:
0xc: {  	v2 =	vnsel vm1, $0x0, v2  }
0xd: {  	vm1 =	vgt.s32 v0, $0x0;
	v2 =	vmin.u32 v2, $0x30D3F  }
0xe: {  	v0 =	vnsel vm1, $0x0, v0  }
0xf: {  	v0 =	vmin.u32 v0, $0x30D3F  }
0x10: {  	[tilespmem:s15], [sflag:$0x1] =	stream.indirect_vreg.gather [hbm4b:s2+s10], $0x1, v1, vm0, $0x4038;
	[tilespmem:$0x200] =	vst v63  }
0x11: {  	(ifvalue) =	ssetifvalue $0x7FFFFFFF  }
0x12: {  	[tilespmem:s16], [sflag:$0x1] =	stream.indirect_vreg.gather [hbm4b:s2+s10], $0x1, v2, vm0, $0x4038;
	[tilespmem:$0x200] =	vst v63  }
0x13: {  	s29 =	sadd.s32 $0x10, s16;
	(ifvalue) =	ssetifvalue $0x7FFFFFFF  }
0x14: {  	[tilespmem:s29], [sflag:$0x1] =	stream.indirect_vreg.gather [hbm4b:s2+s10], $0x1, v0, vm0, $0x4038;
	[tilespmem:$0x200] =	vst v63  }
0x15: {  	_ =	swait.ge [sflag:s6], $0x80  }
0x16: {  	s30 =	sshrl.u32 s13, $0x3;
	[sflag:s6] =	ssyncset.done $0x0  }
0x17: {  	s31 =	sand.u32 $0x7, s13;
	s15 =	sadd.s32 s5, s30;
	[sflag:s6] =	ssyncadd.s32 $0xFFFFFF80  }
0x18: {  	[hbm4b:s15+s31] =	stream.linear.scatter [tilespmem:s14], [sflag:$0x3], $0x80, $0x38;
	[tilespmem:$0x200] =	vst v63  }
.LBB2_5:
0x19: {  	s15 =	sadd.s32 $0x1000, s11  }
0x1a: {  	p2 =	sgt.s32 s15, $0x3D0FF  }
0x1b: {  	s15 =	smov.u32 @p2 s3;
	p2 =	sne.s32 s12, s9  }
.Ltmp1:
0x1c: {  	p1 =	slt.u32 s12, $0x2;
	(pc) =	sbr.rel @!p2 .LBB2_6-.Ltmp1, $4  }
0x1d: {  	s14 =	simm.s32 @!p1 $0x3  }
0x1e: {  	s16 =	sadd.s32 $0x1, s12;
	_ =	swait.ge @!p1 [sflag:s14], $0x80  }
0x1f: {  	s13 =	smov.u32 s11;
	p0 =	por !p0, !p0;
	[sflag:s14] =	ssyncset.done @!p1 $0x0  }
0x20: {  	s12 =	smov.u32 s16;
	s11 =	smov.u32 s15;
	[sflag:s14] =	ssyncadd.s32 @!p1 $0xFFFFFF80  }
.LBB2_1:
0x21: {  	p1 =	sge.u32 s12, s8  }
0x22: {  	s14 =	sxor.u32 @!p1 $0xFFFFFFFF, s12  }
0x23: {  	s31 =	sadd.s32 $0xFFFFFFFF, s12;
	s15 =	sshrl.u32 @!p1 s11, $0x3;
	s14 =	sshll.u32 @!p1 s14, $0x7  }
0x24: {  	s16 =	sand.u32 @!p1 $0x7, s11;
	s15 =	sadd.s32 @!p1 s4, s15;
	s14 =	sand.u32 @!p1 $0x80, s14  }
0x25: {  	[tilespmem:s14], [sflag:$0x2] =	stream.linear.gather @!p1 [hbm4b:s15+s16], $0x80, $0x38;
	[tilespmem:$0x200] =	vst v63  }
0x26: {  	p1 =	sge.u32 s31, s8  }
.Ltmp2:
0x27: {  	_ = 	snop;
	(pc) =	sbr.rel @p1 .LBB2_5-.Ltmp2, $1  }
0x28: {  	_ =	sdelay $0x3  }
0x29: {  	s14 =	simm.s32 $0x1  }
0x2a: {  	_ =	swait.ge [sflag:s7], $0x80;
	s14 =	simm.s32 @!p0 $0x0  }
0x2b: {  	[sflag:s7] =	ssyncset.done $0x0;
	s14 =	sshll.u32 s14, $0x7  }
0x2c: {  	[sflag:s7] =	ssyncadd.s32 $0xFFFFFF80;
	(ifvalue) =	ssetifvalue $0x7FFFFFFF;
	v0 =	vld.msk [tilespmem:s14+$0x0 ss:$0x1], $0xffff;
	_ =	sdelay $0x4  }
0x2d: {  	s15 =	sadd.s32 $0x10, s14;
	vm1 =	vgt.s32 v0, $0x0  }
0x2e: {  	v2 =	vld.msk [tilespmem:s15+$0x0 ss:$0x1], $0xffff;
	v1 =	vnsel vm1, $0x0, v0  }
0x2f: {  	v1 =	vmin.u32 v1, $0x30D3F;
	_ =	sdelay $0x1  }
0x30: {  	s16 =	sshll.u32 s12, $0x7;
	s18 =	simm.s32 $0x20  }
0x31: {  	s16 =	sand.u32 $0x80, s16;
	s17 =	sadd.s32 $0x10, s15;
	s15 =	sor.u32 $0x100, s14  }
0x32: {  	s14 =	sor.u32 $0x100, s16;
	s16 =	sadd.s32 $0x10, s15;
	v0 =	vld.msk [tilespmem:s17+$0x0 ss:$0x1], $0xffff;
	vm1 =	vgt.s32 v2, $0x0;
	(ifvalue) =	ssetifvalue $0x7FFFFFFF  }
.LBB2_3:
0x33: {  	[tilespmem:s15], [sflag:$0x1] =	stream.indirect_vreg.gather [hbm4b:s2+s10], $0x1, v1, vm0, $0x4038;
	[tilespmem:$0x200] =	vst v63  }
0x34: {  	s18 =	sadd.s32 $0x10, s18  }
0x35: {  	v2 =	vnsel vm1, $0x0, v2;
	p1 =	slt.u32 s18, $0x70  }
.Ltmp3:
0x36: {  	s15 =	smov.u32 s16;
	v1 =	vmin.u32 v2, $0x30D3F;
	(pc) =	sbr.rel @p1 .LBB2_3-.Ltmp3, $3  }
0x37: {  	_ =	sdelay $0x1  }
0x38: {  	s17 =	sadd.s32 $0x10, s17  }
0x39: {  	vm1 =	vgt.s32 v0, $0x0;
	s16 =	sadd.s32 $0x10, s16;
	v2 =	vmov v0;
	(ifvalue) =	ssetifvalue $0x7FFFFFFF;
	v0 =	vld.msk [tilespmem:s17+$0x0 ss:$0x1], $0xffff  }
.Ltmp4:
0x3a: {  	_ = 	snop;
	(pc) =	sbr.rel .LBB2_4-.Ltmp4, $1  }
0x3b: {  	_ =	sdelay $0x3  }
.LBB2_6:
0x3c: {  	_ =	sfence.sel $0x180000  }
0x3d: {  	s2 =	simm.s32 $0x2;
	[bflag:$0x0] =	sbarrier.arrive $0xFFFF  }
0x3e: {  	s30 =	simm.s32 $0x3;
	[sflag:s2] =	ssyncpa.u1 $0x1  }
0x3f: {  	s31 =	simm.s32 $0x1;
	[sflag:s30] =	ssyncpa.u1 $0x1  }
0x40: {  	[sflag:s31] =	ssyncpa.u1 $0x1  }
0x41: {  	p0 =	sne.s32 s1, $0x0;
	_ =	strace $0x90000050  }
0x42: {  	s0 =	sadd.s32 @!p0 $0x100000, s0;
	[bflag:$0x2] =	sbarrier.arrive $0xFFFF  }
0x43: {  	[sflag:s0] =	ssyncadd.tile.s32 @!p0 $0x1;
	_ =	shalt  }
.Lfunc_end2:
_tile_overlayer_lowered:
.L_overlay_start_2:
0x44: {  	(tag) =	ssettag $0x2  }
0x45: {  	s0 =	rddreg [dreg:$0x0];
	s2 =	stileid.u32  }
0x46: {  	s1 =	rddreg [dreg:$0x1];
	p0 =	sne.s32 s2, $0x0  }
0x47: {  	s3 =	rddreg [dreg:$0x2];
	[bflag:$0x3] =	sbarrier.arrive $0xFFFF;
	s2 =	simm.s32 @!p0 $0x1C01  }
0x48: {  	[timem:s3], [sflag:s2] =	dma.local @!p0 [hbm:s0], s1  }
0x49: {  	s0 =	simm.s32 @!p0 $0x1  }
0x4a: {  	_ =	swait.ge @!p0 [sflag:s0], s1  }
0x4b: {  	s1 =	ssub.s32 @!p0 $0x0, s1;
	[sflag:s0] =	ssyncset.done @!p0 $0x0  }
0x4c: {  	[sflag:s0] =	ssyncadd.s32 @!p0 s1  }
0x4d: {  	[bflag:$0x3] =	sbarrier.arrive $0xFFFF  }
0x4e: {  	_ =	shalt  }

// kernel: gather_offload_async_start.5
scs
__scs_entry_jumppad:
0x0: {  	(pc) =	sbr.rel $0x88, $3  }
0x1: {  	(tag) =	ssettag $0x0;
	lr =	simm.s32 $0x1  }
0x2: {  	[smem:$0x3F7D] =	sst lr;
	_ =	strace $0xD0000000  }
0x3: {  	_ = 	snop  }
0x4: {  	_ = 	snop  }
0x5: {  	_ = 	snop  }
0x6: {  	_ = 	snop  }
0x7: {  	_ = 	snop  }
__scs_overlays_trampoline_lowered:
0x8: {  	[smem:$0x3F8C] =	sst s0  }
0x9: {  	[smem:$0x3F8D] =	sst s1  }
0xa: {  	[smem:$0x3F8E] =	sst s2  }
0xb: {  	[smem:$0x3F8F] =	sst s3  }
0xc: {  	[smem:$0x3F90] =	sst s4  }
0xd: {  	[smem:$0x3F91] =	sst s5  }
0xe: {  	[smem:$0x3F92] =	sst s6  }
0xf: {  	[smem:$0x3F93] =	sst s7  }
0x10: {  	[smem:$0x3F94] =	sst s8  }
0x11: {  	[smem:$0x3F95] =	sst s9;
	s0 =	simm.s32 @!p0 $0x0  }
0x12: {  	s1 =	sld [smem:$0x3F7B];
	s0 =	simm.s32 @p0 $0x1  }
0x13: {  	[smem:$0x3F96] =	sst s0;
	s0 =	simm.s32 @!p1 $0x0  }
0x14: {  	s2 =	sld [smem:$0x3F7A];
	s0 =	simm.s32 @p1 $0x1  }
0x15: {  	[smem:$0x3F97] =	sst s0;
	s0 =	simm.s32 @!p2 $0x0  }
0x16: {  	s3 =	sld [smem:$0x3FDB];
	s0 =	simm.s32 @p2 $0x1  }
0x17: {  	s4 =	simm.s32 $0x1BF5;
	[smem:$0x3F99] =	sst s0  }
0x18: {  	s0 =	sld [smem:$0x3F7C];
	_ =	swait.ge [sflag:s4], $0x0  }
0x19: {  	s7 =	sld [smem:$0x3F7D]  }
0x1a: {  	s8 =	sadd.s32 $0xFFFFE003, lr  }
0x1b: {  	s9 =	sadd.s32 $0xFFFFFEF7, lr;
	s5 =	simm.s32 $0xFFFFFFFF;
	p2 =	slt.u32 s8, $0xFFFFF086  }
0x1c: {  	p1 =	slt.u32 s9, $0xF7A;
	s5 =	simm.s32 @!p2 $0x0  }
0x1d: {  	s5 =	simm.s32 @p1 $0x1;
	p0 =	seq.s32 s7, s2  }
0x1e: {  	s7 =	smul.u32 @!p0 $0xF7A, s2;
	p2 =	seq.s32 @!p0 s5, $0x0  }
0x1f: {  	s9 =	smul.u32 $0xF7A, s1;
	s8 =	simm.s32 @!p0 $0x1BF5;
	p2 =	por !p2, p0  }
0x20: {  	[sflag:s8] =	ssyncset.s32 @!p0 $0xFFFFF086;
	s6 =	sadd.s32 @!p0 s3, s7;
	s7 =	simm.s32 @!p0 $0x108  }
0x21: {  	s3 =	sadd.s32 s3, s9;
	s6 =	sadd.s32 @!p0 $0x88, s6;
	s7 =	simm.s32 @p2 $0x1082  }
0x22: {  	[simem:s7], [sflag:s8] =	dma.local @!p0 [hbm:s6], $0xF7A  }
0x23: {  	s9 =	sor.u32 $0xD0000000, s2;
	s6 =	simm.s32 $0x108;
	_ =	swait.ge @!p0 [sflag:s8], $0x0  }
0x24: {  	s3 =	sadd.s32 $0x88, s3;
	s6 =	simm.s32 @!p1 $0x1082;
	[sflag:s4] =	ssyncset.s32 $0xFFFFF086  }
0x25: {  	[simem:s6], [sflag:s4] =	dma.local [hbm:s3], $0xF7A  }
0x26: {  	[smem:$0x3F7D] =	sst s1;
	(tag) =	ssettag s2;
	_ =	strace s9  }
0x27: {  	s1 =	sld [smem:$0x3F8D]  }
0x28: {  	s2 =	sld [smem:$0x3F8E]  }
0x29: {  	s4 =	sld [smem:$0x3F90]  }
0x2a: {  	p0 =	seq.s32 s5, $0x0;
	s5 =	sld [smem:$0x3F91]  }
0x2b: {  	s6 =	sld [smem:$0x3F92]  }
0x2c: {  	s7 =	sld [smem:$0x3F93]  }
0x2d: {  	s3 =	simm.s32 $0x108;
	s8 =	sld [smem:$0x3F94]  }
0x2e: {  	s3 =	simm.s32 @!p0 $0x1082;
	s9 =	sld [smem:$0x3F95]  }
0x2f: {  	lr =	sadd.s32 s0, s3;
	s0 =	sld [smem:$0x3F8C]  }
0x30: {  	s3 =	sld [smem:$0x3F8F]  }
0x31: {  	[smem:$0x3F98] =	sst s10  }
0x32: {  	s10 =	sld [smem:$0x3F96];
	_ =	sdelay $0x3  }
0x33: {  	p0 =	seq.s32 s10, $0x1;
	s10 =	sld [smem:$0x3F98];
	_ =	sdelay $0x3  }
0x34: {  	[smem:$0x3F98] =	sst s10  }
0x35: {  	s10 =	sld [smem:$0x3F97];
	_ =	sdelay $0x3  }
0x36: {  	p1 =	seq.s32 s10, $0x1;
	s10 =	sld [smem:$0x3F98];
	_ =	sdelay $0x3  }
0x37: {  	[smem:$0x3F98] =	sst s10  }
0x38: {  	s10 =	sld [smem:$0x3F99]  }
0x39: {  	_ = 	snop;
	(pc) =	sbr.ind lr, $3  }
0x3a: {  	_ = 	snop  }
0x3b: {  	_ = 	snop  }
0x3c: {  	p2 =	seq.s32 s10, $0x1;
	s10 =	sld [smem:$0x3F98]  }
0x3d: {  	_ =	shalt  }
0x3e: {  	_ =	shalt  }
0x3f: {  	_ =	shalt  }
0x40: {  	_ =	shalt  }
0x41: {  	_ =	shalt  }
0x42: {  	_ =	shalt  }
0x43: {  	_ =	shalt  }
0x44: {  	_ =	shalt  }
0x45: {  	_ =	shalt  }
0x46: {  	_ =	shalt  }
0x47: {  	_ =	shalt  }
0x48: {  	_ =	shalt  }
0x49: {  	_ =	shalt  }
0x4a: {  	_ =	shalt  }
0x4b: {  	_ =	shalt  }
0x4c: {  	_ =	shalt  }
0x4d: {  	_ =	shalt  }
0x4e: {  	_ =	shalt  }
0x4f: {  	_ =	shalt  }
0x50: {  	_ =	shalt  }
0x51: {  	_ =	shalt  }
0x52: {  	_ =	shalt  }
0x53: {  	_ =	shalt  }
0x54: {  	_ =	shalt  }
0x55: {  	_ =	shalt  }
0x56: {  	_ =	shalt  }
0x57: {  	_ =	shalt  }
0x58: {  	_ =	shalt  }
0x59: {  	_ =	shalt  }
0x5a: {  	_ =	shalt  }
0x5b: {  	_ =	shalt  }
0x5c: {  	_ =	shalt  }
0x5d: {  	_ =	shalt  }
0x5e: {  	_ =	shalt  }
0x5f: {  	_ =	shalt  }
0x60: {  	_ =	shalt  }
0x61: {  	_ =	shalt  }
0x62: {  	_ =	shalt  }
0x63: {  	_ =	shalt  }
0x64: {  	_ =	shalt  }
0x65: {  	_ =	shalt  }
0x66: {  	_ =	shalt  }
0x67: {  	_ =	shalt  }
0x68: {  	_ =	shalt  }
0x69: {  	_ =	shalt  }
0x6a: {  	_ =	shalt  }
0x6b: {  	_ =	shalt  }
0x6c: {  	_ =	shalt  }
0x6d: {  	_ =	shalt  }
0x6e: {  	_ =	shalt  }
0x6f: {  	_ =	shalt  }
0x70: {  	_ =	shalt  }
0x71: {  	_ =	shalt  }
0x72: {  	_ =	shalt  }
0x73: {  	_ =	shalt  }
0x74: {  	_ =	shalt  }
0x75: {  	_ =	shalt  }
0x76: {  	_ =	shalt  }
0x77: {  	_ =	shalt  }
0x78: {  	_ =	shalt  }
0x79: {  	_ =	shalt  }
0x7a: {  	_ =	shalt  }
0x7b: {  	_ =	shalt  }
0x7c: {  	_ =	shalt  }
0x7d: {  	_ =	shalt  }
0x7e: {  	_ =	shalt  }
0x7f: {  	_ =	shalt  }
0x80: {  	_ =	shalt  }
0x81: {  	_ =	shalt  }
0x82: {  	_ =	shalt  }
0x83: {  	_ =	shalt  }
0x84: {  	_ =	shalt  }
0x85: {  	_ =	shalt  }
0x86: {  	_ =	shalt  }
0x87: {  	_ =	shalt  }
.Lfunc_end0:
.L_simem_size_0:
called_computation.5_lowered:
.L_overlay_start_0:
0x88: {  	s2 =	sld [smem:$0x3FD9]  }
0x89: {  	s3 =	sld [smem:$0x3FFE];
	_ =	sdelay $0x1  }
0x8a: {  	s1 =	srdreg.scid  }
0x8b: {  	s0 =	sand.u32 $0x1, s1  }
0x8c: {  	s16 =	sshll.u32 s0, $0xA;
	s2 =	sadd.s32 s3, s2  }
0x8d: {  	s2 =	sadd.s32 s2, s16  }
0x8e: {  	[smem:$0x3FA4] =	sst s2  }
0x8f: {  	_ = 	snop  }
0x90: {  	(tm) =	ssettm $0x1  }
0x91: {  	s17 =	sld [smem:$0x3FFB];
	_ =	sdelay $0x3  }
0x92: {  	_ =	strace s17  }
0x93: {  	s2 =	sld [smem:$0x3FFC];
	_ =	sdelay $0x3  }
0x94: {  	_ =	strace s2  }
0x95: {  	s2 =	sld [smem:$0x3FFD];
	_ =	sdelay $0x3  }
0x96: {  	_ =	strace s2  }
0x97: {  	_ =	strace $0x8FFFFFFF  }
0x98: {  	s18 =	sld [smem:$0x3FDB];
	_ =	sdelay $0x1  }
0x99: {  	s19 =	simm.s32 $_scs_section_size  }
0x9a: {  	s4 =	simm.s32 $_size__tile_overlayer_lowered;
	s5 =	simm.s32 $_tile_overlayer_lowered  }
0x9b: {  	s22 =	simm.s32 $0x1BFF;
	s21 =	sshll.u32 s5, $0x1;
	s2 =	sadd.s32 s19, s18  }
0x9c: {  	s6 =	simm.s32 $0x0;
	s20 =	sshll.u32 s4, $0x1;
	s4 =	sadd.s32 s21, s2  }
0x9d: {  	[timem:s6], [sflag:s22] =	dma.local [hbm:s4], s20  }
0x9e: {  	_ =	swait.ge [sflag:s22], s20  }
0x9f: {  	s3 =	ssub.s32 $0x0, s20;
	[sflag:s22] =	ssyncset.done $0x0  }
0xa0: {  	[sflag:s22] =	ssyncadd.s32 s3;
	_ =	sdelay $0x1  }
0xa1: {  	s23 =	simm.s32 $0x1B8B  }
0xa2: {  	_ =	swait.ge [sflag:s23], $0x1  }
0xa3: {  	[sflag:s23] =	ssyncset.done $0x0  }
0xa4: {  	s25 =	simm.s32 $0x1B8E;
	s24 =	sld [smem:$0x3FFE];
	[sflag:s23] =	ssyncadd.s32 $0xFFFFFFFF  }
0xa5: {  	s26 =	simm.s32 $execute0_lowered;
	[smem:$0x3FD2] =	sst s25  }
0xa6: {  	s4 =	sshll.u32 s26, $0x1;
	_ =	strace $0x8000005B;
	[dreg:$0x1] =	wrdreg $0xFFFFFFFF  }
0xa7: {  	s28 =	simm.s32 $_size_execute0_lowered;
	s2 =	sadd.s32 s2, s4;
	[dreg:$0x0] =	wrdreg $0x0  }
0xa8: {  	s4 =	sshll.u32 s28, $0x1;
	[dreg:$0x2] =	wrdreg s2  }
0xa9: {  	[dreg:$0x3] =	wrdreg s4  }
0xaa: {  	[dreg:$0x4] =	wrdreg $0xC0  }
0xab: {  	_ =	task [dreg:s6], $0x5FFFF  }
0xac: {  	[dreg:$0x1] =	wrdreg $0xFFFFFFFF  }
0xad: {  	[dreg:$0x0] =	wrdreg $0x60  }
0xae: {  	[dreg:$0x2] =	wrdreg s24  }
0xaf: {  	[dreg:$0x3] =	wrdreg $0x9  }
0xb0: {  	_ =	task.clear_ibuf [dreg:s6], $0x4FFFF;
	_ =	strace $0x9000005B  }
0xb1: {  	s29 =	simm.s32 $0x9;
	_ =	strace $0x8000005D  }
0xb2: {  	_ =	swait.ge [sflag:s29], $0x1  }
0xb3: {  	[sflag:s29] =	ssyncadd.s32 $0xFFFFFFFF  }
0xb4: {  	_ =	strace $0x9000005D  }
0xb5: {  	_ =	sfence  }
0xb6: {  	s30 =	sld [smem:$0x0];
	_ =	sdelay $0x2  }
0xb7: {  	s31 =	sshll.u32 s1, $0xD;
	s1 =	sshrl.u32 s1, $0x2  }
0xb8: {  	s3 =	sand.u32 $0x4000, s31;
	s1 =	sadd.s32 s1, s30  }
0xb9: {  	s0 =	sor.u32 s3, s0;
	s1 =	sshll.u32 s1, $0x11  }
0xba: {  	s0 =	sor.u32 s1, s0  }
0xbb: {  	s0 =	sadd.s32 $0x8F2B, s0  }
0xbc: {  	[sflag:s0] =	ssyncadd.remote.s32 $0x1  }
0xbd: {  	_ =	sfence.sel $0xFFFF  }
0xbe: {  	[dreg:$0x0] =	wrdreg $0xFFFFFFFF;
	(pc) =	sbr.abs _section_cstart, $3  }
0xbf: {  	[dreg:$0x1] =	wrdreg $0xFFFFFFFF  }
0xc0: {  	_ =	task.clear_ibuf [dreg:s6], $0x2FFFF;
	_ =	strace $0x9FFFFFFF  }
0xc1: {  	(tm) =	ssettm $0x7FFFFFFF  }
tec
execute0_lowered:
.L_overlay_start_1:
0x0: {  	(tag) =	ssettag $0x1  }
0x1: {  	s8 =	rddreg [dreg:$0x0]  }
0x2: {  	s0 =	rddreg [dreg:$0x1];
	_ =	strace $0x8000005C;
	s1 =	stileid.u32  }
0x3: {  	s3 =	srdreg.scid;
	s4 =	simm.s32 $0x1;
	s7 =	simm.s32 $0x1  }
0x4: {  	s9 =	simm.s32 $0x1;
	s10 =	simm.s32 $0x3;
	s13 =	simm.s32 $0x0  }
0x5: {  	s12 =	simm.s32 $0x0;
	s5 =	sand.u32 $0x1, s3;
	s6 =	sshll.u32 s1, $0x1  }
0x6: {  	s2 =	sadd.s32 $0x36C00, s8;
	s3 =	sadd.s32 $0x43000, s8;
	s5 =	sor.u32 s6, s5  }
.Ltmp0:
0x7: {  	[sflag:s4] =	ssyncpa.u1 $0x0;
	p0 =	slt.u32 s5, $0x13;
	(pc) =	sbr.rel .LBB2_1-.Ltmp0, $4  }
0x8: {  	s6 =	simm.s32 $0x2;
	s7 =	simm.s32 @!p0 $0x0;
	p0 =	sne.s32 s5, $0x12  }
0x9: {  	[sflag:s6] =	ssyncpa.u1 $0x0;
	s5 =	smul.u32 $0xFA0, s5;
	s9 =	simm.s32 @!p0 $0x0  }
0xa: {  	s8 =	sadd.s32 $0x1D800, s8;
	[sflag:s10] =	ssyncpa.u1 $0x0;
	s7 =	sadd.s32 s9, s7  }
0xb: {  	vm0 =	vmmov $0xffff;
	s10 =	simm.s32 $0x0;
	s11 =	smov.u32 s5;
	s9 =	sadd.s32 $0x1, s7  }
.LBB2_4:
0xc: {  	v2 =	vnsel vm1, $0x0, v2  }
0xd: {  	vm1 =	vgt.s32 v0, $0x0;
	v2 =	vmin.u32 v2, $0x30D3F  }
0xe: {  	v0 =	vnsel vm1, $0x0, v0  }
0xf: {  	v0 =	vmin.u32 v0, $0x30D3F  }
0x10: {  	[tilespmem:s18], [sflag:$0x1] =	stream.indirect_vreg.gather [hbm4b:s2+s10], $0x1, v1, vm0, $0x4038;
	[tilespmem:$0x3E80] =	vst v63  }
0x11: {  	(ifvalue) =	ssetifvalue $0x7FFFFFFF  }
0x12: {  	[tilespmem:s15], [sflag:$0x1] =	stream.indirect_vreg.gather [hbm4b:s2+s10], $0x1, v2, vm0, $0x4038;
	[tilespmem:$0x3E80] =	vst v63  }
0x13: {  	s29 =	sadd.s32 $0x10, s15;
	(ifvalue) =	ssetifvalue $0x7FFFFFFF  }
0x14: {  	[tilespmem:s29], [sflag:$0x1] =	stream.indirect_vreg.gather [hbm4b:s2+s10], $0x1, v0, vm0, $0x4038;
	[tilespmem:$0x3E80] =	vst v63  }
0x15: {  	_ =	swait.ge [sflag:s4], $0xFA0  }
0x16: {  	s30 =	sshrl.u32 s13, $0x3;
	[sflag:s4] =	ssyncset.done $0x0  }
0x17: {  	s31 =	sand.u32 $0x7, s13;
	s15 =	sadd.s32 s8, s30;
	[sflag:s4] =	ssyncadd.s32 $0xFFFFF060  }
0x18: {  	[hbm4b:s15+s31] =	stream.linear.scatter [tilespmem:s14], [sflag:$0x3], $0xFA0, $0x38;
	[tilespmem:$0x3E80] =	vst v63  }
.LBB2_5:
0x19: {  	s15 =	sadd.s32 $0x1F400, s11  }
0x1a: {  	p1 =	sgt.s32 s15, $0x30D3F  }
0x1b: {  	s15 =	smov.u32 @p1 s5;
	p1 =	sne.s32 s12, s9  }
.Ltmp1:
0x1c: {  	p0 =	slt.u32 s12, $0x2;
	(pc) =	sbr.rel @!p1 .LBB2_6-.Ltmp1, $4  }
0x1d: {  	s14 =	simm.s32 @!p0 $0x3  }
0x1e: {  	_ =	swait.ge @!p0 [sflag:s14], $0xFA0  }
0x1f: {  	s16 =	sadd.s32 $0x1, s12;
	s13 =	smov.u32 s11;
	[sflag:s14] =	ssyncset.done @!p0 $0x0  }
0x20: {  	s12 =	smov.u32 s16;
	s11 =	smov.u32 s15;
	[sflag:s14] =	ssyncadd.s32 @!p0 $0xFFFFF060  }
.LBB2_1:
0x21: {  	p0 =	sge.u32 s12, s7  }
0x22: {  	s14 =	sxor.u32 @!p0 $0x1, s12  }
0x23: {  	s14 =	smul.u32 @!p0 $0x3E80, s14  }
0x24: {  	s31 =	sadd.s32 $0xFFFFFFFF, s12;
	s15 =	sshrl.u32 @!p0 s11, $0x3  }
0x25: {  	s16 =	sand.u32 @!p0 $0x7, s11;
	s15 =	sadd.s32 @!p0 s3, s15;
	s14 =	sshra.s32 @!p0 s14, $0x2  }
0x26: {  	[tilespmem:s14], [sflag:$0x2] =	stream.linear.gather @!p0 [hbm4b:s15+s16], $0xFA0, $0x38;
	[tilespmem:$0x3E80] =	vst v63  }
0x27: {  	p0 =	sge.u32 s31, s7  }
.Ltmp2:
0x28: {  	_ = 	snop;
	(pc) =	sbr.rel @p0 .LBB2_5-.Ltmp2, $1  }
0x29: {  	_ =	sdelay $0x3  }
0x2a: {  	s14 =	sand.u32 $0x1, s12  }
0x2b: {  	_ =	swait.ge [sflag:s6], $0xFA0;
	p0 =	seq.s32 s14, $0x1;
	s14 =	simm.s32 $0xFA0  }
0x2c: {  	[sflag:s6] =	ssyncset.done $0x0;
	s14 =	simm.s32 @!p0 $0x0  }
0x2d: {  	[sflag:s6] =	ssyncadd.s32 $0xFFFFF060;
	(ifvalue) =	ssetifvalue $0x7FFFFFFF;
	v0 =	vld.msk [tilespmem:s14+$0x0 ss:$0x1], $0xffff;
	_ =	sdelay $0x4  }
0x2e: {  	s15 =	sadd.s32 $0x10, s14;
	vm1 =	vgt.s32 v0, $0x0  }
0x2f: {  	v2 =	vld.msk [tilespmem:s15+$0x0 ss:$0x1], $0xffff;
	v1 =	vnsel vm1, $0x0, v0  }
0x30: {  	v1 =	vmin.u32 v1, $0x30D3F;
	_ =	sdelay $0x2  }
0x31: {  	s17 =	simm.s32 $0x20;
	s14 =	sadd.s32 $0x1F40, s14;
	s16 =	sadd.s32 $0x10, s15  }
0x32: {  	s15 =	sadd.s32 $0x10, s14;
	s18 =	smov.u32 s14;
	v0 =	vld.msk [tilespmem:s16+$0x0 ss:$0x1], $0xffff;
	vm1 =	vgt.s32 v2, $0x0;
	(ifvalue) =	ssetifvalue $0x7FFFFFFF  }
.LBB2_3:
0x33: {  	[tilespmem:s18], [sflag:$0x1] =	stream.indirect_vreg.gather [hbm4b:s2+s10], $0x1, v1, vm0, $0x4038;
	[tilespmem:$0x3E80] =	vst v63  }
0x34: {  	s17 =	sadd.s32 $0x10, s17  }
0x35: {  	v2 =	vnsel vm1, $0x0, v2;
	p0 =	slt.u32 s17, $0xF90  }
.Ltmp3:
0x36: {  	s18 =	smov.u32 s15;
	v1 =	vmin.u32 v2, $0x30D3F;
	(pc) =	sbr.rel @p0 .LBB2_3-.Ltmp3, $3  }
0x37: {  	_ =	sdelay $0x1  }
0x38: {  	s16 =	sadd.s32 $0x10, s16  }
0x39: {  	vm1 =	vgt.s32 v0, $0x0;
	s15 =	sadd.s32 $0x10, s15;
	v2 =	vmov v0;
	(ifvalue) =	ssetifvalue $0x7FFFFFFF;
	v0 =	vld.msk [tilespmem:s16+$0x0 ss:$0x1], $0xffff  }
.Ltmp4:
0x3a: {  	_ = 	snop;
	(pc) =	sbr.rel .LBB2_4-.Ltmp4, $1  }
0x3b: {  	_ =	sdelay $0x3  }
.LBB2_6:
0x3c: {  	_ =	sfence.sel $0x180000  }
0x3d: {  	s2 =	simm.s32 $0x2;
	[bflag:$0x0] =	sbarrier.arrive $0xFFFF  }
0x3e: {  	s30 =	simm.s32 $0x3;
	[sflag:s2] =	ssyncpa.u1 $0x1  }
0x3f: {  	s31 =	simm.s32 $0x1;
	[sflag:s30] =	ssyncpa.u1 $0x1  }
0x40: {  	[sflag:s31] =	ssyncpa.u1 $0x1  }
0x41: {  	p0 =	sne.s32 s1, $0x0;
	_ =	strace $0x9000005C  }
0x42: {  	s0 =	sadd.s32 @!p0 $0x100000, s0;
	[bflag:$0x2] =	sbarrier.arrive $0xFFFF  }
0x43: {  	[sflag:s0] =	ssyncadd.tile.s32 @!p0 $0x1;
	_ =	shalt  }
.Lfunc_end2:
_tile_overlayer_lowered:
.L_overlay_start_2:
0x44: {  	(tag) =	ssettag $0x2  }
0x45: {  	s0 =	rddreg [dreg:$0x0];
	s2 =	stileid.u32  }
0x46: {  	s1 =	rddreg [dreg:$0x1];
	p0 =	sne.s32 s2, $0x0  }
0x47: {  	s3 =	rddreg [dreg:$0x2];
	[bflag:$0x3] =	sbarrier.arrive $0xFFFF;
	s2 =	simm.s32 @!p0 $0x1C01  }
0x48: {  	[timem:s3], [sflag:s2] =	dma.local @!p0 [hbm:s0], s1  }
0x49: {  	s0 =	simm.s32 @!p0 $0x1  }
0x4a: {  	_ =	swait.ge @!p0 [sflag:s0], s1  }
0x4b: {  	s1 =	ssub.s32 @!p0 $0x0, s1;
	[sflag:s0] =	ssyncset.done @!p0 $0x0  }
0x4c: {  	[sflag:s0] =	ssyncadd.s32 @!p0 s1  }
0x4d: {  	[bflag:$0x3] =	sbarrier.arrive $0xFFFF  }
0x4e: {  	_ =	shalt  }

// kernel: gather_offload_async_start.6
scs
__scs_entry_jumppad:
0x0: {  	(pc) =	sbr.rel $0x88, $3  }
0x1: {  	(tag) =	ssettag $0x0;
	lr =	simm.s32 $0x1  }
0x2: {  	[smem:$0x3F7D] =	sst lr;
	_ =	strace $0xD0000000  }
0x3: {  	_ = 	snop  }
0x4: {  	_ = 	snop  }
0x5: {  	_ = 	snop  }
0x6: {  	_ = 	snop  }
0x7: {  	_ = 	snop  }
__scs_overlays_trampoline_lowered:
0x8: {  	[smem:$0x3F8C] =	sst s0  }
0x9: {  	[smem:$0x3F8D] =	sst s1  }
0xa: {  	[smem:$0x3F8E] =	sst s2  }
0xb: {  	[smem:$0x3F8F] =	sst s3  }
0xc: {  	[smem:$0x3F90] =	sst s4  }
0xd: {  	[smem:$0x3F91] =	sst s5  }
0xe: {  	[smem:$0x3F92] =	sst s6  }
0xf: {  	[smem:$0x3F93] =	sst s7  }
0x10: {  	[smem:$0x3F94] =	sst s8  }
0x11: {  	[smem:$0x3F95] =	sst s9;
	s0 =	simm.s32 @!p0 $0x0  }
0x12: {  	s1 =	sld [smem:$0x3F7B];
	s0 =	simm.s32 @p0 $0x1  }
0x13: {  	[smem:$0x3F96] =	sst s0;
	s0 =	simm.s32 @!p1 $0x0  }
0x14: {  	s2 =	sld [smem:$0x3F7A];
	s0 =	simm.s32 @p1 $0x1  }
0x15: {  	[smem:$0x3F97] =	sst s0;
	s0 =	simm.s32 @!p2 $0x0  }
0x16: {  	s3 =	sld [smem:$0x3FDB];
	s0 =	simm.s32 @p2 $0x1  }
0x17: {  	s4 =	simm.s32 $0x1BF5;
	[smem:$0x3F99] =	sst s0  }
0x18: {  	s0 =	sld [smem:$0x3F7C];
	_ =	swait.ge [sflag:s4], $0x0  }
0x19: {  	s7 =	sld [smem:$0x3F7D]  }
0x1a: {  	s8 =	sadd.s32 $0xFFFFE003, lr  }
0x1b: {  	s9 =	sadd.s32 $0xFFFFFEF7, lr;
	s5 =	simm.s32 $0xFFFFFFFF;
	p2 =	slt.u32 s8, $0xFFFFF086  }
0x1c: {  	p1 =	slt.u32 s9, $0xF7A;
	s5 =	simm.s32 @!p2 $0x0  }
0x1d: {  	s5 =	simm.s32 @p1 $0x1;
	p0 =	seq.s32 s7, s2  }
0x1e: {  	s7 =	smul.u32 @!p0 $0xF7A, s2;
	p2 =	seq.s32 @!p0 s5, $0x0  }
0x1f: {  	s9 =	smul.u32 $0xF7A, s1;
	s8 =	simm.s32 @!p0 $0x1BF5;
	p2 =	por !p2, p0  }
0x20: {  	[sflag:s8] =	ssyncset.s32 @!p0 $0xFFFFF086;
	s6 =	sadd.s32 @!p0 s3, s7;
	s7 =	simm.s32 @!p0 $0x108  }
0x21: {  	s3 =	sadd.s32 s3, s9;
	s6 =	sadd.s32 @!p0 $0x88, s6;
	s7 =	simm.s32 @p2 $0x1082  }
0x22: {  	[simem:s7], [sflag:s8] =	dma.local @!p0 [hbm:s6], $0xF7A  }
0x23: {  	s9 =	sor.u32 $0xD0000000, s2;
	s6 =	simm.s32 $0x108;
	_ =	swait.ge @!p0 [sflag:s8], $0x0  }
0x24: {  	s3 =	sadd.s32 $0x88, s3;
	s6 =	simm.s32 @!p1 $0x1082;
	[sflag:s4] =	ssyncset.s32 $0xFFFFF086  }
0x25: {  	[simem:s6], [sflag:s4] =	dma.local [hbm:s3], $0xF7A  }
0x26: {  	[smem:$0x3F7D] =	sst s1;
	(tag) =	ssettag s2;
	_ =	strace s9  }
0x27: {  	s1 =	sld [smem:$0x3F8D]  }
0x28: {  	s2 =	sld [smem:$0x3F8E]  }
0x29: {  	s4 =	sld [smem:$0x3F90]  }
0x2a: {  	p0 =	seq.s32 s5, $0x0;
	s5 =	sld [smem:$0x3F91]  }
0x2b: {  	s6 =	sld [smem:$0x3F92]  }
0x2c: {  	s7 =	sld [smem:$0x3F93]  }
0x2d: {  	s3 =	simm.s32 $0x108;
	s8 =	sld [smem:$0x3F94]  }
0x2e: {  	s3 =	simm.s32 @!p0 $0x1082;
	s9 =	sld [smem:$0x3F95]  }
0x2f: {  	lr =	sadd.s32 s0, s3;
	s0 =	sld [smem:$0x3F8C]  }
0x30: {  	s3 =	sld [smem:$0x3F8F]  }
0x31: {  	[smem:$0x3F98] =	sst s10  }
0x32: {  	s10 =	sld [smem:$0x3F96];
	_ =	sdelay $0x3  }
0x33: {  	p0 =	seq.s32 s10, $0x1;
	s10 =	sld [smem:$0x3F98];
	_ =	sdelay $0x3  }
0x34: {  	[smem:$0x3F98] =	sst s10  }
0x35: {  	s10 =	sld [smem:$0x3F97];
	_ =	sdelay $0x3  }
0x36: {  	p1 =	seq.s32 s10, $0x1;
	s10 =	sld [smem:$0x3F98];
	_ =	sdelay $0x3  }
0x37: {  	[smem:$0x3F98] =	sst s10  }
0x38: {  	s10 =	sld [smem:$0x3F99]  }
0x39: {  	_ = 	snop;
	(pc) =	sbr.ind lr, $3  }
0x3a: {  	_ = 	snop  }
0x3b: {  	_ = 	snop  }
0x3c: {  	p2 =	seq.s32 s10, $0x1;
	s10 =	sld [smem:$0x3F98]  }
0x3d: {  	_ =	shalt  }
0x3e: {  	_ =	shalt  }
0x3f: {  	_ =	shalt  }
0x40: {  	_ =	shalt  }
0x41: {  	_ =	shalt  }
0x42: {  	_ =	shalt  }
0x43: {  	_ =	shalt  }
0x44: {  	_ =	shalt  }
0x45: {  	_ =	shalt  }
0x46: {  	_ =	shalt  }
0x47: {  	_ =	shalt  }
0x48: {  	_ =	shalt  }
0x49: {  	_ =	shalt  }
0x4a: {  	_ =	shalt  }
0x4b: {  	_ =	shalt  }
0x4c: {  	_ =	shalt  }
0x4d: {  	_ =	shalt  }
0x4e: {  	_ =	shalt  }
0x4f: {  	_ =	shalt  }
0x50: {  	_ =	shalt  }
0x51: {  	_ =	shalt  }
0x52: {  	_ =	shalt  }
0x53: {  	_ =	shalt  }
0x54: {  	_ =	shalt  }
0x55: {  	_ =	shalt  }
0x56: {  	_ =	shalt  }
0x57: {  	_ =	shalt  }
0x58: {  	_ =	shalt  }
0x59: {  	_ =	shalt  }
0x5a: {  	_ =	shalt  }
0x5b: {  	_ =	shalt  }
0x5c: {  	_ =	shalt  }
0x5d: {  	_ =	shalt  }
0x5e: {  	_ =	shalt  }
0x5f: {  	_ =	shalt  }
0x60: {  	_ =	shalt  }
0x61: {  	_ =	shalt  }
0x62: {  	_ =	shalt  }
0x63: {  	_ =	shalt  }
0x64: {  	_ =	shalt  }
0x65: {  	_ =	shalt  }
0x66: {  	_ =	shalt  }
0x67: {  	_ =	shalt  }
0x68: {  	_ =	shalt  }
0x69: {  	_ =	shalt  }
0x6a: {  	_ =	shalt  }
0x6b: {  	_ =	shalt  }
0x6c: {  	_ =	shalt  }
0x6d: {  	_ =	shalt  }
0x6e: {  	_ =	shalt  }
0x6f: {  	_ =	shalt  }
0x70: {  	_ =	shalt  }
0x71: {  	_ =	shalt  }
0x72: {  	_ =	shalt  }
0x73: {  	_ =	shalt  }
0x74: {  	_ =	shalt  }
0x75: {  	_ =	shalt  }
0x76: {  	_ =	shalt  }
0x77: {  	_ =	shalt  }
0x78: {  	_ =	shalt  }
0x79: {  	_ =	shalt  }
0x7a: {  	_ =	shalt  }
0x7b: {  	_ =	shalt  }
0x7c: {  	_ =	shalt  }
0x7d: {  	_ =	shalt  }
0x7e: {  	_ =	shalt  }
0x7f: {  	_ =	shalt  }
0x80: {  	_ =	shalt  }
0x81: {  	_ =	shalt  }
0x82: {  	_ =	shalt  }
0x83: {  	_ =	shalt  }
0x84: {  	_ =	shalt  }
0x85: {  	_ =	shalt  }
0x86: {  	_ =	shalt  }
0x87: {  	_ =	shalt  }
.Lfunc_end0:
.L_simem_size_0:
called_computation.6_lowered:
.L_overlay_start_0:
0x88: {  	s2 =	sld [smem:$0x3FD9]  }
0x89: {  	s3 =	sld [smem:$0x3FFE];
	_ =	sdelay $0x1  }
0x8a: {  	s1 =	srdreg.scid  }
0x8b: {  	s0 =	sand.u32 $0x1, s1  }
0x8c: {  	s16 =	sshll.u32 s0, $0xA;
	s2 =	sadd.s32 s3, s2  }
0x8d: {  	s2 =	sadd.s32 s2, s16  }
0x8e: {  	[smem:$0x3FA4] =	sst s2  }
0x8f: {  	_ = 	snop  }
0x90: {  	(tm) =	ssettm $0x1  }
0x91: {  	s17 =	sld [smem:$0x3FFB];
	_ =	sdelay $0x3  }
0x92: {  	_ =	strace s17  }
0x93: {  	s2 =	sld [smem:$0x3FFC];
	_ =	sdelay $0x3  }
0x94: {  	_ =	strace s2  }
0x95: {  	s2 =	sld [smem:$0x3FFD];
	_ =	sdelay $0x3  }
0x96: {  	_ =	strace s2  }
0x97: {  	_ =	strace $0x8FFFFFFF  }
0x98: {  	s18 =	sld [smem:$0x3FDB];
	_ =	sdelay $0x1  }
0x99: {  	s19 =	simm.s32 $_scs_section_size  }
0x9a: {  	s4 =	simm.s32 $_size__tile_overlayer_lowered;
	s5 =	simm.s32 $_tile_overlayer_lowered  }
0x9b: {  	s22 =	simm.s32 $0x1BFF;
	s21 =	sshll.u32 s5, $0x1;
	s2 =	sadd.s32 s19, s18  }
0x9c: {  	s6 =	simm.s32 $0x0;
	s20 =	sshll.u32 s4, $0x1;
	s4 =	sadd.s32 s21, s2  }
0x9d: {  	[timem:s6], [sflag:s22] =	dma.local [hbm:s4], s20  }
0x9e: {  	_ =	swait.ge [sflag:s22], s20  }
0x9f: {  	s3 =	ssub.s32 $0x0, s20;
	[sflag:s22] =	ssyncset.done $0x0  }
0xa0: {  	[sflag:s22] =	ssyncadd.s32 s3;
	_ =	sdelay $0x1  }
0xa1: {  	s23 =	simm.s32 $0x1B8B  }
0xa2: {  	_ =	swait.ge [sflag:s23], $0x1  }
0xa3: {  	[sflag:s23] =	ssyncset.done $0x0  }
0xa4: {  	s25 =	simm.s32 $0x1B8E;
	s24 =	sld [smem:$0x3FFE];
	[sflag:s23] =	ssyncadd.s32 $0xFFFFFFFF  }
0xa5: {  	s26 =	simm.s32 $execute0_lowered;
	[smem:$0x3FD2] =	sst s25  }
0xa6: {  	s4 =	sshll.u32 s26, $0x1;
	_ =	strace $0x80000049;
	[dreg:$0x1] =	wrdreg $0xFFFFFFFF  }
0xa7: {  	s28 =	simm.s32 $_size_execute0_lowered;
	s2 =	sadd.s32 s2, s4;
	[dreg:$0x0] =	wrdreg $0x0  }
0xa8: {  	s4 =	sshll.u32 s28, $0x1;
	[dreg:$0x2] =	wrdreg s2  }
0xa9: {  	[dreg:$0x3] =	wrdreg s4  }
0xaa: {  	[dreg:$0x4] =	wrdreg $0xC0  }
0xab: {  	_ =	task [dreg:s6], $0x5FFFF  }
0xac: {  	[dreg:$0x1] =	wrdreg $0xFFFFFFFF  }
0xad: {  	[dreg:$0x0] =	wrdreg $0x60  }
0xae: {  	[dreg:$0x2] =	wrdreg s24  }
0xaf: {  	[dreg:$0x3] =	wrdreg $0x9  }
0xb0: {  	_ =	task.clear_ibuf [dreg:s6], $0x4FFFF;
	_ =	strace $0x90000049  }
0xb1: {  	s29 =	simm.s32 $0x9;
	_ =	strace $0x8000004B  }
0xb2: {  	_ =	swait.ge [sflag:s29], $0x1  }
0xb3: {  	[sflag:s29] =	ssyncadd.s32 $0xFFFFFFFF  }
0xb4: {  	_ =	strace $0x9000004B  }
0xb5: {  	_ =	sfence  }
0xb6: {  	s30 =	sld [smem:$0x0];
	_ =	sdelay $0x2  }
0xb7: {  	s31 =	sshll.u32 s1, $0xD;
	s1 =	sshrl.u32 s1, $0x2  }
0xb8: {  	s3 =	sand.u32 $0x4000, s31;
	s1 =	sadd.s32 s1, s30  }
0xb9: {  	s0 =	sor.u32 s3, s0;
	s1 =	sshll.u32 s1, $0x11  }
0xba: {  	s0 =	sor.u32 s1, s0  }
0xbb: {  	s0 =	sadd.s32 $0x8F2B, s0  }
0xbc: {  	[sflag:s0] =	ssyncadd.remote.s32 $0x1  }
0xbd: {  	_ =	sfence.sel $0xFFFF  }
0xbe: {  	[dreg:$0x0] =	wrdreg $0xFFFFFFFF;
	(pc) =	sbr.abs _section_cstart, $3  }
0xbf: {  	[dreg:$0x1] =	wrdreg $0xFFFFFFFF  }
0xc0: {  	_ =	task.clear_ibuf [dreg:s6], $0x2FFFF;
	_ =	strace $0x9FFFFFFF  }
0xc1: {  	(tm) =	ssettm $0x7FFFFFFF  }
tec
execute0_lowered:
.L_overlay_start_1:
0x0: {  	(tag) =	ssettag $0x1  }
0x1: {  	s8 =	rddreg [dreg:$0x0]  }
0x2: {  	s0 =	rddreg [dreg:$0x1];
	_ =	strace $0x8000004A;
	s1 =	stileid.u32  }
0x3: {  	s3 =	srdreg.scid;
	s4 =	simm.s32 $0x1;
	s7 =	simm.s32 $0x1  }
0x4: {  	s9 =	simm.s32 $0x1;
	s10 =	simm.s32 $0x3;
	s13 =	simm.s32 $0x0  }
0x5: {  	s12 =	simm.s32 $0x0;
	s5 =	sand.u32 $0x1, s3;
	s6 =	sshll.u32 s1, $0x1  }
0x6: {  	s2 =	sadd.s32 $0x3CE00, s8;
	s3 =	sadd.s32 $0x43000, s8;
	s5 =	sor.u32 s6, s5  }
.Ltmp0:
0x7: {  	[sflag:s4] =	ssyncpa.u1 $0x0;
	p0 =	slt.u32 s5, $0x13;
	(pc) =	sbr.rel .LBB2_1-.Ltmp0, $4  }
0x8: {  	s6 =	simm.s32 $0x2;
	s7 =	simm.s32 @!p0 $0x0;
	p0 =	sne.s32 s5, $0x12  }
0x9: {  	[sflag:s6] =	ssyncpa.u1 $0x0;
	s5 =	smul.u32 $0xFA0, s5;
	s9 =	simm.s32 @!p0 $0x0  }
0xa: {  	s8 =	sadd.s32 $0x23A00, s8;
	[sflag:s10] =	ssyncpa.u1 $0x0;
	s7 =	sadd.s32 s9, s7  }
0xb: {  	vm0 =	vmmov $0xffff;
	s10 =	simm.s32 $0x0;
	s11 =	smov.u32 s5;
	s9 =	sadd.s32 $0x1, s7  }
.LBB2_4:
0xc: {  	v2 =	vnsel vm1, $0x0, v2  }
0xd: {  	vm1 =	vgt.s32 v0, $0x0;
	v2 =	vmin.u32 v2, $0x30D3F  }
0xe: {  	v0 =	vnsel vm1, $0x0, v0  }
0xf: {  	v0 =	vmin.u32 v0, $0x30D3F  }
0x10: {  	[tilespmem:s18], [sflag:$0x1] =	stream.indirect_vreg.gather [hbm4b:s2+s10], $0x1, v1, vm0, $0x4038;
	[tilespmem:$0x3E80] =	vst v63  }
0x11: {  	(ifvalue) =	ssetifvalue $0x7FFFFFFF  }
0x12: {  	[tilespmem:s15], [sflag:$0x1] =	stream.indirect_vreg.gather [hbm4b:s2+s10], $0x1, v2, vm0, $0x4038;
	[tilespmem:$0x3E80] =	vst v63  }
0x13: {  	s29 =	sadd.s32 $0x10, s15;
	(ifvalue) =	ssetifvalue $0x7FFFFFFF  }
0x14: {  	[tilespmem:s29], [sflag:$0x1] =	stream.indirect_vreg.gather [hbm4b:s2+s10], $0x1, v0, vm0, $0x4038;
	[tilespmem:$0x3E80] =	vst v63  }
0x15: {  	_ =	swait.ge [sflag:s4], $0xFA0  }
0x16: {  	s30 =	sshrl.u32 s13, $0x3;
	[sflag:s4] =	ssyncset.done $0x0  }
0x17: {  	s31 =	sand.u32 $0x7, s13;
	s15 =	sadd.s32 s8, s30;
	[sflag:s4] =	ssyncadd.s32 $0xFFFFF060  }
0x18: {  	[hbm4b:s15+s31] =	stream.linear.scatter [tilespmem:s14], [sflag:$0x3], $0xFA0, $0x38;
	[tilespmem:$0x3E80] =	vst v63  }
.LBB2_5:
0x19: {  	s15 =	sadd.s32 $0x1F400, s11  }
0x1a: {  	p1 =	sgt.s32 s15, $0x30D3F  }
0x1b: {  	s15 =	smov.u32 @p1 s5;
	p1 =	sne.s32 s12, s9  }
.Ltmp1:
0x1c: {  	p0 =	slt.u32 s12, $0x2;
	(pc) =	sbr.rel @!p1 .LBB2_6-.Ltmp1, $4  }
0x1d: {  	s14 =	simm.s32 @!p0 $0x3  }
0x1e: {  	_ =	swait.ge @!p0 [sflag:s14], $0xFA0  }
0x1f: {  	s16 =	sadd.s32 $0x1, s12;
	s13 =	smov.u32 s11;
	[sflag:s14] =	ssyncset.done @!p0 $0x0  }
0x20: {  	s12 =	smov.u32 s16;
	s11 =	smov.u32 s15;
	[sflag:s14] =	ssyncadd.s32 @!p0 $0xFFFFF060  }
.LBB2_1:
0x21: {  	p0 =	sge.u32 s12, s7  }
0x22: {  	s14 =	sxor.u32 @!p0 $0x1, s12  }
0x23: {  	s14 =	smul.u32 @!p0 $0x3E80, s14  }
0x24: {  	s31 =	sadd.s32 $0xFFFFFFFF, s12;
	s15 =	sshrl.u32 @!p0 s11, $0x3  }
0x25: {  	s16 =	sand.u32 @!p0 $0x7, s11;
	s15 =	sadd.s32 @!p0 s3, s15;
	s14 =	sshra.s32 @!p0 s14, $0x2  }
0x26: {  	[tilespmem:s14], [sflag:$0x2] =	stream.linear.gather @!p0 [hbm4b:s15+s16], $0xFA0, $0x38;
	[tilespmem:$0x3E80] =	vst v63  }
0x27: {  	p0 =	sge.u32 s31, s7  }
.Ltmp2:
0x28: {  	_ = 	snop;
	(pc) =	sbr.rel @p0 .LBB2_5-.Ltmp2, $1  }
0x29: {  	_ =	sdelay $0x3  }
0x2a: {  	s14 =	sand.u32 $0x1, s12  }
0x2b: {  	_ =	swait.ge [sflag:s6], $0xFA0;
	p0 =	seq.s32 s14, $0x1;
	s14 =	simm.s32 $0xFA0  }
0x2c: {  	[sflag:s6] =	ssyncset.done $0x0;
	s14 =	simm.s32 @!p0 $0x0  }
0x2d: {  	[sflag:s6] =	ssyncadd.s32 $0xFFFFF060;
	(ifvalue) =	ssetifvalue $0x7FFFFFFF;
	v0 =	vld.msk [tilespmem:s14+$0x0 ss:$0x1], $0xffff;
	_ =	sdelay $0x4  }
0x2e: {  	s15 =	sadd.s32 $0x10, s14;
	vm1 =	vgt.s32 v0, $0x0  }
0x2f: {  	v2 =	vld.msk [tilespmem:s15+$0x0 ss:$0x1], $0xffff;
	v1 =	vnsel vm1, $0x0, v0  }
0x30: {  	v1 =	vmin.u32 v1, $0x30D3F;
	_ =	sdelay $0x2  }
0x31: {  	s17 =	simm.s32 $0x20;
	s14 =	sadd.s32 $0x1F40, s14;
	s16 =	sadd.s32 $0x10, s15  }
0x32: {  	s15 =	sadd.s32 $0x10, s14;
	s18 =	smov.u32 s14;
	v0 =	vld.msk [tilespmem:s16+$0x0 ss:$0x1], $0xffff;
	vm1 =	vgt.s32 v2, $0x0;
	(ifvalue) =	ssetifvalue $0x7FFFFFFF  }
.LBB2_3:
0x33: {  	[tilespmem:s18], [sflag:$0x1] =	stream.indirect_vreg.gather [hbm4b:s2+s10], $0x1, v1, vm0, $0x4038;
	[tilespmem:$0x3E80] =	vst v63  }
0x34: {  	s17 =	sadd.s32 $0x10, s17  }
0x35: {  	v2 =	vnsel vm1, $0x0, v2;
	p0 =	slt.u32 s17, $0xF90  }
.Ltmp3:
0x36: {  	s18 =	smov.u32 s15;
	v1 =	vmin.u32 v2, $0x30D3F;
	(pc) =	sbr.rel @p0 .LBB2_3-.Ltmp3, $3  }
0x37: {  	_ =	sdelay $0x1  }
0x38: {  	s16 =	sadd.s32 $0x10, s16  }
0x39: {  	vm1 =	vgt.s32 v0, $0x0;
	s15 =	sadd.s32 $0x10, s15;
	v2 =	vmov v0;
	(ifvalue) =	ssetifvalue $0x7FFFFFFF;
	v0 =	vld.msk [tilespmem:s16+$0x0 ss:$0x1], $0xffff  }
.Ltmp4:
0x3a: {  	_ = 	snop;
	(pc) =	sbr.rel .LBB2_4-.Ltmp4, $1  }
0x3b: {  	_ =	sdelay $0x3  }
.LBB2_6:
0x3c: {  	_ =	sfence.sel $0x180000  }
0x3d: {  	s2 =	simm.s32 $0x2;
	[bflag:$0x0] =	sbarrier.arrive $0xFFFF  }
0x3e: {  	s30 =	simm.s32 $0x3;
	[sflag:s2] =	ssyncpa.u1 $0x1  }
0x3f: {  	s31 =	simm.s32 $0x1;
	[sflag:s30] =	ssyncpa.u1 $0x1  }
0x40: {  	[sflag:s31] =	ssyncpa.u1 $0x1  }
0x41: {  	p0 =	sne.s32 s1, $0x0;
	_ =	strace $0x9000004A  }
0x42: {  	s0 =	sadd.s32 @!p0 $0x100000, s0;
	[bflag:$0x2] =	sbarrier.arrive $0xFFFF  }
0x43: {  	[sflag:s0] =	ssyncadd.tile.s32 @!p0 $0x1;
	_ =	shalt  }
.Lfunc_end2:
_tile_overlayer_lowered:
.L_overlay_start_2:
0x44: {  	(tag) =	ssettag $0x2  }
0x45: {  	s0 =	rddreg [dreg:$0x0];
	s2 =	stileid.u32  }
0x46: {  	s1 =	rddreg [dreg:$0x1];
	p0 =	sne.s32 s2, $0x0  }
0x47: {  	s3 =	rddreg [dreg:$0x2];
	[bflag:$0x3] =	sbarrier.arrive $0xFFFF;
	s2 =	simm.s32 @!p0 $0x1C01  }
0x48: {  	[timem:s3], [sflag:s2] =	dma.local @!p0 [hbm:s0], s1  }
0x49: {  	s0 =	simm.s32 @!p0 $0x1  }
0x4a: {  	_ =	swait.ge @!p0 [sflag:s0], s1  }
0x4b: {  	s1 =	ssub.s32 @!p0 $0x0, s1;
	[sflag:s0] =	ssyncset.done @!p0 $0x0  }
0x4c: {  	[sflag:s0] =	ssyncadd.s32 @!p0 s1  }
0x4d: {  	[bflag:$0x3] =	sbarrier.arrive $0xFFFF  }
0x4e: {  	_ =	shalt  }

// kernel: gather_offload_async_start.7
scs
__scs_entry_jumppad:
0x0: {  	(pc) =	sbr.rel $0x88, $3  }
0x1: {  	(tag) =	ssettag $0x0;
	lr =	simm.s32 $0x1  }
0x2: {  	[smem:$0x3F7D] =	sst lr;
	_ =	strace $0xD0000000  }
0x3: {  	_ = 	snop  }
0x4: {  	_ = 	snop  }
0x5: {  	_ = 	snop  }
0x6: {  	_ = 	snop  }
0x7: {  	_ = 	snop  }
__scs_overlays_trampoline_lowered:
0x8: {  	[smem:$0x3F8C] =	sst s0  }
0x9: {  	[smem:$0x3F8D] =	sst s1  }
0xa: {  	[smem:$0x3F8E] =	sst s2  }
0xb: {  	[smem:$0x3F8F] =	sst s3  }
0xc: {  	[smem:$0x3F90] =	sst s4  }
0xd: {  	[smem:$0x3F91] =	sst s5  }
0xe: {  	[smem:$0x3F92] =	sst s6  }
0xf: {  	[smem:$0x3F93] =	sst s7  }
0x10: {  	[smem:$0x3F94] =	sst s8  }
0x11: {  	[smem:$0x3F95] =	sst s9;
	s0 =	simm.s32 @!p0 $0x0  }
0x12: {  	s1 =	sld [smem:$0x3F7B];
	s0 =	simm.s32 @p0 $0x1  }
0x13: {  	[smem:$0x3F96] =	sst s0;
	s0 =	simm.s32 @!p1 $0x0  }
0x14: {  	s2 =	sld [smem:$0x3F7A];
	s0 =	simm.s32 @p1 $0x1  }
0x15: {  	[smem:$0x3F97] =	sst s0;
	s0 =	simm.s32 @!p2 $0x0  }
0x16: {  	s3 =	sld [smem:$0x3FDB];
	s0 =	simm.s32 @p2 $0x1  }
0x17: {  	s4 =	simm.s32 $0x1BF5;
	[smem:$0x3F99] =	sst s0  }
0x18: {  	s0 =	sld [smem:$0x3F7C];
	_ =	swait.ge [sflag:s4], $0x0  }
0x19: {  	s7 =	sld [smem:$0x3F7D]  }
0x1a: {  	s8 =	sadd.s32 $0xFFFFE003, lr  }
0x1b: {  	s9 =	sadd.s32 $0xFFFFFEF7, lr;
	s5 =	simm.s32 $0xFFFFFFFF;
	p2 =	slt.u32 s8, $0xFFFFF086  }
0x1c: {  	p1 =	slt.u32 s9, $0xF7A;
	s5 =	simm.s32 @!p2 $0x0  }
0x1d: {  	s5 =	simm.s32 @p1 $0x1;
	p0 =	seq.s32 s7, s2  }
0x1e: {  	s7 =	smul.u32 @!p0 $0xF7A, s2;
	p2 =	seq.s32 @!p0 s5, $0x0  }
0x1f: {  	s9 =	smul.u32 $0xF7A, s1;
	s8 =	simm.s32 @!p0 $0x1BF5;
	p2 =	por !p2, p0  }
0x20: {  	[sflag:s8] =	ssyncset.s32 @!p0 $0xFFFFF086;
	s6 =	sadd.s32 @!p0 s3, s7;
	s7 =	simm.s32 @!p0 $0x108  }
0x21: {  	s3 =	sadd.s32 s3, s9;
	s6 =	sadd.s32 @!p0 $0x88, s6;
	s7 =	simm.s32 @p2 $0x1082  }
0x22: {  	[simem:s7], [sflag:s8] =	dma.local @!p0 [hbm:s6], $0xF7A  }
0x23: {  	s9 =	sor.u32 $0xD0000000, s2;
	s6 =	simm.s32 $0x108;
	_ =	swait.ge @!p0 [sflag:s8], $0x0  }
0x24: {  	s3 =	sadd.s32 $0x88, s3;
	s6 =	simm.s32 @!p1 $0x1082;
	[sflag:s4] =	ssyncset.s32 $0xFFFFF086  }
0x25: {  	[simem:s6], [sflag:s4] =	dma.local [hbm:s3], $0xF7A  }
0x26: {  	[smem:$0x3F7D] =	sst s1;
	(tag) =	ssettag s2;
	_ =	strace s9  }
0x27: {  	s1 =	sld [smem:$0x3F8D]  }
0x28: {  	s2 =	sld [smem:$0x3F8E]  }
0x29: {  	s4 =	sld [smem:$0x3F90]  }
0x2a: {  	p0 =	seq.s32 s5, $0x0;
	s5 =	sld [smem:$0x3F91]  }
0x2b: {  	s6 =	sld [smem:$0x3F92]  }
0x2c: {  	s7 =	sld [smem:$0x3F93]  }
0x2d: {  	s3 =	simm.s32 $0x108;
	s8 =	sld [smem:$0x3F94]  }
0x2e: {  	s3 =	simm.s32 @!p0 $0x1082;
	s9 =	sld [smem:$0x3F95]  }
0x2f: {  	lr =	sadd.s32 s0, s3;
	s0 =	sld [smem:$0x3F8C]  }
0x30: {  	s3 =	sld [smem:$0x3F8F]  }
0x31: {  	[smem:$0x3F98] =	sst s10  }
0x32: {  	s10 =	sld [smem:$0x3F96];
	_ =	sdelay $0x3  }
0x33: {  	p0 =	seq.s32 s10, $0x1;
	s10 =	sld [smem:$0x3F98];
	_ =	sdelay $0x3  }
0x34: {  	[smem:$0x3F98] =	sst s10  }
0x35: {  	s10 =	sld [smem:$0x3F97];
	_ =	sdelay $0x3  }
0x36: {  	p1 =	seq.s32 s10, $0x1;
	s10 =	sld [smem:$0x3F98];
	_ =	sdelay $0x3  }
0x37: {  	[smem:$0x3F98] =	sst s10  }
0x38: {  	s10 =	sld [smem:$0x3F99]  }
0x39: {  	_ = 	snop;
	(pc) =	sbr.ind lr, $3  }
0x3a: {  	_ = 	snop  }
0x3b: {  	_ = 	snop  }
0x3c: {  	p2 =	seq.s32 s10, $0x1;
	s10 =	sld [smem:$0x3F98]  }
0x3d: {  	_ =	shalt  }
0x3e: {  	_ =	shalt  }
0x3f: {  	_ =	shalt  }
0x40: {  	_ =	shalt  }
0x41: {  	_ =	shalt  }
0x42: {  	_ =	shalt  }
0x43: {  	_ =	shalt  }
0x44: {  	_ =	shalt  }
0x45: {  	_ =	shalt  }
0x46: {  	_ =	shalt  }
0x47: {  	_ =	shalt  }
0x48: {  	_ =	shalt  }
0x49: {  	_ =	shalt  }
0x4a: {  	_ =	shalt  }
0x4b: {  	_ =	shalt  }
0x4c: {  	_ =	shalt  }
0x4d: {  	_ =	shalt  }
0x4e: {  	_ =	shalt  }
0x4f: {  	_ =	shalt  }
0x50: {  	_ =	shalt  }
0x51: {  	_ =	shalt  }
0x52: {  	_ =	shalt  }
0x53: {  	_ =	shalt  }
0x54: {  	_ =	shalt  }
0x55: {  	_ =	shalt  }
0x56: {  	_ =	shalt  }
0x57: {  	_ =	shalt  }
0x58: {  	_ =	shalt  }
0x59: {  	_ =	shalt  }
0x5a: {  	_ =	shalt  }
0x5b: {  	_ =	shalt  }
0x5c: {  	_ =	shalt  }
0x5d: {  	_ =	shalt  }
0x5e: {  	_ =	shalt  }
0x5f: {  	_ =	shalt  }
0x60: {  	_ =	shalt  }
0x61: {  	_ =	shalt  }
0x62: {  	_ =	shalt  }
0x63: {  	_ =	shalt  }
0x64: {  	_ =	shalt  }
0x65: {  	_ =	shalt  }
0x66: {  	_ =	shalt  }
0x67: {  	_ =	shalt  }
0x68: {  	_ =	shalt  }
0x69: {  	_ =	shalt  }
0x6a: {  	_ =	shalt  }
0x6b: {  	_ =	shalt  }
0x6c: {  	_ =	shalt  }
0x6d: {  	_ =	shalt  }
0x6e: {  	_ =	shalt  }
0x6f: {  	_ =	shalt  }
0x70: {  	_ =	shalt  }
0x71: {  	_ =	shalt  }
0x72: {  	_ =	shalt  }
0x73: {  	_ =	shalt  }
0x74: {  	_ =	shalt  }
0x75: {  	_ =	shalt  }
0x76: {  	_ =	shalt  }
0x77: {  	_ =	shalt  }
0x78: {  	_ =	shalt  }
0x79: {  	_ =	shalt  }
0x7a: {  	_ =	shalt  }
0x7b: {  	_ =	shalt  }
0x7c: {  	_ =	shalt  }
0x7d: {  	_ =	shalt  }
0x7e: {  	_ =	shalt  }
0x7f: {  	_ =	shalt  }
0x80: {  	_ =	shalt  }
0x81: {  	_ =	shalt  }
0x82: {  	_ =	shalt  }
0x83: {  	_ =	shalt  }
0x84: {  	_ =	shalt  }
0x85: {  	_ =	shalt  }
0x86: {  	_ =	shalt  }
0x87: {  	_ =	shalt  }
.Lfunc_end0:
.L_simem_size_0:
called_computation.7_lowered:
.L_overlay_start_0:
0x88: {  	s2 =	sld [smem:$0x3FD9]  }
0x89: {  	s3 =	sld [smem:$0x3FFE];
	_ =	sdelay $0x1  }
0x8a: {  	s1 =	srdreg.scid  }
0x8b: {  	s0 =	sand.u32 $0x1, s1  }
0x8c: {  	s16 =	sshll.u32 s0, $0xA;
	s2 =	sadd.s32 s3, s2  }
0x8d: {  	s2 =	sadd.s32 s2, s16  }
0x8e: {  	[smem:$0x3FA4] =	sst s2  }
0x8f: {  	_ = 	snop  }
0x90: {  	(tm) =	ssettm $0x1  }
0x91: {  	s17 =	sld [smem:$0x3FFB];
	_ =	sdelay $0x3  }
0x92: {  	_ =	strace s17  }
0x93: {  	s2 =	sld [smem:$0x3FFC];
	_ =	sdelay $0x3  }
0x94: {  	_ =	strace s2  }
0x95: {  	s2 =	sld [smem:$0x3FFD];
	_ =	sdelay $0x3  }
0x96: {  	_ =	strace s2  }
0x97: {  	_ =	strace $0x8FFFFFFF  }
0x98: {  	s18 =	sld [smem:$0x3FDB];
	_ =	sdelay $0x1  }
0x99: {  	s19 =	simm.s32 $_scs_section_size  }
0x9a: {  	s4 =	simm.s32 $_size__tile_overlayer_lowered;
	s5 =	simm.s32 $_tile_overlayer_lowered  }
0x9b: {  	s22 =	simm.s32 $0x1BFF;
	s21 =	sshll.u32 s5, $0x1;
	s2 =	sadd.s32 s19, s18  }
0x9c: {  	s6 =	simm.s32 $0x0;
	s20 =	sshll.u32 s4, $0x1;
	s4 =	sadd.s32 s21, s2  }
0x9d: {  	[timem:s6], [sflag:s22] =	dma.local [hbm:s4], s20  }
0x9e: {  	_ =	swait.ge [sflag:s22], s20  }
0x9f: {  	s3 =	ssub.s32 $0x0, s20;
	[sflag:s22] =	ssyncset.done $0x0  }
0xa0: {  	[sflag:s22] =	ssyncadd.s32 s3;
	_ =	sdelay $0x1  }
0xa1: {  	s23 =	simm.s32 $0x1B8B  }
0xa2: {  	_ =	swait.ge [sflag:s23], $0x1  }
0xa3: {  	[sflag:s23] =	ssyncset.done $0x0  }
0xa4: {  	s25 =	simm.s32 $0x1B8E;
	s24 =	sld [smem:$0x3FFE];
	[sflag:s23] =	ssyncadd.s32 $0xFFFFFFFF  }
0xa5: {  	s26 =	simm.s32 $execute0_lowered;
	[smem:$0x3FD2] =	sst s25  }
0xa6: {  	s4 =	sshll.u32 s26, $0x1;
	_ =	strace $0x80000064;
	[dreg:$0x1] =	wrdreg $0xFFFFFFFF  }
0xa7: {  	s28 =	simm.s32 $_size_execute0_lowered;
	s2 =	sadd.s32 s2, s4;
	[dreg:$0x0] =	wrdreg $0x0  }
0xa8: {  	s4 =	sshll.u32 s28, $0x1;
	[dreg:$0x2] =	wrdreg s2  }
0xa9: {  	[dreg:$0x3] =	wrdreg s4  }
0xaa: {  	[dreg:$0x4] =	wrdreg $0xC0  }
0xab: {  	_ =	task [dreg:s6], $0x5FFFF  }
0xac: {  	[dreg:$0x1] =	wrdreg $0xFFFFFFFF  }
0xad: {  	[dreg:$0x0] =	wrdreg $0x60  }
0xae: {  	[dreg:$0x2] =	wrdreg s24  }
0xaf: {  	[dreg:$0x3] =	wrdreg $0x9  }
0xb0: {  	_ =	task.clear_ibuf [dreg:s6], $0x4FFFF;
	_ =	strace $0x90000064  }
0xb1: {  	s29 =	simm.s32 $0x9;
	_ =	strace $0x80000066  }
0xb2: {  	_ =	swait.ge [sflag:s29], $0x1  }
0xb3: {  	[sflag:s29] =	ssyncadd.s32 $0xFFFFFFFF  }
0xb4: {  	_ =	strace $0x90000066  }
0xb5: {  	_ =	sfence  }
0xb6: {  	s30 =	sld [smem:$0x0];
	_ =	sdelay $0x2  }
0xb7: {  	s31 =	sshll.u32 s1, $0xD;
	s1 =	sshrl.u32 s1, $0x2  }
0xb8: {  	s3 =	sand.u32 $0x4000, s31;
	s1 =	sadd.s32 s1, s30  }
0xb9: {  	s0 =	sor.u32 s3, s0;
	s1 =	sshll.u32 s1, $0x11  }
0xba: {  	s0 =	sor.u32 s1, s0  }
0xbb: {  	s0 =	sadd.s32 $0x8F2B, s0  }
0xbc: {  	[sflag:s0] =	ssyncadd.remote.s32 $0x1  }
0xbd: {  	_ =	sfence.sel $0xFFFF  }
0xbe: {  	[dreg:$0x0] =	wrdreg $0xFFFFFFFF;
	(pc) =	sbr.abs _section_cstart, $3  }
0xbf: {  	[dreg:$0x1] =	wrdreg $0xFFFFFFFF  }
0xc0: {  	_ =	task.clear_ibuf [dreg:s6], $0x2FFFF;
	_ =	strace $0x9FFFFFFF  }
0xc1: {  	(tm) =	ssettm $0x7FFFFFFF  }
tec
execute0_lowered:
.L_overlay_start_1:
0x0: {  	(tag) =	ssettag $0x1  }
0x1: {  	s0 =	srdreg.scid;
	s5 =	rddreg [dreg:$0x0]  }
0x2: {  	s1 =	stileid.u32;
	s6 =	simm.s32 $0x1;
	s9 =	simm.s32 $0x1  }
0x3: {  	s10 =	simm.s32 $0x3;
	s13 =	simm.s32 $0x0;
	s2 =	sshll.u32 s0, $0x7  }
0x4: {  	s12 =	simm.s32 $0x0;
	s3 =	sshll.u32 s1, $0x8;
	s2 =	sand.u32 $0x80, s2  }
0x5: {  	s0 =	rddreg [dreg:$0x1];
	_ =	strace $0x80000065;
	s2 =	sor.u32 s3, s2  }
0x6: {  	s4 =	sadd.s32 $0x143000, s5;
	[sflag:s6] =	ssyncpa.u1 $0x0;
	s8 =	ssub.s32 $0x3D100, s2  }
.Ltmp0:
0x7: {  	s3 =	sadd.s32 $0x23A00, s5;
	s7 =	sand.u32 $0xF80, s8;
	(pc) =	sbr.rel .LBB2_1-.Ltmp0, $4  }
0x8: {  	s5 =	sadd.s32 $0x61800, s5;
	s11 =	smov.u32 s2;
	p0 =	sne.s32 s7, $0x0  }
0x9: {  	s8 =	sshrl.u32 s8, $0xC;
	s7 =	simm.s32 $0x2;
	s9 =	simm.s32 @!p0 $0x0  }
0xa: {  	[sflag:s7] =	ssyncpa.u1 $0x0;
	p0 =	por $0x0, $0x0;
	s8 =	sadd.s32 s9, s8  }
0xb: {  	vm0 =	vmmov $0xffff;
	[sflag:s10] =	ssyncpa.u1 $0x0;
	s10 =	simm.s32 $0x0;
	s9 =	sadd.s32 $0x1, s8  }
.LBB2_4:
0xc: {  	v2 =	vnsel vm1, $0x0, v2  }
0xd: {  	vm1 =	vgt.s32 v0, $0x0;
	v2 =	vmin.u32 v2, $0x30D3F  }
0xe: {  	v0 =	vnsel vm1, $0x0, v0  }
0xf: {  	v0 =	vmin.u32 v0, $0x30D3F  }
0x10: {  	[tilespmem:s15], [sflag:$0x1] =	stream.indirect_vreg.gather [hbm4b:s3+s10], $0x1, v1, vm0, $0x4038;
	[tilespmem:$0x200] =	vst v63  }
0x11: {  	(ifvalue) =	ssetifvalue $0x7FFFFFFF  }
0x12: {  	[tilespmem:s16], [sflag:$0x1] =	stream.indirect_vreg.gather [hbm4b:s3+s10], $0x1, v2, vm0, $0x4038;
	[tilespmem:$0x200] =	vst v63  }
0x13: {  	s29 =	sadd.s32 $0x10, s16;
	(ifvalue) =	ssetifvalue $0x7FFFFFFF  }
0x14: {  	[tilespmem:s29], [sflag:$0x1] =	stream.indirect_vreg.gather [hbm4b:s3+s10], $0x1, v0, vm0, $0x4038;
	[tilespmem:$0x200] =	vst v63  }
0x15: {  	_ =	swait.ge [sflag:s6], $0x80  }
0x16: {  	s30 =	sshrl.u32 s13, $0x3;
	[sflag:s6] =	ssyncset.done $0x0  }
0x17: {  	s31 =	sand.u32 $0x7, s13;
	s15 =	sadd.s32 s5, s30;
	[sflag:s6] =	ssyncadd.s32 $0xFFFFFF80  }
0x18: {  	[hbm4b:s15+s31] =	stream.linear.scatter [tilespmem:s14], [sflag:$0x3], $0x80, $0x38;
	[tilespmem:$0x200] =	vst v63  }
.LBB2_5:
0x19: {  	s15 =	sadd.s32 $0x1000, s11  }
0x1a: {  	p2 =	sgt.s32 s15, $0x3D0FF  }
0x1b: {  	s15 =	smov.u32 @p2 s2;
	p2 =	sne.s32 s12, s9  }
.Ltmp1:
0x1c: {  	p1 =	slt.u32 s12, $0x2;
	(pc) =	sbr.rel @!p2 .LBB2_6-.Ltmp1, $4  }
0x1d: {  	s14 =	simm.s32 @!p1 $0x3  }
0x1e: {  	s16 =	sadd.s32 $0x1, s12;
	_ =	swait.ge @!p1 [sflag:s14], $0x80  }
0x1f: {  	s13 =	smov.u32 s11;
	p0 =	por !p0, !p0;
	[sflag:s14] =	ssyncset.done @!p1 $0x0  }
0x20: {  	s12 =	smov.u32 s16;
	s11 =	smov.u32 s15;
	[sflag:s14] =	ssyncadd.s32 @!p1 $0xFFFFFF80  }
.LBB2_1:
0x21: {  	p1 =	sge.u32 s12, s8  }
0x22: {  	s14 =	sxor.u32 @!p1 $0xFFFFFFFF, s12  }
0x23: {  	s31 =	sadd.s32 $0xFFFFFFFF, s12;
	s15 =	sshrl.u32 @!p1 s11, $0x3;
	s14 =	sshll.u32 @!p1 s14, $0x7  }
0x24: {  	s16 =	sand.u32 @!p1 $0x7, s11;
	s15 =	sadd.s32 @!p1 s4, s15;
	s14 =	sand.u32 @!p1 $0x80, s14  }
0x25: {  	[tilespmem:s14], [sflag:$0x2] =	stream.linear.gather @!p1 [hbm4b:s15+s16], $0x80, $0x38;
	[tilespmem:$0x200] =	vst v63  }
0x26: {  	p1 =	sge.u32 s31, s8  }
.Ltmp2:
0x27: {  	_ = 	snop;
	(pc) =	sbr.rel @p1 .LBB2_5-.Ltmp2, $1  }
0x28: {  	_ =	sdelay $0x3  }
0x29: {  	s14 =	simm.s32 $0x1  }
0x2a: {  	_ =	swait.ge [sflag:s7], $0x80;
	s14 =	simm.s32 @!p0 $0x0  }
0x2b: {  	[sflag:s7] =	ssyncset.done $0x0;
	s14 =	sshll.u32 s14, $0x7  }
0x2c: {  	[sflag:s7] =	ssyncadd.s32 $0xFFFFFF80;
	(ifvalue) =	ssetifvalue $0x7FFFFFFF;
	v0 =	vld.msk [tilespmem:s14+$0x0 ss:$0x1], $0xffff;
	_ =	sdelay $0x4  }
0x2d: {  	s15 =	sadd.s32 $0x10, s14;
	vm1 =	vgt.s32 v0, $0x0  }
0x2e: {  	v2 =	vld.msk [tilespmem:s15+$0x0 ss:$0x1], $0xffff;
	v1 =	vnsel vm1, $0x0, v0  }
0x2f: {  	v1 =	vmin.u32 v1, $0x30D3F;
	_ =	sdelay $0x1  }
0x30: {  	s16 =	sshll.u32 s12, $0x7;
	s18 =	simm.s32 $0x20  }
0x31: {  	s16 =	sand.u32 $0x80, s16;
	s17 =	sadd.s32 $0x10, s15;
	s15 =	sor.u32 $0x100, s14  }
0x32: {  	s14 =	sor.u32 $0x100, s16;
	s16 =	sadd.s32 $0x10, s15;
	v0 =	vld.msk [tilespmem:s17+$0x0 ss:$0x1], $0xffff;
	vm1 =	vgt.s32 v2, $0x0;
	(ifvalue) =	ssetifvalue $0x7FFFFFFF  }
.LBB2_3:
0x33: {  	[tilespmem:s15], [sflag:$0x1] =	stream.indirect_vreg.gather [hbm4b:s3+s10], $0x1, v1, vm0, $0x4038;
	[tilespmem:$0x200] =	vst v63  }
0x34: {  	s18 =	sadd.s32 $0x10, s18  }
0x35: {  	v2 =	vnsel vm1, $0x0, v2;
	p1 =	slt.u32 s18, $0x70  }
.Ltmp3:
0x36: {  	s15 =	smov.u32 s16;
	v1 =	vmin.u32 v2, $0x30D3F;
	(pc) =	sbr.rel @p1 .LBB2_3-.Ltmp3, $3  }
0x37: {  	_ =	sdelay $0x1  }
0x38: {  	s17 =	sadd.s32 $0x10, s17  }
0x39: {  	vm1 =	vgt.s32 v0, $0x0;
	s16 =	sadd.s32 $0x10, s16;
	v2 =	vmov v0;
	(ifvalue) =	ssetifvalue $0x7FFFFFFF;
	v0 =	vld.msk [tilespmem:s17+$0x0 ss:$0x1], $0xffff  }
.Ltmp4:
0x3a: {  	_ = 	snop;
	(pc) =	sbr.rel .LBB2_4-.Ltmp4, $1  }
0x3b: {  	_ =	sdelay $0x3  }
.LBB2_6:
0x3c: {  	_ =	sfence.sel $0x180000  }
0x3d: {  	s2 =	simm.s32 $0x2;
	[bflag:$0x0] =	sbarrier.arrive $0xFFFF  }
0x3e: {  	s30 =	simm.s32 $0x3;
	[sflag:s2] =	ssyncpa.u1 $0x1  }
0x3f: {  	s31 =	simm.s32 $0x1;
	[sflag:s30] =	ssyncpa.u1 $0x1  }
0x40: {  	[sflag:s31] =	ssyncpa.u1 $0x1  }
0x41: {  	p0 =	sne.s32 s1, $0x0;
	_ =	strace $0x90000065  }
0x42: {  	s0 =	sadd.s32 @!p0 $0x100000, s0;
	[bflag:$0x2] =	sbarrier.arrive $0xFFFF  }
0x43: {  	[sflag:s0] =	ssyncadd.tile.s32 @!p0 $0x1;
	_ =	shalt  }
.Lfunc_end2:
_tile_overlayer_lowered:
.L_overlay_start_2:
0x44: {  	(tag) =	ssettag $0x2  }
0x45: {  	s0 =	rddreg [dreg:$0x0];
	s2 =	stileid.u32  }
0x46: {  	s1 =	rddreg [dreg:$0x1];
	p0 =	sne.s32 s2, $0x0  }
0x47: {  	s3 =	rddreg [dreg:$0x2];
	[bflag:$0x3] =	sbarrier.arrive $0xFFFF;
	s2 =	simm.s32 @!p0 $0x1C01  }
0x48: {  	[timem:s3], [sflag:s2] =	dma.local @!p0 [hbm:s0], s1  }
0x49: {  	s0 =	simm.s32 @!p0 $0x1  }
0x4a: {  	_ =	swait.ge @!p0 [sflag:s0], s1  }
0x4b: {  	s1 =	ssub.s32 @!p0 $0x0, s1;
	[sflag:s0] =	ssyncset.done @!p0 $0x0  }
0x4c: {  	[sflag:s0] =	ssyncadd.s32 @!p0 s1  }
0x4d: {  	[bflag:$0x3] =	sbarrier.arrive $0xFFFF  }
0x4e: {  	_ =	shalt  }

// kernel: gather_offload_async_start.8
scs
__scs_entry_jumppad:
0x0: {  	(pc) =	sbr.rel $0x88, $3  }
0x1: {  	(tag) =	ssettag $0x0;
	lr =	simm.s32 $0x1  }
0x2: {  	[smem:$0x3F7D] =	sst lr;
	_ =	strace $0xD0000000  }
0x3: {  	_ = 	snop  }
0x4: {  	_ = 	snop  }
0x5: {  	_ = 	snop  }
0x6: {  	_ = 	snop  }
0x7: {  	_ = 	snop  }
__scs_overlays_trampoline_lowered:
0x8: {  	[smem:$0x3F8C] =	sst s0  }
0x9: {  	[smem:$0x3F8D] =	sst s1  }
0xa: {  	[smem:$0x3F8E] =	sst s2  }
0xb: {  	[smem:$0x3F8F] =	sst s3  }
0xc: {  	[smem:$0x3F90] =	sst s4  }
0xd: {  	[smem:$0x3F91] =	sst s5  }
0xe: {  	[smem:$0x3F92] =	sst s6  }
0xf: {  	[smem:$0x3F93] =	sst s7  }
0x10: {  	[smem:$0x3F94] =	sst s8  }
0x11: {  	[smem:$0x3F95] =	sst s9;
	s0 =	simm.s32 @!p0 $0x0  }
0x12: {  	s1 =	sld [smem:$0x3F7B];
	s0 =	simm.s32 @p0 $0x1  }
0x13: {  	[smem:$0x3F96] =	sst s0;
	s0 =	simm.s32 @!p1 $0x0  }
0x14: {  	s2 =	sld [smem:$0x3F7A];
	s0 =	simm.s32 @p1 $0x1  }
0x15: {  	[smem:$0x3F97] =	sst s0;
	s0 =	simm.s32 @!p2 $0x0  }
0x16: {  	s3 =	sld [smem:$0x3FDB];
	s0 =	simm.s32 @p2 $0x1  }
0x17: {  	s4 =	simm.s32 $0x1BF5;
	[smem:$0x3F99] =	sst s0  }
0x18: {  	s0 =	sld [smem:$0x3F7C];
	_ =	swait.ge [sflag:s4], $0x0  }
0x19: {  	s7 =	sld [smem:$0x3F7D]  }
0x1a: {  	s8 =	sadd.s32 $0xFFFFE003, lr  }
0x1b: {  	s9 =	sadd.s32 $0xFFFFFEF7, lr;
	s5 =	simm.s32 $0xFFFFFFFF;
	p2 =	slt.u32 s8, $0xFFFFF086  }
0x1c: {  	p1 =	slt.u32 s9, $0xF7A;
	s5 =	simm.s32 @!p2 $0x0  }
0x1d: {  	s5 =	simm.s32 @p1 $0x1;
	p0 =	seq.s32 s7, s2  }
0x1e: {  	s7 =	smul.u32 @!p0 $0xF7A, s2;
	p2 =	seq.s32 @!p0 s5, $0x0  }
0x1f: {  	s9 =	smul.u32 $0xF7A, s1;
	s8 =	simm.s32 @!p0 $0x1BF5;
	p2 =	por !p2, p0  }
0x20: {  	[sflag:s8] =	ssyncset.s32 @!p0 $0xFFFFF086;
	s6 =	sadd.s32 @!p0 s3, s7;
	s7 =	simm.s32 @!p0 $0x108  }
0x21: {  	s3 =	sadd.s32 s3, s9;
	s6 =	sadd.s32 @!p0 $0x88, s6;
	s7 =	simm.s32 @p2 $0x1082  }
0x22: {  	[simem:s7], [sflag:s8] =	dma.local @!p0 [hbm:s6], $0xF7A  }
0x23: {  	s9 =	sor.u32 $0xD0000000, s2;
	s6 =	simm.s32 $0x108;
	_ =	swait.ge @!p0 [sflag:s8], $0x0  }
0x24: {  	s3 =	sadd.s32 $0x88, s3;
	s6 =	simm.s32 @!p1 $0x1082;
	[sflag:s4] =	ssyncset.s32 $0xFFFFF086  }
0x25: {  	[simem:s6], [sflag:s4] =	dma.local [hbm:s3], $0xF7A  }
0x26: {  	[smem:$0x3F7D] =	sst s1;
	(tag) =	ssettag s2;
	_ =	strace s9  }
0x27: {  	s1 =	sld [smem:$0x3F8D]  }
0x28: {  	s2 =	sld [smem:$0x3F8E]  }
0x29: {  	s4 =	sld [smem:$0x3F90]  }
0x2a: {  	p0 =	seq.s32 s5, $0x0;
	s5 =	sld [smem:$0x3F91]  }
0x2b: {  	s6 =	sld [smem:$0x3F92]  }
0x2c: {  	s7 =	sld [smem:$0x3F93]  }
0x2d: {  	s3 =	simm.s32 $0x108;
	s8 =	sld [smem:$0x3F94]  }
0x2e: {  	s3 =	simm.s32 @!p0 $0x1082;
	s9 =	sld [smem:$0x3F95]  }
0x2f: {  	lr =	sadd.s32 s0, s3;
	s0 =	sld [smem:$0x3F8C]  }
0x30: {  	s3 =	sld [smem:$0x3F8F]  }
0x31: {  	[smem:$0x3F98] =	sst s10  }
0x32: {  	s10 =	sld [smem:$0x3F96];
	_ =	sdelay $0x3  }
0x33: {  	p0 =	seq.s32 s10, $0x1;
	s10 =	sld [smem:$0x3F98];
	_ =	sdelay $0x3  }
0x34: {  	[smem:$0x3F98] =	sst s10  }
0x35: {  	s10 =	sld [smem:$0x3F97];
	_ =	sdelay $0x3  }
0x36: {  	p1 =	seq.s32 s10, $0x1;
	s10 =	sld [smem:$0x3F98];
	_ =	sdelay $0x3  }
0x37: {  	[smem:$0x3F98] =	sst s10  }
0x38: {  	s10 =	sld [smem:$0x3F99]  }
0x39: {  	_ = 	snop;
	(pc) =	sbr.ind lr, $3  }
0x3a: {  	_ = 	snop  }
0x3b: {  	_ = 	snop  }
0x3c: {  	p2 =	seq.s32 s10, $0x1;
	s10 =	sld [smem:$0x3F98]  }
0x3d: {  	_ =	shalt  }
0x3e: {  	_ =	shalt  }
0x3f: {  	_ =	shalt  }
0x40: {  	_ =	shalt  }
0x41: {  	_ =	shalt  }
0x42: {  	_ =	shalt  }
0x43: {  	_ =	shalt  }
0x44: {  	_ =	shalt  }
0x45: {  	_ =	shalt  }
0x46: {  	_ =	shalt  }
0x47: {  	_ =	shalt  }
0x48: {  	_ =	shalt  }
0x49: {  	_ =	shalt  }
0x4a: {  	_ =	shalt  }
0x4b: {  	_ =	shalt  }
0x4c: {  	_ =	shalt  }
0x4d: {  	_ =	shalt  }
0x4e: {  	_ =	shalt  }
0x4f: {  	_ =	shalt  }
0x50: {  	_ =	shalt  }
0x51: {  	_ =	shalt  }
0x52: {  	_ =	shalt  }
0x53: {  	_ =	shalt  }
0x54: {  	_ =	shalt  }
0x55: {  	_ =	shalt  }
0x56: {  	_ =	shalt  }
0x57: {  	_ =	shalt  }
0x58: {  	_ =	shalt  }
0x59: {  	_ =	shalt  }
0x5a: {  	_ =	shalt  }
0x5b: {  	_ =	shalt  }
0x5c: {  	_ =	shalt  }
0x5d: {  	_ =	shalt  }
0x5e: {  	_ =	shalt  }
0x5f: {  	_ =	shalt  }
0x60: {  	_ =	shalt  }
0x61: {  	_ =	shalt  }
0x62: {  	_ =	shalt  }
0x63: {  	_ =	shalt  }
0x64: {  	_ =	shalt  }
0x65: {  	_ =	shalt  }
0x66: {  	_ =	shalt  }
0x67: {  	_ =	shalt  }
0x68: {  	_ =	shalt  }
0x69: {  	_ =	shalt  }
0x6a: {  	_ =	shalt  }
0x6b: {  	_ =	shalt  }
0x6c: {  	_ =	shalt  }
0x6d: {  	_ =	shalt  }
0x6e: {  	_ =	shalt  }
0x6f: {  	_ =	shalt  }
0x70: {  	_ =	shalt  }
0x71: {  	_ =	shalt  }
0x72: {  	_ =	shalt  }
0x73: {  	_ =	shalt  }
0x74: {  	_ =	shalt  }
0x75: {  	_ =	shalt  }
0x76: {  	_ =	shalt  }
0x77: {  	_ =	shalt  }
0x78: {  	_ =	shalt  }
0x79: {  	_ =	shalt  }
0x7a: {  	_ =	shalt  }
0x7b: {  	_ =	shalt  }
0x7c: {  	_ =	shalt  }
0x7d: {  	_ =	shalt  }
0x7e: {  	_ =	shalt  }
0x7f: {  	_ =	shalt  }
0x80: {  	_ =	shalt  }
0x81: {  	_ =	shalt  }
0x82: {  	_ =	shalt  }
0x83: {  	_ =	shalt  }
0x84: {  	_ =	shalt  }
0x85: {  	_ =	shalt  }
0x86: {  	_ =	shalt  }
0x87: {  	_ =	shalt  }
.Lfunc_end0:
.L_simem_size_0:
called_computation.8_lowered:
.L_overlay_start_0:
0x88: {  	s2 =	sld [smem:$0x3FD9]  }
0x89: {  	s3 =	sld [smem:$0x3FFE];
	_ =	sdelay $0x1  }
0x8a: {  	s1 =	srdreg.scid  }
0x8b: {  	s0 =	sand.u32 $0x1, s1  }
0x8c: {  	s16 =	sshll.u32 s0, $0xA;
	s2 =	sadd.s32 s3, s2  }
0x8d: {  	s2 =	sadd.s32 s2, s16  }
0x8e: {  	[smem:$0x3FA4] =	sst s2  }
0x8f: {  	_ = 	snop  }
0x90: {  	(tm) =	ssettm $0x1  }
0x91: {  	s17 =	sld [smem:$0x3FFB];
	_ =	sdelay $0x3  }
0x92: {  	_ =	strace s17  }
0x93: {  	s2 =	sld [smem:$0x3FFC];
	_ =	sdelay $0x3  }
0x94: {  	_ =	strace s2  }
0x95: {  	s2 =	sld [smem:$0x3FFD];
	_ =	sdelay $0x3  }
0x96: {  	_ =	strace s2  }
0x97: {  	_ =	strace $0x8FFFFFFF  }
0x98: {  	s18 =	sld [smem:$0x3FDB];
	_ =	sdelay $0x1  }
0x99: {  	s19 =	simm.s32 $_scs_section_size  }
0x9a: {  	s4 =	simm.s32 $_size__tile_overlayer_lowered;
	s5 =	simm.s32 $_tile_overlayer_lowered  }
0x9b: {  	s22 =	simm.s32 $0x1BFF;
	s21 =	sshll.u32 s5, $0x1;
	s2 =	sadd.s32 s19, s18  }
0x9c: {  	s6 =	simm.s32 $0x0;
	s20 =	sshll.u32 s4, $0x1;
	s4 =	sadd.s32 s21, s2  }
0x9d: {  	[timem:s6], [sflag:s22] =	dma.local [hbm:s4], s20  }
0x9e: {  	_ =	swait.ge [sflag:s22], s20  }
0x9f: {  	s3 =	ssub.s32 $0x0, s20;
	[sflag:s22] =	ssyncset.done $0x0  }
0xa0: {  	[sflag:s22] =	ssyncadd.s32 s3;
	_ =	sdelay $0x1  }
0xa1: {  	s23 =	simm.s32 $0x1B8B  }
0xa2: {  	_ =	swait.ge [sflag:s23], $0x1  }
0xa3: {  	[sflag:s23] =	ssyncset.done $0x0  }
0xa4: {  	s25 =	simm.s32 $0x1B8E;
	s24 =	sld [smem:$0x3FFE];
	[sflag:s23] =	ssyncadd.s32 $0xFFFFFFFF  }
0xa5: {  	s26 =	simm.s32 $execute0_lowered;
	[smem:$0x3FD2] =	sst s25  }
0xa6: {  	s4 =	sshll.u32 s26, $0x1;
	_ =	strace $0x8000005E;
	[dreg:$0x1] =	wrdreg $0xFFFFFFFF  }
0xa7: {  	s28 =	simm.s32 $_size_execute0_lowered;
	s2 =	sadd.s32 s2, s4;
	[dreg:$0x0] =	wrdreg $0x0  }
0xa8: {  	s4 =	sshll.u32 s28, $0x1;
	[dreg:$0x2] =	wrdreg s2  }
0xa9: {  	[dreg:$0x3] =	wrdreg s4  }
0xaa: {  	[dreg:$0x4] =	wrdreg $0xC0  }
0xab: {  	_ =	task [dreg:s6], $0x5FFFF  }
0xac: {  	[dreg:$0x1] =	wrdreg $0xFFFFFFFF  }
0xad: {  	[dreg:$0x0] =	wrdreg $0x60  }
0xae: {  	[dreg:$0x2] =	wrdreg s24  }
0xaf: {  	[dreg:$0x3] =	wrdreg $0x9  }
0xb0: {  	_ =	task.clear_ibuf [dreg:s6], $0x4FFFF;
	_ =	strace $0x9000005E  }
0xb1: {  	s29 =	simm.s32 $0x9;
	_ =	strace $0x80000060  }
0xb2: {  	_ =	swait.ge [sflag:s29], $0x1  }
0xb3: {  	[sflag:s29] =	ssyncadd.s32 $0xFFFFFFFF  }
0xb4: {  	_ =	strace $0x90000060  }
0xb5: {  	_ =	sfence  }
0xb6: {  	s30 =	sld [smem:$0x0];
	_ =	sdelay $0x2  }
0xb7: {  	s31 =	sshll.u32 s1, $0xD;
	s1 =	sshrl.u32 s1, $0x2  }
0xb8: {  	s3 =	sand.u32 $0x4000, s31;
	s1 =	sadd.s32 s1, s30  }
0xb9: {  	s0 =	sor.u32 s3, s0;
	s1 =	sshll.u32 s1, $0x11  }
0xba: {  	s0 =	sor.u32 s1, s0  }
0xbb: {  	s0 =	sadd.s32 $0x8F2B, s0  }
0xbc: {  	[sflag:s0] =	ssyncadd.remote.s32 $0x1  }
0xbd: {  	_ =	sfence.sel $0xFFFF  }
0xbe: {  	[dreg:$0x0] =	wrdreg $0xFFFFFFFF;
	(pc) =	sbr.abs _section_cstart, $3  }
0xbf: {  	[dreg:$0x1] =	wrdreg $0xFFFFFFFF  }
0xc0: {  	_ =	task.clear_ibuf [dreg:s6], $0x2FFFF;
	_ =	strace $0x9FFFFFFF  }
0xc1: {  	(tm) =	ssettm $0x7FFFFFFF  }
tec
execute0_lowered:
.L_overlay_start_1:
0x0: {  	(tag) =	ssettag $0x1  }
0x1: {  	s0 =	srdreg.scid;
	s5 =	rddreg [dreg:$0x0]  }
0x2: {  	s1 =	stileid.u32;
	s6 =	simm.s32 $0x1;
	s9 =	simm.s32 $0x1  }
0x3: {  	s10 =	simm.s32 $0x3;
	s13 =	simm.s32 $0x0;
	s2 =	sshll.u32 s0, $0x7  }
0x4: {  	s12 =	simm.s32 $0x0;
	s3 =	sshll.u32 s1, $0x8;
	s2 =	sand.u32 $0x80, s2  }
0x5: {  	s0 =	rddreg [dreg:$0x1];
	_ =	strace $0x8000005F;
	s2 =	sor.u32 s3, s2  }
0x6: {  	s4 =	sadd.s32 $0x13B400, s5;
	[sflag:s6] =	ssyncpa.u1 $0x0;
	s8 =	ssub.s32 $0x3D100, s2  }
.Ltmp0:
0x7: {  	s3 =	sadd.s32 $0x1D800, s5;
	s7 =	sand.u32 $0xF80, s8;
	(pc) =	sbr.rel .LBB2_1-.Ltmp0, $4  }
0x8: {  	s5 =	sadd.s32 $0x162000, s5;
	s11 =	smov.u32 s2;
	p0 =	sne.s32 s7, $0x0  }
0x9: {  	s8 =	sshrl.u32 s8, $0xC;
	s7 =	simm.s32 $0x2;
	s9 =	simm.s32 @!p0 $0x0  }
0xa: {  	[sflag:s7] =	ssyncpa.u1 $0x0;
	p0 =	por $0x0, $0x0;
	s8 =	sadd.s32 s9, s8  }
0xb: {  	vm0 =	vmmov $0xffff;
	[sflag:s10] =	ssyncpa.u1 $0x0;
	s10 =	simm.s32 $0x0;
	s9 =	sadd.s32 $0x1, s8  }
.LBB2_4:
0xc: {  	v2 =	vnsel vm1, $0x0, v2  }
0xd: {  	vm1 =	vgt.s32 v0, $0x0;
	v2 =	vmin.u32 v2, $0x30D3F  }
0xe: {  	v0 =	vnsel vm1, $0x0, v0  }
0xf: {  	v0 =	vmin.u32 v0, $0x30D3F  }
0x10: {  	[tilespmem:s15], [sflag:$0x1] =	stream.indirect_vreg.gather [hbm4b:s3+s10], $0x1, v1, vm0, $0x4038;
	[tilespmem:$0x200] =	vst v63  }
0x11: {  	(ifvalue) =	ssetifvalue $0x7FFFFFFF  }
0x12: {  	[tilespmem:s16], [sflag:$0x1] =	stream.indirect_vreg.gather [hbm4b:s3+s10], $0x1, v2, vm0, $0x4038;
	[tilespmem:$0x200] =	vst v63  }
0x13: {  	s29 =	sadd.s32 $0x10, s16;
	(ifvalue) =	ssetifvalue $0x7FFFFFFF  }
0x14: {  	[tilespmem:s29], [sflag:$0x1] =	stream.indirect_vreg.gather [hbm4b:s3+s10], $0x1, v0, vm0, $0x4038;
	[tilespmem:$0x200] =	vst v63  }
0x15: {  	_ =	swait.ge [sflag:s6], $0x80  }
0x16: {  	s30 =	sshrl.u32 s13, $0x3;
	[sflag:s6] =	ssyncset.done $0x0  }
0x17: {  	s31 =	sand.u32 $0x7, s13;
	s15 =	sadd.s32 s5, s30;
	[sflag:s6] =	ssyncadd.s32 $0xFFFFFF80  }
0x18: {  	[hbm4b:s15+s31] =	stream.linear.scatter [tilespmem:s14], [sflag:$0x3], $0x80, $0x38;
	[tilespmem:$0x200] =	vst v63  }
.LBB2_5:
0x19: {  	s15 =	sadd.s32 $0x1000, s11  }
0x1a: {  	p2 =	sgt.s32 s15, $0x3D0FF  }
0x1b: {  	s15 =	smov.u32 @p2 s2;
	p2 =	sne.s32 s12, s9  }
.Ltmp1:
0x1c: {  	p1 =	slt.u32 s12, $0x2;
	(pc) =	sbr.rel @!p2 .LBB2_6-.Ltmp1, $4  }
0x1d: {  	s14 =	simm.s32 @!p1 $0x3  }
0x1e: {  	s16 =	sadd.s32 $0x1, s12;
	_ =	swait.ge @!p1 [sflag:s14], $0x80  }
0x1f: {  	s13 =	smov.u32 s11;
	p0 =	por !p0, !p0;
	[sflag:s14] =	ssyncset.done @!p1 $0x0  }
0x20: {  	s12 =	smov.u32 s16;
	s11 =	smov.u32 s15;
	[sflag:s14] =	ssyncadd.s32 @!p1 $0xFFFFFF80  }
.LBB2_1:
0x21: {  	p1 =	sge.u32 s12, s8  }
0x22: {  	s14 =	sxor.u32 @!p1 $0xFFFFFFFF, s12  }
0x23: {  	s31 =	sadd.s32 $0xFFFFFFFF, s12;
	s15 =	sshrl.u32 @!p1 s11, $0x3;
	s14 =	sshll.u32 @!p1 s14, $0x7  }
0x24: {  	s16 =	sand.u32 @!p1 $0x7, s11;
	s15 =	sadd.s32 @!p1 s4, s15;
	s14 =	sand.u32 @!p1 $0x80, s14  }
0x25: {  	[tilespmem:s14], [sflag:$0x2] =	stream.linear.gather @!p1 [hbm4b:s15+s16], $0x80, $0x38;
	[tilespmem:$0x200] =	vst v63  }
0x26: {  	p1 =	sge.u32 s31, s8  }
.Ltmp2:
0x27: {  	_ = 	snop;
	(pc) =	sbr.rel @p1 .LBB2_5-.Ltmp2, $1  }
0x28: {  	_ =	sdelay $0x3  }
0x29: {  	s14 =	simm.s32 $0x1  }
0x2a: {  	_ =	swait.ge [sflag:s7], $0x80;
	s14 =	simm.s32 @!p0 $0x0  }
0x2b: {  	[sflag:s7] =	ssyncset.done $0x0;
	s14 =	sshll.u32 s14, $0x7  }
0x2c: {  	[sflag:s7] =	ssyncadd.s32 $0xFFFFFF80;
	(ifvalue) =	ssetifvalue $0x7FFFFFFF;
	v0 =	vld.msk [tilespmem:s14+$0x0 ss:$0x1], $0xffff;
	_ =	sdelay $0x4  }
0x2d: {  	s15 =	sadd.s32 $0x10, s14;
	vm1 =	vgt.s32 v0, $0x0  }
0x2e: {  	v2 =	vld.msk [tilespmem:s15+$0x0 ss:$0x1], $0xffff;
	v1 =	vnsel vm1, $0x0, v0  }
0x2f: {  	v1 =	vmin.u32 v1, $0x30D3F;
	_ =	sdelay $0x1  }
0x30: {  	s16 =	sshll.u32 s12, $0x7;
	s18 =	simm.s32 $0x20  }
0x31: {  	s16 =	sand.u32 $0x80, s16;
	s17 =	sadd.s32 $0x10, s15;
	s15 =	sor.u32 $0x100, s14  }
0x32: {  	s14 =	sor.u32 $0x100, s16;
	s16 =	sadd.s32 $0x10, s15;
	v0 =	vld.msk [tilespmem:s17+$0x0 ss:$0x1], $0xffff;
	vm1 =	vgt.s32 v2, $0x0;
	(ifvalue) =	ssetifvalue $0x7FFFFFFF  }
.LBB2_3:
0x33: {  	[tilespmem:s15], [sflag:$0x1] =	stream.indirect_vreg.gather [hbm4b:s3+s10], $0x1, v1, vm0, $0x4038;
	[tilespmem:$0x200] =	vst v63  }
0x34: {  	s18 =	sadd.s32 $0x10, s18  }
0x35: {  	v2 =	vnsel vm1, $0x0, v2;
	p1 =	slt.u32 s18, $0x70  }
.Ltmp3:
0x36: {  	s15 =	smov.u32 s16;
	v1 =	vmin.u32 v2, $0x30D3F;
	(pc) =	sbr.rel @p1 .LBB2_3-.Ltmp3, $3  }
0x37: {  	_ =	sdelay $0x1  }
0x38: {  	s17 =	sadd.s32 $0x10, s17  }
0x39: {  	vm1 =	vgt.s32 v0, $0x0;
	s16 =	sadd.s32 $0x10, s16;
	v2 =	vmov v0;
	(ifvalue) =	ssetifvalue $0x7FFFFFFF;
	v0 =	vld.msk [tilespmem:s17+$0x0 ss:$0x1], $0xffff  }
.Ltmp4:
0x3a: {  	_ = 	snop;
	(pc) =	sbr.rel .LBB2_4-.Ltmp4, $1  }
0x3b: {  	_ =	sdelay $0x3  }
.LBB2_6:
0x3c: {  	_ =	sfence.sel $0x180000  }
0x3d: {  	s2 =	simm.s32 $0x2;
	[bflag:$0x0] =	sbarrier.arrive $0xFFFF  }
0x3e: {  	s30 =	simm.s32 $0x3;
	[sflag:s2] =	ssyncpa.u1 $0x1  }
0x3f: {  	s31 =	simm.s32 $0x1;
	[sflag:s30] =	ssyncpa.u1 $0x1  }
0x40: {  	[sflag:s31] =	ssyncpa.u1 $0x1  }
0x41: {  	p0 =	sne.s32 s1, $0x0;
	_ =	strace $0x9000005F  }
0x42: {  	s0 =	sadd.s32 @!p0 $0x100000, s0;
	[bflag:$0x2] =	sbarrier.arrive $0xFFFF  }
0x43: {  	[sflag:s0] =	ssyncadd.tile.s32 @!p0 $0x1;
	_ =	shalt  }
.Lfunc_end2:
_tile_overlayer_lowered:
.L_overlay_start_2:
0x44: {  	(tag) =	ssettag $0x2  }
0x45: {  	s0 =	rddreg [dreg:$0x0];
	s2 =	stileid.u32  }
0x46: {  	s1 =	rddreg [dreg:$0x1];
	p0 =	sne.s32 s2, $0x0  }
0x47: {  	s3 =	rddreg [dreg:$0x2];
	[bflag:$0x3] =	sbarrier.arrive $0xFFFF;
	s2 =	simm.s32 @!p0 $0x1C01  }
0x48: {  	[timem:s3], [sflag:s2] =	dma.local @!p0 [hbm:s0], s1  }
0x49: {  	s0 =	simm.s32 @!p0 $0x1  }
0x4a: {  	_ =	swait.ge @!p0 [sflag:s0], s1  }
0x4b: {  	s1 =	ssub.s32 @!p0 $0x0, s1;
	[sflag:s0] =	ssyncset.done @!p0 $0x0  }
0x4c: {  	[sflag:s0] =	ssyncadd.s32 @!p0 s1  }
0x4d: {  	[bflag:$0x3] =	sbarrier.arrive $0xFFFF  }
0x4e: {  	_ =	shalt  }

// kernel: gather_offload_async_start.9
scs
__scs_entry_jumppad:
0x0: {  	(pc) =	sbr.rel $0x88, $3  }
0x1: {  	(tag) =	ssettag $0x0;
	lr =	simm.s32 $0x1  }
0x2: {  	[smem:$0x3F7D] =	sst lr;
	_ =	strace $0xD0000000  }
0x3: {  	_ = 	snop  }
0x4: {  	_ = 	snop  }
0x5: {  	_ = 	snop  }
0x6: {  	_ = 	snop  }
0x7: {  	_ = 	snop  }
__scs_overlays_trampoline_lowered:
0x8: {  	[smem:$0x3F8C] =	sst s0  }
0x9: {  	[smem:$0x3F8D] =	sst s1  }
0xa: {  	[smem:$0x3F8E] =	sst s2  }
0xb: {  	[smem:$0x3F8F] =	sst s3  }
0xc: {  	[smem:$0x3F90] =	sst s4  }
0xd: {  	[smem:$0x3F91] =	sst s5  }
0xe: {  	[smem:$0x3F92] =	sst s6  }
0xf: {  	[smem:$0x3F93] =	sst s7  }
0x10: {  	[smem:$0x3F94] =	sst s8  }
0x11: {  	[smem:$0x3F95] =	sst s9;
	s0 =	simm.s32 @!p0 $0x0  }
0x12: {  	s1 =	sld [smem:$0x3F7B];
	s0 =	simm.s32 @p0 $0x1  }
0x13: {  	[smem:$0x3F96] =	sst s0;
	s0 =	simm.s32 @!p1 $0x0  }
0x14: {  	s2 =	sld [smem:$0x3F7A];
	s0 =	simm.s32 @p1 $0x1  }
0x15: {  	[smem:$0x3F97] =	sst s0;
	s0 =	simm.s32 @!p2 $0x0  }
0x16: {  	s3 =	sld [smem:$0x3FDB];
	s0 =	simm.s32 @p2 $0x1  }
0x17: {  	s4 =	simm.s32 $0x1BF5;
	[smem:$0x3F99] =	sst s0  }
0x18: {  	s0 =	sld [smem:$0x3F7C];
	_ =	swait.ge [sflag:s4], $0x0  }
0x19: {  	s7 =	sld [smem:$0x3F7D]  }
0x1a: {  	s8 =	sadd.s32 $0xFFFFE003, lr  }
0x1b: {  	s9 =	sadd.s32 $0xFFFFFEF7, lr;
	s5 =	simm.s32 $0xFFFFFFFF;
	p2 =	slt.u32 s8, $0xFFFFF086  }
0x1c: {  	p1 =	slt.u32 s9, $0xF7A;
	s5 =	simm.s32 @!p2 $0x0  }
0x1d: {  	s5 =	simm.s32 @p1 $0x1;
	p0 =	seq.s32 s7, s2  }
0x1e: {  	s7 =	smul.u32 @!p0 $0xF7A, s2;
	p2 =	seq.s32 @!p0 s5, $0x0  }
0x1f: {  	s9 =	smul.u32 $0xF7A, s1;
	s8 =	simm.s32 @!p0 $0x1BF5;
	p2 =	por !p2, p0  }
0x20: {  	[sflag:s8] =	ssyncset.s32 @!p0 $0xFFFFF086;
	s6 =	sadd.s32 @!p0 s3, s7;
	s7 =	simm.s32 @!p0 $0x108  }
0x21: {  	s3 =	sadd.s32 s3, s9;
	s6 =	sadd.s32 @!p0 $0x88, s6;
	s7 =	simm.s32 @p2 $0x1082  }
0x22: {  	[simem:s7], [sflag:s8] =	dma.local @!p0 [hbm:s6], $0xF7A  }
0x23: {  	s9 =	sor.u32 $0xD0000000, s2;
	s6 =	simm.s32 $0x108;
	_ =	swait.ge @!p0 [sflag:s8], $0x0  }
0x24: {  	s3 =	sadd.s32 $0x88, s3;
	s6 =	simm.s32 @!p1 $0x1082;
	[sflag:s4] =	ssyncset.s32 $0xFFFFF086  }
0x25: {  	[simem:s6], [sflag:s4] =	dma.local [hbm:s3], $0xF7A  }
0x26: {  	[smem:$0x3F7D] =	sst s1;
	(tag) =	ssettag s2;
	_ =	strace s9  }
0x27: {  	s1 =	sld [smem:$0x3F8D]  }
0x28: {  	s2 =	sld [smem:$0x3F8E]  }
0x29: {  	s4 =	sld [smem:$0x3F90]  }
0x2a: {  	p0 =	seq.s32 s5, $0x0;
	s5 =	sld [smem:$0x3F91]  }
0x2b: {  	s6 =	sld [smem:$0x3F92]  }
0x2c: {  	s7 =	sld [smem:$0x3F93]  }
0x2d: {  	s3 =	simm.s32 $0x108;
	s8 =	sld [smem:$0x3F94]  }
0x2e: {  	s3 =	simm.s32 @!p0 $0x1082;
	s9 =	sld [smem:$0x3F95]  }
0x2f: {  	lr =	sadd.s32 s0, s3;
	s0 =	sld [smem:$0x3F8C]  }
0x30: {  	s3 =	sld [smem:$0x3F8F]  }
0x31: {  	[smem:$0x3F98] =	sst s10  }
0x32: {  	s10 =	sld [smem:$0x3F96];
	_ =	sdelay $0x3  }
0x33: {  	p0 =	seq.s32 s10, $0x1;
	s10 =	sld [smem:$0x3F98];
	_ =	sdelay $0x3  }
0x34: {  	[smem:$0x3F98] =	sst s10  }
0x35: {  	s10 =	sld [smem:$0x3F97];
	_ =	sdelay $0x3  }
0x36: {  	p1 =	seq.s32 s10, $0x1;
	s10 =	sld [smem:$0x3F98];
	_ =	sdelay $0x3  }
0x37: {  	[smem:$0x3F98] =	sst s10  }
0x38: {  	s10 =	sld [smem:$0x3F99]  }
0x39: {  	_ = 	snop;
	(pc) =	sbr.ind lr, $3  }
0x3a: {  	_ = 	snop  }
0x3b: {  	_ = 	snop  }
0x3c: {  	p2 =	seq.s32 s10, $0x1;
	s10 =	sld [smem:$0x3F98]  }
0x3d: {  	_ =	shalt  }
0x3e: {  	_ =	shalt  }
0x3f: {  	_ =	shalt  }
0x40: {  	_ =	shalt  }
0x41: {  	_ =	shalt  }
0x42: {  	_ =	shalt  }
0x43: {  	_ =	shalt  }
0x44: {  	_ =	shalt  }
0x45: {  	_ =	shalt  }
0x46: {  	_ =	shalt  }
0x47: {  	_ =	shalt  }
0x48: {  	_ =	shalt  }
0x49: {  	_ =	shalt  }
0x4a: {  	_ =	shalt  }
0x4b: {  	_ =	shalt  }
0x4c: {  	_ =	shalt  }
0x4d: {  	_ =	shalt  }
0x4e: {  	_ =	shalt  }
0x4f: {  	_ =	shalt  }
0x50: {  	_ =	shalt  }
0x51: {  	_ =	shalt  }
0x52: {  	_ =	shalt  }
0x53: {  	_ =	shalt  }
0x54: {  	_ =	shalt  }
0x55: {  	_ =	shalt  }
0x56: {  	_ =	shalt  }
0x57: {  	_ =	shalt  }
0x58: {  	_ =	shalt  }
0x59: {  	_ =	shalt  }
0x5a: {  	_ =	shalt  }
0x5b: {  	_ =	shalt  }
0x5c: {  	_ =	shalt  }
0x5d: {  	_ =	shalt  }
0x5e: {  	_ =	shalt  }
0x5f: {  	_ =	shalt  }
0x60: {  	_ =	shalt  }
0x61: {  	_ =	shalt  }
0x62: {  	_ =	shalt  }
0x63: {  	_ =	shalt  }
0x64: {  	_ =	shalt  }
0x65: {  	_ =	shalt  }
0x66: {  	_ =	shalt  }
0x67: {  	_ =	shalt  }
0x68: {  	_ =	shalt  }
0x69: {  	_ =	shalt  }
0x6a: {  	_ =	shalt  }
0x6b: {  	_ =	shalt  }
0x6c: {  	_ =	shalt  }
0x6d: {  	_ =	shalt  }
0x6e: {  	_ =	shalt  }
0x6f: {  	_ =	shalt  }
0x70: {  	_ =	shalt  }
0x71: {  	_ =	shalt  }
0x72: {  	_ =	shalt  }
0x73: {  	_ =	shalt  }
0x74: {  	_ =	shalt  }
0x75: {  	_ =	shalt  }
0x76: {  	_ =	shalt  }
0x77: {  	_ =	shalt  }
0x78: {  	_ =	shalt  }
0x79: {  	_ =	shalt  }
0x7a: {  	_ =	shalt  }
0x7b: {  	_ =	shalt  }
0x7c: {  	_ =	shalt  }
0x7d: {  	_ =	shalt  }
0x7e: {  	_ =	shalt  }
0x7f: {  	_ =	shalt  }
0x80: {  	_ =	shalt  }
0x81: {  	_ =	shalt  }
0x82: {  	_ =	shalt  }
0x83: {  	_ =	shalt  }
0x84: {  	_ =	shalt  }
0x85: {  	_ =	shalt  }
0x86: {  	_ =	shalt  }
0x87: {  	_ =	shalt  }
.Lfunc_end0:
.L_simem_size_0:
called_computation.9_lowered:
.L_overlay_start_0:
0x88: {  	s2 =	sld [smem:$0x3FD9]  }
0x89: {  	s3 =	sld [smem:$0x3FFE];
	_ =	sdelay $0x1  }
0x8a: {  	s1 =	srdreg.scid  }
0x8b: {  	s0 =	sand.u32 $0x1, s1  }
0x8c: {  	s16 =	sshll.u32 s0, $0xA;
	s2 =	sadd.s32 s3, s2  }
0x8d: {  	s2 =	sadd.s32 s2, s16  }
0x8e: {  	[smem:$0x3FA4] =	sst s2  }
0x8f: {  	_ = 	snop  }
0x90: {  	(tm) =	ssettm $0x1  }
0x91: {  	s17 =	sld [smem:$0x3FFB];
	_ =	sdelay $0x3  }
0x92: {  	_ =	strace s17  }
0x93: {  	s2 =	sld [smem:$0x3FFC];
	_ =	sdelay $0x3  }
0x94: {  	_ =	strace s2  }
0x95: {  	s2 =	sld [smem:$0x3FFD];
	_ =	sdelay $0x3  }
0x96: {  	_ =	strace s2  }
0x97: {  	_ =	strace $0x8FFFFFFF  }
0x98: {  	s18 =	sld [smem:$0x3FDB];
	_ =	sdelay $0x1  }
0x99: {  	s19 =	simm.s32 $_scs_section_size  }
0x9a: {  	s4 =	simm.s32 $_size__tile_overlayer_lowered;
	s5 =	simm.s32 $_tile_overlayer_lowered  }
0x9b: {  	s22 =	simm.s32 $0x1BFF;
	s21 =	sshll.u32 s5, $0x1;
	s2 =	sadd.s32 s19, s18  }
0x9c: {  	s6 =	simm.s32 $0x0;
	s20 =	sshll.u32 s4, $0x1;
	s4 =	sadd.s32 s21, s2  }
0x9d: {  	[timem:s6], [sflag:s22] =	dma.local [hbm:s4], s20  }
0x9e: {  	_ =	swait.ge [sflag:s22], s20  }
0x9f: {  	s3 =	ssub.s32 $0x0, s20;
	[sflag:s22] =	ssyncset.done $0x0  }
0xa0: {  	[sflag:s22] =	ssyncadd.s32 s3;
	_ =	sdelay $0x1  }
0xa1: {  	s23 =	simm.s32 $0x1B8B  }
0xa2: {  	_ =	swait.ge [sflag:s23], $0x1  }
0xa3: {  	[sflag:s23] =	ssyncset.done $0x0  }
0xa4: {  	s25 =	simm.s32 $0x1B8E;
	s24 =	sld [smem:$0x3FFE];
	[sflag:s23] =	ssyncadd.s32 $0xFFFFFFFF  }
0xa5: {  	s26 =	simm.s32 $execute0_lowered;
	[smem:$0x3FD2] =	sst s25  }
0xa6: {  	s4 =	sshll.u32 s26, $0x1;
	_ =	strace $0x80000061;
	[dreg:$0x1] =	wrdreg $0xFFFFFFFF  }
0xa7: {  	s28 =	simm.s32 $_size_execute0_lowered;
	s2 =	sadd.s32 s2, s4;
	[dreg:$0x0] =	wrdreg $0x0  }
0xa8: {  	s4 =	sshll.u32 s28, $0x1;
	[dreg:$0x2] =	wrdreg s2  }
0xa9: {  	[dreg:$0x3] =	wrdreg s4  }
0xaa: {  	[dreg:$0x4] =	wrdreg $0xC0  }
0xab: {  	_ =	task [dreg:s6], $0x5FFFF  }
0xac: {  	[dreg:$0x1] =	wrdreg $0xFFFFFFFF  }
0xad: {  	[dreg:$0x0] =	wrdreg $0x60  }
0xae: {  	[dreg:$0x2] =	wrdreg s24  }
0xaf: {  	[dreg:$0x3] =	wrdreg $0x9  }
0xb0: {  	_ =	task.clear_ibuf [dreg:s6], $0x4FFFF;
	_ =	strace $0x90000061  }
0xb1: {  	s29 =	simm.s32 $0x9;
	_ =	strace $0x80000063  }
0xb2: {  	_ =	swait.ge [sflag:s29], $0x1  }
0xb3: {  	[sflag:s29] =	ssyncadd.s32 $0xFFFFFFFF  }
0xb4: {  	_ =	strace $0x90000063  }
0xb5: {  	_ =	sfence  }
0xb6: {  	s30 =	sld [smem:$0x0];
	_ =	sdelay $0x2  }
0xb7: {  	s31 =	sshll.u32 s1, $0xD;
	s1 =	sshrl.u32 s1, $0x2  }
0xb8: {  	s3 =	sand.u32 $0x4000, s31;
	s1 =	sadd.s32 s1, s30  }
0xb9: {  	s0 =	sor.u32 s3, s0;
	s1 =	sshll.u32 s1, $0x11  }
0xba: {  	s0 =	sor.u32 s1, s0  }
0xbb: {  	s0 =	sadd.s32 $0x8F2B, s0  }
0xbc: {  	[sflag:s0] =	ssyncadd.remote.s32 $0x1  }
0xbd: {  	_ =	sfence.sel $0xFFFF  }
0xbe: {  	[dreg:$0x0] =	wrdreg $0xFFFFFFFF;
	(pc) =	sbr.abs _section_cstart, $3  }
0xbf: {  	[dreg:$0x1] =	wrdreg $0xFFFFFFFF  }
0xc0: {  	_ =	task.clear_ibuf [dreg:s6], $0x2FFFF;
	_ =	strace $0x9FFFFFFF  }
0xc1: {  	(tm) =	ssettm $0x7FFFFFFF  }
tec
execute0_lowered:
.L_overlay_start_1:
0x0: {  	(tag) =	ssettag $0x1  }
0x1: {  	s0 =	srdreg.scid;
	s5 =	rddreg [dreg:$0x0]  }
0x2: {  	s1 =	stileid.u32;
	s6 =	simm.s32 $0x1;
	s9 =	simm.s32 $0x1  }
0x3: {  	s10 =	simm.s32 $0x3;
	s13 =	simm.s32 $0x0;
	s2 =	sshll.u32 s0, $0x7  }
0x4: {  	s12 =	simm.s32 $0x0;
	s3 =	sshll.u32 s1, $0x8;
	s2 =	sand.u32 $0x80, s2  }
0x5: {  	s0 =	rddreg [dreg:$0x1];
	_ =	strace $0x80000062;
	s2 =	sor.u32 s3, s2  }
0x6: {  	s4 =	sadd.s32 $0x13B400, s5;
	[sflag:s6] =	ssyncpa.u1 $0x0;
	s8 =	ssub.s32 $0x3D100, s2  }
.Ltmp0:
0x7: {  	s3 =	sadd.s32 $0x23A00, s5;
	s7 =	sand.u32 $0xF80, s8;
	(pc) =	sbr.rel .LBB2_1-.Ltmp0, $4  }
0x8: {  	s5 =	sadd.s32 $0x29C00, s5;
	s11 =	smov.u32 s2;
	p0 =	sne.s32 s7, $0x0  }
0x9: {  	s8 =	sshrl.u32 s8, $0xC;
	s7 =	simm.s32 $0x2;
	s9 =	simm.s32 @!p0 $0x0  }
0xa: {  	[sflag:s7] =	ssyncpa.u1 $0x0;
	p0 =	por $0x0, $0x0;
	s8 =	sadd.s32 s9, s8  }
0xb: {  	vm0 =	vmmov $0xffff;
	[sflag:s10] =	ssyncpa.u1 $0x0;
	s10 =	simm.s32 $0x0;
	s9 =	sadd.s32 $0x1, s8  }
.LBB2_4:
0xc: {  	v2 =	vnsel vm1, $0x0, v2  }
0xd: {  	vm1 =	vgt.s32 v0, $0x0;
	v2 =	vmin.u32 v2, $0x30D3F  }
0xe: {  	v0 =	vnsel vm1, $0x0, v0  }
0xf: {  	v0 =	vmin.u32 v0, $0x30D3F  }
0x10: {  	[tilespmem:s15], [sflag:$0x1] =	stream.indirect_vreg.gather [hbm4b:s3+s10], $0x1, v1, vm0, $0x4038;
	[tilespmem:$0x200] =	vst v63  }
0x11: {  	(ifvalue) =	ssetifvalue $0x7FFFFFFF  }
0x12: {  	[tilespmem:s16], [sflag:$0x1] =	stream.indirect_vreg.gather [hbm4b:s3+s10], $0x1, v2, vm0, $0x4038;
	[tilespmem:$0x200] =	vst v63  }
0x13: {  	s29 =	sadd.s32 $0x10, s16;
	(ifvalue) =	ssetifvalue $0x7FFFFFFF  }
0x14: {  	[tilespmem:s29], [sflag:$0x1] =	stream.indirect_vreg.gather [hbm4b:s3+s10], $0x1, v0, vm0, $0x4038;
	[tilespmem:$0x200] =	vst v63  }
0x15: {  	_ =	swait.ge [sflag:s6], $0x80  }
0x16: {  	s30 =	sshrl.u32 s13, $0x3;
	[sflag:s6] =	ssyncset.done $0x0  }
0x17: {  	s31 =	sand.u32 $0x7, s13;
	s15 =	sadd.s32 s5, s30;
	[sflag:s6] =	ssyncadd.s32 $0xFFFFFF80  }
0x18: {  	[hbm4b:s15+s31] =	stream.linear.scatter [tilespmem:s14], [sflag:$0x3], $0x80, $0x38;
	[tilespmem:$0x200] =	vst v63  }
.LBB2_5:
0x19: {  	s15 =	sadd.s32 $0x1000, s11  }
0x1a: {  	p2 =	sgt.s32 s15, $0x3D0FF  }
0x1b: {  	s15 =	smov.u32 @p2 s2;
	p2 =	sne.s32 s12, s9  }
.Ltmp1:
0x1c: {  	p1 =	slt.u32 s12, $0x2;
	(pc) =	sbr.rel @!p2 .LBB2_6-.Ltmp1, $4  }
0x1d: {  	s14 =	simm.s32 @!p1 $0x3  }
0x1e: {  	s16 =	sadd.s32 $0x1, s12;
	_ =	swait.ge @!p1 [sflag:s14], $0x80  }
0x1f: {  	s13 =	smov.u32 s11;
	p0 =	por !p0, !p0;
	[sflag:s14] =	ssyncset.done @!p1 $0x0  }
0x20: {  	s12 =	smov.u32 s16;
	s11 =	smov.u32 s15;
	[sflag:s14] =	ssyncadd.s32 @!p1 $0xFFFFFF80  }
.LBB2_1:
0x21: {  	p1 =	sge.u32 s12, s8  }
0x22: {  	s14 =	sxor.u32 @!p1 $0xFFFFFFFF, s12  }
0x23: {  	s31 =	sadd.s32 $0xFFFFFFFF, s12;
	s15 =	sshrl.u32 @!p1 s11, $0x3;
	s14 =	sshll.u32 @!p1 s14, $0x7  }
0x24: {  	s16 =	sand.u32 @!p1 $0x7, s11;
	s15 =	sadd.s32 @!p1 s4, s15;
	s14 =	sand.u32 @!p1 $0x80, s14  }
0x25: {  	[tilespmem:s14], [sflag:$0x2] =	stream.linear.gather @!p1 [hbm4b:s15+s16], $0x80, $0x38;
	[tilespmem:$0x200] =	vst v63  }
0x26: {  	p1 =	sge.u32 s31, s8  }
.Ltmp2:
0x27: {  	_ = 	snop;
	(pc) =	sbr.rel @p1 .LBB2_5-.Ltmp2, $1  }
0x28: {  	_ =	sdelay $0x3  }
0x29: {  	s14 =	simm.s32 $0x1  }
0x2a: {  	_ =	swait.ge [sflag:s7], $0x80;
	s14 =	simm.s32 @!p0 $0x0  }
0x2b: {  	[sflag:s7] =	ssyncset.done $0x0;
	s14 =	sshll.u32 s14, $0x7  }
0x2c: {  	[sflag:s7] =	ssyncadd.s32 $0xFFFFFF80;
	(ifvalue) =	ssetifvalue $0x7FFFFFFF;
	v0 =	vld.msk [tilespmem:s14+$0x0 ss:$0x1], $0xffff;
	_ =	sdelay $0x4  }
0x2d: {  	s15 =	sadd.s32 $0x10, s14;
	vm1 =	vgt.s32 v0, $0x0  }
0x2e: {  	v2 =	vld.msk [tilespmem:s15+$0x0 ss:$0x1], $0xffff;
	v1 =	vnsel vm1, $0x0, v0  }
0x2f: {  	v1 =	vmin.u32 v1, $0x30D3F;
	_ =	sdelay $0x1  }
0x30: {  	s16 =	sshll.u32 s12, $0x7;
	s18 =	simm.s32 $0x20  }
0x31: {  	s16 =	sand.u32 $0x80, s16;
	s17 =	sadd.s32 $0x10, s15;
	s15 =	sor.u32 $0x100, s14  }
0x32: {  	s14 =	sor.u32 $0x100, s16;
	s16 =	sadd.s32 $0x10, s15;
	v0 =	vld.msk [tilespmem:s17+$0x0 ss:$0x1], $0xffff;
	vm1 =	vgt.s32 v2, $0x0;
	(ifvalue) =	ssetifvalue $0x7FFFFFFF  }
.LBB2_3:
0x33: {  	[tilespmem:s15], [sflag:$0x1] =	stream.indirect_vreg.gather [hbm4b:s3+s10], $0x1, v1, vm0, $0x4038;
	[tilespmem:$0x200] =	vst v63  }
0x34: {  	s18 =	sadd.s32 $0x10, s18  }
0x35: {  	v2 =	vnsel vm1, $0x0, v2;
	p1 =	slt.u32 s18, $0x70  }
.Ltmp3:
0x36: {  	s15 =	smov.u32 s16;
	v1 =	vmin.u32 v2, $0x30D3F;
	(pc) =	sbr.rel @p1 .LBB2_3-.Ltmp3, $3  }
0x37: {  	_ =	sdelay $0x1  }
0x38: {  	s17 =	sadd.s32 $0x10, s17  }
0x39: {  	vm1 =	vgt.s32 v0, $0x0;
	s16 =	sadd.s32 $0x10, s16;
	v2 =	vmov v0;
	(ifvalue) =	ssetifvalue $0x7FFFFFFF;
	v0 =	vld.msk [tilespmem:s17+$0x0 ss:$0x1], $0xffff  }
.Ltmp4:
0x3a: {  	_ = 	snop;
	(pc) =	sbr.rel .LBB2_4-.Ltmp4, $1  }
0x3b: {  	_ =	sdelay $0x3  }
.LBB2_6:
0x3c: {  	_ =	sfence.sel $0x180000  }
0x3d: {  	s2 =	simm.s32 $0x2;
	[bflag:$0x0] =	sbarrier.arrive $0xFFFF  }
0x3e: {  	s30 =	simm.s32 $0x3;
	[sflag:s2] =	ssyncpa.u1 $0x1  }
0x3f: {  	s31 =	simm.s32 $0x1;
	[sflag:s30] =	ssyncpa.u1 $0x1  }
0x40: {  	[sflag:s31] =	ssyncpa.u1 $0x1  }
0x41: {  	p0 =	sne.s32 s1, $0x0;
	_ =	strace $0x90000062  }
0x42: {  	s0 =	sadd.s32 @!p0 $0x100000, s0;
	[bflag:$0x2] =	sbarrier.arrive $0xFFFF  }
0x43: {  	[sflag:s0] =	ssyncadd.tile.s32 @!p0 $0x1;
	_ =	shalt  }
.Lfunc_end2:
_tile_overlayer_lowered:
.L_overlay_start_2:
0x44: {  	(tag) =	ssettag $0x2  }
0x45: {  	s0 =	rddreg [dreg:$0x0];
	s2 =	stileid.u32  }
0x46: {  	s1 =	rddreg [dreg:$0x1];
	p0 =	sne.s32 s2, $0x0  }
0x47: {  	s3 =	rddreg [dreg:$0x2];
	[bflag:$0x3] =	sbarrier.arrive $0xFFFF;
	s2 =	simm.s32 @!p0 $0x1C01  }
0x48: {  	[timem:s3], [sflag:s2] =	dma.local @!p0 [hbm:s0], s1  }
0x49: {  	s0 =	simm.s32 @!p0 $0x1  }
0x4a: {  	_ =	swait.ge @!p0 [sflag:s0], s1  }
0x4b: {  	s1 =	ssub.s32 @!p0 $0x0, s1;
	[sflag:s0] =	ssyncset.done @!p0 $0x0  }
0x4c: {  	[sflag:s0] =	ssyncadd.s32 @!p0 s1  }
0x4d: {  	[bflag:$0x3] =	sbarrier.arrive $0xFFFF  }
0x4e: {  	_ =	shalt  }

// kernel: gather_offload_async_start
scs
__scs_entry_jumppad:
0x0: {  	(pc) =	sbr.rel $0x88, $3  }
0x1: {  	(tag) =	ssettag $0x0;
	lr =	simm.s32 $0x1  }
0x2: {  	[smem:$0x3F7D] =	sst lr;
	_ =	strace $0xD0000000  }
0x3: {  	_ = 	snop  }
0x4: {  	_ = 	snop  }
0x5: {  	_ = 	snop  }
0x6: {  	_ = 	snop  }
0x7: {  	_ = 	snop  }
__scs_overlays_trampoline_lowered:
0x8: {  	[smem:$0x3F8C] =	sst s0  }
0x9: {  	[smem:$0x3F8D] =	sst s1  }
0xa: {  	[smem:$0x3F8E] =	sst s2  }
0xb: {  	[smem:$0x3F8F] =	sst s3  }
0xc: {  	[smem:$0x3F90] =	sst s4  }
0xd: {  	[smem:$0x3F91] =	sst s5  }
0xe: {  	[smem:$0x3F92] =	sst s6  }
0xf: {  	[smem:$0x3F93] =	sst s7  }
0x10: {  	[smem:$0x3F94] =	sst s8  }
0x11: {  	[smem:$0x3F95] =	sst s9;
	s0 =	simm.s32 @!p0 $0x0  }
0x12: {  	s1 =	sld [smem:$0x3F7B];
	s0 =	simm.s32 @p0 $0x1  }
0x13: {  	[smem:$0x3F96] =	sst s0;
	s0 =	simm.s32 @!p1 $0x0  }
0x14: {  	s2 =	sld [smem:$0x3F7A];
	s0 =	simm.s32 @p1 $0x1  }
0x15: {  	[smem:$0x3F97] =	sst s0;
	s0 =	simm.s32 @!p2 $0x0  }
0x16: {  	s3 =	sld [smem:$0x3FDB];
	s0 =	simm.s32 @p2 $0x1  }
0x17: {  	s4 =	simm.s32 $0x1BF5;
	[smem:$0x3F99] =	sst s0  }
0x18: {  	s0 =	sld [smem:$0x3F7C];
	_ =	swait.ge [sflag:s4], $0x0  }
0x19: {  	s7 =	sld [smem:$0x3F7D]  }
0x1a: {  	s8 =	sadd.s32 $0xFFFFE003, lr  }
0x1b: {  	s9 =	sadd.s32 $0xFFFFFEF7, lr;
	s5 =	simm.s32 $0xFFFFFFFF;
	p2 =	slt.u32 s8, $0xFFFFF086  }
0x1c: {  	p1 =	slt.u32 s9, $0xF7A;
	s5 =	simm.s32 @!p2 $0x0  }
0x1d: {  	s5 =	simm.s32 @p1 $0x1;
	p0 =	seq.s32 s7, s2  }
0x1e: {  	s7 =	smul.u32 @!p0 $0xF7A, s2;
	p2 =	seq.s32 @!p0 s5, $0x0  }
0x1f: {  	s9 =	smul.u32 $0xF7A, s1;
	s8 =	simm.s32 @!p0 $0x1BF5;
	p2 =	por !p2, p0  }
0x20: {  	[sflag:s8] =	ssyncset.s32 @!p0 $0xFFFFF086;
	s6 =	sadd.s32 @!p0 s3, s7;
	s7 =	simm.s32 @!p0 $0x108  }
0x21: {  	s3 =	sadd.s32 s3, s9;
	s6 =	sadd.s32 @!p0 $0x88, s6;
	s7 =	simm.s32 @p2 $0x1082  }
0x22: {  	[simem:s7], [sflag:s8] =	dma.local @!p0 [hbm:s6], $0xF7A  }
0x23: {  	s9 =	sor.u32 $0xD0000000, s2;
	s6 =	simm.s32 $0x108;
	_ =	swait.ge @!p0 [sflag:s8], $0x0  }
0x24: {  	s3 =	sadd.s32 $0x88, s3;
	s6 =	simm.s32 @!p1 $0x1082;
	[sflag:s4] =	ssyncset.s32 $0xFFFFF086  }
0x25: {  	[simem:s6], [sflag:s4] =	dma.local [hbm:s3], $0xF7A  }
0x26: {  	[smem:$0x3F7D] =	sst s1;
	(tag) =	ssettag s2;
	_ =	strace s9  }
0x27: {  	s1 =	sld [smem:$0x3F8D]  }
0x28: {  	s2 =	sld [smem:$0x3F8E]  }
0x29: {  	s4 =	sld [smem:$0x3F90]  }
0x2a: {  	p0 =	seq.s32 s5, $0x0;
	s5 =	sld [smem:$0x3F91]  }
0x2b: {  	s6 =	sld [smem:$0x3F92]  }
0x2c: {  	s7 =	sld [smem:$0x3F93]  }
0x2d: {  	s3 =	simm.s32 $0x108;
	s8 =	sld [smem:$0x3F94]  }
0x2e: {  	s3 =	simm.s32 @!p0 $0x1082;
	s9 =	sld [smem:$0x3F95]  }
0x2f: {  	lr =	sadd.s32 s0, s3;
	s0 =	sld [smem:$0x3F8C]  }
0x30: {  	s3 =	sld [smem:$0x3F8F]  }
0x31: {  	[smem:$0x3F98] =	sst s10  }
0x32: {  	s10 =	sld [smem:$0x3F96];
	_ =	sdelay $0x3  }
0x33: {  	p0 =	seq.s32 s10, $0x1;
	s10 =	sld [smem:$0x3F98];
	_ =	sdelay $0x3  }
0x34: {  	[smem:$0x3F98] =	sst s10  }
0x35: {  	s10 =	sld [smem:$0x3F97];
	_ =	sdelay $0x3  }
0x36: {  	p1 =	seq.s32 s10, $0x1;
	s10 =	sld [smem:$0x3F98];
	_ =	sdelay $0x3  }
0x37: {  	[smem:$0x3F98] =	sst s10  }
0x38: {  	s10 =	sld [smem:$0x3F99]  }
0x39: {  	_ = 	snop;
	(pc) =	sbr.ind lr, $3  }
0x3a: {  	_ = 	snop  }
0x3b: {  	_ = 	snop  }
0x3c: {  	p2 =	seq.s32 s10, $0x1;
	s10 =	sld [smem:$0x3F98]  }
0x3d: {  	_ =	shalt  }
0x3e: {  	_ =	shalt  }
0x3f: {  	_ =	shalt  }
0x40: {  	_ =	shalt  }
0x41: {  	_ =	shalt  }
0x42: {  	_ =	shalt  }
0x43: {  	_ =	shalt  }
0x44: {  	_ =	shalt  }
0x45: {  	_ =	shalt  }
0x46: {  	_ =	shalt  }
0x47: {  	_ =	shalt  }
0x48: {  	_ =	shalt  }
0x49: {  	_ =	shalt  }
0x4a: {  	_ =	shalt  }
0x4b: {  	_ =	shalt  }
0x4c: {  	_ =	shalt  }
0x4d: {  	_ =	shalt  }
0x4e: {  	_ =	shalt  }
0x4f: {  	_ =	shalt  }
0x50: {  	_ =	shalt  }
0x51: {  	_ =	shalt  }
0x52: {  	_ =	shalt  }
0x53: {  	_ =	shalt  }
0x54: {  	_ =	shalt  }
0x55: {  	_ =	shalt  }
0x56: {  	_ =	shalt  }
0x57: {  	_ =	shalt  }
0x58: {  	_ =	shalt  }
0x59: {  	_ =	shalt  }
0x5a: {  	_ =	shalt  }
0x5b: {  	_ =	shalt  }
0x5c: {  	_ =	shalt  }
0x5d: {  	_ =	shalt  }
0x5e: {  	_ =	shalt  }
0x5f: {  	_ =	shalt  }
0x60: {  	_ =	shalt  }
0x61: {  	_ =	shalt  }
0x62: {  	_ =	shalt  }
0x63: {  	_ =	shalt  }
0x64: {  	_ =	shalt  }
0x65: {  	_ =	shalt  }
0x66: {  	_ =	shalt  }
0x67: {  	_ =	shalt  }
0x68: {  	_ =	shalt  }
0x69: {  	_ =	shalt  }
0x6a: {  	_ =	shalt  }
0x6b: {  	_ =	shalt  }
0x6c: {  	_ =	shalt  }
0x6d: {  	_ =	shalt  }
0x6e: {  	_ =	shalt  }
0x6f: {  	_ =	shalt  }
0x70: {  	_ =	shalt  }
0x71: {  	_ =	shalt  }
0x72: {  	_ =	shalt  }
0x73: {  	_ =	shalt  }
0x74: {  	_ =	shalt  }
0x75: {  	_ =	shalt  }
0x76: {  	_ =	shalt  }
0x77: {  	_ =	shalt  }
0x78: {  	_ =	shalt  }
0x79: {  	_ =	shalt  }
0x7a: {  	_ =	shalt  }
0x7b: {  	_ =	shalt  }
0x7c: {  	_ =	shalt  }
0x7d: {  	_ =	shalt  }
0x7e: {  	_ =	shalt  }
0x7f: {  	_ =	shalt  }
0x80: {  	_ =	shalt  }
0x81: {  	_ =	shalt  }
0x82: {  	_ =	shalt  }
0x83: {  	_ =	shalt  }
0x84: {  	_ =	shalt  }
0x85: {  	_ =	shalt  }
0x86: {  	_ =	shalt  }
0x87: {  	_ =	shalt  }
.Lfunc_end0:
.L_simem_size_0:
called_computation_lowered:
.L_overlay_start_0:
0x88: {  	s2 =	sld [smem:$0x3FD9]  }
0x89: {  	s3 =	sld [smem:$0x3FFE];
	_ =	sdelay $0x1  }
0x8a: {  	s1 =	srdreg.scid  }
0x8b: {  	s0 =	sand.u32 $0x1, s1  }
0x8c: {  	s16 =	sshll.u32 s0, $0xA;
	s2 =	sadd.s32 s3, s2  }
0x8d: {  	s2 =	sadd.s32 s2, s16  }
0x8e: {  	[smem:$0x3FA4] =	sst s2  }
0x8f: {  	_ = 	snop  }
0x90: {  	(tm) =	ssettm $0x1  }
0x91: {  	s17 =	sld [smem:$0x3FFB];
	_ =	sdelay $0x3  }
0x92: {  	_ =	strace s17  }
0x93: {  	s2 =	sld [smem:$0x3FFC];
	_ =	sdelay $0x3  }
0x94: {  	_ =	strace s2  }
0x95: {  	s2 =	sld [smem:$0x3FFD];
	_ =	sdelay $0x3  }
0x96: {  	_ =	strace s2  }
0x97: {  	_ =	strace $0x8FFFFFFF  }
0x98: {  	s18 =	sld [smem:$0x3FDB];
	_ =	sdelay $0x1  }
0x99: {  	s19 =	simm.s32 $_scs_section_size  }
0x9a: {  	s4 =	simm.s32 $_size__tile_overlayer_lowered;
	s5 =	simm.s32 $_tile_overlayer_lowered  }
0x9b: {  	s22 =	simm.s32 $0x1BFF;
	s21 =	sshll.u32 s5, $0x1;
	s2 =	sadd.s32 s19, s18  }
0x9c: {  	s6 =	simm.s32 $0x0;
	s20 =	sshll.u32 s4, $0x1;
	s4 =	sadd.s32 s21, s2  }
0x9d: {  	[timem:s6], [sflag:s22] =	dma.local [hbm:s4], s20  }
0x9e: {  	_ =	swait.ge [sflag:s22], s20  }
0x9f: {  	s3 =	ssub.s32 $0x0, s20;
	[sflag:s22] =	ssyncset.done $0x0  }
0xa0: {  	[sflag:s22] =	ssyncadd.s32 s3;
	_ =	sdelay $0x1  }
0xa1: {  	s23 =	simm.s32 $0x1B8B  }
0xa2: {  	_ =	swait.ge [sflag:s23], $0x1  }
0xa3: {  	[sflag:s23] =	ssyncset.done $0x0  }
0xa4: {  	s25 =	simm.s32 $0x1B8E;
	s24 =	sld [smem:$0x3FFE];
	[sflag:s23] =	ssyncadd.s32 $0xFFFFFFFF  }
0xa5: {  	s26 =	simm.s32 $execute0_lowered;
	[smem:$0x3FD2] =	sst s25  }
0xa6: {  	s4 =	sshll.u32 s26, $0x1;
	_ =	strace $0x80000052;
	[dreg:$0x1] =	wrdreg $0xFFFFFFFF  }
0xa7: {  	s28 =	simm.s32 $_size_execute0_lowered;
	s2 =	sadd.s32 s2, s4;
	[dreg:$0x0] =	wrdreg $0x0  }
0xa8: {  	s4 =	sshll.u32 s28, $0x1;
	[dreg:$0x2] =	wrdreg s2  }
0xa9: {  	[dreg:$0x3] =	wrdreg s4  }
0xaa: {  	[dreg:$0x4] =	wrdreg $0xC0  }
0xab: {  	_ =	task [dreg:s6], $0x5FFFF  }
0xac: {  	[dreg:$0x1] =	wrdreg $0xFFFFFFFF  }
0xad: {  	[dreg:$0x0] =	wrdreg $0x60  }
0xae: {  	[dreg:$0x2] =	wrdreg s24  }
0xaf: {  	[dreg:$0x3] =	wrdreg $0x9  }
0xb0: {  	_ =	task.clear_ibuf [dreg:s6], $0x4FFFF;
	_ =	strace $0x90000052  }
0xb1: {  	s29 =	simm.s32 $0x9;
	_ =	strace $0x80000054  }
0xb2: {  	_ =	swait.ge [sflag:s29], $0x1  }
0xb3: {  	[sflag:s29] =	ssyncadd.s32 $0xFFFFFFFF  }
0xb4: {  	_ =	strace $0x90000054  }
0xb5: {  	_ =	sfence  }
0xb6: {  	s30 =	sld [smem:$0x0];
	_ =	sdelay $0x2  }
0xb7: {  	s31 =	sshll.u32 s1, $0xD;
	s1 =	sshrl.u32 s1, $0x2  }
0xb8: {  	s3 =	sand.u32 $0x4000, s31;
	s1 =	sadd.s32 s1, s30  }
0xb9: {  	s0 =	sor.u32 s3, s0;
	s1 =	sshll.u32 s1, $0x11  }
0xba: {  	s0 =	sor.u32 s1, s0  }
0xbb: {  	s0 =	sadd.s32 $0x8F2B, s0  }
0xbc: {  	[sflag:s0] =	ssyncadd.remote.s32 $0x1  }
0xbd: {  	_ =	sfence.sel $0xFFFF  }
0xbe: {  	[dreg:$0x0] =	wrdreg $0xFFFFFFFF;
	(pc) =	sbr.abs _section_cstart, $3  }
0xbf: {  	[dreg:$0x1] =	wrdreg $0xFFFFFFFF  }
0xc0: {  	_ =	task.clear_ibuf [dreg:s6], $0x2FFFF;
	_ =	strace $0x9FFFFFFF  }
0xc1: {  	(tm) =	ssettm $0x7FFFFFFF  }
tec
execute0_lowered:
.L_overlay_start_1:
0x0: {  	(tag) =	ssettag $0x1  }
0x1: {  	s8 =	rddreg [dreg:$0x0]  }
0x2: {  	s0 =	rddreg [dreg:$0x1];
	_ =	strace $0x80000053;
	s1 =	stileid.u32  }
0x3: {  	s3 =	srdreg.scid;
	s4 =	simm.s32 $0x1;
	s7 =	simm.s32 $0x1  }
0x4: {  	s9 =	simm.s32 $0x1;
	s10 =	simm.s32 $0x3;
	s13 =	simm.s32 $0x0  }
0x5: {  	s12 =	simm.s32 $0x0;
	s5 =	sand.u32 $0x1, s3;
	s6 =	sshll.u32 s1, $0x1  }
0x6: {  	s2 =	sadd.s32 $0x1D800, s8;
	s3 =	sadd.s32 $0x29C00, s8;
	s5 =	sor.u32 s6, s5  }
.Ltmp0:
0x7: {  	[sflag:s4] =	ssyncpa.u1 $0x0;
	p0 =	slt.u32 s5, $0x13;
	(pc) =	sbr.rel .LBB2_1-.Ltmp0, $4  }
0x8: {  	s6 =	simm.s32 $0x2;
	s7 =	simm.s32 @!p0 $0x0;
	p0 =	sne.s32 s5, $0x12  }
0x9: {  	[sflag:s6] =	ssyncpa.u1 $0x0;
	s5 =	smul.u32 $0xFA0, s5;
	s9 =	simm.s32 @!p0 $0x0  }
0xa: {  	s8 =	sadd.s32 $0x15A400, s8;
	[sflag:s10] =	ssyncpa.u1 $0x0;
	s7 =	sadd.s32 s9, s7  }
0xb: {  	vm0 =	vmmov $0xffff;
	s10 =	simm.s32 $0x0;
	s11 =	smov.u32 s5;
	s9 =	sadd.s32 $0x1, s7  }
.LBB2_4:
0xc: {  	v2 =	vnsel vm1, $0x0, v2  }
0xd: {  	vm1 =	vgt.s32 v0, $0x0;
	v2 =	vmin.u32 v2, $0x30D3F  }
0xe: {  	v0 =	vnsel vm1, $0x0, v0  }
0xf: {  	v0 =	vmin.u32 v0, $0x30D3F  }
0x10: {  	[tilespmem:s18], [sflag:$0x1] =	stream.indirect_vreg.gather [hbm4b:s2+s10], $0x1, v1, vm0, $0x4038;
	[tilespmem:$0x3E80] =	vst v63  }
0x11: {  	(ifvalue) =	ssetifvalue $0x7FFFFFFF  }
0x12: {  	[tilespmem:s15], [sflag:$0x1] =	stream.indirect_vreg.gather [hbm4b:s2+s10], $0x1, v2, vm0, $0x4038;
	[tilespmem:$0x3E80] =	vst v63  }
0x13: {  	s29 =	sadd.s32 $0x10, s15;
	(ifvalue) =	ssetifvalue $0x7FFFFFFF  }
0x14: {  	[tilespmem:s29], [sflag:$0x1] =	stream.indirect_vreg.gather [hbm4b:s2+s10], $0x1, v0, vm0, $0x4038;
	[tilespmem:$0x3E80] =	vst v63  }
0x15: {  	_ =	swait.ge [sflag:s4], $0xFA0  }
0x16: {  	s30 =	sshrl.u32 s13, $0x3;
	[sflag:s4] =	ssyncset.done $0x0  }
0x17: {  	s31 =	sand.u32 $0x7, s13;
	s15 =	sadd.s32 s8, s30;
	[sflag:s4] =	ssyncadd.s32 $0xFFFFF060  }
0x18: {  	[hbm4b:s15+s31] =	stream.linear.scatter [tilespmem:s14], [sflag:$0x3], $0xFA0, $0x38;
	[tilespmem:$0x3E80] =	vst v63  }
.LBB2_5:
0x19: {  	s15 =	sadd.s32 $0x1F400, s11  }
0x1a: {  	p1 =	sgt.s32 s15, $0x30D3F  }
0x1b: {  	s15 =	smov.u32 @p1 s5;
	p1 =	sne.s32 s12, s9  }
.Ltmp1:
0x1c: {  	p0 =	slt.u32 s12, $0x2;
	(pc) =	sbr.rel @!p1 .LBB2_6-.Ltmp1, $4  }
0x1d: {  	s14 =	simm.s32 @!p0 $0x3  }
0x1e: {  	_ =	swait.ge @!p0 [sflag:s14], $0xFA0  }
0x1f: {  	s16 =	sadd.s32 $0x1, s12;
	s13 =	smov.u32 s11;
	[sflag:s14] =	ssyncset.done @!p0 $0x0  }
0x20: {  	s12 =	smov.u32 s16;
	s11 =	smov.u32 s15;
	[sflag:s14] =	ssyncadd.s32 @!p0 $0xFFFFF060  }
.LBB2_1:
0x21: {  	p0 =	sge.u32 s12, s7  }
0x22: {  	s14 =	sxor.u32 @!p0 $0x1, s12  }
0x23: {  	s14 =	smul.u32 @!p0 $0x3E80, s14  }
0x24: {  	s31 =	sadd.s32 $0xFFFFFFFF, s12;
	s15 =	sshrl.u32 @!p0 s11, $0x3  }
0x25: {  	s16 =	sand.u32 @!p0 $0x7, s11;
	s15 =	sadd.s32 @!p0 s3, s15;
	s14 =	sshra.s32 @!p0 s14, $0x2  }
0x26: {  	[tilespmem:s14], [sflag:$0x2] =	stream.linear.gather @!p0 [hbm4b:s15+s16], $0xFA0, $0x38;
	[tilespmem:$0x3E80] =	vst v63  }
0x27: {  	p0 =	sge.u32 s31, s7  }
.Ltmp2:
0x28: {  	_ = 	snop;
	(pc) =	sbr.rel @p0 .LBB2_5-.Ltmp2, $1  }
0x29: {  	_ =	sdelay $0x3  }
0x2a: {  	s14 =	sand.u32 $0x1, s12  }
0x2b: {  	_ =	swait.ge [sflag:s6], $0xFA0;
	p0 =	seq.s32 s14, $0x1;
	s14 =	simm.s32 $0xFA0  }
0x2c: {  	[sflag:s6] =	ssyncset.done $0x0;
	s14 =	simm.s32 @!p0 $0x0  }
0x2d: {  	[sflag:s6] =	ssyncadd.s32 $0xFFFFF060;
	(ifvalue) =	ssetifvalue $0x7FFFFFFF;
	v0 =	vld.msk [tilespmem:s14+$0x0 ss:$0x1], $0xffff;
	_ =	sdelay $0x4  }
0x2e: {  	s15 =	sadd.s32 $0x10, s14;
	vm1 =	vgt.s32 v0, $0x0  }
0x2f: {  	v2 =	vld.msk [tilespmem:s15+$0x0 ss:$0x1], $0xffff;
	v1 =	vnsel vm1, $0x0, v0  }
0x30: {  	v1 =	vmin.u32 v1, $0x30D3F;
	_ =	sdelay $0x2  }
0x31: {  	s17 =	simm.s32 $0x20;
	s14 =	sadd.s32 $0x1F40, s14;
	s16 =	sadd.s32 $0x10, s15  }
0x32: {  	s15 =	sadd.s32 $0x10, s14;
	s18 =	smov.u32 s14;
	v0 =	vld.msk [tilespmem:s16+$0x0 ss:$0x1], $0xffff;
	vm1 =	vgt.s32 v2, $0x0;
	(ifvalue) =	ssetifvalue $0x7FFFFFFF  }
.LBB2_3:
0x33: {  	[tilespmem:s18], [sflag:$0x1] =	stream.indirect_vreg.gather [hbm4b:s2+s10], $0x1, v1, vm0, $0x4038;
	[tilespmem:$0x3E80] =	vst v63  }
0x34: {  	s17 =	sadd.s32 $0x10, s17  }
0x35: {  	v2 =	vnsel vm1, $0x0, v2;
	p0 =	slt.u32 s17, $0xF90  }
.Ltmp3:
0x36: {  	s18 =	smov.u32 s15;
	v1 =	vmin.u32 v2, $0x30D3F;
	(pc) =	sbr.rel @p0 .LBB2_3-.Ltmp3, $3  }
0x37: {  	_ =	sdelay $0x1  }
0x38: {  	s16 =	sadd.s32 $0x10, s16  }
0x39: {  	vm1 =	vgt.s32 v0, $0x0;
	s15 =	sadd.s32 $0x10, s15;
	v2 =	vmov v0;
	(ifvalue) =	ssetifvalue $0x7FFFFFFF;
	v0 =	vld.msk [tilespmem:s16+$0x0 ss:$0x1], $0xffff  }
.Ltmp4:
0x3a: {  	_ = 	snop;
	(pc) =	sbr.rel .LBB2_4-.Ltmp4, $1  }
0x3b: {  	_ =	sdelay $0x3  }
.LBB2_6:
0x3c: {  	_ =	sfence.sel $0x180000  }
0x3d: {  	s2 =	simm.s32 $0x2;
	[bflag:$0x0] =	sbarrier.arrive $0xFFFF  }
0x3e: {  	s30 =	simm.s32 $0x3;
	[sflag:s2] =	ssyncpa.u1 $0x1  }
0x3f: {  	s31 =	simm.s32 $0x1;
	[sflag:s30] =	ssyncpa.u1 $0x1  }
0x40: {  	[sflag:s31] =	ssyncpa.u1 $0x1  }
0x41: {  	p0 =	sne.s32 s1, $0x0;
	_ =	strace $0x90000053  }
0x42: {  	s0 =	sadd.s32 @!p0 $0x100000, s0;
	[bflag:$0x2] =	sbarrier.arrive $0xFFFF  }
0x43: {  	[sflag:s0] =	ssyncadd.tile.s32 @!p0 $0x1;
	_ =	shalt  }
.Lfunc_end2:
_tile_overlayer_lowered:
.L_overlay_start_2:
0x44: {  	(tag) =	ssettag $0x2  }
0x45: {  	s0 =	rddreg [dreg:$0x0];
	s2 =	stileid.u32  }
0x46: {  	s1 =	rddreg [dreg:$0x1];
	p0 =	sne.s32 s2, $0x0  }
0x47: {  	s3 =	rddreg [dreg:$0x2];
	[bflag:$0x3] =	sbarrier.arrive $0xFFFF;
	s2 =	simm.s32 @!p0 $0x1C01  }
0x48: {  	[timem:s3], [sflag:s2] =	dma.local @!p0 [hbm:s0], s1  }
0x49: {  	s0 =	simm.s32 @!p0 $0x1  }
0x4a: {  	_ =	swait.ge @!p0 [sflag:s0], s1  }
0x4b: {  	s1 =	ssub.s32 @!p0 $0x0, s1;
	[sflag:s0] =	ssyncset.done @!p0 $0x0  }
0x4c: {  	[sflag:s0] =	ssyncadd.s32 @!p0 s1  }
0x4d: {  	[bflag:$0x3] =	sbarrier.arrive $0xFFFF  }
0x4e: {  	_ =	shalt  }

</sc_bundles>
